<compile_context>
chip_gen: v7x
topology: tpu7x:2x2x1
jax: 0.10.2.dev20260603
libtpu: 0.0.44.dev20260713+nightly
codegen_flags: <defaults>
</compile_context>

<pallas_src>
import functools

import jax
import jax.numpy as jnp
from jax import lax
from jax.experimental import pallas as pl
from jax.experimental.pallas import tpu as pltpu
from jax.experimental.pallas import tpu_sc as plsc

N = 10000
NPAD = 10240
D = 128
DW = 64
NG = 64
NCORES = 2
NSUB = 16
NTILES = NCORES * NSUB
BLK = 128
HB = 64
NBLK = 80
EPT = NBLK * BLK
EPAD = NTILES * EPT
E0 = 320000
RPT = NPAD // NSUB

_f32 = jnp.float32
_i32 = jnp.int32

_PERM = tuple(2 * (c * 16 + i) + q
              for c in range(4) for q in range(2) for i in range(16))



_ROWB = 1024
_GRID = NPAD // _ROWB


def _prep_body(x_ref, w_ref, asw_ref, adw_ref, hp_ref, asv_ref, adv_ref):
    h = jnp.dot(x_ref[...], w_ref[...], preferred_element_type=_f32)
    hp_ref[...] = h.astype(jnp.bfloat16)
    asv_ref[...] = jnp.sum(h * asw_ref[...][None, :], axis=1)
    adv_ref[...] = jnp.sum(h * adw_ref[...][None, :], axis=1)


def _prep(x_pad, W, asw, adw):
    return pl.pallas_call(
        _prep_body,
        grid=(_GRID,),
        in_specs=[
            pl.BlockSpec((_ROWB, D), lambda i: (i, 0)),
            pl.BlockSpec((D, D), lambda i: (0, 0)),
            pl.BlockSpec((D,), lambda i: (0,)),
            pl.BlockSpec((D,), lambda i: (0,)),
        ],
        out_specs=[
            pl.BlockSpec((_ROWB, D), lambda i: (i, 0)),
            pl.BlockSpec((_ROWB,), lambda i: (i,)),
            pl.BlockSpec((_ROWB,), lambda i: (i,)),
        ],
        out_shape=[
            jax.ShapeDtypeStruct((NPAD, D), jnp.bfloat16),
            jax.ShapeDtypeStruct((NPAD,), _f32),
            jax.ShapeDtypeStruct((NPAD,), _f32),
        ],
    )(x_pad, W, asw, adw)


def _merge_body(acc_ref, den_ref, b_ref, w_ref, asw_ref, adw_ref,
                hp_ref, asv_ref, adv_ref):
    den = den_ref[0] + den_ref[1] + _f32(1e-16)
    out = (acc_ref[0] + acc_ref[1]) / den[:, None] + b_ref[...][None, :]
    hin = jnp.maximum(out, _f32(0.0))
    h = jnp.dot(hin, w_ref[...], preferred_element_type=_f32)
    hp_ref[...] = h.astype(jnp.bfloat16)
    asv_ref[...] = jnp.sum(h * asw_ref[...][None, :], axis=1)
    adv_ref[...] = jnp.sum(h * adw_ref[...][None, :], axis=1)


def _merge(accp, denp, b, W, asw, adw):
    return pl.pallas_call(
        _merge_body,
        grid=(_GRID,),
        in_specs=[
            pl.BlockSpec((2, _ROWB, D), lambda i: (0, i, 0)),
            pl.BlockSpec((2, _ROWB), lambda i: (0, i)),
            pl.BlockSpec((D,), lambda i: (0,)),
            pl.BlockSpec((D, D), lambda i: (0, 0)),
            pl.BlockSpec((D,), lambda i: (0,)),
            pl.BlockSpec((D,), lambda i: (0,)),
        ],
        out_specs=[
            pl.BlockSpec((_ROWB, D), lambda i: (i, 0)),
            pl.BlockSpec((_ROWB,), lambda i: (i,)),
            pl.BlockSpec((_ROWB,), lambda i: (i,)),
        ],
        out_shape=[
            jax.ShapeDtypeStruct((NPAD, D), jnp.bfloat16),
            jax.ShapeDtypeStruct((NPAD,), _f32),
            jax.ShapeDtypeStruct((NPAD,), _f32),
        ],
    )(accp, denp, b, W, asw, adw)


def _final_body(acc_ref, den_ref, b_ref, batch_ref, lw_ref, lb_ref,
                y_ref, sums_ref, cnt_ref):
    i = pl.program_id(0)

    @pl.when(i == 0)
    def _():
        sums_ref[...] = jnp.zeros_like(sums_ref)
        cnt_ref[...] = jnp.zeros_like(cnt_ref)

    den = den_ref[0] + den_ref[1] + _f32(1e-16)
    out = (acc_ref[0] + acc_ref[1]) / den[:, None] + b_ref[...][None, :]
    oh = (lax.broadcasted_iota(_i32, (NG, _ROWB), 0)
          == batch_ref[...][None, :]).astype(_f32)
    sums_ref[...] += jnp.dot(oh, out, preferred_element_type=_f32)
    cnt_ref[...] += jnp.sum(oh, axis=1)

    @pl.when(i == pl.num_programs(0) - 1)
    def _():
        pooled = sums_ref[...] / jnp.maximum(cnt_ref[...], _f32(1.0))[:, None]
        y_ref[...] = (jnp.dot(pooled, lw_ref[...], preferred_element_type=_f32)
                      + lb_ref[...][None, :])


def _final(accp, denp, b, batch_pad, lin_W, lin_b):
    return pl.pallas_call(
        _final_body,
        grid=(_GRID,),
        in_specs=[
            pl.BlockSpec((2, _ROWB, D), lambda i: (0, i, 0)),
            pl.BlockSpec((2, _ROWB), lambda i: (0, i)),
            pl.BlockSpec((D,), lambda i: (0,)),
            pl.BlockSpec((_ROWB,), lambda i: (i,)),
            pl.BlockSpec((D, D), lambda i: (0, 0)),
            pl.BlockSpec((D,), lambda i: (0,)),
        ],
        out_specs=pl.BlockSpec((NG, D), lambda i: (0, 0)),
        out_shape=jax.ShapeDtypeStruct((NG, D), _f32),
        scratch_shapes=[
            pltpu.VMEM((NG, D), _f32),
            pltpu.VMEM((NG,), _f32),
        ],
    )(accp, denp, b, batch_pad, lin_W, lin_b)



def _edge_body(hp_hbm, asv_hbm, adv_hbm, srci_hbm, dsti_hbm,
               accp_hbm, denp_hbm,
               sidx_v, didx_v, asb_v, adb_v, e_v, rows_v, stg_v,
               acc_sh, den_sh, asv_sh, adv_sh,
               sem_i, sem_a, sem_g, sem_sc, sem_dn):
    cid = lax.axis_index("c")
    sid = lax.axis_index("s")
    wid = cid * NSUB + sid
    zv = jnp.zeros((16,), _f32)
    m16 = jnp.int32(-65536)

    def _zrow(i, _):
        for k in range(8):
            stg_v[0, i, pl.ds(k * 16, 16)] = zv
        return 0
    lax.fori_loop(0, HB, _zrow, 0)
    for k in range(4):
        e_v[0, 0, pl.ds(k * 16, 16)] = zv
    for z in range(RPT // HB):
        pltpu.sync_copy(stg_v.at[0],
                        acc_sh.at[pl.ds(sid * RPT + z * HB, HB)])
        pltpu.sync_copy(e_v.at[0, 0],
                        den_sh.at[pl.ds(sid * RPT + z * HB, HB)])
    @pl.when(sid == 0)
    def _():
        pltpu.sync_copy(asv_hbm, asv_sh)
        pltpu.sync_copy(adv_hbm, adv_sh)
    plsc.subcore_barrier()

    def _prefetch_idx(jn, s6):
        pltpu.async_copy(srci_hbm.at[wid, jn], sidx_v.at[s6], sem_i)
        pltpu.async_copy(dsti_hbm.at[wid, jn], didx_v.at[s6], sem_i)

    def _wait_idx(jn, s6):
        pltpu.make_async_copy(srci_hbm.at[wid, jn], sidx_v.at[s6],
                              sem_i).wait()
        pltpu.make_async_copy(dsti_hbm.at[wid, jn], didx_v.at[s6],
                              sem_i).wait()

    def _issue_gathers(s6, t3):
        pltpu.async_copy(asv_sh.at[sidx_v.at[s6]], asb_v.at[t3], sem_a)
        pltpu.async_copy(adv_sh.at[didx_v.at[s6, 0]], adb_v.at[t3, 0], sem_a)
        pltpu.async_copy(adv_sh.at[didx_v.at[s6, 1]], adb_v.at[t3, 1], sem_a)
        pltpu.async_copy(hp_hbm.at[sidx_v.at[s6]], rows_v.at[t3], sem_g)

    for g in range(4):
        _prefetch_idx(g, g)
    _wait_idx(0, 0)
    _issue_gathers(0, 0)
    _wait_idx(1, 1)
    _issue_gathers(1, 1)

    def _block(j, _):
        c2 = lax.rem(j, 2)
        p2 = lax.rem(j + 1, 2)
        c3 = lax.rem(j, 3)
        n3 = lax.rem(j + 2, 3)
        c6 = lax.rem(j, 6)
        n6 = lax.rem(j + 2, 6)
        f6 = lax.rem(j + 4, 6)
        p6 = lax.rem(j + 5, 6)

        @pl.when(j >= 1)
        def _():
            for h in range(2):
                pltpu.make_async_copy(e_v.at[p2, h],
                                      den_sh.at[didx_v.at[p6, h]],
                                      sem_dn).wait()

        @pl.when(j + 2 < NBLK)
        def _():
            _wait_idx(j + 2, n6)
            _issue_gathers(n6, n3)

        @pl.when(j + 4 < NBLK)
        def _():
            _prefetch_idx(j + 4, f6)

        pltpu.make_async_copy(asv_sh.at[sidx_v.at[c6]], asb_v.at[c3],
                              sem_a).wait()
        for h in range(2):
            pltpu.make_async_copy(adv_sh.at[didx_v.at[c6, h]],
                                  adb_v.at[c3, h], sem_a).wait()
        for h in range(2):
            for k in range(4):
                sl = pl.ds(k * 16, 16)
                a = asb_v[c3, pl.ds(h * HB + k * 16, 16)] + adb_v[c3, h, sl]
                a = jnp.where(a >= 0, a, a * _f32(0.2))
                e_v[c2, h, sl] = jnp.exp(a)
            pltpu.async_copy(e_v.at[c2, h], den_sh.at[didx_v.at[c6, h]],
                             sem_dn, add=True)

        pltpu.make_async_copy(hp_hbm.at[sidx_v.at[c6]], rows_v.at[c3],
                              sem_g).wait()

        for h in range(2):
            @pl.when(j >= 1)
            def _():
                pltpu.make_async_copy(stg_v.at[h],
                                      acc_sh.at[didx_v.at[p6, h]],
                                      sem_sc).wait()

            @plsc.parallel_loop(0, HB, unroll=4)
            def _scale(i):
                s = plsc.load_gather(e_v.at[c2, h],
                                     [jnp.full((16,), i, _i32)])
                for cc in range(4):
                    v = plsc.bitcast(
                        rows_v[c3, h * HB + i, pl.ds(cc * 32, 32)], _i32)
                    flo = plsc.bitcast(v << 16, _f32)
                    fhi = plsc.bitcast(v & m16, _f32)
                    stg_v[h, i, pl.ds(cc * 32, 16)] = flo * s
                    stg_v[h, i, pl.ds(cc * 32 + 16, 16)] = fhi * s

            pltpu.async_copy(stg_v.at[h], acc_sh.at[didx_v.at[c6, h]],
                             sem_sc, add=True)
        return 0
    lax.fori_loop(0, NBLK, _block, 0)

    l2 = (NBLK - 1) % 2
    l6 = (NBLK - 1) % 6
    for h in range(2):
        pltpu.make_async_copy(e_v.at[l2, h], den_sh.at[didx_v.at[l6, h]],
                              sem_dn).wait()
        pltpu.make_async_copy(stg_v.at[h], acc_sh.at[didx_v.at[l6, h]],
                              sem_sc).wait()

    plsc.subcore_barrier()

    for z in range(RPT // BLK):
        r0 = sid * RPT + z * BLK
        pltpu.sync_copy(acc_sh.at[pl.ds(r0, BLK)],
                        accp_hbm.at[cid, pl.ds(r0, BLK)])

    @pl.when(sid == 0)
    def _():
        pltpu.sync_copy(den_sh, denp_hbm.at[cid])


_edge = functools.partial(
    pl.kernel,
    out_type=[
        jax.ShapeDtypeStruct((NCORES, NPAD, D), _f32),
        jax.ShapeDtypeStruct((NCORES, NPAD), _f32),
    ],
    mesh=plsc.VectorSubcoreMesh(core_axis_name="c", subcore_axis_name="s"),
    compiler_params=pltpu.CompilerParams(needs_layout_passes=False,
                                         use_tc_tiling_on_sc=False),
    scratch_types=[
        pltpu.VMEM((6, BLK), _i32),
        pltpu.VMEM((6, 2, HB), _i32),
        pltpu.VMEM((3, BLK), _f32),
        pltpu.VMEM((3, 2, HB), _f32),
        pltpu.VMEM((2, 2, HB), _f32),
        pltpu.VMEM((3, BLK, D), jnp.bfloat16),
        pltpu.VMEM((2, HB, D), _f32),
        pltpu.VMEM_SHARED((NPAD, D), _f32),
        pltpu.VMEM_SHARED((NPAD,), _f32),
        pltpu.VMEM_SHARED((NPAD,), _f32),
        pltpu.VMEM_SHARED((NPAD,), _f32),
        pltpu.SemaphoreType.DMA,
        pltpu.SemaphoreType.DMA,
        pltpu.SemaphoreType.DMA,
        pltpu.SemaphoreType.DMA,
        pltpu.SemaphoreType.DMA,
    ],
)(_edge_body)



def kernel(x, edge_index, edge_attr, batch,
           W1, b1, as1, ad1, W2, b2, as2, ad2, W3, b3, as3, ad3,
           lin_W, lin_b):
    perm = jnp.array(_PERM, dtype=_i32)
    src = edge_index[0].astype(_i32)
    dst = edge_index[1].astype(_i32)
    pad_idx = (jnp.arange(EPAD - E0, dtype=_i32) % (NPAD - N)) + N
    srcp = jnp.concatenate([src, pad_idx]).reshape(NTILES, NBLK, BLK)
    dstp = jnp.concatenate([dst, pad_idx]).reshape(NTILES, NBLK, 2, HB)
    x_pad = jnp.pad(x, ((0, NPAD - N), (0, 0)))
    batch_pad = jnp.pad(batch.astype(_i32), (0, NPAD - N),
                        constant_values=NG)

    hp, asv, adv = _prep(x_pad, W1, as1, ad1)

    W_st = jnp.stack([W2[perm, :], W3[perm, :], W3[perm, :]])
    as_st = jnp.stack([as2, as3, as3])
    ad_st = jnp.stack([ad2, ad3, ad3])
    b_st = jnp.stack([b1[perm], b2[perm], b2[perm]])
    acc0 = jnp.zeros((NCORES, NPAD, D), _f32)
    den0 = jnp.zeros((NCORES, NPAD), _f32)

    def _layer(carry, ws):
        hc, asvc, advc, _, _ = carry
        W, asw, adw, b = ws
        accp, denp = _edge(hc, asvc, advc, srcp, dstp)
        hn, asvn, advn = _merge(accp, denp, b, W, asw, adw)
        return (hn, asvn, advn, accp, denp), None

    (_, _, _, accp, denp), _ = lax.scan(
        _layer, (hp, asv, adv, acc0, den0), (W_st, as_st, ad_st, b_st))
    return _final(accp, denp, b3[perm], batch_pad, lin_W[perm, :], lin_b)

# --- scband reference (transcript-rebuilt; emitter-appended) ---
"""Pipeline reference for scband-gatv2-17600775979470 (READ-ONLY COPY).

The authoritative reference and input builder live on the scoring server;
editing this copy changes nothing except your own understanding.
"""

import jax, jax.numpy as jnp
import numpy as np

N_NODES = 10000
N_EDGES = 320000
D_IN = 128
D_HID = 128
D_OUT = 128
D_EDGE = 12
N_GRAPHS = 64


def gat_conv(x, edge_index, W, b, att_src, att_dst):
    # PyG GATConv, heads=1: shared linear for src/dst, GATv1-style attention
    N = x.shape[0]
    h = x @ W  # [N, F']
    src = edge_index[0]
    dst = edge_index[1]
    a_src = (h * att_src).sum(-1)  # [N]
    a_dst = (h * att_dst).sum(-1)  # [N]
    alpha = a_src[src] + a_dst[dst]  # [E]
    alpha = jax.nn.leaky_relu(alpha, 0.2)
    amax = jax.ops.segment_max(alpha, dst, num_segments=N)
    amax = jnp.where(jnp.isneginf(amax), 0.0, amax)
    e = jnp.exp(alpha - amax[dst])
    denom = jax.ops.segment_sum(e, dst, num_segments=N)
    a = e / (denom[dst] + 1e-16)
    out = jax.ops.segment_sum(h[src] * a[:, None], dst, num_segments=N)
    return out + b


def setup_inputs(seed: int = 0) -> dict:
    key = jax.random.key(seed)
    ks = jax.random.split(key, 20)
    x = jax.random.normal(ks[0], (N_NODES, D_IN), dtype=jnp.float32)
    edge_index = jax.random.randint(ks[1], (2, N_EDGES), 0, N_NODES, dtype=jnp.int64)
    edge_attr = jax.random.normal(ks[2], (N_EDGES, D_EDGE), dtype=jnp.float32)
    batch = jnp.sort(jax.random.randint(ks[3], (N_NODES,), 0, N_GRAPHS, dtype=jnp.int64))
    s_in = 1.0 / np.sqrt(D_IN)
    s_hid = 1.0 / np.sqrt(D_HID)
    params = {
        'W1': jax.random.normal(ks[4], (D_IN, D_HID), dtype=jnp.float32) * s_in,
        'b1': jnp.zeros((D_HID,), dtype=jnp.float32),
        'as1': jax.random.normal(ks[5], (D_HID,), dtype=jnp.float32) * s_hid,
        'ad1': jax.random.normal(ks[6], (D_HID,), dtype=jnp.float32) * s_hid,
        'W2': jax.random.normal(ks[7], (D_HID, D_HID), dtype=jnp.float32) * s_hid,
        'b2': jnp.zeros((D_HID,), dtype=jnp.float32),
        'as2': jax.random.normal(ks[8], (D_HID,), dtype=jnp.float32) * s_hid,
        'ad2': jax.random.normal(ks[9], (D_HID,), dtype=jnp.float32) * s_hid,
        'W3': jax.random.normal(ks[10], (D_HID, D_HID), dtype=jnp.float32) * s_hid,
        'b3': jnp.zeros((D_HID,), dtype=jnp.float32),
        'as3': jax.random.normal(ks[11], (D_HID,), dtype=jnp.float32) * s_hid,
        'ad3': jax.random.normal(ks[12], (D_HID,), dtype=jnp.float32) * s_hid,
        'lin_W': jax.random.normal(ks[13], (D_HID, D_OUT), dtype=jnp.float32) * s_hid,
        'lin_b': jnp.zeros((D_OUT,), dtype=jnp.float32),
    }
    out = {'x': x, 'edge_index': edge_index, 'edge_attr': edge_attr, 'batch': batch}
    out.update(params)
    return out


def reference(x, edge_index, edge_attr, batch,
              W1, b1, as1, ad1, W2, b2, as2, ad2, W3, b3, as3, ad3,
              lin_W, lin_b):
    # edge_attr is part of the data object but unused in the original forward
    h = jax.nn.relu(gat_conv(x, edge_index, W1, b1, as1, ad1))
    h = jax.nn.relu(gat_conv(h, edge_index, W2, b2, as2, ad2))
    h = gat_conv(h, edge_index, W3, b3, as3, ad3)
    sums = jax.ops.segment_sum(h, batch, num_segments=N_GRAPHS)
    cnt = jax.ops.segment_sum(jnp.ones((h.shape[0],), dtype=h.dtype), batch, num_segments=N_GRAPHS)
    pooled = sums / jnp.maximum(cnt, 1.0)[:, None]
    # dropout is identity in eval mode
    return pooled @ lin_W + lin_b

if __name__ == "__main__":
    import jax
    _d = setup_inputs()
    print(jax.jit(kernel)(*tuple(_d.values())))

</pallas_src>

<mosaic_0001>
#map = affine_map<(d0, d1) -> (0, 0)>
#map1 = affine_map<(d0, d1) -> (0)>
#map2 = affine_map<(d0, d1) -> (0, 0, 0)>
#map3 = affine_map<(d0, d1) -> (0, 0, 0, 0)>
module attributes {stable_mosaic.version = 14 : i64} {
  func.func @_edge_body(%arg0: i32, %arg1: i32, %arg2: memref<10240x128xbf16, #tpu.memory_space<hbm>>, %arg3: memref<10240xf32, #tpu.memory_space<hbm>>, %arg4: memref<10240xf32, #tpu.memory_space<hbm>>, %arg5: memref<32x80x128xi32, #tpu.memory_space<hbm>>, %arg6: memref<32x80x2x64xi32, #tpu.memory_space<hbm>>, %arg7: memref<2x10240x128xf32, #tpu.memory_space<hbm>>, %arg8: memref<2x10240xf32, #tpu.memory_space<hbm>>, %arg9: memref<6x128xi32, #tpu.memory_space<vmem>>, %arg10: memref<6x2x64xi32, #tpu.memory_space<vmem>>, %arg11: memref<3x128xf32, #tpu.memory_space<vmem>>, %arg12: memref<3x2x64xf32, #tpu.memory_space<vmem>>, %arg13: memref<2x2x64xf32, #tpu.memory_space<vmem>>, %arg14: memref<3x128x128xbf16, #tpu.memory_space<vmem>>, %arg15: memref<2x64x128xf32, #tpu.memory_space<vmem>>, %arg16: memref<10240x128xf32, #tpu.memory_space<vmem_shared>>, %arg17: memref<10240xf32, #tpu.memory_space<vmem_shared>>, %arg18: memref<10240xf32, #tpu.memory_space<vmem_shared>>, %arg19: memref<10240xf32, #tpu.memory_space<vmem_shared>>, %arg20: memref<!tpu.dma_semaphore, #tpu.memory_space<semaphore_mem>>, %arg21: memref<!tpu.dma_semaphore, #tpu.memory_space<semaphore_mem>>, %arg22: memref<!tpu.dma_semaphore, #tpu.memory_space<semaphore_mem>>, %arg23: memref<!tpu.dma_semaphore, #tpu.memory_space<semaphore_mem>>, %arg24: memref<!tpu.dma_semaphore, #tpu.memory_space<semaphore_mem>>) attributes {dimension_semantics = [#tpu.dimension_semantics<core_parallel>, #tpu.dimension_semantics<subcore_parallel>], iteration_bounds = array<i64: 2, 16>, scalar_prefetch = 0 : i64, scratch_operands = 16 : i64, tpu.core_type = #tpu.core_type<sc_vector_subcore>, window_params = [{transform_indices = #map}, {transform_indices = #map1}, {transform_indices = #map1}, {transform_indices = #map2}, {transform_indices = #map3}, {transform_indices = #map2}, {transform_indices = #map}]} {
    %mul3A = arith.constant 16 : i32
    %mul3A_0 = arith.muli %arg0, %mul3A : i32
    %add3A = arith.addi %mul3A_0, %arg1 : i32
    %broadcast_in_dim3A = arith.constant 0.000000e+00 : f32
    %broadcast_in_dim3A_1 = vector.broadcast %broadcast_in_dim3A : f32 to vector<16xf32>
    %scan3A = arith.constant 0 : i32
    %scan3A_2 = arith.constant 0 : i32
    %scan3A_3 = arith.constant 64 : i32
    %scan3A_4 = arith.addi %scan3A_2, %scan3A_3 : i32
    %scan3A_5 = arith.constant 1 : i32
    %scan3A_6 = scf.for %scan3A_508 = %scan3A_2 to %scan3A_4 step %scan3A_5 iter_args(%scan3A_509 = %scan3A) -> (i32)  : i32 {
      %swap3A_510 = arith.constant 0 : i32
      %swap3A_511 = arith.index_cast %swap3A_510 : i32 to index
      %swap3A_512 = arith.index_cast %scan3A_508 : i32 to index
      %swap3A_513 = arith.constant 0 : index
      %swap3A_514 = tpu.vector_load %arg15[%swap3A_511, %swap3A_512, %swap3A_513] {strides = array<i32>} : memref<2x64x128xf32, #tpu.memory_space<vmem>>, vector<16xf32>,
      tpu.vector_store %arg15[%swap3A_511, %swap3A_512, %swap3A_513], %broadcast_in_dim3A_1 {strides = array<i32>} : memref<2x64x128xf32, #tpu.memory_space<vmem>>, vector<16xf32>,
      %swap3A_515 = arith.constant 0 : i32
      %swap3A_516 = arith.index_cast %swap3A_515 : i32 to index
      %swap3A_517 = arith.index_cast %scan3A_508 : i32 to index
      %swap3A_518 = arith.constant 16 : index
      %swap3A_519 = tpu.vector_load %arg15[%swap3A_516, %swap3A_517, %swap3A_518] {strides = array<i32>} : memref<2x64x128xf32, #tpu.memory_space<vmem>>, vector<16xf32>,
      tpu.vector_store %arg15[%swap3A_516, %swap3A_517, %swap3A_518], %broadcast_in_dim3A_1 {strides = array<i32>} : memref<2x64x128xf32, #tpu.memory_space<vmem>>, vector<16xf32>,
      %swap3A_520 = arith.constant 0 : i32
      %swap3A_521 = arith.index_cast %swap3A_520 : i32 to index
      %swap3A_522 = arith.index_cast %scan3A_508 : i32 to index
      %swap3A_523 = arith.constant 32 : index
      %swap3A_524 = tpu.vector_load %arg15[%swap3A_521, %swap3A_522, %swap3A_523] {strides = array<i32>} : memref<2x64x128xf32, #tpu.memory_space<vmem>>, vector<16xf32>,
      tpu.vector_store %arg15[%swap3A_521, %swap3A_522, %swap3A_523], %broadcast_in_dim3A_1 {strides = array<i32>} : memref<2x64x128xf32, #tpu.memory_space<vmem>>, vector<16xf32>,
      %swap3A_525 = arith.constant 0 : i32
      %swap3A_526 = arith.index_cast %swap3A_525 : i32 to index
      %swap3A_527 = arith.index_cast %scan3A_508 : i32 to index
      %swap3A_528 = arith.constant 48 : index
      %swap3A_529 = tpu.vector_load %arg15[%swap3A_526, %swap3A_527, %swap3A_528] {strides = array<i32>} : memref<2x64x128xf32, #tpu.memory_space<vmem>>, vector<16xf32>,
      tpu.vector_store %arg15[%swap3A_526, %swap3A_527, %swap3A_528], %broadcast_in_dim3A_1 {strides = array<i32>} : memref<2x64x128xf32, #tpu.memory_space<vmem>>, vector<16xf32>,
      %swap3A_530 = arith.constant 0 : i32
      %swap3A_531 = arith.index_cast %swap3A_530 : i32 to index
      %swap3A_532 = arith.index_cast %scan3A_508 : i32 to index
      %swap3A_533 = arith.constant 64 : index
      %swap3A_534 = tpu.vector_load %arg15[%swap3A_531, %swap3A_532, %swap3A_533] {strides = array<i32>} : memref<2x64x128xf32, #tpu.memory_space<vmem>>, vector<16xf32>,
      tpu.vector_store %arg15[%swap3A_531, %swap3A_532, %swap3A_533], %broadcast_in_dim3A_1 {strides = array<i32>} : memref<2x64x128xf32, #tpu.memory_space<vmem>>, vector<16xf32>,
      %swap3A_535 = arith.constant 0 : i32
      %swap3A_536 = arith.index_cast %swap3A_535 : i32 to index
      %swap3A_537 = arith.index_cast %scan3A_508 : i32 to index
      %swap3A_538 = arith.constant 80 : index
      %swap3A_539 = tpu.vector_load %arg15[%swap3A_536, %swap3A_537, %swap3A_538] {strides = array<i32>} : memref<2x64x128xf32, #tpu.memory_space<vmem>>, vector<16xf32>,
      tpu.vector_store %arg15[%swap3A_536, %swap3A_537, %swap3A_538], %broadcast_in_dim3A_1 {strides = array<i32>} : memref<2x64x128xf32, #tpu.memory_space<vmem>>, vector<16xf32>,
      %swap3A_540 = arith.constant 0 : i32
      %swap3A_541 = arith.index_cast %swap3A_540 : i32 to index
      %swap3A_542 = arith.index_cast %scan3A_508 : i32 to index
      %swap3A_543 = arith.constant 96 : index
      %swap3A_544 = tpu.vector_load %arg15[%swap3A_541, %swap3A_542, %swap3A_543] {strides = array<i32>} : memref<2x64x128xf32, #tpu.memory_space<vmem>>, vector<16xf32>,
      tpu.vector_store %arg15[%swap3A_541, %swap3A_542, %swap3A_543], %broadcast_in_dim3A_1 {strides = array<i32>} : memref<2x64x128xf32, #tpu.memory_space<vmem>>, vector<16xf32>,
      %swap3A_545 = arith.constant 0 : i32
      %swap3A_546 = arith.index_cast %swap3A_545 : i32 to index
      %swap3A_547 = arith.index_cast %scan3A_508 : i32 to index
      %swap3A_548 = arith.constant 112 : index
      %swap3A_549 = tpu.vector_load %arg15[%swap3A_546, %swap3A_547, %swap3A_548] {strides = array<i32>} : memref<2x64x128xf32, #tpu.memory_space<vmem>>, vector<16xf32>,
      tpu.vector_store %arg15[%swap3A_546, %swap3A_547, %swap3A_548], %broadcast_in_dim3A_1 {strides = array<i32>} : memref<2x64x128xf32, #tpu.memory_space<vmem>>, vector<16xf32>,
      %scan3A_550 = arith.constant 0 : i32
      scf.yield %scan3A_550 : i32
    }
    %scan3A_7 = arith.constant 64 : i32
    %swap3A = arith.constant 0 : i32
    %swap3A_8 = arith.constant 0 : i32
    %swap3A_9 = arith.index_cast %swap3A : i32 to index
    %swap3A_10 = arith.index_cast %swap3A_8 : i32 to index
    %swap3A_11 = arith.constant 0 : index
    %swap3A_12 = tpu.vector_load %arg13[%swap3A_9, %swap3A_10, %swap3A_11] {strides = array<i32>} : memref<2x2x64xf32, #tpu.memory_space<vmem>>, vector<16xf32>,
    tpu.vector_store %arg13[%swap3A_9, %swap3A_10, %swap3A_11], %broadcast_in_dim3A_1 {strides = array<i32>} : memref<2x2x64xf32, #tpu.memory_space<vmem>>, vector<16xf32>,
    %swap3A_13 = arith.constant 0 : i32
    %swap3A_14 = arith.constant 0 : i32
    %swap3A_15 = arith.index_cast %swap3A_13 : i32 to index
    %swap3A_16 = arith.index_cast %swap3A_14 : i32 to index
    %swap3A_17 = arith.constant 16 : index
    %swap3A_18 = tpu.vector_load %arg13[%swap3A_15, %swap3A_16, %swap3A_17] {strides = array<i32>} : memref<2x2x64xf32, #tpu.memory_space<vmem>>, vector<16xf32>,
    tpu.vector_store %arg13[%swap3A_15, %swap3A_16, %swap3A_17], %broadcast_in_dim3A_1 {strides = array<i32>} : memref<2x2x64xf32, #tpu.memory_space<vmem>>, vector<16xf32>,
    %swap3A_19 = arith.constant 0 : i32
    %swap3A_20 = arith.constant 0 : i32
    %swap3A_21 = arith.index_cast %swap3A_19 : i32 to index
    %swap3A_22 = arith.index_cast %swap3A_20 : i32 to index
    %swap3A_23 = arith.constant 32 : index
    %swap3A_24 = tpu.vector_load %arg13[%swap3A_21, %swap3A_22, %swap3A_23] {strides = array<i32>} : memref<2x2x64xf32, #tpu.memory_space<vmem>>, vector<16xf32>,
    tpu.vector_store %arg13[%swap3A_21, %swap3A_22, %swap3A_23], %broadcast_in_dim3A_1 {strides = array<i32>} : memref<2x2x64xf32, #tpu.memory_space<vmem>>, vector<16xf32>,
    %swap3A_25 = arith.constant 0 : i32
    %swap3A_26 = arith.constant 0 : i32
    %swap3A_27 = arith.index_cast %swap3A_25 : i32 to index
    %swap3A_28 = arith.index_cast %swap3A_26 : i32 to index
    %swap3A_29 = arith.constant 48 : index
    %swap3A_30 = tpu.vector_load %arg13[%swap3A_27, %swap3A_28, %swap3A_29] {strides = array<i32>} : memref<2x2x64xf32, #tpu.memory_space<vmem>>, vector<16xf32>,
    tpu.vector_store %arg13[%swap3A_27, %swap3A_28, %swap3A_29], %broadcast_in_dim3A_1 {strides = array<i32>} : memref<2x2x64xf32, #tpu.memory_space<vmem>>, vector<16xf32>,
    %mul3A_31 = arith.constant 640 : i32
    %mul3A_32 = arith.muli %arg1, %mul3A_31 : i32
    %add3A_33 = arith.constant 0 : i32
    %add3A_34 = arith.addi %mul3A_32, %add3A_33 : i32
    %run_scoped3A = arith.constant 0 : i32
    "tpu.region"() ({
      %run_scoped3A_508 = tpu.sem_alloc : memref<!tpu.dma_semaphore, #tpu.memory_space<semaphore_mem>>
      %dma_start3A_509 = arith.constant 0 : i32
      %dma_start3A_510 = arith.constant 0 : i32
      %dma_start3A_511 = tpu.memref_slice %arg15[%run_scoped3A, %dma_start3A_509, %dma_start3A_510] : memref<2x64x128xf32, #tpu.memory_space<vmem>> -> memref<1x64x128xf32, #tpu.memory_space<vmem>>
      %dma_start3A_512 = tpu.memref_squeeze %dma_start3A_511 : memref<1x64x128xf32, #tpu.memory_space<vmem>> -> memref<64x128xf32, #tpu.memory_space<vmem>>
      %dma_start3A_513 = arith.constant 0 : i32
      %dma_start3A_514 = tpu.memref_slice %arg16[%add3A_34, %dma_start3A_513] : memref<10240x128xf32, #tpu.memory_space<vmem_shared>> -> memref<64x128xf32, #tpu.memory_space<vmem_shared>>
      %dma_start3A_515 = arith.constant 0 : i32
      %dma_start3A_516 = tpu.memref_slice %arg16[%add3A_34, %dma_start3A_515] : memref<10240x128xf32, #tpu.memory_space<vmem_shared>> -> memref<64x128xf32, #tpu.memory_space<vmem_shared>>
      %dma_start3A_517 = arith.constant 0 : i32
      %dma_start3A_518 = arith.constant 0 : i32
      %dma_start3A_519 = tpu.memref_slice %arg15[%run_scoped3A, %dma_start3A_517, %dma_start3A_518] : memref<2x64x128xf32, #tpu.memory_space<vmem>> -> memref<1x64x128xf32, #tpu.memory_space<vmem>>
      %dma_start3A_520 = tpu.memref_squeeze %dma_start3A_519 : memref<1x64x128xf32, #tpu.memory_space<vmem>> -> memref<64x128xf32, #tpu.memory_space<vmem>>
      tpu.enqueue_dma source(%dma_start3A_520 : memref<64x128xf32, #tpu.memory_space<vmem>>) target(%dma_start3A_516 : memref<64x128xf32, #tpu.memory_space<vmem_shared>>) target_semaphore(%run_scoped3A_508 : memref<!tpu.dma_semaphore, #tpu.memory_space<semaphore_mem>>)
      %dma_wait3A_521 = arith.constant 0 : i32
      %dma_wait3A_522 = arith.constant 0 : i32
      %dma_wait3A_523 = tpu.memref_slice %arg15[%run_scoped3A, %dma_wait3A_521, %dma_wait3A_522] : memref<2x64x128xf32, #tpu.memory_space<vmem>> -> memref<1x64x128xf32, #tpu.memory_space<vmem>>
      %dma_wait3A_524 = tpu.memref_squeeze %dma_wait3A_523 : memref<1x64x128xf32, #tpu.memory_space<vmem>> -> memref<64x128xf32, #tpu.memory_space<vmem>>
      %dma_wait3A_525 = arith.constant 0 : i32
      %dma_wait3A_526 = tpu.memref_slice %arg16[%add3A_34, %dma_wait3A_525] : memref<10240x128xf32, #tpu.memory_space<vmem_shared>> -> memref<64x128xf32, #tpu.memory_space<vmem_shared>>
      %dma_wait3A_527 = arith.constant 0 : i32
      %dma_wait3A_528 = tpu.memref_slice %arg16[%add3A_34, %dma_wait3A_527] : memref<10240x128xf32, #tpu.memory_space<vmem_shared>> -> memref<64x128xf32, #tpu.memory_space<vmem_shared>>
      %dma_wait3A_529 = arith.constant 0 : i32
      %dma_wait3A_530 = arith.constant 0 : i32
      %dma_wait3A_531 = tpu.memref_slice %arg15[%run_scoped3A, %dma_wait3A_529, %dma_wait3A_530] : memref<2x64x128xf32, #tpu.memory_space<vmem>> -> memref<1x64x128xf32, #tpu.memory_space<vmem>>
      %dma_wait3A_532 = tpu.memref_squeeze %dma_wait3A_531 : memref<1x64x128xf32, #tpu.memory_space<vmem>> -> memref<64x128xf32, #tpu.memory_space<vmem>>
      tpu.wait_dma2 semaphore(%run_scoped3A_508 : memref<!tpu.dma_semaphore, #tpu.memory_space<semaphore_mem>>) src(%dma_wait3A_532 : memref<64x128xf32, #tpu.memory_space<vmem>>) dst(%dma_wait3A_528 : memref<64x128xf32, #tpu.memory_space<vmem_shared>>)
      tpu.yield
    }) : () -> ()
    %mul3A_35 = arith.constant 640 : i32
    %mul3A_36 = arith.muli %arg1, %mul3A_35 : i32
    %add3A_37 = arith.constant 0 : i32
    %add3A_38 = arith.addi %mul3A_36, %add3A_37 : i32
    %run_scoped3A_39 = arith.constant 0 : i32
    %run_scoped3A_40 = arith.constant 0 : i32
    "tpu.region"() ({
      %run_scoped3A_508 = tpu.sem_alloc : memref<!tpu.dma_semaphore, #tpu.memory_space<semaphore_mem>>
      %dma_start3A_509 = arith.constant 0 : i32
      %dma_start3A_510 = tpu.memref_slice %arg13[%run_scoped3A_39, %run_scoped3A_40, %dma_start3A_509] : memref<2x2x64xf32, #tpu.memory_space<vmem>> -> memref<1x1x64xf32, #tpu.memory_space<vmem>>
      %dma_start3A_511 = tpu.memref_squeeze %dma_start3A_510 : memref<1x1x64xf32, #tpu.memory_space<vmem>> -> memref<64xf32, #tpu.memory_space<vmem>>
      %dma_start3A_512 = tpu.memref_slice %arg17[%add3A_38] : memref<10240xf32, #tpu.memory_space<vmem_shared>> -> memref<64xf32, #tpu.memory_space<vmem_shared>>
      %dma_start3A_513 = tpu.memref_slice %arg17[%add3A_38] : memref<10240xf32, #tpu.memory_space<vmem_shared>> -> memref<64xf32, #tpu.memory_space<vmem_shared>>
      %dma_start3A_514 = arith.constant 0 : i32
      %dma_start3A_515 = tpu.memref_slice %arg13[%run_scoped3A_39, %run_scoped3A_40, %dma_start3A_514] : memref<2x2x64xf32, #tpu.memory_space<vmem>> -> memref<1x1x64xf32, #tpu.memory_space<vmem>>
      %dma_start3A_516 = tpu.memref_squeeze %dma_start3A_515 : memref<1x1x64xf32, #tpu.memory_space<vmem>> -> memref<64xf32, #tpu.memory_space<vmem>>
      tpu.enqueue_dma source(%dma_start3A_516 : memref<64xf32, #tpu.memory_space<vmem>>) target(%dma_start3A_513 : memref<64xf32, #tpu.memory_space<vmem_shared>>) target_semaphore(%run_scoped3A_508 : memref<!tpu.dma_semaphore, #tpu.memory_space<semaphore_mem>>)
      %dma_wait3A_517 = arith.constant 0 : i32
      %dma_wait3A_518 = tpu.memref_slice %arg13[%run_scoped3A_39, %run_scoped3A_40, %dma_wait3A_517] : memref<2x2x64xf32, #tpu.memory_space<vmem>> -> memref<1x1x64xf32, #tpu.memory_space<vmem>>
      %dma_wait3A_519 = tpu.memref_squeeze %dma_wait3A_518 : memref<1x1x64xf32, #tpu.memory_space<vmem>> -> memref<64xf32, #tpu.memory_space<vmem>>
      %dma_wait3A_520 = tpu.memref_slice %arg17[%add3A_38] : memref<10240xf32, #tpu.memory_space<vmem_shared>> -> memref<64xf32, #tpu.memory_space<vmem_shared>>
      %dma_wait3A_521 = tpu.memref_slice %arg17[%add3A_38] : memref<10240xf32, #tpu.memory_space<vmem_shared>> -> memref<64xf32, #tpu.memory_space<vmem_shared>>
      %dma_wait3A_522 = arith.constant 0 : i32
      %dma_wait3A_523 = tpu.memref_slice %arg13[%run_scoped3A_39, %run_scoped3A_40, %dma_wait3A_522] : memref<2x2x64xf32, #tpu.memory_space<vmem>> -> memref<1x1x64xf32, #tpu.memory_space<vmem>>
      %dma_wait3A_524 = tpu.memref_squeeze %dma_wait3A_523 : memref<1x1x64xf32, #tpu.memory_space<vmem>> -> memref<64xf32, #tpu.memory_space<vmem>>
      tpu.wait_dma2 semaphore(%run_scoped3A_508 : memref<!tpu.dma_semaphore, #tpu.memory_space<semaphore_mem>>) src(%dma_wait3A_524 : memref<64xf32, #tpu.memory_space<vmem>>) dst(%dma_wait3A_521 : memref<64xf32, #tpu.memory_space<vmem_shared>>)
      tpu.yield
    }) : () -> ()
    %mul3A_41 = arith.constant 640 : i32
    %mul3A_42 = arith.muli %arg1, %mul3A_41 : i32
    %add3A_43 = arith.constant 64 : i32
    %add3A_44 = arith.addi %mul3A_42, %add3A_43 : i32
    %run_scoped3A_45 = arith.constant 0 : i32
    "tpu.region"() ({
      %run_scoped3A_508 = tpu.sem_alloc : memref<!tpu.dma_semaphore, #tpu.memory_space<semaphore_mem>>
      %dma_start3A_509 = arith.constant 0 : i32
      %dma_start3A_510 = arith.constant 0 : i32
      %dma_start3A_511 = tpu.memref_slice %arg15[%run_scoped3A_45, %dma_start3A_509, %dma_start3A_510] : memref<2x64x128xf32, #tpu.memory_space<vmem>> -> memref<1x64x128xf32, #tpu.memory_space<vmem>>
      %dma_start3A_512 = tpu.memref_squeeze %dma_start3A_511 : memref<1x64x128xf32, #tpu.memory_space<vmem>> -> memref<64x128xf32, #tpu.memory_space<vmem>>
      %dma_start3A_513 = arith.constant 0 : i32
      %dma_start3A_514 = tpu.memref_slice %arg16[%add3A_44, %dma_start3A_513] : memref<10240x128xf32, #tpu.memory_space<vmem_shared>> -> memref<64x128xf32, #tpu.memory_space<vmem_shared>>
      %dma_start3A_515 = arith.constant 0 : i32
      %dma_start3A_516 = tpu.memref_slice %arg16[%add3A_44, %dma_start3A_515] : memref<10240x128xf32, #tpu.memory_space<vmem_shared>> -> memref<64x128xf32, #tpu.memory_space<vmem_shared>>
      %dma_start3A_517 = arith.constant 0 : i32
      %dma_start3A_518 = arith.constant 0 : i32
      %dma_start3A_519 = tpu.memref_slice %arg15[%run_scoped3A_45, %dma_start3A_517, %dma_start3A_518] : memref<2x64x128xf32, #tpu.memory_space<vmem>> -> memref<1x64x128xf32, #tpu.memory_space<vmem>>
      %dma_start3A_520 = tpu.memref_squeeze %dma_start3A_519 : memref<1x64x128xf32, #tpu.memory_space<vmem>> -> memref<64x128xf32, #tpu.memory_space<vmem>>
      tpu.enqueue_dma source(%dma_start3A_520 : memref<64x128xf32, #tpu.memory_space<vmem>>) target(%dma_start3A_516 : memref<64x128xf32, #tpu.memory_space<vmem_shared>>) target_semaphore(%run_scoped3A_508 : memref<!tpu.dma_semaphore, #tpu.memory_space<semaphore_mem>>)
      %dma_wait3A_521 = arith.constant 0 : i32
      %dma_wait3A_522 = arith.constant 0 : i32
      %dma_wait3A_523 = tpu.memref_slice %arg15[%run_scoped3A_45, %dma_wait3A_521, %dma_wait3A_522] : memref<2x64x128xf32, #tpu.memory_space<vmem>> -> memref<1x64x128xf32, #tpu.memory_space<vmem>>
      %dma_wait3A_524 = tpu.memref_squeeze %dma_wait3A_523 : memref<1x64x128xf32, #tpu.memory_space<vmem>> -> memref<64x128xf32, #tpu.memory_space<vmem>>
      %dma_wait3A_525 = arith.constant 0 : i32
      %dma_wait3A_526 = tpu.memref_slice %arg16[%add3A_44, %dma_wait3A_525] : memref<10240x128xf32, #tpu.memory_space<vmem_shared>> -> memref<64x128xf32, #tpu.memory_space<vmem_shared>>
      %dma_wait3A_527 = arith.constant 0 : i32
      %dma_wait3A_528 = tpu.memref_slice %arg16[%add3A_44, %dma_wait3A_527] : memref<10240x128xf32, #tpu.memory_space<vmem_shared>> -> memref<64x128xf32, #tpu.memory_space<vmem_shared>>
      %dma_wait3A_529 = arith.constant 0 : i32
      %dma_wait3A_530 = arith.constant 0 : i32
      %dma_wait3A_531 = tpu.memref_slice %arg15[%run_scoped3A_45, %dma_wait3A_529, %dma_wait3A_530] : memref<2x64x128xf32, #tpu.memory_space<vmem>> -> memref<1x64x128xf32, #tpu.memory_space<vmem>>
      %dma_wait3A_532 = tpu.memref_squeeze %dma_wait3A_531 : memref<1x64x128xf32, #tpu.memory_space<vmem>> -> memref<64x128xf32, #tpu.memory_space<vmem>>
      tpu.wait_dma2 semaphore(%run_scoped3A_508 : memref<!tpu.dma_semaphore, #tpu.memory_space<semaphore_mem>>) src(%dma_wait3A_532 : memref<64x128xf32, #tpu.memory_space<vmem>>) dst(%dma_wait3A_528 : memref<64x128xf32, #tpu.memory_space<vmem_shared>>)
      tpu.yield
    }) : () -> ()
    %mul3A_46 = arith.constant 640 : i32
    %mul3A_47 = arith.muli %arg1, %mul3A_46 : i32
    %add3A_48 = arith.constant 64 : i32
    %add3A_49 = arith.addi %mul3A_47, %add3A_48 : i32
    %run_scoped3A_50 = arith.constant 0 : i32
    %run_scoped3A_51 = arith.constant 0 : i32
    "tpu.region"() ({
      %run_scoped3A_508 = tpu.sem_alloc : memref<!tpu.dma_semaphore, #tpu.memory_space<semaphore_mem>>
      %dma_start3A_509 = arith.constant 0 : i32
      %dma_start3A_510 = tpu.memref_slice %arg13[%run_scoped3A_50, %run_scoped3A_51, %dma_start3A_509] : memref<2x2x64xf32, #tpu.memory_space<vmem>> -> memref<1x1x64xf32, #tpu.memory_space<vmem>>
      %dma_start3A_511 = tpu.memref_squeeze %dma_start3A_510 : memref<1x1x64xf32, #tpu.memory_space<vmem>> -> memref<64xf32, #tpu.memory_space<vmem>>
      %dma_start3A_512 = tpu.memref_slice %arg17[%add3A_49] : memref<10240xf32, #tpu.memory_space<vmem_shared>> -> memref<64xf32, #tpu.memory_space<vmem_shared>>
      %dma_start3A_513 = tpu.memref_slice %arg17[%add3A_49] : memref<10240xf32, #tpu.memory_space<vmem_shared>> -> memref<64xf32, #tpu.memory_space<vmem_shared>>
      %dma_start3A_514 = arith.constant 0 : i32
      %dma_start3A_515 = tpu.memref_slice %arg13[%run_scoped3A_50, %run_scoped3A_51, %dma_start3A_514] : memref<2x2x64xf32, #tpu.memory_space<vmem>> -> memref<1x1x64xf32, #tpu.memory_space<vmem>>
      %dma_start3A_516 = tpu.memref_squeeze %dma_start3A_515 : memref<1x1x64xf32, #tpu.memory_space<vmem>> -> memref<64xf32, #tpu.memory_space<vmem>>
      tpu.enqueue_dma source(%dma_start3A_516 : memref<64xf32, #tpu.memory_space<vmem>>) target(%dma_start3A_513 : memref<64xf32, #tpu.memory_space<vmem_shared>>) target_semaphore(%run_scoped3A_508 : memref<!tpu.dma_semaphore, #tpu.memory_space<semaphore_mem>>)
      %dma_wait3A_517 = arith.constant 0 : i32
      %dma_wait3A_518 = tpu.memref_slice %arg13[%run_scoped3A_50, %run_scoped3A_51, %dma_wait3A_517] : memref<2x2x64xf32, #tpu.memory_space<vmem>> -> memref<1x1x64xf32, #tpu.memory_space<vmem>>
      %dma_wait3A_519 = tpu.memref_squeeze %dma_wait3A_518 : memref<1x1x64xf32, #tpu.memory_space<vmem>> -> memref<64xf32, #tpu.memory_space<vmem>>
      %dma_wait3A_520 = tpu.memref_slice %arg17[%add3A_49] : memref<10240xf32, #tpu.memory_space<vmem_shared>> -> memref<64xf32, #tpu.memory_space<vmem_shared>>
      %dma_wait3A_521 = tpu.memref_slice %arg17[%add3A_49] : memref<10240xf32, #tpu.memory_space<vmem_shared>> -> memref<64xf32, #tpu.memory_space<vmem_shared>>
      %dma_wait3A_522 = arith.constant 0 : i32
      %dma_wait3A_523 = tpu.memref_slice %arg13[%run_scoped3A_50, %run_scoped3A_51, %dma_wait3A_522] : memref<2x2x64xf32, #tpu.memory_space<vmem>> -> memref<1x1x64xf32, #tpu.memory_space<vmem>>
      %dma_wait3A_524 = tpu.memref_squeeze %dma_wait3A_523 : memref<1x1x64xf32, #tpu.memory_space<vmem>> -> memref<64xf32, #tpu.memory_space<vmem>>
      tpu.wait_dma2 semaphore(%run_scoped3A_508 : memref<!tpu.dma_semaphore, #tpu.memory_space<semaphore_mem>>) src(%dma_wait3A_524 : memref<64xf32, #tpu.memory_space<vmem>>) dst(%dma_wait3A_521 : memref<64xf32, #tpu.memory_space<vmem_shared>>)
      tpu.yield
    }) : () -> ()
    %mul3A_52 = arith.constant 640 : i32
    %mul3A_53 = arith.muli %arg1, %mul3A_52 : i32
    %add3A_54 = arith.constant 128 : i32
    %add3A_55 = arith.addi %mul3A_53, %add3A_54 : i32
    %run_scoped3A_56 = arith.constant 0 : i32
    "tpu.region"() ({
      %run_scoped3A_508 = tpu.sem_alloc : memref<!tpu.dma_semaphore, #tpu.memory_space<semaphore_mem>>
      %dma_start3A_509 = arith.constant 0 : i32
      %dma_start3A_510 = arith.constant 0 : i32
      %dma_start3A_511 = tpu.memref_slice %arg15[%run_scoped3A_56, %dma_start3A_509, %dma_start3A_510] : memref<2x64x128xf32, #tpu.memory_space<vmem>> -> memref<1x64x128xf32, #tpu.memory_space<vmem>>
      %dma_start3A_512 = tpu.memref_squeeze %dma_start3A_511 : memref<1x64x128xf32, #tpu.memory_space<vmem>> -> memref<64x128xf32, #tpu.memory_space<vmem>>
      %dma_start3A_513 = arith.constant 0 : i32
      %dma_start3A_514 = tpu.memref_slice %arg16[%add3A_55, %dma_start3A_513] : memref<10240x128xf32, #tpu.memory_space<vmem_shared>> -> memref<64x128xf32, #tpu.memory_space<vmem_shared>>
      %dma_start3A_515 = arith.constant 0 : i32
      %dma_start3A_516 = tpu.memref_slice %arg16[%add3A_55, %dma_start3A_515] : memref<10240x128xf32, #tpu.memory_space<vmem_shared>> -> memref<64x128xf32, #tpu.memory_space<vmem_shared>>
      %dma_start3A_517 = arith.constant 0 : i32
      %dma_start3A_518 = arith.constant 0 : i32
      %dma_start3A_519 = tpu.memref_slice %arg15[%run_scoped3A_56, %dma_start3A_517, %dma_start3A_518] : memref<2x64x128xf32, #tpu.memory_space<vmem>> -> memref<1x64x128xf32, #tpu.memory_space<vmem>>
      %dma_start3A_520 = tpu.memref_squeeze %dma_start3A_519 : memref<1x64x128xf32, #tpu.memory_space<vmem>> -> memref<64x128xf32, #tpu.memory_space<vmem>>
      tpu.enqueue_dma source(%dma_start3A_520 : memref<64x128xf32, #tpu.memory_space<vmem>>) target(%dma_start3A_516 : memref<64x128xf32, #tpu.memory_space<vmem_shared>>) target_semaphore(%run_scoped3A_508 : memref<!tpu.dma_semaphore, #tpu.memory_space<semaphore_mem>>)
      %dma_wait3A_521 = arith.constant 0 : i32
      %dma_wait3A_522 = arith.constant 0 : i32
      %dma_wait3A_523 = tpu.memref_slice %arg15[%run_scoped3A_56, %dma_wait3A_521, %dma_wait3A_522] : memref<2x64x128xf32, #tpu.memory_space<vmem>> -> memref<1x64x128xf32, #tpu.memory_space<vmem>>
      %dma_wait3A_524 = tpu.memref_squeeze %dma_wait3A_523 : memref<1x64x128xf32, #tpu.memory_space<vmem>> -> memref<64x128xf32, #tpu.memory_space<vmem>>
      %dma_wait3A_525 = arith.constant 0 : i32
      %dma_wait3A_526 = tpu.memref_slice %arg16[%add3A_55, %dma_wait3A_525] : memref<10240x128xf32, #tpu.memory_space<vmem_shared>> -> memref<64x128xf32, #tpu.memory_space<vmem_shared>>
      %dma_wait3A_527 = arith.constant 0 : i32
      %dma_wait3A_528 = tpu.memref_slice %arg16[%add3A_55, %dma_wait3A_527] : memref<10240x128xf32, #tpu.memory_space<vmem_shared>> -> memref<64x128xf32, #tpu.memory_space<vmem_shared>>
      %dma_wait3A_529 = arith.constant 0 : i32
      %dma_wait3A_530 = arith.constant 0 : i32
      %dma_wait3A_531 = tpu.memref_slice %arg15[%run_scoped3A_56, %dma_wait3A_529, %dma_wait3A_530] : memref<2x64x128xf32, #tpu.memory_space<vmem>> -> memref<1x64x128xf32, #tpu.memory_space<vmem>>
      %dma_wait3A_532 = tpu.memref_squeeze %dma_wait3A_531 : memref<1x64x128xf32, #tpu.memory_space<vmem>> -> memref<64x128xf32, #tpu.memory_space<vmem>>
      tpu.wait_dma2 semaphore(%run_scoped3A_508 : memref<!tpu.dma_semaphore, #tpu.memory_space<semaphore_mem>>) src(%dma_wait3A_532 : memref<64x128xf32, #tpu.memory_space<vmem>>) dst(%dma_wait3A_528 : memref<64x128xf32, #tpu.memory_space<vmem_shared>>)
      tpu.yield
    }) : () -> ()
    %mul3A_57 = arith.constant 640 : i32
    %mul3A_58 = arith.muli %arg1, %mul3A_57 : i32
    %add3A_59 = arith.constant 128 : i32
    %add3A_60 = arith.addi %mul3A_58, %add3A_59 : i32
    %run_scoped3A_61 = arith.constant 0 : i32
    %run_scoped3A_62 = arith.constant 0 : i32
    "tpu.region"() ({
      %run_scoped3A_508 = tpu.sem_alloc : memref<!tpu.dma_semaphore, #tpu.memory_space<semaphore_mem>>
      %dma_start3A_509 = arith.constant 0 : i32
      %dma_start3A_510 = tpu.memref_slice %arg13[%run_scoped3A_61, %run_scoped3A_62, %dma_start3A_509] : memref<2x2x64xf32, #tpu.memory_space<vmem>> -> memref<1x1x64xf32, #tpu.memory_space<vmem>>
      %dma_start3A_511 = tpu.memref_squeeze %dma_start3A_510 : memref<1x1x64xf32, #tpu.memory_space<vmem>> -> memref<64xf32, #tpu.memory_space<vmem>>
      %dma_start3A_512 = tpu.memref_slice %arg17[%add3A_60] : memref<10240xf32, #tpu.memory_space<vmem_shared>> -> memref<64xf32, #tpu.memory_space<vmem_shared>>
      %dma_start3A_513 = tpu.memref_slice %arg17[%add3A_60] : memref<10240xf32, #tpu.memory_space<vmem_shared>> -> memref<64xf32, #tpu.memory_space<vmem_shared>>
      %dma_start3A_514 = arith.constant 0 : i32
      %dma_start3A_515 = tpu.memref_slice %arg13[%run_scoped3A_61, %run_scoped3A_62, %dma_start3A_514] : memref<2x2x64xf32, #tpu.memory_space<vmem>> -> memref<1x1x64xf32, #tpu.memory_space<vmem>>
      %dma_start3A_516 = tpu.memref_squeeze %dma_start3A_515 : memref<1x1x64xf32, #tpu.memory_space<vmem>> -> memref<64xf32, #tpu.memory_space<vmem>>
      tpu.enqueue_dma source(%dma_start3A_516 : memref<64xf32, #tpu.memory_space<vmem>>) target(%dma_start3A_513 : memref<64xf32, #tpu.memory_space<vmem_shared>>) target_semaphore(%run_scoped3A_508 : memref<!tpu.dma_semaphore, #tpu.memory_space<semaphore_mem>>)
      %dma_wait3A_517 = arith.constant 0 : i32
      %dma_wait3A_518 = tpu.memref_slice %arg13[%run_scoped3A_61, %run_scoped3A_62, %dma_wait3A_517] : memref<2x2x64xf32, #tpu.memory_space<vmem>> -> memref<1x1x64xf32, #tpu.memory_space<vmem>>
      %dma_wait3A_519 = tpu.memref_squeeze %dma_wait3A_518 : memref<1x1x64xf32, #tpu.memory_space<vmem>> -> memref<64xf32, #tpu.memory_space<vmem>>
      %dma_wait3A_520 = tpu.memref_slice %arg17[%add3A_60] : memref<10240xf32, #tpu.memory_space<vmem_shared>> -> memref<64xf32, #tpu.memory_space<vmem_shared>>
      %dma_wait3A_521 = tpu.memref_slice %arg17[%add3A_60] : memref<10240xf32, #tpu.memory_space<vmem_shared>> -> memref<64xf32, #tpu.memory_space<vmem_shared>>
      %dma_wait3A_522 = arith.constant 0 : i32
      %dma_wait3A_523 = tpu.memref_slice %arg13[%run_scoped3A_61, %run_scoped3A_62, %dma_wait3A_522] : memref<2x2x64xf32, #tpu.memory_space<vmem>> -> memref<1x1x64xf32, #tpu.memory_space<vmem>>
      %dma_wait3A_524 = tpu.memref_squeeze %dma_wait3A_523 : memref<1x1x64xf32, #tpu.memory_space<vmem>> -> memref<64xf32, #tpu.memory_space<vmem>>
      tpu.wait_dma2 semaphore(%run_scoped3A_508 : memref<!tpu.dma_semaphore, #tpu.memory_space<semaphore_mem>>) src(%dma_wait3A_524 : memref<64xf32, #tpu.memory_space<vmem>>) dst(%dma_wait3A_521 : memref<64xf32, #tpu.memory_space<vmem_shared>>)
      tpu.yield
    }) : () -> ()
    %mul3A_63 = arith.constant 640 : i32
    %mul3A_64 = arith.muli %arg1, %mul3A_63 : i32
    %add3A_65 = arith.constant 192 : i32
    %add3A_66 = arith.addi %mul3A_64, %add3A_65 : i32
    %run_scoped3A_67 = arith.constant 0 : i32
    "tpu.region"() ({
      %run_scoped3A_508 = tpu.sem_alloc : memref<!tpu.dma_semaphore, #tpu.memory_space<semaphore_mem>>
      %dma_start3A_509 = arith.constant 0 : i32
      %dma_start3A_510 = arith.constant 0 : i32
      %dma_start3A_511 = tpu.memref_slice %arg15[%run_scoped3A_67, %dma_start3A_509, %dma_start3A_510] : memref<2x64x128xf32, #tpu.memory_space<vmem>> -> memref<1x64x128xf32, #tpu.memory_space<vmem>>
      %dma_start3A_512 = tpu.memref_squeeze %dma_start3A_511 : memref<1x64x128xf32, #tpu.memory_space<vmem>> -> memref<64x128xf32, #tpu.memory_space<vmem>>
      %dma_start3A_513 = arith.constant 0 : i32
      %dma_start3A_514 = tpu.memref_slice %arg16[%add3A_66, %dma_start3A_513] : memref<10240x128xf32, #tpu.memory_space<vmem_shared>> -> memref<64x128xf32, #tpu.memory_space<vmem_shared>>
      %dma_start3A_515 = arith.constant 0 : i32
      %dma_start3A_516 = tpu.memref_slice %arg16[%add3A_66, %dma_start3A_515] : memref<10240x128xf32, #tpu.memory_space<vmem_shared>> -> memref<64x128xf32, #tpu.memory_space<vmem_shared>>
      %dma_start3A_517 = arith.constant 0 : i32
      %dma_start3A_518 = arith.constant 0 : i32
      %dma_start3A_519 = tpu.memref_slice %arg15[%run_scoped3A_67, %dma_start3A_517, %dma_start3A_518] : memref<2x64x128xf32, #tpu.memory_space<vmem>> -> memref<1x64x128xf32, #tpu.memory_space<vmem>>
      %dma_start3A_520 = tpu.memref_squeeze %dma_start3A_519 : memref<1x64x128xf32, #tpu.memory_space<vmem>> -> memref<64x128xf32, #tpu.memory_space<vmem>>
      tpu.enqueue_dma source(%dma_start3A_520 : memref<64x128xf32, #tpu.memory_space<vmem>>) target(%dma_start3A_516 : memref<64x128xf32, #tpu.memory_space<vmem_shared>>) target_semaphore(%run_scoped3A_508 : memref<!tpu.dma_semaphore, #tpu.memory_space<semaphore_mem>>)
      %dma_wait3A_521 = arith.constant 0 : i32
      %dma_wait3A_522 = arith.constant 0 : i32
      %dma_wait3A_523 = tpu.memref_slice %arg15[%run_scoped3A_67, %dma_wait3A_521, %dma_wait3A_522] : memref<2x64x128xf32, #tpu.memory_space<vmem>> -> memref<1x64x128xf32, #tpu.memory_space<vmem>>
      %dma_wait3A_524 = tpu.memref_squeeze %dma_wait3A_523 : memref<1x64x128xf32, #tpu.memory_space<vmem>> -> memref<64x128xf32, #tpu.memory_space<vmem>>
      %dma_wait3A_525 = arith.constant 0 : i32
      %dma_wait3A_526 = tpu.memref_slice %arg16[%add3A_66, %dma_wait3A_525] : memref<10240x128xf32, #tpu.memory_space<vmem_shared>> -> memref<64x128xf32, #tpu.memory_space<vmem_shared>>
      %dma_wait3A_527 = arith.constant 0 : i32
      %dma_wait3A_528 = tpu.memref_slice %arg16[%add3A_66, %dma_wait3A_527] : memref<10240x128xf32, #tpu.memory_space<vmem_shared>> -> memref<64x128xf32, #tpu.memory_space<vmem_shared>>
      %dma_wait3A_529 = arith.constant 0 : i32
      %dma_wait3A_530 = arith.constant 0 : i32
      %dma_wait3A_531 = tpu.memref_slice %arg15[%run_scoped3A_67, %dma_wait3A_529, %dma_wait3A_530] : memref<2x64x128xf32, #tpu.memory_space<vmem>> -> memref<1x64x128xf32, #tpu.memory_space<vmem>>
      %dma_wait3A_532 = tpu.memref_squeeze %dma_wait3A_531 : memref<1x64x128xf32, #tpu.memory_space<vmem>> -> memref<64x128xf32, #tpu.memory_space<vmem>>
      tpu.wait_dma2 semaphore(%run_scoped3A_508 : memref<!tpu.dma_semaphore, #tpu.memory_space<semaphore_mem>>) src(%dma_wait3A_532 : memref<64x128xf32, #tpu.memory_space<vmem>>) dst(%dma_wait3A_528 : memref<64x128xf32, #tpu.memory_space<vmem_shared>>)
      tpu.yield
    }) : () -> ()
    %mul3A_68 = arith.constant 640 : i32
    %mul3A_69 = arith.muli %arg1, %mul3A_68 : i32
    %add3A_70 = arith.constant 192 : i32
    %add3A_71 = arith.addi %mul3A_69, %add3A_70 : i32
    %run_scoped3A_72 = arith.constant 0 : i32
    %run_scoped3A_73 = arith.constant 0 : i32
    "tpu.region"() ({
      %run_scoped3A_508 = tpu.sem_alloc : memref<!tpu.dma_semaphore, #tpu.memory_space<semaphore_mem>>
      %dma_start3A_509 = arith.constant 0 : i32
      %dma_start3A_510 = tpu.memref_slice %arg13[%run_scoped3A_72, %run_scoped3A_73, %dma_start3A_509] : memref<2x2x64xf32, #tpu.memory_space<vmem>> -> memref<1x1x64xf32, #tpu.memory_space<vmem>>
      %dma_start3A_511 = tpu.memref_squeeze %dma_start3A_510 : memref<1x1x64xf32, #tpu.memory_space<vmem>> -> memref<64xf32, #tpu.memory_space<vmem>>
      %dma_start3A_512 = tpu.memref_slice %arg17[%add3A_71] : memref<10240xf32, #tpu.memory_space<vmem_shared>> -> memref<64xf32, #tpu.memory_space<vmem_shared>>
      %dma_start3A_513 = tpu.memref_slice %arg17[%add3A_71] : memref<10240xf32, #tpu.memory_space<vmem_shared>> -> memref<64xf32, #tpu.memory_space<vmem_shared>>
      %dma_start3A_514 = arith.constant 0 : i32
      %dma_start3A_515 = tpu.memref_slice %arg13[%run_scoped3A_72, %run_scoped3A_73, %dma_start3A_514] : memref<2x2x64xf32, #tpu.memory_space<vmem>> -> memref<1x1x64xf32, #tpu.memory_space<vmem>>
      %dma_start3A_516 = tpu.memref_squeeze %dma_start3A_515 : memref<1x1x64xf32, #tpu.memory_space<vmem>> -> memref<64xf32, #tpu.memory_space<vmem>>
      tpu.enqueue_dma source(%dma_start3A_516 : memref<64xf32, #tpu.memory_space<vmem>>) target(%dma_start3A_513 : memref<64xf32, #tpu.memory_space<vmem_shared>>) target_semaphore(%run_scoped3A_508 : memref<!tpu.dma_semaphore, #tpu.memory_space<semaphore_mem>>)
      %dma_wait3A_517 = arith.constant 0 : i32
      %dma_wait3A_518 = tpu.memref_slice %arg13[%run_scoped3A_72, %run_scoped3A_73, %dma_wait3A_517] : memref<2x2x64xf32, #tpu.memory_space<vmem>> -> memref<1x1x64xf32, #tpu.memory_space<vmem>>
      %dma_wait3A_519 = tpu.memref_squeeze %dma_wait3A_518 : memref<1x1x64xf32, #tpu.memory_space<vmem>> -> memref<64xf32, #tpu.memory_space<vmem>>
      %dma_wait3A_520 = tpu.memref_slice %arg17[%add3A_71] : memref<10240xf32, #tpu.memory_space<vmem_shared>> -> memref<64xf32, #tpu.memory_space<vmem_shared>>
      %dma_wait3A_521 = tpu.memref_slice %arg17[%add3A_71] : memref<10240xf32, #tpu.memory_space<vmem_shared>> -> memref<64xf32, #tpu.memory_space<vmem_shared>>
      %dma_wait3A_522 = arith.constant 0 : i32
      %dma_wait3A_523 = tpu.memref_slice %arg13[%run_scoped3A_72, %run_scoped3A_73, %dma_wait3A_522] : memref<2x2x64xf32, #tpu.memory_space<vmem>> -> memref<1x1x64xf32, #tpu.memory_space<vmem>>
      %dma_wait3A_524 = tpu.memref_squeeze %dma_wait3A_523 : memref<1x1x64xf32, #tpu.memory_space<vmem>> -> memref<64xf32, #tpu.memory_space<vmem>>
      tpu.wait_dma2 semaphore(%run_scoped3A_508 : memref<!tpu.dma_semaphore, #tpu.memory_space<semaphore_mem>>) src(%dma_wait3A_524 : memref<64xf32, #tpu.memory_space<vmem>>) dst(%dma_wait3A_521 : memref<64xf32, #tpu.memory_space<vmem_shared>>)
      tpu.yield
    }) : () -> ()
    %mul3A_74 = arith.constant 640 : i32
    %mul3A_75 = arith.muli %arg1, %mul3A_74 : i32
    %add3A_76 = arith.constant 256 : i32
    %add3A_77 = arith.addi %mul3A_75, %add3A_76 : i32
    %run_scoped3A_78 = arith.constant 0 : i32
    "tpu.region"() ({
      %run_scoped3A_508 = tpu.sem_alloc : memref<!tpu.dma_semaphore, #tpu.memory_space<semaphore_mem>>
      %dma_start3A_509 = arith.constant 0 : i32
      %dma_start3A_510 = arith.constant 0 : i32
      %dma_start3A_511 = tpu.memref_slice %arg15[%run_scoped3A_78, %dma_start3A_509, %dma_start3A_510] : memref<2x64x128xf32, #tpu.memory_space<vmem>> -> memref<1x64x128xf32, #tpu.memory_space<vmem>>
      %dma_start3A_512 = tpu.memref_squeeze %dma_start3A_511 : memref<1x64x128xf32, #tpu.memory_space<vmem>> -> memref<64x128xf32, #tpu.memory_space<vmem>>
      %dma_start3A_513 = arith.constant 0 : i32
      %dma_start3A_514 = tpu.memref_slice %arg16[%add3A_77, %dma_start3A_513] : memref<10240x128xf32, #tpu.memory_space<vmem_shared>> -> memref<64x128xf32, #tpu.memory_space<vmem_shared>>
      %dma_start3A_515 = arith.constant 0 : i32
      %dma_start3A_516 = tpu.memref_slice %arg16[%add3A_77, %dma_start3A_515] : memref<10240x128xf32, #tpu.memory_space<vmem_shared>> -> memref<64x128xf32, #tpu.memory_space<vmem_shared>>
      %dma_start3A_517 = arith.constant 0 : i32
      %dma_start3A_518 = arith.constant 0 : i32
      %dma_start3A_519 = tpu.memref_slice %arg15[%run_scoped3A_78, %dma_start3A_517, %dma_start3A_518] : memref<2x64x128xf32, #tpu.memory_space<vmem>> -> memref<1x64x128xf32, #tpu.memory_space<vmem>>
      %dma_start3A_520 = tpu.memref_squeeze %dma_start3A_519 : memref<1x64x128xf32, #tpu.memory_space<vmem>> -> memref<64x128xf32, #tpu.memory_space<vmem>>
      tpu.enqueue_dma source(%dma_start3A_520 : memref<64x128xf32, #tpu.memory_space<vmem>>) target(%dma_start3A_516 : memref<64x128xf32, #tpu.memory_space<vmem_shared>>) target_semaphore(%run_scoped3A_508 : memref<!tpu.dma_semaphore, #tpu.memory_space<semaphore_mem>>)
      %dma_wait3A_521 = arith.constant 0 : i32
      %dma_wait3A_522 = arith.constant 0 : i32
      %dma_wait3A_523 = tpu.memref_slice %arg15[%run_scoped3A_78, %dma_wait3A_521, %dma_wait3A_522] : memref<2x64x128xf32, #tpu.memory_space<vmem>> -> memref<1x64x128xf32, #tpu.memory_space<vmem>>
      %dma_wait3A_524 = tpu.memref_squeeze %dma_wait3A_523 : memref<1x64x128xf32, #tpu.memory_space<vmem>> -> memref<64x128xf32, #tpu.memory_space<vmem>>
      %dma_wait3A_525 = arith.constant 0 : i32
      %dma_wait3A_526 = tpu.memref_slice %arg16[%add3A_77, %dma_wait3A_525] : memref<10240x128xf32, #tpu.memory_space<vmem_shared>> -> memref<64x128xf32, #tpu.memory_space<vmem_shared>>
      %dma_wait3A_527 = arith.constant 0 : i32
      %dma_wait3A_528 = tpu.memref_slice %arg16[%add3A_77, %dma_wait3A_527] : memref<10240x128xf32, #tpu.memory_space<vmem_shared>> -> memref<64x128xf32, #tpu.memory_space<vmem_shared>>
      %dma_wait3A_529 = arith.constant 0 : i32
      %dma_wait3A_530 = arith.constant 0 : i32
      %dma_wait3A_531 = tpu.memref_slice %arg15[%run_scoped3A_78, %dma_wait3A_529, %dma_wait3A_530] : memref<2x64x128xf32, #tpu.memory_space<vmem>> -> memref<1x64x128xf32, #tpu.memory_space<vmem>>
      %dma_wait3A_532 = tpu.memref_squeeze %dma_wait3A_531 : memref<1x64x128xf32, #tpu.memory_space<vmem>> -> memref<64x128xf32, #tpu.memory_space<vmem>>
      tpu.wait_dma2 semaphore(%run_scoped3A_508 : memref<!tpu.dma_semaphore, #tpu.memory_space<semaphore_mem>>) src(%dma_wait3A_532 : memref<64x128xf32, #tpu.memory_space<vmem>>) dst(%dma_wait3A_528 : memref<64x128xf32, #tpu.memory_space<vmem_shared>>)
      tpu.yield
    }) : () -> ()
    %mul3A_79 = arith.constant 640 : i32
    %mul3A_80 = arith.muli %arg1, %mul3A_79 : i32
    %add3A_81 = arith.constant 256 : i32
    %add3A_82 = arith.addi %mul3A_80, %add3A_81 : i32
    %run_scoped3A_83 = arith.constant 0 : i32
    %run_scoped3A_84 = arith.constant 0 : i32
    "tpu.region"() ({
      %run_scoped3A_508 = tpu.sem_alloc : memref<!tpu.dma_semaphore, #tpu.memory_space<semaphore_mem>>
      %dma_start3A_509 = arith.constant 0 : i32
      %dma_start3A_510 = tpu.memref_slice %arg13[%run_scoped3A_83, %run_scoped3A_84, %dma_start3A_509] : memref<2x2x64xf32, #tpu.memory_space<vmem>> -> memref<1x1x64xf32, #tpu.memory_space<vmem>>
      %dma_start3A_511 = tpu.memref_squeeze %dma_start3A_510 : memref<1x1x64xf32, #tpu.memory_space<vmem>> -> memref<64xf32, #tpu.memory_space<vmem>>
      %dma_start3A_512 = tpu.memref_slice %arg17[%add3A_82] : memref<10240xf32, #tpu.memory_space<vmem_shared>> -> memref<64xf32, #tpu.memory_space<vmem_shared>>
      %dma_start3A_513 = tpu.memref_slice %arg17[%add3A_82] : memref<10240xf32, #tpu.memory_space<vmem_shared>> -> memref<64xf32, #tpu.memory_space<vmem_shared>>
      %dma_start3A_514 = arith.constant 0 : i32
      %dma_start3A_515 = tpu.memref_slice %arg13[%run_scoped3A_83, %run_scoped3A_84, %dma_start3A_514] : memref<2x2x64xf32, #tpu.memory_space<vmem>> -> memref<1x1x64xf32, #tpu.memory_space<vmem>>
      %dma_start3A_516 = tpu.memref_squeeze %dma_start3A_515 : memref<1x1x64xf32, #tpu.memory_space<vmem>> -> memref<64xf32, #tpu.memory_space<vmem>>
      tpu.enqueue_dma source(%dma_start3A_516 : memref<64xf32, #tpu.memory_space<vmem>>) target(%dma_start3A_513 : memref<64xf32, #tpu.memory_space<vmem_shared>>) target_semaphore(%run_scoped3A_508 : memref<!tpu.dma_semaphore, #tpu.memory_space<semaphore_mem>>)
      %dma_wait3A_517 = arith.constant 0 : i32
      %dma_wait3A_518 = tpu.memref_slice %arg13[%run_scoped3A_83, %run_scoped3A_84, %dma_wait3A_517] : memref<2x2x64xf32, #tpu.memory_space<vmem>> -> memref<1x1x64xf32, #tpu.memory_space<vmem>>
      %dma_wait3A_519 = tpu.memref_squeeze %dma_wait3A_518 : memref<1x1x64xf32, #tpu.memory_space<vmem>> -> memref<64xf32, #tpu.memory_space<vmem>>
      %dma_wait3A_520 = tpu.memref_slice %arg17[%add3A_82] : memref<10240xf32, #tpu.memory_space<vmem_shared>> -> memref<64xf32, #tpu.memory_space<vmem_shared>>
      %dma_wait3A_521 = tpu.memref_slice %arg17[%add3A_82] : memref<10240xf32, #tpu.memory_space<vmem_shared>> -> memref<64xf32, #tpu.memory_space<vmem_shared>>
      %dma_wait3A_522 = arith.constant 0 : i32
      %dma_wait3A_523 = tpu.memref_slice %arg13[%run_scoped3A_83, %run_scoped3A_84, %dma_wait3A_522] : memref<2x2x64xf32, #tpu.memory_space<vmem>> -> memref<1x1x64xf32, #tpu.memory_space<vmem>>
      %dma_wait3A_524 = tpu.memref_squeeze %dma_wait3A_523 : memref<1x1x64xf32, #tpu.memory_space<vmem>> -> memref<64xf32, #tpu.memory_space<vmem>>
      tpu.wait_dma2 semaphore(%run_scoped3A_508 : memref<!tpu.dma_semaphore, #tpu.memory_space<semaphore_mem>>) src(%dma_wait3A_524 : memref<64xf32, #tpu.memory_space<vmem>>) dst(%dma_wait3A_521 : memref<64xf32, #tpu.memory_space<vmem_shared>>)
      tpu.yield
    }) : () -> ()
    %mul3A_85 = arith.constant 640 : i32
    %mul3A_86 = arith.muli %arg1, %mul3A_85 : i32
    %add3A_87 = arith.constant 320 : i32
    %add3A_88 = arith.addi %mul3A_86, %add3A_87 : i32
    %run_scoped3A_89 = arith.constant 0 : i32
    "tpu.region"() ({
      %run_scoped3A_508 = tpu.sem_alloc : memref<!tpu.dma_semaphore, #tpu.memory_space<semaphore_mem>>
      %dma_start3A_509 = arith.constant 0 : i32
      %dma_start3A_510 = arith.constant 0 : i32
      %dma_start3A_511 = tpu.memref_slice %arg15[%run_scoped3A_89, %dma_start3A_509, %dma_start3A_510] : memref<2x64x128xf32, #tpu.memory_space<vmem>> -> memref<1x64x128xf32, #tpu.memory_space<vmem>>
      %dma_start3A_512 = tpu.memref_squeeze %dma_start3A_511 : memref<1x64x128xf32, #tpu.memory_space<vmem>> -> memref<64x128xf32, #tpu.memory_space<vmem>>
      %dma_start3A_513 = arith.constant 0 : i32
      %dma_start3A_514 = tpu.memref_slice %arg16[%add3A_88, %dma_start3A_513] : memref<10240x128xf32, #tpu.memory_space<vmem_shared>> -> memref<64x128xf32, #tpu.memory_space<vmem_shared>>
      %dma_start3A_515 = arith.constant 0 : i32
      %dma_start3A_516 = tpu.memref_slice %arg16[%add3A_88, %dma_start3A_515] : memref<10240x128xf32, #tpu.memory_space<vmem_shared>> -> memref<64x128xf32, #tpu.memory_space<vmem_shared>>
      %dma_start3A_517 = arith.constant 0 : i32
      %dma_start3A_518 = arith.constant 0 : i32
      %dma_start3A_519 = tpu.memref_slice %arg15[%run_scoped3A_89, %dma_start3A_517, %dma_start3A_518] : memref<2x64x128xf32, #tpu.memory_space<vmem>> -> memref<1x64x128xf32, #tpu.memory_space<vmem>>
      %dma_start3A_520 = tpu.memref_squeeze %dma_start3A_519 : memref<1x64x128xf32, #tpu.memory_space<vmem>> -> memref<64x128xf32, #tpu.memory_space<vmem>>
      tpu.enqueue_dma source(%dma_start3A_520 : memref<64x128xf32, #tpu.memory_space<vmem>>) target(%dma_start3A_516 : memref<64x128xf32, #tpu.memory_space<vmem_shared>>) target_semaphore(%run_scoped3A_508 : memref<!tpu.dma_semaphore, #tpu.memory_space<semaphore_mem>>)
      %dma_wait3A_521 = arith.constant 0 : i32
      %dma_wait3A_522 = arith.constant 0 : i32
      %dma_wait3A_523 = tpu.memref_slice %arg15[%run_scoped3A_89, %dma_wait3A_521, %dma_wait3A_522] : memref<2x64x128xf32, #tpu.memory_space<vmem>> -> memref<1x64x128xf32, #tpu.memory_space<vmem>>
      %dma_wait3A_524 = tpu.memref_squeeze %dma_wait3A_523 : memref<1x64x128xf32, #tpu.memory_space<vmem>> -> memref<64x128xf32, #tpu.memory_space<vmem>>
      %dma_wait3A_525 = arith.constant 0 : i32
      %dma_wait3A_526 = tpu.memref_slice %arg16[%add3A_88, %dma_wait3A_525] : memref<10240x128xf32, #tpu.memory_space<vmem_shared>> -> memref<64x128xf32, #tpu.memory_space<vmem_shared>>
      %dma_wait3A_527 = arith.constant 0 : i32
      %dma_wait3A_528 = tpu.memref_slice %arg16[%add3A_88, %dma_wait3A_527] : memref<10240x128xf32, #tpu.memory_space<vmem_shared>> -> memref<64x128xf32, #tpu.memory_space<vmem_shared>>
      %dma_wait3A_529 = arith.constant 0 : i32
      %dma_wait3A_530 = arith.constant 0 : i32
      %dma_wait3A_531 = tpu.memref_slice %arg15[%run_scoped3A_89, %dma_wait3A_529, %dma_wait3A_530] : memref<2x64x128xf32, #tpu.memory_space<vmem>> -> memref<1x64x128xf32, #tpu.memory_space<vmem>>
      %dma_wait3A_532 = tpu.memref_squeeze %dma_wait3A_531 : memref<1x64x128xf32, #tpu.memory_space<vmem>> -> memref<64x128xf32, #tpu.memory_space<vmem>>
      tpu.wait_dma2 semaphore(%run_scoped3A_508 : memref<!tpu.dma_semaphore, #tpu.memory_space<semaphore_mem>>) src(%dma_wait3A_532 : memref<64x128xf32, #tpu.memory_space<vmem>>) dst(%dma_wait3A_528 : memref<64x128xf32, #tpu.memory_space<vmem_shared>>)
      tpu.yield
    }) : () -> ()
    %mul3A_90 = arith.constant 640 : i32
    %mul3A_91 = arith.muli %arg1, %mul3A_90 : i32
    %add3A_92 = arith.constant 320 : i32
    %add3A_93 = arith.addi %mul3A_91, %add3A_92 : i32
    %run_scoped3A_94 = arith.constant 0 : i32
    %run_scoped3A_95 = arith.constant 0 : i32
    "tpu.region"() ({
      %run_scoped3A_508 = tpu.sem_alloc : memref<!tpu.dma_semaphore, #tpu.memory_space<semaphore_mem>>
      %dma_start3A_509 = arith.constant 0 : i32
      %dma_start3A_510 = tpu.memref_slice %arg13[%run_scoped3A_94, %run_scoped3A_95, %dma_start3A_509] : memref<2x2x64xf32, #tpu.memory_space<vmem>> -> memref<1x1x64xf32, #tpu.memory_space<vmem>>
      %dma_start3A_511 = tpu.memref_squeeze %dma_start3A_510 : memref<1x1x64xf32, #tpu.memory_space<vmem>> -> memref<64xf32, #tpu.memory_space<vmem>>
      %dma_start3A_512 = tpu.memref_slice %arg17[%add3A_93] : memref<10240xf32, #tpu.memory_space<vmem_shared>> -> memref<64xf32, #tpu.memory_space<vmem_shared>>
      %dma_start3A_513 = tpu.memref_slice %arg17[%add3A_93] : memref<10240xf32, #tpu.memory_space<vmem_shared>> -> memref<64xf32, #tpu.memory_space<vmem_shared>>
      %dma_start3A_514 = arith.constant 0 : i32
      %dma_start3A_515 = tpu.memref_slice %arg13[%run_scoped3A_94, %run_scoped3A_95, %dma_start3A_514] : memref<2x2x64xf32, #tpu.memory_space<vmem>> -> memref<1x1x64xf32, #tpu.memory_space<vmem>>
      %dma_start3A_516 = tpu.memref_squeeze %dma_start3A_515 : memref<1x1x64xf32, #tpu.memory_space<vmem>> -> memref<64xf32, #tpu.memory_space<vmem>>
      tpu.enqueue_dma source(%dma_start3A_516 : memref<64xf32, #tpu.memory_space<vmem>>) target(%dma_start3A_513 : memref<64xf32, #tpu.memory_space<vmem_shared>>) target_semaphore(%run_scoped3A_508 : memref<!tpu.dma_semaphore, #tpu.memory_space<semaphore_mem>>)
      %dma_wait3A_517 = arith.constant 0 : i32
      %dma_wait3A_518 = tpu.memref_slice %arg13[%run_scoped3A_94, %run_scoped3A_95, %dma_wait3A_517] : memref<2x2x64xf32, #tpu.memory_space<vmem>> -> memref<1x1x64xf32, #tpu.memory_space<vmem>>
      %dma_wait3A_519 = tpu.memref_squeeze %dma_wait3A_518 : memref<1x1x64xf32, #tpu.memory_space<vmem>> -> memref<64xf32, #tpu.memory_space<vmem>>
      %dma_wait3A_520 = tpu.memref_slice %arg17[%add3A_93] : memref<10240xf32, #tpu.memory_space<vmem_shared>> -> memref<64xf32, #tpu.memory_space<vmem_shared>>
      %dma_wait3A_521 = tpu.memref_slice %arg17[%add3A_93] : memref<10240xf32, #tpu.memory_space<vmem_shared>> -> memref<64xf32, #tpu.memory_space<vmem_shared>>
      %dma_wait3A_522 = arith.constant 0 : i32
      %dma_wait3A_523 = tpu.memref_slice %arg13[%run_scoped3A_94, %run_scoped3A_95, %dma_wait3A_522] : memref<2x2x64xf32, #tpu.memory_space<vmem>> -> memref<1x1x64xf32, #tpu.memory_space<vmem>>
      %dma_wait3A_524 = tpu.memref_squeeze %dma_wait3A_523 : memref<1x1x64xf32, #tpu.memory_space<vmem>> -> memref<64xf32, #tpu.memory_space<vmem>>
      tpu.wait_dma2 semaphore(%run_scoped3A_508 : memref<!tpu.dma_semaphore, #tpu.memory_space<semaphore_mem>>) src(%dma_wait3A_524 : memref<64xf32, #tpu.memory_space<vmem>>) dst(%dma_wait3A_521 : memref<64xf32, #tpu.memory_space<vmem_shared>>)
      tpu.yield
    }) : () -> ()
    %mul3A_96 = arith.constant 640 : i32
    %mul3A_97 = arith.muli %arg1, %mul3A_96 : i32
    %add3A_98 = arith.constant 384 : i32
    %add3A_99 = arith.addi %mul3A_97, %add3A_98 : i32
    %run_scoped3A_100 = arith.constant 0 : i32
    "tpu.region"() ({
      %run_scoped3A_508 = tpu.sem_alloc : memref<!tpu.dma_semaphore, #tpu.memory_space<semaphore_mem>>
      %dma_start3A_509 = arith.constant 0 : i32
      %dma_start3A_510 = arith.constant 0 : i32
      %dma_start3A_511 = tpu.memref_slice %arg15[%run_scoped3A_100, %dma_start3A_509, %dma_start3A_510] : memref<2x64x128xf32, #tpu.memory_space<vmem>> -> memref<1x64x128xf32, #tpu.memory_space<vmem>>
      %dma_start3A_512 = tpu.memref_squeeze %dma_start3A_511 : memref<1x64x128xf32, #tpu.memory_space<vmem>> -> memref<64x128xf32, #tpu.memory_space<vmem>>
      %dma_start3A_513 = arith.constant 0 : i32
      %dma_start3A_514 = tpu.memref_slice %arg16[%add3A_99, %dma_start3A_513] : memref<10240x128xf32, #tpu.memory_space<vmem_shared>> -> memref<64x128xf32, #tpu.memory_space<vmem_shared>>
      %dma_start3A_515 = arith.constant 0 : i32
      %dma_start3A_516 = tpu.memref_slice %arg16[%add3A_99, %dma_start3A_515] : memref<10240x128xf32, #tpu.memory_space<vmem_shared>> -> memref<64x128xf32, #tpu.memory_space<vmem_shared>>
      %dma_start3A_517 = arith.constant 0 : i32
      %dma_start3A_518 = arith.constant 0 : i32
      %dma_start3A_519 = tpu.memref_slice %arg15[%run_scoped3A_100, %dma_start3A_517, %dma_start3A_518] : memref<2x64x128xf32, #tpu.memory_space<vmem>> -> memref<1x64x128xf32, #tpu.memory_space<vmem>>
      %dma_start3A_520 = tpu.memref_squeeze %dma_start3A_519 : memref<1x64x128xf32, #tpu.memory_space<vmem>> -> memref<64x128xf32, #tpu.memory_space<vmem>>
      tpu.enqueue_dma source(%dma_start3A_520 : memref<64x128xf32, #tpu.memory_space<vmem>>) target(%dma_start3A_516 : memref<64x128xf32, #tpu.memory_space<vmem_shared>>) target_semaphore(%run_scoped3A_508 : memref<!tpu.dma_semaphore, #tpu.memory_space<semaphore_mem>>)
      %dma_wait3A_521 = arith.constant 0 : i32
      %dma_wait3A_522 = arith.constant 0 : i32
      %dma_wait3A_523 = tpu.memref_slice %arg15[%run_scoped3A_100, %dma_wait3A_521, %dma_wait3A_522] : memref<2x64x128xf32, #tpu.memory_space<vmem>> -> memref<1x64x128xf32, #tpu.memory_space<vmem>>
      %dma_wait3A_524 = tpu.memref_squeeze %dma_wait3A_523 : memref<1x64x128xf32, #tpu.memory_space<vmem>> -> memref<64x128xf32, #tpu.memory_space<vmem>>
      %dma_wait3A_525 = arith.constant 0 : i32
      %dma_wait3A_526 = tpu.memref_slice %arg16[%add3A_99, %dma_wait3A_525] : memref<10240x128xf32, #tpu.memory_space<vmem_shared>> -> memref<64x128xf32, #tpu.memory_space<vmem_shared>>
      %dma_wait3A_527 = arith.constant 0 : i32
      %dma_wait3A_528 = tpu.memref_slice %arg16[%add3A_99, %dma_wait3A_527] : memref<10240x128xf32, #tpu.memory_space<vmem_shared>> -> memref<64x128xf32, #tpu.memory_space<vmem_shared>>
      %dma_wait3A_529 = arith.constant 0 : i32
      %dma_wait3A_530 = arith.constant 0 : i32
      %dma_wait3A_531 = tpu.memref_slice %arg15[%run_scoped3A_100, %dma_wait3A_529, %dma_wait3A_530] : memref<2x64x128xf32, #tpu.memory_space<vmem>> -> memref<1x64x128xf32, #tpu.memory_space<vmem>>
      %dma_wait3A_532 = tpu.memref_squeeze %dma_wait3A_531 : memref<1x64x128xf32, #tpu.memory_space<vmem>> -> memref<64x128xf32, #tpu.memory_space<vmem>>
      tpu.wait_dma2 semaphore(%run_scoped3A_508 : memref<!tpu.dma_semaphore, #tpu.memory_space<semaphore_mem>>) src(%dma_wait3A_532 : memref<64x128xf32, #tpu.memory_space<vmem>>) dst(%dma_wait3A_528 : memref<64x128xf32, #tpu.memory_space<vmem_shared>>)
      tpu.yield
    }) : () -> ()
    %mul3A_101 = arith.constant 640 : i32
    %mul3A_102 = arith.muli %arg1, %mul3A_101 : i32
    %add3A_103 = arith.constant 384 : i32
    %add3A_104 = arith.addi %mul3A_102, %add3A_103 : i32
    %run_scoped3A_105 = arith.constant 0 : i32
    %run_scoped3A_106 = arith.constant 0 : i32
    "tpu.region"() ({
      %run_scoped3A_508 = tpu.sem_alloc : memref<!tpu.dma_semaphore, #tpu.memory_space<semaphore_mem>>
      %dma_start3A_509 = arith.constant 0 : i32
      %dma_start3A_510 = tpu.memref_slice %arg13[%run_scoped3A_105, %run_scoped3A_106, %dma_start3A_509] : memref<2x2x64xf32, #tpu.memory_space<vmem>> -> memref<1x1x64xf32, #tpu.memory_space<vmem>>
      %dma_start3A_511 = tpu.memref_squeeze %dma_start3A_510 : memref<1x1x64xf32, #tpu.memory_space<vmem>> -> memref<64xf32, #tpu.memory_space<vmem>>
      %dma_start3A_512 = tpu.memref_slice %arg17[%add3A_104] : memref<10240xf32, #tpu.memory_space<vmem_shared>> -> memref<64xf32, #tpu.memory_space<vmem_shared>>
      %dma_start3A_513 = tpu.memref_slice %arg17[%add3A_104] : memref<10240xf32, #tpu.memory_space<vmem_shared>> -> memref<64xf32, #tpu.memory_space<vmem_shared>>
      %dma_start3A_514 = arith.constant 0 : i32
      %dma_start3A_515 = tpu.memref_slice %arg13[%run_scoped3A_105, %run_scoped3A_106, %dma_start3A_514] : memref<2x2x64xf32, #tpu.memory_space<vmem>> -> memref<1x1x64xf32, #tpu.memory_space<vmem>>
      %dma_start3A_516 = tpu.memref_squeeze %dma_start3A_515 : memref<1x1x64xf32, #tpu.memory_space<vmem>> -> memref<64xf32, #tpu.memory_space<vmem>>
      tpu.enqueue_dma source(%dma_start3A_516 : memref<64xf32, #tpu.memory_space<vmem>>) target(%dma_start3A_513 : memref<64xf32, #tpu.memory_space<vmem_shared>>) target_semaphore(%run_scoped3A_508 : memref<!tpu.dma_semaphore, #tpu.memory_space<semaphore_mem>>)
      %dma_wait3A_517 = arith.constant 0 : i32
      %dma_wait3A_518 = tpu.memref_slice %arg13[%run_scoped3A_105, %run_scoped3A_106, %dma_wait3A_517] : memref<2x2x64xf32, #tpu.memory_space<vmem>> -> memref<1x1x64xf32, #tpu.memory_space<vmem>>
      %dma_wait3A_519 = tpu.memref_squeeze %dma_wait3A_518 : memref<1x1x64xf32, #tpu.memory_space<vmem>> -> memref<64xf32, #tpu.memory_space<vmem>>
      %dma_wait3A_520 = tpu.memref_slice %arg17[%add3A_104] : memref<10240xf32, #tpu.memory_space<vmem_shared>> -> memref<64xf32, #tpu.memory_space<vmem_shared>>
      %dma_wait3A_521 = tpu.memref_slice %arg17[%add3A_104] : memref<10240xf32, #tpu.memory_space<vmem_shared>> -> memref<64xf32, #tpu.memory_space<vmem_shared>>
      %dma_wait3A_522 = arith.constant 0 : i32
      %dma_wait3A_523 = tpu.memref_slice %arg13[%run_scoped3A_105, %run_scoped3A_106, %dma_wait3A_522] : memref<2x2x64xf32, #tpu.memory_space<vmem>> -> memref<1x1x64xf32, #tpu.memory_space<vmem>>
      %dma_wait3A_524 = tpu.memref_squeeze %dma_wait3A_523 : memref<1x1x64xf32, #tpu.memory_space<vmem>> -> memref<64xf32, #tpu.memory_space<vmem>>
      tpu.wait_dma2 semaphore(%run_scoped3A_508 : memref<!tpu.dma_semaphore, #tpu.memory_space<semaphore_mem>>) src(%dma_wait3A_524 : memref<64xf32, #tpu.memory_space<vmem>>) dst(%dma_wait3A_521 : memref<64xf32, #tpu.memory_space<vmem_shared>>)
      tpu.yield
    }) : () -> ()
    %mul3A_107 = arith.constant 640 : i32
    %mul3A_108 = arith.muli %arg1, %mul3A_107 : i32
    %add3A_109 = arith.constant 448 : i32
    %add3A_110 = arith.addi %mul3A_108, %add3A_109 : i32
    %run_scoped3A_111 = arith.constant 0 : i32
    "tpu.region"() ({
      %run_scoped3A_508 = tpu.sem_alloc : memref<!tpu.dma_semaphore, #tpu.memory_space<semaphore_mem>>
      %dma_start3A_509 = arith.constant 0 : i32
      %dma_start3A_510 = arith.constant 0 : i32
      %dma_start3A_511 = tpu.memref_slice %arg15[%run_scoped3A_111, %dma_start3A_509, %dma_start3A_510] : memref<2x64x128xf32, #tpu.memory_space<vmem>> -> memref<1x64x128xf32, #tpu.memory_space<vmem>>
      %dma_start3A_512 = tpu.memref_squeeze %dma_start3A_511 : memref<1x64x128xf32, #tpu.memory_space<vmem>> -> memref<64x128xf32, #tpu.memory_space<vmem>>
      %dma_start3A_513 = arith.constant 0 : i32
      %dma_start3A_514 = tpu.memref_slice %arg16[%add3A_110, %dma_start3A_513] : memref<10240x128xf32, #tpu.memory_space<vmem_shared>> -> memref<64x128xf32, #tpu.memory_space<vmem_shared>>
      %dma_start3A_515 = arith.constant 0 : i32
      %dma_start3A_516 = tpu.memref_slice %arg16[%add3A_110, %dma_start3A_515] : memref<10240x128xf32, #tpu.memory_space<vmem_shared>> -> memref<64x128xf32, #tpu.memory_space<vmem_shared>>
      %dma_start3A_517 = arith.constant 0 : i32
      %dma_start3A_518 = arith.constant 0 : i32
      %dma_start3A_519 = tpu.memref_slice %arg15[%run_scoped3A_111, %dma_start3A_517, %dma_start3A_518] : memref<2x64x128xf32, #tpu.memory_space<vmem>> -> memref<1x64x128xf32, #tpu.memory_space<vmem>>
      %dma_start3A_520 = tpu.memref_squeeze %dma_start3A_519 : memref<1x64x128xf32, #tpu.memory_space<vmem>> -> memref<64x128xf32, #tpu.memory_space<vmem>>
      tpu.enqueue_dma source(%dma_start3A_520 : memref<64x128xf32, #tpu.memory_space<vmem>>) target(%dma_start3A_516 : memref<64x128xf32, #tpu.memory_space<vmem_shared>>) target_semaphore(%run_scoped3A_508 : memref<!tpu.dma_semaphore, #tpu.memory_space<semaphore_mem>>)
      %dma_wait3A_521 = arith.constant 0 : i32
      %dma_wait3A_522 = arith.constant 0 : i32
      %dma_wait3A_523 = tpu.memref_slice %arg15[%run_scoped3A_111, %dma_wait3A_521, %dma_wait3A_522] : memref<2x64x128xf32, #tpu.memory_space<vmem>> -> memref<1x64x128xf32, #tpu.memory_space<vmem>>
      %dma_wait3A_524 = tpu.memref_squeeze %dma_wait3A_523 : memref<1x64x128xf32, #tpu.memory_space<vmem>> -> memref<64x128xf32, #tpu.memory_space<vmem>>
      %dma_wait3A_525 = arith.constant 0 : i32
      %dma_wait3A_526 = tpu.memref_slice %arg16[%add3A_110, %dma_wait3A_525] : memref<10240x128xf32, #tpu.memory_space<vmem_shared>> -> memref<64x128xf32, #tpu.memory_space<vmem_shared>>
      %dma_wait3A_527 = arith.constant 0 : i32
      %dma_wait3A_528 = tpu.memref_slice %arg16[%add3A_110, %dma_wait3A_527] : memref<10240x128xf32, #tpu.memory_space<vmem_shared>> -> memref<64x128xf32, #tpu.memory_space<vmem_shared>>
      %dma_wait3A_529 = arith.constant 0 : i32
      %dma_wait3A_530 = arith.constant 0 : i32
      %dma_wait3A_531 = tpu.memref_slice %arg15[%run_scoped3A_111, %dma_wait3A_529, %dma_wait3A_530] : memref<2x64x128xf32, #tpu.memory_space<vmem>> -> memref<1x64x128xf32, #tpu.memory_space<vmem>>
      %dma_wait3A_532 = tpu.memref_squeeze %dma_wait3A_531 : memref<1x64x128xf32, #tpu.memory_space<vmem>> -> memref<64x128xf32, #tpu.memory_space<vmem>>
      tpu.wait_dma2 semaphore(%run_scoped3A_508 : memref<!tpu.dma_semaphore, #tpu.memory_space<semaphore_mem>>) src(%dma_wait3A_532 : memref<64x128xf32, #tpu.memory_space<vmem>>) dst(%dma_wait3A_528 : memref<64x128xf32, #tpu.memory_space<vmem_shared>>)
      tpu.yield
    }) : () -> ()
    %mul3A_112 = arith.constant 640 : i32
    %mul3A_113 = arith.muli %arg1, %mul3A_112 : i32
    %add3A_114 = arith.constant 448 : i32
    %add3A_115 = arith.addi %mul3A_113, %add3A_114 : i32
    %run_scoped3A_116 = arith.constant 0 : i32
    %run_scoped3A_117 = arith.constant 0 : i32
    "tpu.region"() ({
      %run_scoped3A_508 = tpu.sem_alloc : memref<!tpu.dma_semaphore, #tpu.memory_space<semaphore_mem>>
      %dma_start3A_509 = arith.constant 0 : i32
      %dma_start3A_510 = tpu.memref_slice %arg13[%run_scoped3A_116, %run_scoped3A_117, %dma_start3A_509] : memref<2x2x64xf32, #tpu.memory_space<vmem>> -> memref<1x1x64xf32, #tpu.memory_space<vmem>>
      %dma_start3A_511 = tpu.memref_squeeze %dma_start3A_510 : memref<1x1x64xf32, #tpu.memory_space<vmem>> -> memref<64xf32, #tpu.memory_space<vmem>>
      %dma_start3A_512 = tpu.memref_slice %arg17[%add3A_115] : memref<10240xf32, #tpu.memory_space<vmem_shared>> -> memref<64xf32, #tpu.memory_space<vmem_shared>>
      %dma_start3A_513 = tpu.memref_slice %arg17[%add3A_115] : memref<10240xf32, #tpu.memory_space<vmem_shared>> -> memref<64xf32, #tpu.memory_space<vmem_shared>>
      %dma_start3A_514 = arith.constant 0 : i32
      %dma_start3A_515 = tpu.memref_slice %arg13[%run_scoped3A_116, %run_scoped3A_117, %dma_start3A_514] : memref<2x2x64xf32, #tpu.memory_space<vmem>> -> memref<1x1x64xf32, #tpu.memory_space<vmem>>
      %dma_start3A_516 = tpu.memref_squeeze %dma_start3A_515 : memref<1x1x64xf32, #tpu.memory_space<vmem>> -> memref<64xf32, #tpu.memory_space<vmem>>
      tpu.enqueue_dma source(%dma_start3A_516 : memref<64xf32, #tpu.memory_space<vmem>>) target(%dma_start3A_513 : memref<64xf32, #tpu.memory_space<vmem_shared>>) target_semaphore(%run_scoped3A_508 : memref<!tpu.dma_semaphore, #tpu.memory_space<semaphore_mem>>)
      %dma_wait3A_517 = arith.constant 0 : i32
      %dma_wait3A_518 = tpu.memref_slice %arg13[%run_scoped3A_116, %run_scoped3A_117, %dma_wait3A_517] : memref<2x2x64xf32, #tpu.memory_space<vmem>> -> memref<1x1x64xf32, #tpu.memory_space<vmem>>
      %dma_wait3A_519 = tpu.memref_squeeze %dma_wait3A_518 : memref<1x1x64xf32, #tpu.memory_space<vmem>> -> memref<64xf32, #tpu.memory_space<vmem>>
      %dma_wait3A_520 = tpu.memref_slice %arg17[%add3A_115] : memref<10240xf32, #tpu.memory_space<vmem_shared>> -> memref<64xf32, #tpu.memory_space<vmem_shared>>
      %dma_wait3A_521 = tpu.memref_slice %arg17[%add3A_115] : memref<10240xf32, #tpu.memory_space<vmem_shared>> -> memref<64xf32, #tpu.memory_space<vmem_shared>>
      %dma_wait3A_522 = arith.constant 0 : i32
      %dma_wait3A_523 = tpu.memref_slice %arg13[%run_scoped3A_116, %run_scoped3A_117, %dma_wait3A_522] : memref<2x2x64xf32, #tpu.memory_space<vmem>> -> memref<1x1x64xf32, #tpu.memory_space<vmem>>
      %dma_wait3A_524 = tpu.memref_squeeze %dma_wait3A_523 : memref<1x1x64xf32, #tpu.memory_space<vmem>> -> memref<64xf32, #tpu.memory_space<vmem>>
      tpu.wait_dma2 semaphore(%run_scoped3A_508 : memref<!tpu.dma_semaphore, #tpu.memory_space<semaphore_mem>>) src(%dma_wait3A_524 : memref<64xf32, #tpu.memory_space<vmem>>) dst(%dma_wait3A_521 : memref<64xf32, #tpu.memory_space<vmem_shared>>)
      tpu.yield
    }) : () -> ()
    %mul3A_118 = arith.constant 640 : i32
    %mul3A_119 = arith.muli %arg1, %mul3A_118 : i32
    %add3A_120 = arith.constant 512 : i32
    %add3A_121 = arith.addi %mul3A_119, %add3A_120 : i32
    %run_scoped3A_122 = arith.constant 0 : i32
    "tpu.region"() ({
      %run_scoped3A_508 = tpu.sem_alloc : memref<!tpu.dma_semaphore, #tpu.memory_space<semaphore_mem>>
      %dma_start3A_509 = arith.constant 0 : i32
      %dma_start3A_510 = arith.constant 0 : i32
      %dma_start3A_511 = tpu.memref_slice %arg15[%run_scoped3A_122, %dma_start3A_509, %dma_start3A_510] : memref<2x64x128xf32, #tpu.memory_space<vmem>> -> memref<1x64x128xf32, #tpu.memory_space<vmem>>
      %dma_start3A_512 = tpu.memref_squeeze %dma_start3A_511 : memref<1x64x128xf32, #tpu.memory_space<vmem>> -> memref<64x128xf32, #tpu.memory_space<vmem>>
      %dma_start3A_513 = arith.constant 0 : i32
      %dma_start3A_514 = tpu.memref_slice %arg16[%add3A_121, %dma_start3A_513] : memref<10240x128xf32, #tpu.memory_space<vmem_shared>> -> memref<64x128xf32, #tpu.memory_space<vmem_shared>>
      %dma_start3A_515 = arith.constant 0 : i32
      %dma_start3A_516 = tpu.memref_slice %arg16[%add3A_121, %dma_start3A_515] : memref<10240x128xf32, #tpu.memory_space<vmem_shared>> -> memref<64x128xf32, #tpu.memory_space<vmem_shared>>
      %dma_start3A_517 = arith.constant 0 : i32
      %dma_start3A_518 = arith.constant 0 : i32
      %dma_start3A_519 = tpu.memref_slice %arg15[%run_scoped3A_122, %dma_start3A_517, %dma_start3A_518] : memref<2x64x128xf32, #tpu.memory_space<vmem>> -> memref<1x64x128xf32, #tpu.memory_space<vmem>>
      %dma_start3A_520 = tpu.memref_squeeze %dma_start3A_519 : memref<1x64x128xf32, #tpu.memory_space<vmem>> -> memref<64x128xf32, #tpu.memory_space<vmem>>
      tpu.enqueue_dma source(%dma_start3A_520 : memref<64x128xf32, #tpu.memory_space<vmem>>) target(%dma_start3A_516 : memref<64x128xf32, #tpu.memory_space<vmem_shared>>) target_semaphore(%run_scoped3A_508 : memref<!tpu.dma_semaphore, #tpu.memory_space<semaphore_mem>>)
      %dma_wait3A_521 = arith.constant 0 : i32
      %dma_wait3A_522 = arith.constant 0 : i32
      %dma_wait3A_523 = tpu.memref_slice %arg15[%run_scoped3A_122, %dma_wait3A_521, %dma_wait3A_522] : memref<2x64x128xf32, #tpu.memory_space<vmem>> -> memref<1x64x128xf32, #tpu.memory_space<vmem>>
      %dma_wait3A_524 = tpu.memref_squeeze %dma_wait3A_523 : memref<1x64x128xf32, #tpu.memory_space<vmem>> -> memref<64x128xf32, #tpu.memory_space<vmem>>
      %dma_wait3A_525 = arith.constant 0 : i32
      %dma_wait3A_526 = tpu.memref_slice %arg16[%add3A_121, %dma_wait3A_525] : memref<10240x128xf32, #tpu.memory_space<vmem_shared>> -> memref<64x128xf32, #tpu.memory_space<vmem_shared>>
      %dma_wait3A_527 = arith.constant 0 : i32
      %dma_wait3A_528 = tpu.memref_slice %arg16[%add3A_121, %dma_wait3A_527] : memref<10240x128xf32, #tpu.memory_space<vmem_shared>> -> memref<64x128xf32, #tpu.memory_space<vmem_shared>>
      %dma_wait3A_529 = arith.constant 0 : i32
      %dma_wait3A_530 = arith.constant 0 : i32
      %dma_wait3A_531 = tpu.memref_slice %arg15[%run_scoped3A_122, %dma_wait3A_529, %dma_wait3A_530] : memref<2x64x128xf32, #tpu.memory_space<vmem>> -> memref<1x64x128xf32, #tpu.memory_space<vmem>>
      %dma_wait3A_532 = tpu.memref_squeeze %dma_wait3A_531 : memref<1x64x128xf32, #tpu.memory_space<vmem>> -> memref<64x128xf32, #tpu.memory_space<vmem>>
      tpu.wait_dma2 semaphore(%run_scoped3A_508 : memref<!tpu.dma_semaphore, #tpu.memory_space<semaphore_mem>>) src(%dma_wait3A_532 : memref<64x128xf32, #tpu.memory_space<vmem>>) dst(%dma_wait3A_528 : memref<64x128xf32, #tpu.memory_space<vmem_shared>>)
      tpu.yield
    }) : () -> ()
    %mul3A_123 = arith.constant 640 : i32
    %mul3A_124 = arith.muli %arg1, %mul3A_123 : i32
    %add3A_125 = arith.constant 512 : i32
    %add3A_126 = arith.addi %mul3A_124, %add3A_125 : i32
    %run_scoped3A_127 = arith.constant 0 : i32
    %run_scoped3A_128 = arith.constant 0 : i32
    "tpu.region"() ({
      %run_scoped3A_508 = tpu.sem_alloc : memref<!tpu.dma_semaphore, #tpu.memory_space<semaphore_mem>>
      %dma_start3A_509 = arith.constant 0 : i32
      %dma_start3A_510 = tpu.memref_slice %arg13[%run_scoped3A_127, %run_scoped3A_128, %dma_start3A_509] : memref<2x2x64xf32, #tpu.memory_space<vmem>> -> memref<1x1x64xf32, #tpu.memory_space<vmem>>
      %dma_start3A_511 = tpu.memref_squeeze %dma_start3A_510 : memref<1x1x64xf32, #tpu.memory_space<vmem>> -> memref<64xf32, #tpu.memory_space<vmem>>
      %dma_start3A_512 = tpu.memref_slice %arg17[%add3A_126] : memref<10240xf32, #tpu.memory_space<vmem_shared>> -> memref<64xf32, #tpu.memory_space<vmem_shared>>
      %dma_start3A_513 = tpu.memref_slice %arg17[%add3A_126] : memref<10240xf32, #tpu.memory_space<vmem_shared>> -> memref<64xf32, #tpu.memory_space<vmem_shared>>
      %dma_start3A_514 = arith.constant 0 : i32
      %dma_start3A_515 = tpu.memref_slice %arg13[%run_scoped3A_127, %run_scoped3A_128, %dma_start3A_514] : memref<2x2x64xf32, #tpu.memory_space<vmem>> -> memref<1x1x64xf32, #tpu.memory_space<vmem>>
      %dma_start3A_516 = tpu.memref_squeeze %dma_start3A_515 : memref<1x1x64xf32, #tpu.memory_space<vmem>> -> memref<64xf32, #tpu.memory_space<vmem>>
      tpu.enqueue_dma source(%dma_start3A_516 : memref<64xf32, #tpu.memory_space<vmem>>) target(%dma_start3A_513 : memref<64xf32, #tpu.memory_space<vmem_shared>>) target_semaphore(%run_scoped3A_508 : memref<!tpu.dma_semaphore, #tpu.memory_space<semaphore_mem>>)
      %dma_wait3A_517 = arith.constant 0 : i32
      %dma_wait3A_518 = tpu.memref_slice %arg13[%run_scoped3A_127, %run_scoped3A_128, %dma_wait3A_517] : memref<2x2x64xf32, #tpu.memory_space<vmem>> -> memref<1x1x64xf32, #tpu.memory_space<vmem>>
      %dma_wait3A_519 = tpu.memref_squeeze %dma_wait3A_518 : memref<1x1x64xf32, #tpu.memory_space<vmem>> -> memref<64xf32, #tpu.memory_space<vmem>>
      %dma_wait3A_520 = tpu.memref_slice %arg17[%add3A_126] : memref<10240xf32, #tpu.memory_space<vmem_shared>> -> memref<64xf32, #tpu.memory_space<vmem_shared>>
      %dma_wait3A_521 = tpu.memref_slice %arg17[%add3A_126] : memref<10240xf32, #tpu.memory_space<vmem_shared>> -> memref<64xf32, #tpu.memory_space<vmem_shared>>
      %dma_wait3A_522 = arith.constant 0 : i32
      %dma_wait3A_523 = tpu.memref_slice %arg13[%run_scoped3A_127, %run_scoped3A_128, %dma_wait3A_522] : memref<2x2x64xf32, #tpu.memory_space<vmem>> -> memref<1x1x64xf32, #tpu.memory_space<vmem>>
      %dma_wait3A_524 = tpu.memref_squeeze %dma_wait3A_523 : memref<1x1x64xf32, #tpu.memory_space<vmem>> -> memref<64xf32, #tpu.memory_space<vmem>>
      tpu.wait_dma2 semaphore(%run_scoped3A_508 : memref<!tpu.dma_semaphore, #tpu.memory_space<semaphore_mem>>) src(%dma_wait3A_524 : memref<64xf32, #tpu.memory_space<vmem>>) dst(%dma_wait3A_521 : memref<64xf32, #tpu.memory_space<vmem_shared>>)
      tpu.yield
    }) : () -> ()
    %mul3A_129 = arith.constant 640 : i32
    %mul3A_130 = arith.muli %arg1, %mul3A_129 : i32
    %add3A_131 = arith.constant 576 : i32
    %add3A_132 = arith.addi %mul3A_130, %add3A_131 : i32
    %run_scoped3A_133 = arith.constant 0 : i32
    "tpu.region"() ({
      %run_scoped3A_508 = tpu.sem_alloc : memref<!tpu.dma_semaphore, #tpu.memory_space<semaphore_mem>>
      %dma_start3A_509 = arith.constant 0 : i32
      %dma_start3A_510 = arith.constant 0 : i32
      %dma_start3A_511 = tpu.memref_slice %arg15[%run_scoped3A_133, %dma_start3A_509, %dma_start3A_510] : memref<2x64x128xf32, #tpu.memory_space<vmem>> -> memref<1x64x128xf32, #tpu.memory_space<vmem>>
      %dma_start3A_512 = tpu.memref_squeeze %dma_start3A_511 : memref<1x64x128xf32, #tpu.memory_space<vmem>> -> memref<64x128xf32, #tpu.memory_space<vmem>>
      %dma_start3A_513 = arith.constant 0 : i32
      %dma_start3A_514 = tpu.memref_slice %arg16[%add3A_132, %dma_start3A_513] : memref<10240x128xf32, #tpu.memory_space<vmem_shared>> -> memref<64x128xf32, #tpu.memory_space<vmem_shared>>
      %dma_start3A_515 = arith.constant 0 : i32
      %dma_start3A_516 = tpu.memref_slice %arg16[%add3A_132, %dma_start3A_515] : memref<10240x128xf32, #tpu.memory_space<vmem_shared>> -> memref<64x128xf32, #tpu.memory_space<vmem_shared>>
      %dma_start3A_517 = arith.constant 0 : i32
      %dma_start3A_518 = arith.constant 0 : i32
      %dma_start3A_519 = tpu.memref_slice %arg15[%run_scoped3A_133, %dma_start3A_517, %dma_start3A_518] : memref<2x64x128xf32, #tpu.memory_space<vmem>> -> memref<1x64x128xf32, #tpu.memory_space<vmem>>
      %dma_start3A_520 = tpu.memref_squeeze %dma_start3A_519 : memref<1x64x128xf32, #tpu.memory_space<vmem>> -> memref<64x128xf32, #tpu.memory_space<vmem>>
      tpu.enqueue_dma source(%dma_start3A_520 : memref<64x128xf32, #tpu.memory_space<vmem>>) target(%dma_start3A_516 : memref<64x128xf32, #tpu.memory_space<vmem_shared>>) target_semaphore(%run_scoped3A_508 : memref<!tpu.dma_semaphore, #tpu.memory_space<semaphore_mem>>)
      %dma_wait3A_521 = arith.constant 0 : i32
      %dma_wait3A_522 = arith.constant 0 : i32
      %dma_wait3A_523 = tpu.memref_slice %arg15[%run_scoped3A_133, %dma_wait3A_521, %dma_wait3A_522] : memref<2x64x128xf32, #tpu.memory_space<vmem>> -> memref<1x64x128xf32, #tpu.memory_space<vmem>>
      %dma_wait3A_524 = tpu.memref_squeeze %dma_wait3A_523 : memref<1x64x128xf32, #tpu.memory_space<vmem>> -> memref<64x128xf32, #tpu.memory_space<vmem>>
      %dma_wait3A_525 = arith.constant 0 : i32
      %dma_wait3A_526 = tpu.memref_slice %arg16[%add3A_132, %dma_wait3A_525] : memref<10240x128xf32, #tpu.memory_space<vmem_shared>> -> memref<64x128xf32, #tpu.memory_space<vmem_shared>>
      %dma_wait3A_527 = arith.constant 0 : i32
      %dma_wait3A_528 = tpu.memref_slice %arg16[%add3A_132, %dma_wait3A_527] : memref<10240x128xf32, #tpu.memory_space<vmem_shared>> -> memref<64x128xf32, #tpu.memory_space<vmem_shared>>
      %dma_wait3A_529 = arith.constant 0 : i32
      %dma_wait3A_530 = arith.constant 0 : i32
      %dma_wait3A_531 = tpu.memref_slice %arg15[%run_scoped3A_133, %dma_wait3A_529, %dma_wait3A_530] : memref<2x64x128xf32, #tpu.memory_space<vmem>> -> memref<1x64x128xf32, #tpu.memory_space<vmem>>
      %dma_wait3A_532 = tpu.memref_squeeze %dma_wait3A_531 : memref<1x64x128xf32, #tpu.memory_space<vmem>> -> memref<64x128xf32, #tpu.memory_space<vmem>>
      tpu.wait_dma2 semaphore(%run_scoped3A_508 : memref<!tpu.dma_semaphore, #tpu.memory_space<semaphore_mem>>) src(%dma_wait3A_532 : memref<64x128xf32, #tpu.memory_space<vmem>>) dst(%dma_wait3A_528 : memref<64x128xf32, #tpu.memory_space<vmem_shared>>)
      tpu.yield
    }) : () -> ()
    %mul3A_134 = arith.constant 640 : i32
    %mul3A_135 = arith.muli %arg1, %mul3A_134 : i32
    %add3A_136 = arith.constant 576 : i32
    %add3A_137 = arith.addi %mul3A_135, %add3A_136 : i32
    %run_scoped3A_138 = arith.constant 0 : i32
    %run_scoped3A_139 = arith.constant 0 : i32
    "tpu.region"() ({
      %run_scoped3A_508 = tpu.sem_alloc : memref<!tpu.dma_semaphore, #tpu.memory_space<semaphore_mem>>
      %dma_start3A_509 = arith.constant 0 : i32
      %dma_start3A_510 = tpu.memref_slice %arg13[%run_scoped3A_138, %run_scoped3A_139, %dma_start3A_509] : memref<2x2x64xf32, #tpu.memory_space<vmem>> -> memref<1x1x64xf32, #tpu.memory_space<vmem>>
      %dma_start3A_511 = tpu.memref_squeeze %dma_start3A_510 : memref<1x1x64xf32, #tpu.memory_space<vmem>> -> memref<64xf32, #tpu.memory_space<vmem>>
      %dma_start3A_512 = tpu.memref_slice %arg17[%add3A_137] : memref<10240xf32, #tpu.memory_space<vmem_shared>> -> memref<64xf32, #tpu.memory_space<vmem_shared>>
      %dma_start3A_513 = tpu.memref_slice %arg17[%add3A_137] : memref<10240xf32, #tpu.memory_space<vmem_shared>> -> memref<64xf32, #tpu.memory_space<vmem_shared>>
      %dma_start3A_514 = arith.constant 0 : i32
      %dma_start3A_515 = tpu.memref_slice %arg13[%run_scoped3A_138, %run_scoped3A_139, %dma_start3A_514] : memref<2x2x64xf32, #tpu.memory_space<vmem>> -> memref<1x1x64xf32, #tpu.memory_space<vmem>>
      %dma_start3A_516 = tpu.memref_squeeze %dma_start3A_515 : memref<1x1x64xf32, #tpu.memory_space<vmem>> -> memref<64xf32, #tpu.memory_space<vmem>>
      tpu.enqueue_dma source(%dma_start3A_516 : memref<64xf32, #tpu.memory_space<vmem>>) target(%dma_start3A_513 : memref<64xf32, #tpu.memory_space<vmem_shared>>) target_semaphore(%run_scoped3A_508 : memref<!tpu.dma_semaphore, #tpu.memory_space<semaphore_mem>>)
      %dma_wait3A_517 = arith.constant 0 : i32
      %dma_wait3A_518 = tpu.memref_slice %arg13[%run_scoped3A_138, %run_scoped3A_139, %dma_wait3A_517] : memref<2x2x64xf32, #tpu.memory_space<vmem>> -> memref<1x1x64xf32, #tpu.memory_space<vmem>>
      %dma_wait3A_519 = tpu.memref_squeeze %dma_wait3A_518 : memref<1x1x64xf32, #tpu.memory_space<vmem>> -> memref<64xf32, #tpu.memory_space<vmem>>
      %dma_wait3A_520 = tpu.memref_slice %arg17[%add3A_137] : memref<10240xf32, #tpu.memory_space<vmem_shared>> -> memref<64xf32, #tpu.memory_space<vmem_shared>>
      %dma_wait3A_521 = tpu.memref_slice %arg17[%add3A_137] : memref<10240xf32, #tpu.memory_space<vmem_shared>> -> memref<64xf32, #tpu.memory_space<vmem_shared>>
      %dma_wait3A_522 = arith.constant 0 : i32
      %dma_wait3A_523 = tpu.memref_slice %arg13[%run_scoped3A_138, %run_scoped3A_139, %dma_wait3A_522] : memref<2x2x64xf32, #tpu.memory_space<vmem>> -> memref<1x1x64xf32, #tpu.memory_space<vmem>>
      %dma_wait3A_524 = tpu.memref_squeeze %dma_wait3A_523 : memref<1x1x64xf32, #tpu.memory_space<vmem>> -> memref<64xf32, #tpu.memory_space<vmem>>
      tpu.wait_dma2 semaphore(%run_scoped3A_508 : memref<!tpu.dma_semaphore, #tpu.memory_space<semaphore_mem>>) src(%dma_wait3A_524 : memref<64xf32, #tpu.memory_space<vmem>>) dst(%dma_wait3A_521 : memref<64xf32, #tpu.memory_space<vmem_shared>>)
      tpu.yield
    }) : () -> ()
    %eq3A = arith.constant 0 : i32
    %eq3A_140 = arith.cmpi eq, %arg1, %eq3A : i32
    %convert_element_type3A = arith.extui %eq3A_140 : i1 to i32
    %cond3A = arith.constant 0 : i32
    %cond3A_141 = arith.cmpi ne, %convert_element_type3A, %cond3A : i32
    scf.if %cond3A_141 {
      "tpu.region"() ({
        %run_scoped3A_508 = tpu.sem_alloc : memref<!tpu.dma_semaphore, #tpu.memory_space<semaphore_mem>>
        tpu.enqueue_dma source(%arg3 : memref<10240xf32, #tpu.memory_space<hbm>>) target(%arg18 : memref<10240xf32, #tpu.memory_space<vmem_shared>>) target_semaphore(%run_scoped3A_508 : memref<!tpu.dma_semaphore, #tpu.memory_space<semaphore_mem>>)
        tpu.wait_dma2 semaphore(%run_scoped3A_508 : memref<!tpu.dma_semaphore, #tpu.memory_space<semaphore_mem>>) src(%arg3 : memref<10240xf32, #tpu.memory_space<hbm>>) dst(%arg18 : memref<10240xf32, #tpu.memory_space<vmem_shared>>)
        tpu.yield
      }) : () -> ()
      "tpu.region"() ({
        %run_scoped3A_508 = tpu.sem_alloc : memref<!tpu.dma_semaphore, #tpu.memory_space<semaphore_mem>>
        tpu.enqueue_dma source(%arg4 : memref<10240xf32, #tpu.memory_space<hbm>>) target(%arg19 : memref<10240xf32, #tpu.memory_space<vmem_shared>>) target_semaphore(%run_scoped3A_508 : memref<!tpu.dma_semaphore, #tpu.memory_space<semaphore_mem>>)
        tpu.wait_dma2 semaphore(%run_scoped3A_508 : memref<!tpu.dma_semaphore, #tpu.memory_space<semaphore_mem>>) src(%arg4 : memref<10240xf32, #tpu.memory_space<hbm>>) dst(%arg19 : memref<10240xf32, #tpu.memory_space<vmem_shared>>)
        tpu.yield
      }) : () -> ()
    } else {
    }
    %barrier3A = arith.constant 0 : index
    tpu.barrier barrier_id(%barrier3A)
    %dma_start3A = arith.constant 0 : i32
    %dma_start3A_142 = arith.constant 0 : i32
    %dma_start3A_143 = arith.constant 0 : i32
    %dma_start3A_144 = tpu.memref_slice %arg9[%dma_start3A_142, %dma_start3A_143] : memref<6x128xi32, #tpu.memory_space<vmem>> -> memref<1x128xi32, #tpu.memory_space<vmem>>
    %dma_start3A_145 = tpu.memref_squeeze %dma_start3A_144 : memref<1x128xi32, #tpu.memory_space<vmem>> -> memref<128xi32, #tpu.memory_space<vmem>>
    %dma_start3A_146 = arith.constant 0 : i32
    %dma_start3A_147 = tpu.memref_slice %arg5[%add3A, %dma_start3A, %dma_start3A_146] : memref<32x80x128xi32, #tpu.memory_space<hbm>> -> memref<1x1x128xi32, #tpu.memory_space<hbm>>
    %dma_start3A_148 = tpu.memref_squeeze %dma_start3A_147 : memref<1x1x128xi32, #tpu.memory_space<hbm>> -> memref<128xi32, #tpu.memory_space<hbm>>
    %dma_start3A_149 = arith.constant 0 : i32
    %dma_start3A_150 = tpu.memref_slice %arg9[%dma_start3A_142, %dma_start3A_149] : memref<6x128xi32, #tpu.memory_space<vmem>> -> memref<1x128xi32, #tpu.memory_space<vmem>>
    %dma_start3A_151 = tpu.memref_squeeze %dma_start3A_150 : memref<1x128xi32, #tpu.memory_space<vmem>> -> memref<128xi32, #tpu.memory_space<vmem>>
    %dma_start3A_152 = arith.constant 0 : i32
    %dma_start3A_153 = tpu.memref_slice %arg5[%add3A, %dma_start3A, %dma_start3A_152] : memref<32x80x128xi32, #tpu.memory_space<hbm>> -> memref<1x1x128xi32, #tpu.memory_space<hbm>>
    %dma_start3A_154 = tpu.memref_squeeze %dma_start3A_153 : memref<1x1x128xi32, #tpu.memory_space<hbm>> -> memref<128xi32, #tpu.memory_space<hbm>>
    tpu.enqueue_dma source(%dma_start3A_154 : memref<128xi32, #tpu.memory_space<hbm>>) target(%dma_start3A_151 : memref<128xi32, #tpu.memory_space<vmem>>) target_semaphore(%arg20 : memref<!tpu.dma_semaphore, #tpu.memory_space<semaphore_mem>>)
    %dma_start3A_155 = arith.constant 0 : i32
    %dma_start3A_156 = arith.constant 0 : i32
    %dma_start3A_157 = arith.constant 0 : i32
    %dma_start3A_158 = arith.constant 0 : i32
    %dma_start3A_159 = tpu.memref_slice %arg10[%dma_start3A_156, %dma_start3A_157, %dma_start3A_158] : memref<6x2x64xi32, #tpu.memory_space<vmem>> -> memref<1x2x64xi32, #tpu.memory_space<vmem>>
    %dma_start3A_160 = tpu.memref_squeeze %dma_start3A_159 : memref<1x2x64xi32, #tpu.memory_space<vmem>> -> memref<2x64xi32, #tpu.memory_space<vmem>>
    %dma_start3A_161 = arith.constant 0 : i32
    %dma_start3A_162 = arith.constant 0 : i32
    %dma_start3A_163 = tpu.memref_slice %arg6[%add3A, %dma_start3A_155, %dma_start3A_161, %dma_start3A_162] : memref<32x80x2x64xi32, #tpu.memory_space<hbm>> -> memref<1x1x2x64xi32, #tpu.memory_space<hbm>>
    %dma_start3A_164 = tpu.memref_squeeze %dma_start3A_163 : memref<1x1x2x64xi32, #tpu.memory_space<hbm>> -> memref<2x64xi32, #tpu.memory_space<hbm>>
    %dma_start3A_165 = arith.constant 0 : i32
    %dma_start3A_166 = arith.constant 0 : i32
    %dma_start3A_167 = tpu.memref_slice %arg10[%dma_start3A_156, %dma_start3A_165, %dma_start3A_166] : memref<6x2x64xi32, #tpu.memory_space<vmem>> -> memref<1x2x64xi32, #tpu.memory_space<vmem>>
    %dma_start3A_168 = tpu.memref_squeeze %dma_start3A_167 : memref<1x2x64xi32, #tpu.memory_space<vmem>> -> memref<2x64xi32, #tpu.memory_space<vmem>>
    %dma_start3A_169 = arith.constant 0 : i32
    %dma_start3A_170 = arith.constant 0 : i32
    %dma_start3A_171 = tpu.memref_slice %arg6[%add3A, %dma_start3A_155, %dma_start3A_169, %dma_start3A_170] : memref<32x80x2x64xi32, #tpu.memory_space<hbm>> -> memref<1x1x2x64xi32, #tpu.memory_space<hbm>>
    %dma_start3A_172 = tpu.memref_squeeze %dma_start3A_171 : memref<1x1x2x64xi32, #tpu.memory_space<hbm>> -> memref<2x64xi32, #tpu.memory_space<hbm>>
    tpu.enqueue_dma source(%dma_start3A_172 : memref<2x64xi32, #tpu.memory_space<hbm>>) target(%dma_start3A_168 : memref<2x64xi32, #tpu.memory_space<vmem>>) target_semaphore(%arg20 : memref<!tpu.dma_semaphore, #tpu.memory_space<semaphore_mem>>)
    %dma_start3A_173 = arith.constant 1 : i32
    %dma_start3A_174 = arith.constant 1 : i32
    %dma_start3A_175 = arith.constant 0 : i32
    %dma_start3A_176 = tpu.memref_slice %arg9[%dma_start3A_174, %dma_start3A_175] : memref<6x128xi32, #tpu.memory_space<vmem>> -> memref<1x128xi32, #tpu.memory_space<vmem>>
    %dma_start3A_177 = tpu.memref_squeeze %dma_start3A_176 : memref<1x128xi32, #tpu.memory_space<vmem>> -> memref<128xi32, #tpu.memory_space<vmem>>
    %dma_start3A_178 = arith.constant 0 : i32
    %dma_start3A_179 = tpu.memref_slice %arg5[%add3A, %dma_start3A_173, %dma_start3A_178] : memref<32x80x128xi32, #tpu.memory_space<hbm>> -> memref<1x1x128xi32, #tpu.memory_space<hbm>>
    %dma_start3A_180 = tpu.memref_squeeze %dma_start3A_179 : memref<1x1x128xi32, #tpu.memory_space<hbm>> -> memref<128xi32, #tpu.memory_space<hbm>>
    %dma_start3A_181 = arith.constant 0 : i32
    %dma_start3A_182 = tpu.memref_slice %arg9[%dma_start3A_174, %dma_start3A_181] : memref<6x128xi32, #tpu.memory_space<vmem>> -> memref<1x128xi32, #tpu.memory_space<vmem>>
    %dma_start3A_183 = tpu.memref_squeeze %dma_start3A_182 : memref<1x128xi32, #tpu.memory_space<vmem>> -> memref<128xi32, #tpu.memory_space<vmem>>
    %dma_start3A_184 = arith.constant 0 : i32
    %dma_start3A_185 = tpu.memref_slice %arg5[%add3A, %dma_start3A_173, %dma_start3A_184] : memref<32x80x128xi32, #tpu.memory_space<hbm>> -> memref<1x1x128xi32, #tpu.memory_space<hbm>>
    %dma_start3A_186 = tpu.memref_squeeze %dma_start3A_185 : memref<1x1x128xi32, #tpu.memory_space<hbm>> -> memref<128xi32, #tpu.memory_space<hbm>>
    tpu.enqueue_dma source(%dma_start3A_186 : memref<128xi32, #tpu.memory_space<hbm>>) target(%dma_start3A_183 : memref<128xi32, #tpu.memory_space<vmem>>) target_semaphore(%arg20 : memref<!tpu.dma_semaphore, #tpu.memory_space<semaphore_mem>>)
    %dma_start3A_187 = arith.constant 1 : i32
    %dma_start3A_188 = arith.constant 1 : i32
    %dma_start3A_189 = arith.constant 0 : i32
    %dma_start3A_190 = arith.constant 0 : i32
    %dma_start3A_191 = tpu.memref_slice %arg10[%dma_start3A_188, %dma_start3A_189, %dma_start3A_190] : memref<6x2x64xi32, #tpu.memory_space<vmem>> -> memref<1x2x64xi32, #tpu.memory_space<vmem>>
    %dma_start3A_192 = tpu.memref_squeeze %dma_start3A_191 : memref<1x2x64xi32, #tpu.memory_space<vmem>> -> memref<2x64xi32, #tpu.memory_space<vmem>>
    %dma_start3A_193 = arith.constant 0 : i32
    %dma_start3A_194 = arith.constant 0 : i32
    %dma_start3A_195 = tpu.memref_slice %arg6[%add3A, %dma_start3A_187, %dma_start3A_193, %dma_start3A_194] : memref<32x80x2x64xi32, #tpu.memory_space<hbm>> -> memref<1x1x2x64xi32, #tpu.memory_space<hbm>>
    %dma_start3A_196 = tpu.memref_squeeze %dma_start3A_195 : memref<1x1x2x64xi32, #tpu.memory_space<hbm>> -> memref<2x64xi32, #tpu.memory_space<hbm>>
    %dma_start3A_197 = arith.constant 0 : i32
    %dma_start3A_198 = arith.constant 0 : i32
    %dma_start3A_199 = tpu.memref_slice %arg10[%dma_start3A_188, %dma_start3A_197, %dma_start3A_198] : memref<6x2x64xi32, #tpu.memory_space<vmem>> -> memref<1x2x64xi32, #tpu.memory_space<vmem>>
    %dma_start3A_200 = tpu.memref_squeeze %dma_start3A_199 : memref<1x2x64xi32, #tpu.memory_space<vmem>> -> memref<2x64xi32, #tpu.memory_space<vmem>>
    %dma_start3A_201 = arith.constant 0 : i32
    %dma_start3A_202 = arith.constant 0 : i32
    %dma_start3A_203 = tpu.memref_slice %arg6[%add3A, %dma_start3A_187, %dma_start3A_201, %dma_start3A_202] : memref<32x80x2x64xi32, #tpu.memory_space<hbm>> -> memref<1x1x2x64xi32, #tpu.memory_space<hbm>>
    %dma_start3A_204 = tpu.memref_squeeze %dma_start3A_203 : memref<1x1x2x64xi32, #tpu.memory_space<hbm>> -> memref<2x64xi32, #tpu.memory_space<hbm>>
    tpu.enqueue_dma source(%dma_start3A_204 : memref<2x64xi32, #tpu.memory_space<hbm>>) target(%dma_start3A_200 : memref<2x64xi32, #tpu.memory_space<vmem>>) target_semaphore(%arg20 : memref<!tpu.dma_semaphore, #tpu.memory_space<semaphore_mem>>)
    %dma_start3A_205 = arith.constant 2 : i32
    %dma_start3A_206 = arith.constant 2 : i32
    %dma_start3A_207 = arith.constant 0 : i32
    %dma_start3A_208 = tpu.memref_slice %arg9[%dma_start3A_206, %dma_start3A_207] : memref<6x128xi32, #tpu.memory_space<vmem>> -> memref<1x128xi32, #tpu.memory_space<vmem>>
    %dma_start3A_209 = tpu.memref_squeeze %dma_start3A_208 : memref<1x128xi32, #tpu.memory_space<vmem>> -> memref<128xi32, #tpu.memory_space<vmem>>
    %dma_start3A_210 = arith.constant 0 : i32
    %dma_start3A_211 = tpu.memref_slice %arg5[%add3A, %dma_start3A_205, %dma_start3A_210] : memref<32x80x128xi32, #tpu.memory_space<hbm>> -> memref<1x1x128xi32, #tpu.memory_space<hbm>>
    %dma_start3A_212 = tpu.memref_squeeze %dma_start3A_211 : memref<1x1x128xi32, #tpu.memory_space<hbm>> -> memref<128xi32, #tpu.memory_space<hbm>>
    %dma_start3A_213 = arith.constant 0 : i32
    %dma_start3A_214 = tpu.memref_slice %arg9[%dma_start3A_206, %dma_start3A_213] : memref<6x128xi32, #tpu.memory_space<vmem>> -> memref<1x128xi32, #tpu.memory_space<vmem>>
    %dma_start3A_215 = tpu.memref_squeeze %dma_start3A_214 : memref<1x128xi32, #tpu.memory_space<vmem>> -> memref<128xi32, #tpu.memory_space<vmem>>
    %dma_start3A_216 = arith.constant 0 : i32
    %dma_start3A_217 = tpu.memref_slice %arg5[%add3A, %dma_start3A_205, %dma_start3A_216] : memref<32x80x128xi32, #tpu.memory_space<hbm>> -> memref<1x1x128xi32, #tpu.memory_space<hbm>>
    %dma_start3A_218 = tpu.memref_squeeze %dma_start3A_217 : memref<1x1x128xi32, #tpu.memory_space<hbm>> -> memref<128xi32, #tpu.memory_space<hbm>>
    tpu.enqueue_dma source(%dma_start3A_218 : memref<128xi32, #tpu.memory_space<hbm>>) target(%dma_start3A_215 : memref<128xi32, #tpu.memory_space<vmem>>) target_semaphore(%arg20 : memref<!tpu.dma_semaphore, #tpu.memory_space<semaphore_mem>>)
    %dma_start3A_219 = arith.constant 2 : i32
    %dma_start3A_220 = arith.constant 2 : i32
    %dma_start3A_221 = arith.constant 0 : i32
    %dma_start3A_222 = arith.constant 0 : i32
    %dma_start3A_223 = tpu.memref_slice %arg10[%dma_start3A_220, %dma_start3A_221, %dma_start3A_222] : memref<6x2x64xi32, #tpu.memory_space<vmem>> -> memref<1x2x64xi32, #tpu.memory_space<vmem>>
    %dma_start3A_224 = tpu.memref_squeeze %dma_start3A_223 : memref<1x2x64xi32, #tpu.memory_space<vmem>> -> memref<2x64xi32, #tpu.memory_space<vmem>>
    %dma_start3A_225 = arith.constant 0 : i32
    %dma_start3A_226 = arith.constant 0 : i32
    %dma_start3A_227 = tpu.memref_slice %arg6[%add3A, %dma_start3A_219, %dma_start3A_225, %dma_start3A_226] : memref<32x80x2x64xi32, #tpu.memory_space<hbm>> -> memref<1x1x2x64xi32, #tpu.memory_space<hbm>>
    %dma_start3A_228 = tpu.memref_squeeze %dma_start3A_227 : memref<1x1x2x64xi32, #tpu.memory_space<hbm>> -> memref<2x64xi32, #tpu.memory_space<hbm>>
    %dma_start3A_229 = arith.constant 0 : i32
    %dma_start3A_230 = arith.constant 0 : i32
    %dma_start3A_231 = tpu.memref_slice %arg10[%dma_start3A_220, %dma_start3A_229, %dma_start3A_230] : memref<6x2x64xi32, #tpu.memory_space<vmem>> -> memref<1x2x64xi32, #tpu.memory_space<vmem>>
    %dma_start3A_232 = tpu.memref_squeeze %dma_start3A_231 : memref<1x2x64xi32, #tpu.memory_space<vmem>> -> memref<2x64xi32, #tpu.memory_space<vmem>>
    %dma_start3A_233 = arith.constant 0 : i32
    %dma_start3A_234 = arith.constant 0 : i32
    %dma_start3A_235 = tpu.memref_slice %arg6[%add3A, %dma_start3A_219, %dma_start3A_233, %dma_start3A_234] : memref<32x80x2x64xi32, #tpu.memory_space<hbm>> -> memref<1x1x2x64xi32, #tpu.memory_space<hbm>>
    %dma_start3A_236 = tpu.memref_squeeze %dma_start3A_235 : memref<1x1x2x64xi32, #tpu.memory_space<hbm>> -> memref<2x64xi32, #tpu.memory_space<hbm>>
    tpu.enqueue_dma source(%dma_start3A_236 : memref<2x64xi32, #tpu.memory_space<hbm>>) target(%dma_start3A_232 : memref<2x64xi32, #tpu.memory_space<vmem>>) target_semaphore(%arg20 : memref<!tpu.dma_semaphore, #tpu.memory_space<semaphore_mem>>)
    %dma_start3A_237 = arith.constant 3 : i32
    %dma_start3A_238 = arith.constant 3 : i32
    %dma_start3A_239 = arith.constant 0 : i32
    %dma_start3A_240 = tpu.memref_slice %arg9[%dma_start3A_238, %dma_start3A_239] : memref<6x128xi32, #tpu.memory_space<vmem>> -> memref<1x128xi32, #tpu.memory_space<vmem>>
    %dma_start3A_241 = tpu.memref_squeeze %dma_start3A_240 : memref<1x128xi32, #tpu.memory_space<vmem>> -> memref<128xi32, #tpu.memory_space<vmem>>
    %dma_start3A_242 = arith.constant 0 : i32
    %dma_start3A_243 = tpu.memref_slice %arg5[%add3A, %dma_start3A_237, %dma_start3A_242] : memref<32x80x128xi32, #tpu.memory_space<hbm>> -> memref<1x1x128xi32, #tpu.memory_space<hbm>>
    %dma_start3A_244 = tpu.memref_squeeze %dma_start3A_243 : memref<1x1x128xi32, #tpu.memory_space<hbm>> -> memref<128xi32, #tpu.memory_space<hbm>>
    %dma_start3A_245 = arith.constant 0 : i32
    %dma_start3A_246 = tpu.memref_slice %arg9[%dma_start3A_238, %dma_start3A_245] : memref<6x128xi32, #tpu.memory_space<vmem>> -> memref<1x128xi32, #tpu.memory_space<vmem>>
    %dma_start3A_247 = tpu.memref_squeeze %dma_start3A_246 : memref<1x128xi32, #tpu.memory_space<vmem>> -> memref<128xi32, #tpu.memory_space<vmem>>
    %dma_start3A_248 = arith.constant 0 : i32
    %dma_start3A_249 = tpu.memref_slice %arg5[%add3A, %dma_start3A_237, %dma_start3A_248] : memref<32x80x128xi32, #tpu.memory_space<hbm>> -> memref<1x1x128xi32, #tpu.memory_space<hbm>>
    %dma_start3A_250 = tpu.memref_squeeze %dma_start3A_249 : memref<1x1x128xi32, #tpu.memory_space<hbm>> -> memref<128xi32, #tpu.memory_space<hbm>>
    tpu.enqueue_dma source(%dma_start3A_250 : memref<128xi32, #tpu.memory_space<hbm>>) target(%dma_start3A_247 : memref<128xi32, #tpu.memory_space<vmem>>) target_semaphore(%arg20 : memref<!tpu.dma_semaphore, #tpu.memory_space<semaphore_mem>>)
    %dma_start3A_251 = arith.constant 3 : i32
    %dma_start3A_252 = arith.constant 3 : i32
    %dma_start3A_253 = arith.constant 0 : i32
    %dma_start3A_254 = arith.constant 0 : i32
    %dma_start3A_255 = tpu.memref_slice %arg10[%dma_start3A_252, %dma_start3A_253, %dma_start3A_254] : memref<6x2x64xi32, #tpu.memory_space<vmem>> -> memref<1x2x64xi32, #tpu.memory_space<vmem>>
    %dma_start3A_256 = tpu.memref_squeeze %dma_start3A_255 : memref<1x2x64xi32, #tpu.memory_space<vmem>> -> memref<2x64xi32, #tpu.memory_space<vmem>>
    %dma_start3A_257 = arith.constant 0 : i32
    %dma_start3A_258 = arith.constant 0 : i32
    %dma_start3A_259 = tpu.memref_slice %arg6[%add3A, %dma_start3A_251, %dma_start3A_257, %dma_start3A_258] : memref<32x80x2x64xi32, #tpu.memory_space<hbm>> -> memref<1x1x2x64xi32, #tpu.memory_space<hbm>>
    %dma_start3A_260 = tpu.memref_squeeze %dma_start3A_259 : memref<1x1x2x64xi32, #tpu.memory_space<hbm>> -> memref<2x64xi32, #tpu.memory_space<hbm>>
    %dma_start3A_261 = arith.constant 0 : i32
    %dma_start3A_262 = arith.constant 0 : i32
    %dma_start3A_263 = tpu.memref_slice %arg10[%dma_start3A_252, %dma_start3A_261, %dma_start3A_262] : memref<6x2x64xi32, #tpu.memory_space<vmem>> -> memref<1x2x64xi32, #tpu.memory_space<vmem>>
    %dma_start3A_264 = tpu.memref_squeeze %dma_start3A_263 : memref<1x2x64xi32, #tpu.memory_space<vmem>> -> memref<2x64xi32, #tpu.memory_space<vmem>>
    %dma_start3A_265 = arith.constant 0 : i32
    %dma_start3A_266 = arith.constant 0 : i32
    %dma_start3A_267 = tpu.memref_slice %arg6[%add3A, %dma_start3A_251, %dma_start3A_265, %dma_start3A_266] : memref<32x80x2x64xi32, #tpu.memory_space<hbm>> -> memref<1x1x2x64xi32, #tpu.memory_space<hbm>>
    %dma_start3A_268 = tpu.memref_squeeze %dma_start3A_267 : memref<1x1x2x64xi32, #tpu.memory_space<hbm>> -> memref<2x64xi32, #tpu.memory_space<hbm>>
    tpu.enqueue_dma source(%dma_start3A_268 : memref<2x64xi32, #tpu.memory_space<hbm>>) target(%dma_start3A_264 : memref<2x64xi32, #tpu.memory_space<vmem>>) target_semaphore(%arg20 : memref<!tpu.dma_semaphore, #tpu.memory_space<semaphore_mem>>)
    %dma_wait3A = arith.constant 0 : i32
    %dma_wait3A_269 = arith.constant 0 : i32
    %dma_wait3A_270 = arith.constant 0 : i32
    %dma_wait3A_271 = tpu.memref_slice %arg9[%dma_wait3A_269, %dma_wait3A_270] : memref<6x128xi32, #tpu.memory_space<vmem>> -> memref<1x128xi32, #tpu.memory_space<vmem>>
    %dma_wait3A_272 = tpu.memref_squeeze %dma_wait3A_271 : memref<1x128xi32, #tpu.memory_space<vmem>> -> memref<128xi32, #tpu.memory_space<vmem>>
    %dma_wait3A_273 = arith.constant 0 : i32
    %dma_wait3A_274 = tpu.memref_slice %arg5[%add3A, %dma_wait3A, %dma_wait3A_273] : memref<32x80x128xi32, #tpu.memory_space<hbm>> -> memref<1x1x128xi32, #tpu.memory_space<hbm>>
    %dma_wait3A_275 = tpu.memref_squeeze %dma_wait3A_274 : memref<1x1x128xi32, #tpu.memory_space<hbm>> -> memref<128xi32, #tpu.memory_space<hbm>>
    %dma_wait3A_276 = arith.constant 0 : i32
    %dma_wait3A_277 = tpu.memref_slice %arg9[%dma_wait3A_269, %dma_wait3A_276] : memref<6x128xi32, #tpu.memory_space<vmem>> -> memref<1x128xi32, #tpu.memory_space<vmem>>
    %dma_wait3A_278 = tpu.memref_squeeze %dma_wait3A_277 : memref<1x128xi32, #tpu.memory_space<vmem>> -> memref<128xi32, #tpu.memory_space<vmem>>
    %dma_wait3A_279 = arith.constant 0 : i32
    %dma_wait3A_280 = tpu.memref_slice %arg5[%add3A, %dma_wait3A, %dma_wait3A_279] : memref<32x80x128xi32, #tpu.memory_space<hbm>> -> memref<1x1x128xi32, #tpu.memory_space<hbm>>
    %dma_wait3A_281 = tpu.memref_squeeze %dma_wait3A_280 : memref<1x1x128xi32, #tpu.memory_space<hbm>> -> memref<128xi32, #tpu.memory_space<hbm>>
    tpu.wait_dma2 semaphore(%arg20 : memref<!tpu.dma_semaphore, #tpu.memory_space<semaphore_mem>>) src(%dma_wait3A_281 : memref<128xi32, #tpu.memory_space<hbm>>) dst(%dma_wait3A_278 : memref<128xi32, #tpu.memory_space<vmem>>)
    %dma_wait3A_282 = arith.constant 0 : i32
    %dma_wait3A_283 = arith.constant 0 : i32
    %dma_wait3A_284 = arith.constant 0 : i32
    %dma_wait3A_285 = arith.constant 0 : i32
    %dma_wait3A_286 = tpu.memref_slice %arg10[%dma_wait3A_283, %dma_wait3A_284, %dma_wait3A_285] : memref<6x2x64xi32, #tpu.memory_space<vmem>> -> memref<1x2x64xi32, #tpu.memory_space<vmem>>
    %dma_wait3A_287 = tpu.memref_squeeze %dma_wait3A_286 : memref<1x2x64xi32, #tpu.memory_space<vmem>> -> memref<2x64xi32, #tpu.memory_space<vmem>>
    %dma_wait3A_288 = arith.constant 0 : i32
    %dma_wait3A_289 = arith.constant 0 : i32
    %dma_wait3A_290 = tpu.memref_slice %arg6[%add3A, %dma_wait3A_282, %dma_wait3A_288, %dma_wait3A_289] : memref<32x80x2x64xi32, #tpu.memory_space<hbm>> -> memref<1x1x2x64xi32, #tpu.memory_space<hbm>>
    %dma_wait3A_291 = tpu.memref_squeeze %dma_wait3A_290 : memref<1x1x2x64xi32, #tpu.memory_space<hbm>> -> memref<2x64xi32, #tpu.memory_space<hbm>>
    %dma_wait3A_292 = arith.constant 0 : i32
    %dma_wait3A_293 = arith.constant 0 : i32
    %dma_wait3A_294 = tpu.memref_slice %arg10[%dma_wait3A_283, %dma_wait3A_292, %dma_wait3A_293] : memref<6x2x64xi32, #tpu.memory_space<vmem>> -> memref<1x2x64xi32, #tpu.memory_space<vmem>>
    %dma_wait3A_295 = tpu.memref_squeeze %dma_wait3A_294 : memref<1x2x64xi32, #tpu.memory_space<vmem>> -> memref<2x64xi32, #tpu.memory_space<vmem>>
    %dma_wait3A_296 = arith.constant 0 : i32
    %dma_wait3A_297 = arith.constant 0 : i32
    %dma_wait3A_298 = tpu.memref_slice %arg6[%add3A, %dma_wait3A_282, %dma_wait3A_296, %dma_wait3A_297] : memref<32x80x2x64xi32, #tpu.memory_space<hbm>> -> memref<1x1x2x64xi32, #tpu.memory_space<hbm>>
    %dma_wait3A_299 = tpu.memref_squeeze %dma_wait3A_298 : memref<1x1x2x64xi32, #tpu.memory_space<hbm>> -> memref<2x64xi32, #tpu.memory_space<hbm>>
    tpu.wait_dma2 semaphore(%arg20 : memref<!tpu.dma_semaphore, #tpu.memory_space<semaphore_mem>>) src(%dma_wait3A_299 : memref<2x64xi32, #tpu.memory_space<hbm>>) dst(%dma_wait3A_295 : memref<2x64xi32, #tpu.memory_space<vmem>>)
    %dma_start3A_300 = arith.constant 0 : i32
    %dma_start3A_301 = arith.constant 0 : i32
    %dma_start3A_302 = arith.constant 0 : i32
    %dma_start3A_303 = tpu.memref_slice %arg11[%dma_start3A_301, %dma_start3A_302] : memref<3x128xf32, #tpu.memory_space<vmem>> -> memref<1x128xf32, #tpu.memory_space<vmem>>
    %dma_start3A_304 = tpu.memref_squeeze %dma_start3A_303 : memref<1x128xf32, #tpu.memory_space<vmem>> -> memref<128xf32, #tpu.memory_space<vmem>>
    %dma_start3A_305 = arith.constant 0 : i32
    %dma_start3A_306 = tpu.memref_slice %arg9[%dma_start3A_300, %dma_start3A_305] : memref<6x128xi32, #tpu.memory_space<vmem>> -> memref<1x128xi32, #tpu.memory_space<vmem>>
    %dma_start3A_307 = tpu.memref_squeeze %dma_start3A_306 : memref<1x128xi32, #tpu.memory_space<vmem>> -> memref<128xi32, #tpu.memory_space<vmem>>
    %dma_start3A_308 = arith.constant 0 : i32
    %dma_start3A_309 = tpu.memref_slice %arg18[%dma_start3A_308] : memref<10240xf32, #tpu.memory_space<vmem_shared>> -> memref<10240xf32, #tpu.memory_space<vmem_shared>>
    tpu.enqueue_indirect_dma source(%dma_start3A_309 : memref<10240xf32, #tpu.memory_space<vmem_shared>>) target(%dma_start3A_304 : memref<128xf32, #tpu.memory_space<vmem>>) offsets(%dma_start3A_307 : memref<128xi32, #tpu.memory_space<vmem>>) semaphore(%arg21 : memref<!tpu.dma_semaphore, #tpu.memory_space<semaphore_mem>>)
    %dma_start3A_310 = arith.constant 0 : i32
    %dma_start3A_311 = arith.constant 0 : i32
    %dma_start3A_312 = arith.constant 0 : i32
    %dma_start3A_313 = arith.constant 0 : i32
    %dma_start3A_314 = arith.constant 0 : i32
    %dma_start3A_315 = tpu.memref_slice %arg12[%dma_start3A_312, %dma_start3A_313, %dma_start3A_314] : memref<3x2x64xf32, #tpu.memory_space<vmem>> -> memref<1x1x64xf32, #tpu.memory_space<vmem>>
    %dma_start3A_316 = tpu.memref_squeeze %dma_start3A_315 : memref<1x1x64xf32, #tpu.memory_space<vmem>> -> memref<64xf32, #tpu.memory_space<vmem>>
    %dma_start3A_317 = arith.constant 0 : i32
    %dma_start3A_318 = tpu.memref_slice %arg10[%dma_start3A_310, %dma_start3A_311, %dma_start3A_317] : memref<6x2x64xi32, #tpu.memory_space<vmem>> -> memref<1x1x64xi32, #tpu.memory_space<vmem>>
    %dma_start3A_319 = tpu.memref_squeeze %dma_start3A_318 : memref<1x1x64xi32, #tpu.memory_space<vmem>> -> memref<64xi32, #tpu.memory_space<vmem>>
    %dma_start3A_320 = arith.constant 0 : i32
    %dma_start3A_321 = tpu.memref_slice %arg19[%dma_start3A_320] : memref<10240xf32, #tpu.memory_space<vmem_shared>> -> memref<10240xf32, #tpu.memory_space<vmem_shared>>
    tpu.enqueue_indirect_dma source(%dma_start3A_321 : memref<10240xf32, #tpu.memory_space<vmem_shared>>) target(%dma_start3A_316 : memref<64xf32, #tpu.memory_space<vmem>>) offsets(%dma_start3A_319 : memref<64xi32, #tpu.memory_space<vmem>>) semaphore(%arg21 : memref<!tpu.dma_semaphore, #tpu.memory_space<semaphore_mem>>)
    %dma_start3A_322 = arith.constant 0 : i32
    %dma_start3A_323 = arith.constant 1 : i32
    %dma_start3A_324 = arith.constant 0 : i32
    %dma_start3A_325 = arith.constant 1 : i32
    %dma_start3A_326 = arith.constant 0 : i32
    %dma_start3A_327 = tpu.memref_slice %arg12[%dma_start3A_324, %dma_start3A_325, %dma_start3A_326] : memref<3x2x64xf32, #tpu.memory_space<vmem>> -> memref<1x1x64xf32, #tpu.memory_space<vmem>>
    %dma_start3A_328 = tpu.memref_squeeze %dma_start3A_327 : memref<1x1x64xf32, #tpu.memory_space<vmem>> -> memref<64xf32, #tpu.memory_space<vmem>>
    %dma_start3A_329 = arith.constant 0 : i32
    %dma_start3A_330 = tpu.memref_slice %arg10[%dma_start3A_322, %dma_start3A_323, %dma_start3A_329] : memref<6x2x64xi32, #tpu.memory_space<vmem>> -> memref<1x1x64xi32, #tpu.memory_space<vmem>>
    %dma_start3A_331 = tpu.memref_squeeze %dma_start3A_330 : memref<1x1x64xi32, #tpu.memory_space<vmem>> -> memref<64xi32, #tpu.memory_space<vmem>>
    %dma_start3A_332 = arith.constant 0 : i32
    %dma_start3A_333 = tpu.memref_slice %arg19[%dma_start3A_332] : memref<10240xf32, #tpu.memory_space<vmem_shared>> -> memref<10240xf32, #tpu.memory_space<vmem_shared>>
    tpu.enqueue_indirect_dma source(%dma_start3A_333 : memref<10240xf32, #tpu.memory_space<vmem_shared>>) target(%dma_start3A_328 : memref<64xf32, #tpu.memory_space<vmem>>) offsets(%dma_start3A_331 : memref<64xi32, #tpu.memory_space<vmem>>) semaphore(%arg21 : memref<!tpu.dma_semaphore, #tpu.memory_space<semaphore_mem>>)
    %dma_start3A_334 = arith.constant 0 : i32
    %dma_start3A_335 = arith.constant 0 : i32
    %dma_start3A_336 = arith.constant 0 : i32
    %dma_start3A_337 = arith.constant 0 : i32
    %dma_start3A_338 = tpu.memref_slice %arg14[%dma_start3A_335, %dma_start3A_336, %dma_start3A_337] : memref<3x128x128xbf16, #tpu.memory_space<vmem>> -> memref<1x128x128xbf16, #tpu.memory_space<vmem>>
    %dma_start3A_339 = tpu.memref_squeeze %dma_start3A_338 : memref<1x128x128xbf16, #tpu.memory_space<vmem>> -> memref<128x128xbf16, #tpu.memory_space<vmem>>
    %dma_start3A_340 = arith.constant 0 : i32
    %dma_start3A_341 = tpu.memref_slice %arg9[%dma_start3A_334, %dma_start3A_340] : memref<6x128xi32, #tpu.memory_space<vmem>> -> memref<1x128xi32, #tpu.memory_space<vmem>>
    %dma_start3A_342 = tpu.memref_squeeze %dma_start3A_341 : memref<1x128xi32, #tpu.memory_space<vmem>> -> memref<128xi32, #tpu.memory_space<vmem>>
    %dma_start3A_343 = arith.constant 0 : i32
    %dma_start3A_344 = arith.constant 0 : i32
    %dma_start3A_345 = tpu.memref_slice %arg2[%dma_start3A_343, %dma_start3A_344] : memref<10240x128xbf16, #tpu.memory_space<hbm>> -> memref<10240x128xbf16, #tpu.memory_space<hbm>>
    tpu.enqueue_indirect_dma source(%dma_start3A_345 : memref<10240x128xbf16, #tpu.memory_space<hbm>>) target(%dma_start3A_339 : memref<128x128xbf16, #tpu.memory_space<vmem>>) offsets(%dma_start3A_342 : memref<128xi32, #tpu.memory_space<vmem>>) semaphore(%arg22 : memref<!tpu.dma_semaphore, #tpu.memory_space<semaphore_mem>>)
    %dma_wait3A_346 = arith.constant 1 : i32
    %dma_wait3A_347 = arith.constant 1 : i32
    %dma_wait3A_348 = arith.constant 0 : i32
    %dma_wait3A_349 = tpu.memref_slice %arg9[%dma_wait3A_347, %dma_wait3A_348] : memref<6x128xi32, #tpu.memory_space<vmem>> -> memref<1x128xi32, #tpu.memory_space<vmem>>
    %dma_wait3A_350 = tpu.memref_squeeze %dma_wait3A_349 : memref<1x128xi32, #tpu.memory_space<vmem>> -> memref<128xi32, #tpu.memory_space<vmem>>
    %dma_wait3A_351 = arith.constant 0 : i32
    %dma_wait3A_352 = tpu.memref_slice %arg5[%add3A, %dma_wait3A_346, %dma_wait3A_351] : memref<32x80x128xi32, #tpu.memory_space<hbm>> -> memref<1x1x128xi32, #tpu.memory_space<hbm>>
    %dma_wait3A_353 = tpu.memref_squeeze %dma_wait3A_352 : memref<1x1x128xi32, #tpu.memory_space<hbm>> -> memref<128xi32, #tpu.memory_space<hbm>>
    %dma_wait3A_354 = arith.constant 0 : i32
    %dma_wait3A_355 = tpu.memref_slice %arg9[%dma_wait3A_347, %dma_wait3A_354] : memref<6x128xi32, #tpu.memory_space<vmem>> -> memref<1x128xi32, #tpu.memory_space<vmem>>
    %dma_wait3A_356 = tpu.memref_squeeze %dma_wait3A_355 : memref<1x128xi32, #tpu.memory_space<vmem>> -> memref<128xi32, #tpu.memory_space<vmem>>
    %dma_wait3A_357 = arith.constant 0 : i32
    %dma_wait3A_358 = tpu.memref_slice %arg5[%add3A, %dma_wait3A_346, %dma_wait3A_357] : memref<32x80x128xi32, #tpu.memory_space<hbm>> -> memref<1x1x128xi32, #tpu.memory_space<hbm>>
    %dma_wait3A_359 = tpu.memref_squeeze %dma_wait3A_358 : memref<1x1x128xi32, #tpu.memory_space<hbm>> -> memref<128xi32, #tpu.memory_space<hbm>>
    tpu.wait_dma2 semaphore(%arg20 : memref<!tpu.dma_semaphore, #tpu.memory_space<semaphore_mem>>) src(%dma_wait3A_359 : memref<128xi32, #tpu.memory_space<hbm>>) dst(%dma_wait3A_356 : memref<128xi32, #tpu.memory_space<vmem>>)
    %dma_wait3A_360 = arith.constant 1 : i32
    %dma_wait3A_361 = arith.constant 1 : i32
    %dma_wait3A_362 = arith.constant 0 : i32
    %dma_wait3A_363 = arith.constant 0 : i32
    %dma_wait3A_364 = tpu.memref_slice %arg10[%dma_wait3A_361, %dma_wait3A_362, %dma_wait3A_363] : memref<6x2x64xi32, #tpu.memory_space<vmem>> -> memref<1x2x64xi32, #tpu.memory_space<vmem>>
    %dma_wait3A_365 = tpu.memref_squeeze %dma_wait3A_364 : memref<1x2x64xi32, #tpu.memory_space<vmem>> -> memref<2x64xi32, #tpu.memory_space<vmem>>
    %dma_wait3A_366 = arith.constant 0 : i32
    %dma_wait3A_367 = arith.constant 0 : i32
    %dma_wait3A_368 = tpu.memref_slice %arg6[%add3A, %dma_wait3A_360, %dma_wait3A_366, %dma_wait3A_367] : memref<32x80x2x64xi32, #tpu.memory_space<hbm>> -> memref<1x1x2x64xi32, #tpu.memory_space<hbm>>
    %dma_wait3A_369 = tpu.memref_squeeze %dma_wait3A_368 : memref<1x1x2x64xi32, #tpu.memory_space<hbm>> -> memref<2x64xi32, #tpu.memory_space<hbm>>
    %dma_wait3A_370 = arith.constant 0 : i32
    %dma_wait3A_371 = arith.constant 0 : i32
    %dma_wait3A_372 = tpu.memref_slice %arg10[%dma_wait3A_361, %dma_wait3A_370, %dma_wait3A_371] : memref<6x2x64xi32, #tpu.memory_space<vmem>> -> memref<1x2x64xi32, #tpu.memory_space<vmem>>
    %dma_wait3A_373 = tpu.memref_squeeze %dma_wait3A_372 : memref<1x2x64xi32, #tpu.memory_space<vmem>> -> memref<2x64xi32, #tpu.memory_space<vmem>>
    %dma_wait3A_374 = arith.constant 0 : i32
    %dma_wait3A_375 = arith.constant 0 : i32
    %dma_wait3A_376 = tpu.memref_slice %arg6[%add3A, %dma_wait3A_360, %dma_wait3A_374, %dma_wait3A_375] : memref<32x80x2x64xi32, #tpu.memory_space<hbm>> -> memref<1x1x2x64xi32, #tpu.memory_space<hbm>>
    %dma_wait3A_377 = tpu.memref_squeeze %dma_wait3A_376 : memref<1x1x2x64xi32, #tpu.memory_space<hbm>> -> memref<2x64xi32, #tpu.memory_space<hbm>>
    tpu.wait_dma2 semaphore(%arg20 : memref<!tpu.dma_semaphore, #tpu.memory_space<semaphore_mem>>) src(%dma_wait3A_377 : memref<2x64xi32, #tpu.memory_space<hbm>>) dst(%dma_wait3A_373 : memref<2x64xi32, #tpu.memory_space<vmem>>)
    %dma_start3A_378 = arith.constant 1 : i32
    %dma_start3A_379 = arith.constant 1 : i32
    %dma_start3A_380 = arith.constant 0 : i32
    %dma_start3A_381 = tpu.memref_slice %arg11[%dma_start3A_379, %dma_start3A_380] : memref<3x128xf32, #tpu.memory_space<vmem>> -> memref<1x128xf32, #tpu.memory_space<vmem>>
    %dma_start3A_382 = tpu.memref_squeeze %dma_start3A_381 : memref<1x128xf32, #tpu.memory_space<vmem>> -> memref<128xf32, #tpu.memory_space<vmem>>
    %dma_start3A_383 = arith.constant 0 : i32
    %dma_start3A_384 = tpu.memref_slice %arg9[%dma_start3A_378, %dma_start3A_383] : memref<6x128xi32, #tpu.memory_space<vmem>> -> memref<1x128xi32, #tpu.memory_space<vmem>>
    %dma_start3A_385 = tpu.memref_squeeze %dma_start3A_384 : memref<1x128xi32, #tpu.memory_space<vmem>> -> memref<128xi32, #tpu.memory_space<vmem>>
    %dma_start3A_386 = arith.constant 0 : i32
    %dma_start3A_387 = tpu.memref_slice %arg18[%dma_start3A_386] : memref<10240xf32, #tpu.memory_space<vmem_shared>> -> memref<10240xf32, #tpu.memory_space<vmem_shared>>
    tpu.enqueue_indirect_dma source(%dma_start3A_387 : memref<10240xf32, #tpu.memory_space<vmem_shared>>) target(%dma_start3A_382 : memref<128xf32, #tpu.memory_space<vmem>>) offsets(%dma_start3A_385 : memref<128xi32, #tpu.memory_space<vmem>>) semaphore(%arg21 : memref<!tpu.dma_semaphore, #tpu.memory_space<semaphore_mem>>)
    %dma_start3A_388 = arith.constant 1 : i32
    %dma_start3A_389 = arith.constant 0 : i32
    %dma_start3A_390 = arith.constant 1 : i32
    %dma_start3A_391 = arith.constant 0 : i32
    %dma_start3A_392 = arith.constant 0 : i32
    %dma_start3A_393 = tpu.memref_slice %arg12[%dma_start3A_390, %dma_start3A_391, %dma_start3A_392] : memref<3x2x64xf32, #tpu.memory_space<vmem>> -> memref<1x1x64xf32, #tpu.memory_space<vmem>>
    %dma_start3A_394 = tpu.memref_squeeze %dma_start3A_393 : memref<1x1x64xf32, #tpu.memory_space<vmem>> -> memref<64xf32, #tpu.memory_space<vmem>>
    %dma_start3A_395 = arith.constant 0 : i32
    %dma_start3A_396 = tpu.memref_slice %arg10[%dma_start3A_388, %dma_start3A_389, %dma_start3A_395] : memref<6x2x64xi32, #tpu.memory_space<vmem>> -> memref<1x1x64xi32, #tpu.memory_space<vmem>>
    %dma_start3A_397 = tpu.memref_squeeze %dma_start3A_396 : memref<1x1x64xi32, #tpu.memory_space<vmem>> -> memref<64xi32, #tpu.memory_space<vmem>>
    %dma_start3A_398 = arith.constant 0 : i32
    %dma_start3A_399 = tpu.memref_slice %arg19[%dma_start3A_398] : memref<10240xf32, #tpu.memory_space<vmem_shared>> -> memref<10240xf32, #tpu.memory_space<vmem_shared>>
    tpu.enqueue_indirect_dma source(%dma_start3A_399 : memref<10240xf32, #tpu.memory_space<vmem_shared>>) target(%dma_start3A_394 : memref<64xf32, #tpu.memory_space<vmem>>) offsets(%dma_start3A_397 : memref<64xi32, #tpu.memory_space<vmem>>) semaphore(%arg21 : memref<!tpu.dma_semaphore, #tpu.memory_space<semaphore_mem>>)
    %dma_start3A_400 = arith.constant 1 : i32
    %dma_start3A_401 = arith.constant 1 : i32
    %dma_start3A_402 = arith.constant 1 : i32
    %dma_start3A_403 = arith.constant 1 : i32
    %dma_start3A_404 = arith.constant 0 : i32
    %dma_start3A_405 = tpu.memref_slice %arg12[%dma_start3A_402, %dma_start3A_403, %dma_start3A_404] : memref<3x2x64xf32, #tpu.memory_space<vmem>> -> memref<1x1x64xf32, #tpu.memory_space<vmem>>
    %dma_start3A_406 = tpu.memref_squeeze %dma_start3A_405 : memref<1x1x64xf32, #tpu.memory_space<vmem>> -> memref<64xf32, #tpu.memory_space<vmem>>
    %dma_start3A_407 = arith.constant 0 : i32
    %dma_start3A_408 = tpu.memref_slice %arg10[%dma_start3A_400, %dma_start3A_401, %dma_start3A_407] : memref<6x2x64xi32, #tpu.memory_space<vmem>> -> memref<1x1x64xi32, #tpu.memory_space<vmem>>
    %dma_start3A_409 = tpu.memref_squeeze %dma_start3A_408 : memref<1x1x64xi32, #tpu.memory_space<vmem>> -> memref<64xi32, #tpu.memory_space<vmem>>
    %dma_start3A_410 = arith.constant 0 : i32
    %dma_start3A_411 = tpu.memref_slice %arg19[%dma_start3A_410] : memref<10240xf32, #tpu.memory_space<vmem_shared>> -> memref<10240xf32, #tpu.memory_space<vmem_shared>>
    tpu.enqueue_indirect_dma source(%dma_start3A_411 : memref<10240xf32, #tpu.memory_space<vmem_shared>>) target(%dma_start3A_406 : memref<64xf32, #tpu.memory_space<vmem>>) offsets(%dma_start3A_409 : memref<64xi32, #tpu.memory_space<vmem>>) semaphore(%arg21 : memref<!tpu.dma_semaphore, #tpu.memory_space<semaphore_mem>>)
    %dma_start3A_412 = arith.constant 1 : i32
    %dma_start3A_413 = arith.constant 1 : i32
    %dma_start3A_414 = arith.constant 0 : i32
    %dma_start3A_415 = arith.constant 0 : i32
    %dma_start3A_416 = tpu.memref_slice %arg14[%dma_start3A_413, %dma_start3A_414, %dma_start3A_415] : memref<3x128x128xbf16, #tpu.memory_space<vmem>> -> memref<1x128x128xbf16, #tpu.memory_space<vmem>>
    %dma_start3A_417 = tpu.memref_squeeze %dma_start3A_416 : memref<1x128x128xbf16, #tpu.memory_space<vmem>> -> memref<128x128xbf16, #tpu.memory_space<vmem>>
    %dma_start3A_418 = arith.constant 0 : i32
    %dma_start3A_419 = tpu.memref_slice %arg9[%dma_start3A_412, %dma_start3A_418] : memref<6x128xi32, #tpu.memory_space<vmem>> -> memref<1x128xi32, #tpu.memory_space<vmem>>
    %dma_start3A_420 = tpu.memref_squeeze %dma_start3A_419 : memref<1x128xi32, #tpu.memory_space<vmem>> -> memref<128xi32, #tpu.memory_space<vmem>>
    %dma_start3A_421 = arith.constant 0 : i32
    %dma_start3A_422 = arith.constant 0 : i32
    %dma_start3A_423 = tpu.memref_slice %arg2[%dma_start3A_421, %dma_start3A_422] : memref<10240x128xbf16, #tpu.memory_space<hbm>> -> memref<10240x128xbf16, #tpu.memory_space<hbm>>
    tpu.enqueue_indirect_dma source(%dma_start3A_423 : memref<10240x128xbf16, #tpu.memory_space<hbm>>) target(%dma_start3A_417 : memref<128x128xbf16, #tpu.memory_space<vmem>>) offsets(%dma_start3A_420 : memref<128xi32, #tpu.memory_space<vmem>>) semaphore(%arg22 : memref<!tpu.dma_semaphore, #tpu.memory_space<semaphore_mem>>)
    %scan3A_424 = arith.constant -65536 : i32
    %scan3A_425 = arith.constant 0 : i32
    %scan3A_426 = arith.constant 0 : i32
    %scan3A_427 = arith.constant 80 : i32
    %scan3A_428 = arith.addi %scan3A_426, %scan3A_427 : i32
    %scan3A_429 = arith.constant 1 : i32
    %scan3A_430 = scf.for %scan3A_508 = %scan3A_426 to %scan3A_428 step %scan3A_429 iter_args(%scan3A_509 = %scan3A_425) -> (i32)  : i32 {
      %rem3A = arith.constant 2 : i32
      %rem3A_510 = arith.remsi %scan3A_508, %rem3A : i32
      %add3A_511 = arith.constant 1 : i32
      %add3A_512 = arith.addi %scan3A_508, %add3A_511 : i32
      %rem3A_513 = arith.constant 2 : i32
      %rem3A_514 = arith.remsi %add3A_512, %rem3A_513 : i32
      %rem3A_515 = arith.constant 3 : i32
      %rem3A_516 = arith.remsi %scan3A_508, %rem3A_515 : i32
      %add3A_517 = arith.constant 2 : i32
      %add3A_518 = arith.addi %scan3A_508, %add3A_517 : i32
      %rem3A_519 = arith.constant 3 : i32
      %rem3A_520 = arith.remsi %add3A_518, %rem3A_519 : i32
      %rem3A_521 = arith.constant 6 : i32
      %rem3A_522 = arith.remsi %scan3A_508, %rem3A_521 : i32
      %add3A_523 = arith.constant 2 : i32
      %add3A_524 = arith.addi %scan3A_508, %add3A_523 : i32
      %rem3A_525 = arith.constant 6 : i32
      %rem3A_526 = arith.remsi %add3A_524, %rem3A_525 : i32
      %add3A_527 = arith.constant 4 : i32
      %add3A_528 = arith.addi %scan3A_508, %add3A_527 : i32
      %rem3A_529 = arith.constant 6 : i32
      %rem3A_530 = arith.remsi %add3A_528, %rem3A_529 : i32
      %add3A_531 = arith.constant 5 : i32
      %add3A_532 = arith.addi %scan3A_508, %add3A_531 : i32
      %rem3A_533 = arith.constant 6 : i32
      %rem3A_534 = arith.remsi %add3A_532, %rem3A_533 : i32
      %ge3A = arith.constant 1 : i32
      %ge3A_535 = arith.cmpi sge, %scan3A_508, %ge3A : i32
      %convert_element_type3A_536 = arith.extui %ge3A_535 : i1 to i32
      %cond3A_537 = arith.constant 0 : i32
      %cond3A_538 = arith.cmpi ne, %convert_element_type3A_536, %cond3A_537 : i32
      scf.if %cond3A_538 {
        %dma_wait3A_823 = arith.constant 0 : i32
        %dma_wait3A_824 = arith.constant 0 : i32
        %dma_wait3A_825 = arith.constant 0 : i32
        %dma_wait3A_826 = tpu.memref_slice %arg13[%rem3A_514, %dma_wait3A_823, %dma_wait3A_825] : memref<2x2x64xf32, #tpu.memory_space<vmem>> -> memref<1x1x64xf32, #tpu.memory_space<vmem>>
        %dma_wait3A_827 = tpu.memref_squeeze %dma_wait3A_826 : memref<1x1x64xf32, #tpu.memory_space<vmem>> -> memref<64xf32, #tpu.memory_space<vmem>>
        %dma_wait3A_828 = arith.constant 0 : i32
        %dma_wait3A_829 = tpu.memref_slice %arg10[%rem3A_534, %dma_wait3A_824, %dma_wait3A_828] : memref<6x2x64xi32, #tpu.memory_space<vmem>> -> memref<1x1x64xi32, #tpu.memory_space<vmem>>
        %dma_wait3A_830 = tpu.memref_squeeze %dma_wait3A_829 : memref<1x1x64xi32, #tpu.memory_space<vmem>> -> memref<64xi32, #tpu.memory_space<vmem>>
        %dma_wait3A_831 = arith.constant 0 : i32
        %dma_wait3A_832 = tpu.memref_slice %arg17[%dma_wait3A_831] : memref<10240xf32, #tpu.memory_space<vmem_shared>> -> memref<10240xf32, #tpu.memory_space<vmem_shared>>
        tpu.wait_indirect_dma semaphore(%arg24 : memref<!tpu.dma_semaphore, #tpu.memory_space<semaphore_mem>>) src(%dma_wait3A_827 : memref<64xf32, #tpu.memory_space<vmem>>) dst(%dma_wait3A_832 : memref<10240xf32, #tpu.memory_space<vmem_shared>>)
        %dma_wait3A_833 = arith.constant 1 : i32
        %dma_wait3A_834 = arith.constant 1 : i32
        %dma_wait3A_835 = arith.constant 0 : i32
        %dma_wait3A_836 = tpu.memref_slice %arg13[%rem3A_514, %dma_wait3A_833, %dma_wait3A_835] : memref<2x2x64xf32, #tpu.memory_space<vmem>> -> memref<1x1x64xf32, #tpu.memory_space<vmem>>
        %dma_wait3A_837 = tpu.memref_squeeze %dma_wait3A_836 : memref<1x1x64xf32, #tpu.memory_space<vmem>> -> memref<64xf32, #tpu.memory_space<vmem>>
        %dma_wait3A_838 = arith.constant 0 : i32
        %dma_wait3A_839 = tpu.memref_slice %arg10[%rem3A_534, %dma_wait3A_834, %dma_wait3A_838] : memref<6x2x64xi32, #tpu.memory_space<vmem>> -> memref<1x1x64xi32, #tpu.memory_space<vmem>>
        %dma_wait3A_840 = tpu.memref_squeeze %dma_wait3A_839 : memref<1x1x64xi32, #tpu.memory_space<vmem>> -> memref<64xi32, #tpu.memory_space<vmem>>
        %dma_wait3A_841 = arith.constant 0 : i32
        %dma_wait3A_842 = tpu.memref_slice %arg17[%dma_wait3A_841] : memref<10240xf32, #tpu.memory_space<vmem_shared>> -> memref<10240xf32, #tpu.memory_space<vmem_shared>>
        tpu.wait_indirect_dma semaphore(%arg24 : memref<!tpu.dma_semaphore, #tpu.memory_space<semaphore_mem>>) src(%dma_wait3A_837 : memref<64xf32, #tpu.memory_space<vmem>>) dst(%dma_wait3A_842 : memref<10240xf32, #tpu.memory_space<vmem_shared>>)
      } else {
      }
      %add3A_539 = arith.constant 2 : i32
      %add3A_540 = arith.addi %scan3A_508, %add3A_539 : i32
      %lt3A = arith.constant 80 : i32
      %lt3A_541 = arith.cmpi slt, %add3A_540, %lt3A : i32
      %convert_element_type3A_542 = arith.extui %lt3A_541 : i1 to i32
      %cond3A_543 = arith.constant 0 : i32
      %cond3A_544 = arith.cmpi ne, %convert_element_type3A_542, %cond3A_543 : i32
      scf.if %cond3A_544 {
        %add3A_823 = arith.constant 2 : i32
        %add3A_824 = arith.addi %scan3A_508, %add3A_823 : i32
        %dma_wait3A_825 = arith.constant 0 : i32
        %dma_wait3A_826 = tpu.memref_slice %arg9[%rem3A_526, %dma_wait3A_825] : memref<6x128xi32, #tpu.memory_space<vmem>> -> memref<1x128xi32, #tpu.memory_space<vmem>>
        %dma_wait3A_827 = tpu.memref_squeeze %dma_wait3A_826 : memref<1x128xi32, #tpu.memory_space<vmem>> -> memref<128xi32, #tpu.memory_space<vmem>>
        %dma_wait3A_828 = arith.constant 0 : i32
        %dma_wait3A_829 = tpu.memref_slice %arg5[%add3A, %add3A_824, %dma_wait3A_828] : memref<32x80x128xi32, #tpu.memory_space<hbm>> -> memref<1x1x128xi32, #tpu.memory_space<hbm>>
        %dma_wait3A_830 = tpu.memref_squeeze %dma_wait3A_829 : memref<1x1x128xi32, #tpu.memory_space<hbm>> -> memref<128xi32, #tpu.memory_space<hbm>>
        %dma_wait3A_831 = arith.constant 0 : i32
        %dma_wait3A_832 = tpu.memref_slice %arg9[%rem3A_526, %dma_wait3A_831] : memref<6x128xi32, #tpu.memory_space<vmem>> -> memref<1x128xi32, #tpu.memory_space<vmem>>
        %dma_wait3A_833 = tpu.memref_squeeze %dma_wait3A_832 : memref<1x128xi32, #tpu.memory_space<vmem>> -> memref<128xi32, #tpu.memory_space<vmem>>
        %dma_wait3A_834 = arith.constant 0 : i32
        %dma_wait3A_835 = tpu.memref_slice %arg5[%add3A, %add3A_824, %dma_wait3A_834] : memref<32x80x128xi32, #tpu.memory_space<hbm>> -> memref<1x1x128xi32, #tpu.memory_space<hbm>>
        %dma_wait3A_836 = tpu.memref_squeeze %dma_wait3A_835 : memref<1x1x128xi32, #tpu.memory_space<hbm>> -> memref<128xi32, #tpu.memory_space<hbm>>
        tpu.wait_dma2 semaphore(%arg20 : memref<!tpu.dma_semaphore, #tpu.memory_space<semaphore_mem>>) src(%dma_wait3A_836 : memref<128xi32, #tpu.memory_space<hbm>>) dst(%dma_wait3A_833 : memref<128xi32, #tpu.memory_space<vmem>>)
        %dma_wait3A_837 = arith.constant 0 : i32
        %dma_wait3A_838 = arith.constant 0 : i32
        %dma_wait3A_839 = tpu.memref_slice %arg10[%rem3A_526, %dma_wait3A_837, %dma_wait3A_838] : memref<6x2x64xi32, #tpu.memory_space<vmem>> -> memref<1x2x64xi32, #tpu.memory_space<vmem>>
        %dma_wait3A_840 = tpu.memref_squeeze %dma_wait3A_839 : memref<1x2x64xi32, #tpu.memory_space<vmem>> -> memref<2x64xi32, #tpu.memory_space<vmem>>
        %dma_wait3A_841 = arith.constant 0 : i32
        %dma_wait3A_842 = arith.constant 0 : i32
        %dma_wait3A_843 = tpu.memref_slice %arg6[%add3A, %add3A_824, %dma_wait3A_841, %dma_wait3A_842] : memref<32x80x2x64xi32, #tpu.memory_space<hbm>> -> memref<1x1x2x64xi32, #tpu.memory_space<hbm>>
        %dma_wait3A_844 = tpu.memref_squeeze %dma_wait3A_843 : memref<1x1x2x64xi32, #tpu.memory_space<hbm>> -> memref<2x64xi32, #tpu.memory_space<hbm>>
        %dma_wait3A_845 = arith.constant 0 : i32
        %dma_wait3A_846 = arith.constant 0 : i32
        %dma_wait3A_847 = tpu.memref_slice %arg10[%rem3A_526, %dma_wait3A_845, %dma_wait3A_846] : memref<6x2x64xi32, #tpu.memory_space<vmem>> -> memref<1x2x64xi32, #tpu.memory_space<vmem>>
        %dma_wait3A_848 = tpu.memref_squeeze %dma_wait3A_847 : memref<1x2x64xi32, #tpu.memory_space<vmem>> -> memref<2x64xi32, #tpu.memory_space<vmem>>
        %dma_wait3A_849 = arith.constant 0 : i32
        %dma_wait3A_850 = arith.constant 0 : i32
        %dma_wait3A_851 = tpu.memref_slice %arg6[%add3A, %add3A_824, %dma_wait3A_849, %dma_wait3A_850] : memref<32x80x2x64xi32, #tpu.memory_space<hbm>> -> memref<1x1x2x64xi32, #tpu.memory_space<hbm>>
        %dma_wait3A_852 = tpu.memref_squeeze %dma_wait3A_851 : memref<1x1x2x64xi32, #tpu.memory_space<hbm>> -> memref<2x64xi32, #tpu.memory_space<hbm>>
        tpu.wait_dma2 semaphore(%arg20 : memref<!tpu.dma_semaphore, #tpu.memory_space<semaphore_mem>>) src(%dma_wait3A_852 : memref<2x64xi32, #tpu.memory_space<hbm>>) dst(%dma_wait3A_848 : memref<2x64xi32, #tpu.memory_space<vmem>>)
        %dma_start3A_853 = arith.constant 0 : i32
        %dma_start3A_854 = tpu.memref_slice %arg11[%rem3A_520, %dma_start3A_853] : memref<3x128xf32, #tpu.memory_space<vmem>> -> memref<1x128xf32, #tpu.memory_space<vmem>>
        %dma_start3A_855 = tpu.memref_squeeze %dma_start3A_854 : memref<1x128xf32, #tpu.memory_space<vmem>> -> memref<128xf32, #tpu.memory_space<vmem>>
        %dma_start3A_856 = arith.constant 0 : i32
        %dma_start3A_857 = tpu.memref_slice %arg9[%rem3A_526, %dma_start3A_856] : memref<6x128xi32, #tpu.memory_space<vmem>> -> memref<1x128xi32, #tpu.memory_space<vmem>>
        %dma_start3A_858 = tpu.memref_squeeze %dma_start3A_857 : memref<1x128xi32, #tpu.memory_space<vmem>> -> memref<128xi32, #tpu.memory_space<vmem>>
        %dma_start3A_859 = arith.constant 0 : i32
        %dma_start3A_860 = tpu.memref_slice %arg18[%dma_start3A_859] : memref<10240xf32, #tpu.memory_space<vmem_shared>> -> memref<10240xf32, #tpu.memory_space<vmem_shared>>
        tpu.enqueue_indirect_dma source(%dma_start3A_860 : memref<10240xf32, #tpu.memory_space<vmem_shared>>) target(%dma_start3A_855 : memref<128xf32, #tpu.memory_space<vmem>>) offsets(%dma_start3A_858 : memref<128xi32, #tpu.memory_space<vmem>>) semaphore(%arg21 : memref<!tpu.dma_semaphore, #tpu.memory_space<semaphore_mem>>)
        %dma_start3A_861 = arith.constant 0 : i32
        %dma_start3A_862 = arith.constant 0 : i32
        %dma_start3A_863 = arith.constant 0 : i32
        %dma_start3A_864 = tpu.memref_slice %arg12[%rem3A_520, %dma_start3A_862, %dma_start3A_863] : memref<3x2x64xf32, #tpu.memory_space<vmem>> -> memref<1x1x64xf32, #tpu.memory_space<vmem>>
        %dma_start3A_865 = tpu.memref_squeeze %dma_start3A_864 : memref<1x1x64xf32, #tpu.memory_space<vmem>> -> memref<64xf32, #tpu.memory_space<vmem>>
        %dma_start3A_866 = arith.constant 0 : i32
        %dma_start3A_867 = tpu.memref_slice %arg10[%rem3A_526, %dma_start3A_861, %dma_start3A_866] : memref<6x2x64xi32, #tpu.memory_space<vmem>> -> memref<1x1x64xi32, #tpu.memory_space<vmem>>
        %dma_start3A_868 = tpu.memref_squeeze %dma_start3A_867 : memref<1x1x64xi32, #tpu.memory_space<vmem>> -> memref<64xi32, #tpu.memory_space<vmem>>
        %dma_start3A_869 = arith.constant 0 : i32
        %dma_start3A_870 = tpu.memref_slice %arg19[%dma_start3A_869] : memref<10240xf32, #tpu.memory_space<vmem_shared>> -> memref<10240xf32, #tpu.memory_space<vmem_shared>>
        tpu.enqueue_indirect_dma source(%dma_start3A_870 : memref<10240xf32, #tpu.memory_space<vmem_shared>>) target(%dma_start3A_865 : memref<64xf32, #tpu.memory_space<vmem>>) offsets(%dma_start3A_868 : memref<64xi32, #tpu.memory_space<vmem>>) semaphore(%arg21 : memref<!tpu.dma_semaphore, #tpu.memory_space<semaphore_mem>>)
        %dma_start3A_871 = arith.constant 1 : i32
        %dma_start3A_872 = arith.constant 1 : i32
        %dma_start3A_873 = arith.constant 0 : i32
        %dma_start3A_874 = tpu.memref_slice %arg12[%rem3A_520, %dma_start3A_872, %dma_start3A_873] : memref<3x2x64xf32, #tpu.memory_space<vmem>> -> memref<1x1x64xf32, #tpu.memory_space<vmem>>
        %dma_start3A_875 = tpu.memref_squeeze %dma_start3A_874 : memref<1x1x64xf32, #tpu.memory_space<vmem>> -> memref<64xf32, #tpu.memory_space<vmem>>
        %dma_start3A_876 = arith.constant 0 : i32
        %dma_start3A_877 = tpu.memref_slice %arg10[%rem3A_526, %dma_start3A_871, %dma_start3A_876] : memref<6x2x64xi32, #tpu.memory_space<vmem>> -> memref<1x1x64xi32, #tpu.memory_space<vmem>>
        %dma_start3A_878 = tpu.memref_squeeze %dma_start3A_877 : memref<1x1x64xi32, #tpu.memory_space<vmem>> -> memref<64xi32, #tpu.memory_space<vmem>>
        %dma_start3A_879 = arith.constant 0 : i32
        %dma_start3A_880 = tpu.memref_slice %arg19[%dma_start3A_879] : memref<10240xf32, #tpu.memory_space<vmem_shared>> -> memref<10240xf32, #tpu.memory_space<vmem_shared>>
        tpu.enqueue_indirect_dma source(%dma_start3A_880 : memref<10240xf32, #tpu.memory_space<vmem_shared>>) target(%dma_start3A_875 : memref<64xf32, #tpu.memory_space<vmem>>) offsets(%dma_start3A_878 : memref<64xi32, #tpu.memory_space<vmem>>) semaphore(%arg21 : memref<!tpu.dma_semaphore, #tpu.memory_space<semaphore_mem>>)
        %dma_start3A_881 = arith.constant 0 : i32
        %dma_start3A_882 = arith.constant 0 : i32
        %dma_start3A_883 = tpu.memref_slice %arg14[%rem3A_520, %dma_start3A_881, %dma_start3A_882] : memref<3x128x128xbf16, #tpu.memory_space<vmem>> -> memref<1x128x128xbf16, #tpu.memory_space<vmem>>
        %dma_start3A_884 = tpu.memref_squeeze %dma_start3A_883 : memref<1x128x128xbf16, #tpu.memory_space<vmem>> -> memref<128x128xbf16, #tpu.memory_space<vmem>>
        %dma_start3A_885 = arith.constant 0 : i32
        %dma_start3A_886 = tpu.memref_slice %arg9[%rem3A_526, %dma_start3A_885] : memref<6x128xi32, #tpu.memory_space<vmem>> -> memref<1x128xi32, #tpu.memory_space<vmem>>
        %dma_start3A_887 = tpu.memref_squeeze %dma_start3A_886 : memref<1x128xi32, #tpu.memory_space<vmem>> -> memref<128xi32, #tpu.memory_space<vmem>>
        %dma_start3A_888 = arith.constant 0 : i32
        %dma_start3A_889 = arith.constant 0 : i32
        %dma_start3A_890 = tpu.memref_slice %arg2[%dma_start3A_888, %dma_start3A_889] : memref<10240x128xbf16, #tpu.memory_space<hbm>> -> memref<10240x128xbf16, #tpu.memory_space<hbm>>
        tpu.enqueue_indirect_dma source(%dma_start3A_890 : memref<10240x128xbf16, #tpu.memory_space<hbm>>) target(%dma_start3A_884 : memref<128x128xbf16, #tpu.memory_space<vmem>>) offsets(%dma_start3A_887 : memref<128xi32, #tpu.memory_space<vmem>>) semaphore(%arg22 : memref<!tpu.dma_semaphore, #tpu.memory_space<semaphore_mem>>)
      } else {
      }
      %add3A_545 = arith.constant 4 : i32
      %add3A_546 = arith.addi %scan3A_508, %add3A_545 : i32
      %lt3A_547 = arith.constant 80 : i32
      %lt3A_548 = arith.cmpi slt, %add3A_546, %lt3A_547 : i32
      %convert_element_type3A_549 = arith.extui %lt3A_548 : i1 to i32
      %cond3A_550 = arith.constant 0 : i32
      %cond3A_551 = arith.cmpi ne, %convert_element_type3A_549, %cond3A_550 : i32
      scf.if %cond3A_551 {
        %add3A_823 = arith.constant 4 : i32
        %add3A_824 = arith.addi %scan3A_508, %add3A_823 : i32
        %dma_start3A_825 = arith.constant 0 : i32
        %dma_start3A_826 = tpu.memref_slice %arg9[%rem3A_530, %dma_start3A_825] : memref<6x128xi32, #tpu.memory_space<vmem>> -> memref<1x128xi32, #tpu.memory_space<vmem>>
        %dma_start3A_827 = tpu.memref_squeeze %dma_start3A_826 : memref<1x128xi32, #tpu.memory_space<vmem>> -> memref<128xi32, #tpu.memory_space<vmem>>
        %dma_start3A_828 = arith.constant 0 : i32
        %dma_start3A_829 = tpu.memref_slice %arg5[%add3A, %add3A_824, %dma_start3A_828] : memref<32x80x128xi32, #tpu.memory_space<hbm>> -> memref<1x1x128xi32, #tpu.memory_space<hbm>>
        %dma_start3A_830 = tpu.memref_squeeze %dma_start3A_829 : memref<1x1x128xi32, #tpu.memory_space<hbm>> -> memref<128xi32, #tpu.memory_space<hbm>>
        %dma_start3A_831 = arith.constant 0 : i32
        %dma_start3A_832 = tpu.memref_slice %arg9[%rem3A_530, %dma_start3A_831] : memref<6x128xi32, #tpu.memory_space<vmem>> -> memref<1x128xi32, #tpu.memory_space<vmem>>
        %dma_start3A_833 = tpu.memref_squeeze %dma_start3A_832 : memref<1x128xi32, #tpu.memory_space<vmem>> -> memref<128xi32, #tpu.memory_space<vmem>>
        %dma_start3A_834 = arith.constant 0 : i32
        %dma_start3A_835 = tpu.memref_slice %arg5[%add3A, %add3A_824, %dma_start3A_834] : memref<32x80x128xi32, #tpu.memory_space<hbm>> -> memref<1x1x128xi32, #tpu.memory_space<hbm>>
        %dma_start3A_836 = tpu.memref_squeeze %dma_start3A_835 : memref<1x1x128xi32, #tpu.memory_space<hbm>> -> memref<128xi32, #tpu.memory_space<hbm>>
        tpu.enqueue_dma source(%dma_start3A_836 : memref<128xi32, #tpu.memory_space<hbm>>) target(%dma_start3A_833 : memref<128xi32, #tpu.memory_space<vmem>>) target_semaphore(%arg20 : memref<!tpu.dma_semaphore, #tpu.memory_space<semaphore_mem>>)
        %dma_start3A_837 = arith.constant 0 : i32
        %dma_start3A_838 = arith.constant 0 : i32
        %dma_start3A_839 = tpu.memref_slice %arg10[%rem3A_530, %dma_start3A_837, %dma_start3A_838] : memref<6x2x64xi32, #tpu.memory_space<vmem>> -> memref<1x2x64xi32, #tpu.memory_space<vmem>>
        %dma_start3A_840 = tpu.memref_squeeze %dma_start3A_839 : memref<1x2x64xi32, #tpu.memory_space<vmem>> -> memref<2x64xi32, #tpu.memory_space<vmem>>
        %dma_start3A_841 = arith.constant 0 : i32
        %dma_start3A_842 = arith.constant 0 : i32
        %dma_start3A_843 = tpu.memref_slice %arg6[%add3A, %add3A_824, %dma_start3A_841, %dma_start3A_842] : memref<32x80x2x64xi32, #tpu.memory_space<hbm>> -> memref<1x1x2x64xi32, #tpu.memory_space<hbm>>
        %dma_start3A_844 = tpu.memref_squeeze %dma_start3A_843 : memref<1x1x2x64xi32, #tpu.memory_space<hbm>> -> memref<2x64xi32, #tpu.memory_space<hbm>>
        %dma_start3A_845 = arith.constant 0 : i32
        %dma_start3A_846 = arith.constant 0 : i32
        %dma_start3A_847 = tpu.memref_slice %arg10[%rem3A_530, %dma_start3A_845, %dma_start3A_846] : memref<6x2x64xi32, #tpu.memory_space<vmem>> -> memref<1x2x64xi32, #tpu.memory_space<vmem>>
        %dma_start3A_848 = tpu.memref_squeeze %dma_start3A_847 : memref<1x2x64xi32, #tpu.memory_space<vmem>> -> memref<2x64xi32, #tpu.memory_space<vmem>>
        %dma_start3A_849 = arith.constant 0 : i32
        %dma_start3A_850 = arith.constant 0 : i32
        %dma_start3A_851 = tpu.memref_slice %arg6[%add3A, %add3A_824, %dma_start3A_849, %dma_start3A_850] : memref<32x80x2x64xi32, #tpu.memory_space<hbm>> -> memref<1x1x2x64xi32, #tpu.memory_space<hbm>>
        %dma_start3A_852 = tpu.memref_squeeze %dma_start3A_851 : memref<1x1x2x64xi32, #tpu.memory_space<hbm>> -> memref<2x64xi32, #tpu.memory_space<hbm>>
        tpu.enqueue_dma source(%dma_start3A_852 : memref<2x64xi32, #tpu.memory_space<hbm>>) target(%dma_start3A_848 : memref<2x64xi32, #tpu.memory_space<vmem>>) target_semaphore(%arg20 : memref<!tpu.dma_semaphore, #tpu.memory_space<semaphore_mem>>)
      } else {
      }
      %dma_wait3A_552 = arith.constant 0 : i32
      %dma_wait3A_553 = tpu.memref_slice %arg11[%rem3A_516, %dma_wait3A_552] : memref<3x128xf32, #tpu.memory_space<vmem>> -> memref<1x128xf32, #tpu.memory_space<vmem>>
      %dma_wait3A_554 = tpu.memref_squeeze %dma_wait3A_553 : memref<1x128xf32, #tpu.memory_space<vmem>> -> memref<128xf32, #tpu.memory_space<vmem>>
      %dma_wait3A_555 = arith.constant 0 : i32
      %dma_wait3A_556 = tpu.memref_slice %arg9[%rem3A_522, %dma_wait3A_555] : memref<6x128xi32, #tpu.memory_space<vmem>> -> memref<1x128xi32, #tpu.memory_space<vmem>>
      %dma_wait3A_557 = tpu.memref_squeeze %dma_wait3A_556 : memref<1x128xi32, #tpu.memory_space<vmem>> -> memref<128xi32, #tpu.memory_space<vmem>>
      %dma_wait3A_558 = arith.constant 0 : i32
      %dma_wait3A_559 = tpu.memref_slice %arg18[%dma_wait3A_558] : memref<10240xf32, #tpu.memory_space<vmem_shared>> -> memref<10240xf32, #tpu.memory_space<vmem_shared>>
      tpu.wait_indirect_dma semaphore(%arg21 : memref<!tpu.dma_semaphore, #tpu.memory_space<semaphore_mem>>) src(%dma_wait3A_559 : memref<10240xf32, #tpu.memory_space<vmem_shared>>) dst(%dma_wait3A_554 : memref<128xf32, #tpu.memory_space<vmem>>)
      %dma_wait3A_560 = arith.constant 0 : i32
      %dma_wait3A_561 = arith.constant 0 : i32
      %dma_wait3A_562 = arith.constant 0 : i32
      %dma_wait3A_563 = tpu.memref_slice %arg12[%rem3A_516, %dma_wait3A_561, %dma_wait3A_562] : memref<3x2x64xf32, #tpu.memory_space<vmem>> -> memref<1x1x64xf32, #tpu.memory_space<vmem>>
      %dma_wait3A_564 = tpu.memref_squeeze %dma_wait3A_563 : memref<1x1x64xf32, #tpu.memory_space<vmem>> -> memref<64xf32, #tpu.memory_space<vmem>>
      %dma_wait3A_565 = arith.constant 0 : i32
      %dma_wait3A_566 = tpu.memref_slice %arg10[%rem3A_522, %dma_wait3A_560, %dma_wait3A_565] : memref<6x2x64xi32, #tpu.memory_space<vmem>> -> memref<1x1x64xi32, #tpu.memory_space<vmem>>
      %dma_wait3A_567 = tpu.memref_squeeze %dma_wait3A_566 : memref<1x1x64xi32, #tpu.memory_space<vmem>> -> memref<64xi32, #tpu.memory_space<vmem>>
      %dma_wait3A_568 = arith.constant 0 : i32
      %dma_wait3A_569 = tpu.memref_slice %arg19[%dma_wait3A_568] : memref<10240xf32, #tpu.memory_space<vmem_shared>> -> memref<10240xf32, #tpu.memory_space<vmem_shared>>
      tpu.wait_indirect_dma semaphore(%arg21 : memref<!tpu.dma_semaphore, #tpu.memory_space<semaphore_mem>>) src(%dma_wait3A_569 : memref<10240xf32, #tpu.memory_space<vmem_shared>>) dst(%dma_wait3A_564 : memref<64xf32, #tpu.memory_space<vmem>>)
      %dma_wait3A_570 = arith.constant 1 : i32
      %dma_wait3A_571 = arith.constant 1 : i32
      %dma_wait3A_572 = arith.constant 0 : i32
      %dma_wait3A_573 = tpu.memref_slice %arg12[%rem3A_516, %dma_wait3A_571, %dma_wait3A_572] : memref<3x2x64xf32, #tpu.memory_space<vmem>> -> memref<1x1x64xf32, #tpu.memory_space<vmem>>
      %dma_wait3A_574 = tpu.memref_squeeze %dma_wait3A_573 : memref<1x1x64xf32, #tpu.memory_space<vmem>> -> memref<64xf32, #tpu.memory_space<vmem>>
      %dma_wait3A_575 = arith.constant 0 : i32
      %dma_wait3A_576 = tpu.memref_slice %arg10[%rem3A_522, %dma_wait3A_570, %dma_wait3A_575] : memref<6x2x64xi32, #tpu.memory_space<vmem>> -> memref<1x1x64xi32, #tpu.memory_space<vmem>>
      %dma_wait3A_577 = tpu.memref_squeeze %dma_wait3A_576 : memref<1x1x64xi32, #tpu.memory_space<vmem>> -> memref<64xi32, #tpu.memory_space<vmem>>
      %dma_wait3A_578 = arith.constant 0 : i32
      %dma_wait3A_579 = tpu.memref_slice %arg19[%dma_wait3A_578] : memref<10240xf32, #tpu.memory_space<vmem_shared>> -> memref<10240xf32, #tpu.memory_space<vmem_shared>>
      tpu.wait_indirect_dma semaphore(%arg21 : memref<!tpu.dma_semaphore, #tpu.memory_space<semaphore_mem>>) src(%dma_wait3A_579 : memref<10240xf32, #tpu.memory_space<vmem_shared>>) dst(%dma_wait3A_574 : memref<64xf32, #tpu.memory_space<vmem>>)
      %get3A = arith.index_cast %rem3A_516 : i32 to index
      %get3A_580 = arith.constant 0 : index
      %get3A_581 = tpu.vector_load %arg11[%get3A, %get3A_580] {strides = array<i32>} : memref<3x128xf32, #tpu.memory_space<vmem>>, vector<16xf32>,
      %get3A_582 = arith.constant 0 : i32
      %get3A_583 = arith.index_cast %rem3A_516 : i32 to index
      %get3A_584 = arith.index_cast %get3A_582 : i32 to index
      %get3A_585 = arith.constant 0 : index
      %get3A_586 = tpu.vector_load %arg12[%get3A_583, %get3A_584, %get3A_585] {strides = array<i32>} : memref<3x2x64xf32, #tpu.memory_space<vmem>>, vector<16xf32>,
      %add3A_587 = arith.addf %get3A_581, %get3A_586 : vector<16xf32>
      %ge3A_588 = arith.constant 0.000000e+00 : f32
      %ge3A_589 = vector.broadcast %ge3A_588 : f32 to vector<16xf32>
      %ge3A_590 = arith.cmpf oge, %add3A_587, %ge3A_589 : vector<16xf32>
      %mul3A_591 = arith.constant 2.000000e-01 : f32
      %mul3A_592 = vector.broadcast %mul3A_591 : f32 to vector<16xf32>
      %mul3A_593 = arith.mulf %add3A_587, %mul3A_592 : vector<16xf32>
      %select_n3A = arith.select %ge3A_590, %add3A_587, %mul3A_593 : vector<16xi1>, vector<16xf32>
      %exp3A = math.exp %select_n3A : vector<16xf32>
      %swap3A_594 = arith.constant 0 : i32
      %swap3A_595 = arith.index_cast %rem3A_510 : i32 to index
      %swap3A_596 = arith.index_cast %swap3A_594 : i32 to index
      %swap3A_597 = arith.constant 0 : index
      %swap3A_598 = tpu.vector_load %arg13[%swap3A_595, %swap3A_596, %swap3A_597] {strides = array<i32>} : memref<2x2x64xf32, #tpu.memory_space<vmem>>, vector<16xf32>,
      tpu.vector_store %arg13[%swap3A_595, %swap3A_596, %swap3A_597], %exp3A {strides = array<i32>} : memref<2x2x64xf32, #tpu.memory_space<vmem>>, vector<16xf32>,
      %get3A_599 = arith.index_cast %rem3A_516 : i32 to index
      %get3A_600 = arith.constant 16 : index
      %get3A_601 = tpu.vector_load %arg11[%get3A_599, %get3A_600] {strides = array<i32>} : memref<3x128xf32, #tpu.memory_space<vmem>>, vector<16xf32>,
      %get3A_602 = arith.constant 0 : i32
      %get3A_603 = arith.index_cast %rem3A_516 : i32 to index
      %get3A_604 = arith.index_cast %get3A_602 : i32 to index
      %get3A_605 = arith.constant 16 : index
      %get3A_606 = tpu.vector_load %arg12[%get3A_603, %get3A_604, %get3A_605] {strides = array<i32>} : memref<3x2x64xf32, #tpu.memory_space<vmem>>, vector<16xf32>,
      %add3A_607 = arith.addf %get3A_601, %get3A_606 : vector<16xf32>
      %ge3A_608 = arith.constant 0.000000e+00 : f32
      %ge3A_609 = vector.broadcast %ge3A_608 : f32 to vector<16xf32>
      %ge3A_610 = arith.cmpf oge, %add3A_607, %ge3A_609 : vector<16xf32>
      %mul3A_611 = arith.constant 2.000000e-01 : f32
      %mul3A_612 = vector.broadcast %mul3A_611 : f32 to vector<16xf32>
      %mul3A_613 = arith.mulf %add3A_607, %mul3A_612 : vector<16xf32>
      %select_n3A_614 = arith.select %ge3A_610, %add3A_607, %mul3A_613 : vector<16xi1>, vector<16xf32>
      %exp3A_615 = math.exp %select_n3A_614 : vector<16xf32>
      %swap3A_616 = arith.constant 0 : i32
      %swap3A_617 = arith.index_cast %rem3A_510 : i32 to index
      %swap3A_618 = arith.index_cast %swap3A_616 : i32 to index
      %swap3A_619 = arith.constant 16 : index
      %swap3A_620 = tpu.vector_load %arg13[%swap3A_617, %swap3A_618, %swap3A_619] {strides = array<i32>} : memref<2x2x64xf32, #tpu.memory_space<vmem>>, vector<16xf32>,
      tpu.vector_store %arg13[%swap3A_617, %swap3A_618, %swap3A_619], %exp3A_615 {strides = array<i32>} : memref<2x2x64xf32, #tpu.memory_space<vmem>>, vector<16xf32>,
      %get3A_621 = arith.index_cast %rem3A_516 : i32 to index
      %get3A_622 = arith.constant 32 : index
      %get3A_623 = tpu.vector_load %arg11[%get3A_621, %get3A_622] {strides = array<i32>} : memref<3x128xf32, #tpu.memory_space<vmem>>, vector<16xf32>,
      %get3A_624 = arith.constant 0 : i32
      %get3A_625 = arith.index_cast %rem3A_516 : i32 to index
      %get3A_626 = arith.index_cast %get3A_624 : i32 to index
      %get3A_627 = arith.constant 32 : index
      %get3A_628 = tpu.vector_load %arg12[%get3A_625, %get3A_626, %get3A_627] {strides = array<i32>} : memref<3x2x64xf32, #tpu.memory_space<vmem>>, vector<16xf32>,
      %add3A_629 = arith.addf %get3A_623, %get3A_628 : vector<16xf32>
      %ge3A_630 = arith.constant 0.000000e+00 : f32
      %ge3A_631 = vector.broadcast %ge3A_630 : f32 to vector<16xf32>
      %ge3A_632 = arith.cmpf oge, %add3A_629, %ge3A_631 : vector<16xf32>
      %mul3A_633 = arith.constant 2.000000e-01 : f32
      %mul3A_634 = vector.broadcast %mul3A_633 : f32 to vector<16xf32>
      %mul3A_635 = arith.mulf %add3A_629, %mul3A_634 : vector<16xf32>
      %select_n3A_636 = arith.select %ge3A_632, %add3A_629, %mul3A_635 : vector<16xi1>, vector<16xf32>
      %exp3A_637 = math.exp %select_n3A_636 : vector<16xf32>
      %swap3A_638 = arith.constant 0 : i32
      %swap3A_639 = arith.index_cast %rem3A_510 : i32 to index
      %swap3A_640 = arith.index_cast %swap3A_638 : i32 to index
      %swap3A_641 = arith.constant 32 : index
      %swap3A_642 = tpu.vector_load %arg13[%swap3A_639, %swap3A_640, %swap3A_641] {strides = array<i32>} : memref<2x2x64xf32, #tpu.memory_space<vmem>>, vector<16xf32>,
      tpu.vector_store %arg13[%swap3A_639, %swap3A_640, %swap3A_641], %exp3A_637 {strides = array<i32>} : memref<2x2x64xf32, #tpu.memory_space<vmem>>, vector<16xf32>,
      %get3A_643 = arith.index_cast %rem3A_516 : i32 to index
      %get3A_644 = arith.constant 48 : index
      %get3A_645 = tpu.vector_load %arg11[%get3A_643, %get3A_644] {strides = array<i32>} : memref<3x128xf32, #tpu.memory_space<vmem>>, vector<16xf32>,
      %get3A_646 = arith.constant 0 : i32
      %get3A_647 = arith.index_cast %rem3A_516 : i32 to index
      %get3A_648 = arith.index_cast %get3A_646 : i32 to index
      %get3A_649 = arith.constant 48 : index
      %get3A_650 = tpu.vector_load %arg12[%get3A_647, %get3A_648, %get3A_649] {strides = array<i32>} : memref<3x2x64xf32, #tpu.memory_space<vmem>>, vector<16xf32>,
      %add3A_651 = arith.addf %get3A_645, %get3A_650 : vector<16xf32>
      %ge3A_652 = arith.constant 0.000000e+00 : f32
      %ge3A_653 = vector.broadcast %ge3A_652 : f32 to vector<16xf32>
      %ge3A_654 = arith.cmpf oge, %add3A_651, %ge3A_653 : vector<16xf32>
      %mul3A_655 = arith.constant 2.000000e-01 : f32
      %mul3A_656 = vector.broadcast %mul3A_655 : f32 to vector<16xf32>
      %mul3A_657 = arith.mulf %add3A_651, %mul3A_656 : vector<16xf32>
      %select_n3A_658 = arith.select %ge3A_654, %add3A_651, %mul3A_657 : vector<16xi1>, vector<16xf32>
      %exp3A_659 = math.exp %select_n3A_658 : vector<16xf32>
      %swap3A_660 = arith.constant 0 : i32
      %swap3A_661 = arith.index_cast %rem3A_510 : i32 to index
      %swap3A_662 = arith.index_cast %swap3A_660 : i32 to index
      %swap3A_663 = arith.constant 48 : index
      %swap3A_664 = tpu.vector_load %arg13[%swap3A_661, %swap3A_662, %swap3A_663] {strides = array<i32>} : memref<2x2x64xf32, #tpu.memory_space<vmem>>, vector<16xf32>,
      tpu.vector_store %arg13[%swap3A_661, %swap3A_662, %swap3A_663], %exp3A_659 {strides = array<i32>} : memref<2x2x64xf32, #tpu.memory_space<vmem>>, vector<16xf32>,
      %dma_start3A_665 = arith.constant 0 : i32
      %dma_start3A_666 = arith.constant 0 : i32
      %dma_start3A_667 = arith.constant 0 : i32
      %dma_start3A_668 = tpu.memref_slice %arg13[%rem3A_510, %dma_start3A_665, %dma_start3A_667] : memref<2x2x64xf32, #tpu.memory_space<vmem>> -> memref<1x1x64xf32, #tpu.memory_space<vmem>>
      %dma_start3A_669 = tpu.memref_squeeze %dma_start3A_668 : memref<1x1x64xf32, #tpu.memory_space<vmem>> -> memref<64xf32, #tpu.memory_space<vmem>>
      %dma_start3A_670 = arith.constant 0 : i32
      %dma_start3A_671 = tpu.memref_slice %arg10[%rem3A_522, %dma_start3A_666, %dma_start3A_670] : memref<6x2x64xi32, #tpu.memory_space<vmem>> -> memref<1x1x64xi32, #tpu.memory_space<vmem>>
      %dma_start3A_672 = tpu.memref_squeeze %dma_start3A_671 : memref<1x1x64xi32, #tpu.memory_space<vmem>> -> memref<64xi32, #tpu.memory_space<vmem>>
      %dma_start3A_673 = arith.constant 0 : i32
      %dma_start3A_674 = tpu.memref_slice %arg17[%dma_start3A_673] : memref<10240xf32, #tpu.memory_space<vmem_shared>> -> memref<10240xf32, #tpu.memory_space<vmem_shared>>
      tpu.enqueue_indirect_dma source(%dma_start3A_669 : memref<64xf32, #tpu.memory_space<vmem>>) target(%dma_start3A_674 : memref<10240xf32, #tpu.memory_space<vmem_shared>>) offsets(%dma_start3A_672 : memref<64xi32, #tpu.memory_space<vmem>>) semaphore(%arg24 : memref<!tpu.dma_semaphore, #tpu.memory_space<semaphore_mem>>) {add = true}
      %get3A_675 = arith.index_cast %rem3A_516 : i32 to index
      %get3A_676 = arith.constant 64 : index
      %get3A_677 = tpu.vector_load %arg11[%get3A_675, %get3A_676] {strides = array<i32>} : memref<3x128xf32, #tpu.memory_space<vmem>>, vector<16xf32>,
      %get3A_678 = arith.constant 1 : i32
      %get3A_679 = arith.index_cast %rem3A_516 : i32 to index
      %get3A_680 = arith.index_cast %get3A_678 : i32 to index
      %get3A_681 = arith.constant 0 : index
      %get3A_682 = tpu.vector_load %arg12[%get3A_679, %get3A_680, %get3A_681] {strides = array<i32>} : memref<3x2x64xf32, #tpu.memory_space<vmem>>, vector<16xf32>,
      %add3A_683 = arith.addf %get3A_677, %get3A_682 : vector<16xf32>
      %ge3A_684 = arith.constant 0.000000e+00 : f32
      %ge3A_685 = vector.broadcast %ge3A_684 : f32 to vector<16xf32>
      %ge3A_686 = arith.cmpf oge, %add3A_683, %ge3A_685 : vector<16xf32>
      %mul3A_687 = arith.constant 2.000000e-01 : f32
      %mul3A_688 = vector.broadcast %mul3A_687 : f32 to vector<16xf32>
      %mul3A_689 = arith.mulf %add3A_683, %mul3A_688 : vector<16xf32>
      %select_n3A_690 = arith.select %ge3A_686, %add3A_683, %mul3A_689 : vector<16xi1>, vector<16xf32>
      %exp3A_691 = math.exp %select_n3A_690 : vector<16xf32>
      %swap3A_692 = arith.constant 1 : i32
      %swap3A_693 = arith.index_cast %rem3A_510 : i32 to index
      %swap3A_694 = arith.index_cast %swap3A_692 : i32 to index
      %swap3A_695 = arith.constant 0 : index
      %swap3A_696 = tpu.vector_load %arg13[%swap3A_693, %swap3A_694, %swap3A_695] {strides = array<i32>} : memref<2x2x64xf32, #tpu.memory_space<vmem>>, vector<16xf32>,
      tpu.vector_store %arg13[%swap3A_693, %swap3A_694, %swap3A_695], %exp3A_691 {strides = array<i32>} : memref<2x2x64xf32, #tpu.memory_space<vmem>>, vector<16xf32>,
      %get3A_697 = arith.index_cast %rem3A_516 : i32 to index
      %get3A_698 = arith.constant 80 : index
      %get3A_699 = tpu.vector_load %arg11[%get3A_697, %get3A_698] {strides = array<i32>} : memref<3x128xf32, #tpu.memory_space<vmem>>, vector<16xf32>,
      %get3A_700 = arith.constant 1 : i32
      %get3A_701 = arith.index_cast %rem3A_516 : i32 to index
      %get3A_702 = arith.index_cast %get3A_700 : i32 to index
      %get3A_703 = arith.constant 16 : index
      %get3A_704 = tpu.vector_load %arg12[%get3A_701, %get3A_702, %get3A_703] {strides = array<i32>} : memref<3x2x64xf32, #tpu.memory_space<vmem>>, vector<16xf32>,
      %add3A_705 = arith.addf %get3A_699, %get3A_704 : vector<16xf32>
      %ge3A_706 = arith.constant 0.000000e+00 : f32
      %ge3A_707 = vector.broadcast %ge3A_706 : f32 to vector<16xf32>
      %ge3A_708 = arith.cmpf oge, %add3A_705, %ge3A_707 : vector<16xf32>
      %mul3A_709 = arith.constant 2.000000e-01 : f32
      %mul3A_710 = vector.broadcast %mul3A_709 : f32 to vector<16xf32>
      %mul3A_711 = arith.mulf %add3A_705, %mul3A_710 : vector<16xf32>
      %select_n3A_712 = arith.select %ge3A_708, %add3A_705, %mul3A_711 : vector<16xi1>, vector<16xf32>
      %exp3A_713 = math.exp %select_n3A_712 : vector<16xf32>
      %swap3A_714 = arith.constant 1 : i32
      %swap3A_715 = arith.index_cast %rem3A_510 : i32 to index
      %swap3A_716 = arith.index_cast %swap3A_714 : i32 to index
      %swap3A_717 = arith.constant 16 : index
      %swap3A_718 = tpu.vector_load %arg13[%swap3A_715, %swap3A_716, %swap3A_717] {strides = array<i32>} : memref<2x2x64xf32, #tpu.memory_space<vmem>>, vector<16xf32>,
      tpu.vector_store %arg13[%swap3A_715, %swap3A_716, %swap3A_717], %exp3A_713 {strides = array<i32>} : memref<2x2x64xf32, #tpu.memory_space<vmem>>, vector<16xf32>,
      %get3A_719 = arith.index_cast %rem3A_516 : i32 to index
      %get3A_720 = arith.constant 96 : index
      %get3A_721 = tpu.vector_load %arg11[%get3A_719, %get3A_720] {strides = array<i32>} : memref<3x128xf32, #tpu.memory_space<vmem>>, vector<16xf32>,
      %get3A_722 = arith.constant 1 : i32
      %get3A_723 = arith.index_cast %rem3A_516 : i32 to index
      %get3A_724 = arith.index_cast %get3A_722 : i32 to index
      %get3A_725 = arith.constant 32 : index
      %get3A_726 = tpu.vector_load %arg12[%get3A_723, %get3A_724, %get3A_725] {strides = array<i32>} : memref<3x2x64xf32, #tpu.memory_space<vmem>>, vector<16xf32>,
      %add3A_727 = arith.addf %get3A_721, %get3A_726 : vector<16xf32>
      %ge3A_728 = arith.constant 0.000000e+00 : f32
      %ge3A_729 = vector.broadcast %ge3A_728 : f32 to vector<16xf32>
      %ge3A_730 = arith.cmpf oge, %add3A_727, %ge3A_729 : vector<16xf32>
      %mul3A_731 = arith.constant 2.000000e-01 : f32
      %mul3A_732 = vector.broadcast %mul3A_731 : f32 to vector<16xf32>
      %mul3A_733 = arith.mulf %add3A_727, %mul3A_732 : vector<16xf32>
      %select_n3A_734 = arith.select %ge3A_730, %add3A_727, %mul3A_733 : vector<16xi1>, vector<16xf32>
      %exp3A_735 = math.exp %select_n3A_734 : vector<16xf32>
      %swap3A_736 = arith.constant 1 : i32
      %swap3A_737 = arith.index_cast %rem3A_510 : i32 to index
      %swap3A_738 = arith.index_cast %swap3A_736 : i32 to index
      %swap3A_739 = arith.constant 32 : index
      %swap3A_740 = tpu.vector_load %arg13[%swap3A_737, %swap3A_738, %swap3A_739] {strides = array<i32>} : memref<2x2x64xf32, #tpu.memory_space<vmem>>, vector<16xf32>,
      tpu.vector_store %arg13[%swap3A_737, %swap3A_738, %swap3A_739], %exp3A_735 {strides = array<i32>} : memref<2x2x64xf32, #tpu.memory_space<vmem>>, vector<16xf32>,
      %get3A_741 = arith.index_cast %rem3A_516 : i32 to index
      %get3A_742 = arith.constant 112 : index
      %get3A_743 = tpu.vector_load %arg11[%get3A_741, %get3A_742] {strides = array<i32>} : memref<3x128xf32, #tpu.memory_space<vmem>>, vector<16xf32>,
      %get3A_744 = arith.constant 1 : i32
      %get3A_745 = arith.index_cast %rem3A_516 : i32 to index
      %get3A_746 = arith.index_cast %get3A_744 : i32 to index
      %get3A_747 = arith.constant 48 : index
      %get3A_748 = tpu.vector_load %arg12[%get3A_745, %get3A_746, %get3A_747] {strides = array<i32>} : memref<3x2x64xf32, #tpu.memory_space<vmem>>, vector<16xf32>,
      %add3A_749 = arith.addf %get3A_743, %get3A_748 : vector<16xf32>
      %ge3A_750 = arith.constant 0.000000e+00 : f32
      %ge3A_751 = vector.broadcast %ge3A_750 : f32 to vector<16xf32>
      %ge3A_752 = arith.cmpf oge, %add3A_749, %ge3A_751 : vector<16xf32>
      %mul3A_753 = arith.constant 2.000000e-01 : f32
      %mul3A_754 = vector.broadcast %mul3A_753 : f32 to vector<16xf32>
      %mul3A_755 = arith.mulf %add3A_749, %mul3A_754 : vector<16xf32>
      %select_n3A_756 = arith.select %ge3A_752, %add3A_749, %mul3A_755 : vector<16xi1>, vector<16xf32>
      %exp3A_757 = math.exp %select_n3A_756 : vector<16xf32>
      %swap3A_758 = arith.constant 1 : i32
      %swap3A_759 = arith.index_cast %rem3A_510 : i32 to index
      %swap3A_760 = arith.index_cast %swap3A_758 : i32 to index
      %swap3A_761 = arith.constant 48 : index
      %swap3A_762 = tpu.vector_load %arg13[%swap3A_759, %swap3A_760, %swap3A_761] {strides = array<i32>} : memref<2x2x64xf32, #tpu.memory_space<vmem>>, vector<16xf32>,
      tpu.vector_store %arg13[%swap3A_759, %swap3A_760, %swap3A_761], %exp3A_757 {strides = array<i32>} : memref<2x2x64xf32, #tpu.memory_space<vmem>>, vector<16xf32>,
      %dma_start3A_763 = arith.constant 1 : i32
      %dma_start3A_764 = arith.constant 1 : i32
      %dma_start3A_765 = arith.constant 0 : i32
      %dma_start3A_766 = tpu.memref_slice %arg13[%rem3A_510, %dma_start3A_763, %dma_start3A_765] : memref<2x2x64xf32, #tpu.memory_space<vmem>> -> memref<1x1x64xf32, #tpu.memory_space<vmem>>
      %dma_start3A_767 = tpu.memref_squeeze %dma_start3A_766 : memref<1x1x64xf32, #tpu.memory_space<vmem>> -> memref<64xf32, #tpu.memory_space<vmem>>
      %dma_start3A_768 = arith.constant 0 : i32
      %dma_start3A_769 = tpu.memref_slice %arg10[%rem3A_522, %dma_start3A_764, %dma_start3A_768] : memref<6x2x64xi32, #tpu.memory_space<vmem>> -> memref<1x1x64xi32, #tpu.memory_space<vmem>>
      %dma_start3A_770 = tpu.memref_squeeze %dma_start3A_769 : memref<1x1x64xi32, #tpu.memory_space<vmem>> -> memref<64xi32, #tpu.memory_space<vmem>>
      %dma_start3A_771 = arith.constant 0 : i32
      %dma_start3A_772 = tpu.memref_slice %arg17[%dma_start3A_771] : memref<10240xf32, #tpu.memory_space<vmem_shared>> -> memref<10240xf32, #tpu.memory_space<vmem_shared>>
      tpu.enqueue_indirect_dma source(%dma_start3A_767 : memref<64xf32, #tpu.memory_space<vmem>>) target(%dma_start3A_772 : memref<10240xf32, #tpu.memory_space<vmem_shared>>) offsets(%dma_start3A_770 : memref<64xi32, #tpu.memory_space<vmem>>) semaphore(%arg24 : memref<!tpu.dma_semaphore, #tpu.memory_space<semaphore_mem>>) {add = true}
      %dma_wait3A_773 = arith.constant 0 : i32
      %dma_wait3A_774 = arith.constant 0 : i32
      %dma_wait3A_775 = tpu.memref_slice %arg14[%rem3A_516, %dma_wait3A_773, %dma_wait3A_774] : memref<3x128x128xbf16, #tpu.memory_space<vmem>> -> memref<1x128x128xbf16, #tpu.memory_space<vmem>>
      %dma_wait3A_776 = tpu.memref_squeeze %dma_wait3A_775 : memref<1x128x128xbf16, #tpu.memory_space<vmem>> -> memref<128x128xbf16, #tpu.memory_space<vmem>>
      %dma_wait3A_777 = arith.constant 0 : i32
      %dma_wait3A_778 = tpu.memref_slice %arg9[%rem3A_522, %dma_wait3A_777] : memref<6x128xi32, #tpu.memory_space<vmem>> -> memref<1x128xi32, #tpu.memory_space<vmem>>
      %dma_wait3A_779 = tpu.memref_squeeze %dma_wait3A_778 : memref<1x128xi32, #tpu.memory_space<vmem>> -> memref<128xi32, #tpu.memory_space<vmem>>
      %dma_wait3A_780 = arith.constant 0 : i32
      %dma_wait3A_781 = arith.constant 0 : i32
      %dma_wait3A_782 = tpu.memref_slice %arg2[%dma_wait3A_780, %dma_wait3A_781] : memref<10240x128xbf16, #tpu.memory_space<hbm>> -> memref<10240x128xbf16, #tpu.memory_space<hbm>>
      tpu.wait_indirect_dma semaphore(%arg22 : memref<!tpu.dma_semaphore, #tpu.memory_space<semaphore_mem>>) src(%dma_wait3A_782 : memref<10240x128xbf16, #tpu.memory_space<hbm>>) dst(%dma_wait3A_776 : memref<128x128xbf16, #tpu.memory_space<vmem>>)
      %ge3A_783 = arith.constant 1 : i32
      %ge3A_784 = arith.cmpi sge, %scan3A_508, %ge3A_783 : i32
      %convert_element_type3A_785 = arith.extui %ge3A_784 : i1 to i32
      %cond3A_786 = arith.constant 0 : i32
      %cond3A_787 = arith.cmpi ne, %convert_element_type3A_785, %cond3A_786 : i32
      scf.if %cond3A_787 {
        %dma_wait3A_823 = arith.constant 0 : i32
        %dma_wait3A_824 = arith.constant 0 : i32
        %dma_wait3A_825 = arith.constant 0 : i32
        %dma_wait3A_826 = arith.constant 0 : i32
        %dma_wait3A_827 = tpu.memref_slice %arg15[%dma_wait3A_823, %dma_wait3A_825, %dma_wait3A_826] : memref<2x64x128xf32, #tpu.memory_space<vmem>> -> memref<1x64x128xf32, #tpu.memory_space<vmem>>
        %dma_wait3A_828 = tpu.memref_squeeze %dma_wait3A_827 : memref<1x64x128xf32, #tpu.memory_space<vmem>> -> memref<64x128xf32, #tpu.memory_space<vmem>>
        %dma_wait3A_829 = arith.constant 0 : i32
        %dma_wait3A_830 = tpu.memref_slice %arg10[%rem3A_534, %dma_wait3A_824, %dma_wait3A_829] : memref<6x2x64xi32, #tpu.memory_space<vmem>> -> memref<1x1x64xi32, #tpu.memory_space<vmem>>
        %dma_wait3A_831 = tpu.memref_squeeze %dma_wait3A_830 : memref<1x1x64xi32, #tpu.memory_space<vmem>> -> memref<64xi32, #tpu.memory_space<vmem>>
        %dma_wait3A_832 = arith.constant 0 : i32
        %dma_wait3A_833 = arith.constant 0 : i32
        %dma_wait3A_834 = tpu.memref_slice %arg16[%dma_wait3A_832, %dma_wait3A_833] : memref<10240x128xf32, #tpu.memory_space<vmem_shared>> -> memref<10240x128xf32, #tpu.memory_space<vmem_shared>>
        tpu.wait_indirect_dma semaphore(%arg23 : memref<!tpu.dma_semaphore, #tpu.memory_space<semaphore_mem>>) src(%dma_wait3A_828 : memref<64x128xf32, #tpu.memory_space<vmem>>) dst(%dma_wait3A_834 : memref<10240x128xf32, #tpu.memory_space<vmem_shared>>)
      } else {
      }
      %parallel_loop3A = arith.constant 0 : i32
      %parallel_loop3A_788 = arith.constant 64 : i32
      %parallel_loop3A_789 = arith.constant 1 : i32
      scf.for %parallel_loop3A_823 = %parallel_loop3A to %parallel_loop3A_788 step %parallel_loop3A_789  : i32 {
        %parallel_loop3A_824 = vector.broadcast %parallel_loop3A_823 : i32 to vector<16xi32>
        %parallel_loop3A_825 = arith.constant 0 : i32
        %parallel_loop3A_826 = arith.constant 0 : i32
        %parallel_loop3A_827 = tpu.memref_slice %arg13[%rem3A_510, %parallel_loop3A_825, %parallel_loop3A_826] : memref<2x2x64xf32, #tpu.memory_space<vmem>> -> memref<1x1x64xf32, #tpu.memory_space<vmem>>
        %parallel_loop3A_828 = tpu.memref_squeeze %parallel_loop3A_827 : memref<1x1x64xf32, #tpu.memory_space<vmem>> -> memref<64xf32, #tpu.memory_space<vmem>>
        %parallel_loop3A_829 = tpu.vector_load_idx %parallel_loop3A_828[%parallel_loop3A_824] : memref<64xf32, #tpu.memory_space<vmem>>[vector<16xi32>], vector<16xf32>,
        %parallel_loop3A_830 = arith.constant 0 : i32
        %parallel_loop3A_831 = arith.addi %parallel_loop3A_830, %parallel_loop3A_823 : i32
        %parallel_loop3A_832 = arith.index_cast %rem3A_516 : i32 to index
        %parallel_loop3A_833 = arith.index_cast %parallel_loop3A_831 : i32 to index
        %parallel_loop3A_834 = arith.constant 0 : index
        %parallel_loop3A_835 = tpu.vector_load %arg14[%parallel_loop3A_832, %parallel_loop3A_833, %parallel_loop3A_834] {strides = array<i32>} : memref<3x128x128xbf16, #tpu.memory_space<vmem>>, vector<32xbf16>,
        %parallel_loop3A_836 = vector.bitcast %parallel_loop3A_835 : vector<32xbf16> to vector<16xi32>
        %parallel_loop3A_837 = arith.constant 16 : i32
        %parallel_loop3A_838 = vector.broadcast %parallel_loop3A_837 : i32 to vector<16xi32>
        %parallel_loop3A_839 = arith.shli %parallel_loop3A_836, %parallel_loop3A_838 : vector<16xi32>
        %parallel_loop3A_840 = vector.bitcast %parallel_loop3A_839 : vector<16xi32> to vector<16xf32>
        %parallel_loop3A_841 = vector.broadcast %scan3A_424 : i32 to vector<16xi32>
        %parallel_loop3A_842 = arith.andi %parallel_loop3A_836, %parallel_loop3A_841 : vector<16xi32>
        %parallel_loop3A_843 = vector.bitcast %parallel_loop3A_842 : vector<16xi32> to vector<16xf32>
        %parallel_loop3A_844 = arith.mulf %parallel_loop3A_840, %parallel_loop3A_829 : vector<16xf32>
        %parallel_loop3A_845 = arith.constant 0 : i32
        %parallel_loop3A_846 = arith.index_cast %parallel_loop3A_845 : i32 to index
        %parallel_loop3A_847 = arith.index_cast %parallel_loop3A_823 : i32 to index
        %parallel_loop3A_848 = arith.constant 0 : index
        %parallel_loop3A_849 = tpu.vector_load %arg15[%parallel_loop3A_846, %parallel_loop3A_847, %parallel_loop3A_848] {strides = array<i32>} : memref<2x64x128xf32, #tpu.memory_space<vmem>>, vector<16xf32>,
        tpu.vector_store %arg15[%parallel_loop3A_846, %parallel_loop3A_847, %parallel_loop3A_848], %parallel_loop3A_844 {strides = array<i32>} : memref<2x64x128xf32, #tpu.memory_space<vmem>>, vector<16xf32>,
        %parallel_loop3A_850 = arith.mulf %parallel_loop3A_843, %parallel_loop3A_829 : vector<16xf32>
        %parallel_loop3A_851 = arith.constant 0 : i32
        %parallel_loop3A_852 = arith.index_cast %parallel_loop3A_851 : i32 to index
        %parallel_loop3A_853 = arith.index_cast %parallel_loop3A_823 : i32 to index
        %parallel_loop3A_854 = arith.constant 16 : index
        %parallel_loop3A_855 = tpu.vector_load %arg15[%parallel_loop3A_852, %parallel_loop3A_853, %parallel_loop3A_854] {strides = array<i32>} : memref<2x64x128xf32, #tpu.memory_space<vmem>>, vector<16xf32>,
        tpu.vector_store %arg15[%parallel_loop3A_852, %parallel_loop3A_853, %parallel_loop3A_854], %parallel_loop3A_850 {strides = array<i32>} : memref<2x64x128xf32, #tpu.memory_space<vmem>>, vector<16xf32>,
        %parallel_loop3A_856 = arith.constant 0 : i32
        %parallel_loop3A_857 = arith.addi %parallel_loop3A_856, %parallel_loop3A_823 : i32
        %parallel_loop3A_858 = arith.index_cast %rem3A_516 : i32 to index
        %parallel_loop3A_859 = arith.index_cast %parallel_loop3A_857 : i32 to index
        %parallel_loop3A_860 = arith.constant 32 : index
        %parallel_loop3A_861 = tpu.vector_load %arg14[%parallel_loop3A_858, %parallel_loop3A_859, %parallel_loop3A_860] {strides = array<i32>} : memref<3x128x128xbf16, #tpu.memory_space<vmem>>, vector<32xbf16>,
        %parallel_loop3A_862 = vector.bitcast %parallel_loop3A_861 : vector<32xbf16> to vector<16xi32>
        %parallel_loop3A_863 = arith.constant 16 : i32
        %parallel_loop3A_864 = vector.broadcast %parallel_loop3A_863 : i32 to vector<16xi32>
        %parallel_loop3A_865 = arith.shli %parallel_loop3A_862, %parallel_loop3A_864 : vector<16xi32>
        %parallel_loop3A_866 = vector.bitcast %parallel_loop3A_865 : vector<16xi32> to vector<16xf32>
        %parallel_loop3A_867 = vector.broadcast %scan3A_424 : i32 to vector<16xi32>
        %parallel_loop3A_868 = arith.andi %parallel_loop3A_862, %parallel_loop3A_867 : vector<16xi32>
        %parallel_loop3A_869 = vector.bitcast %parallel_loop3A_868 : vector<16xi32> to vector<16xf32>
        %parallel_loop3A_870 = arith.mulf %parallel_loop3A_866, %parallel_loop3A_829 : vector<16xf32>
        %parallel_loop3A_871 = arith.constant 0 : i32
        %parallel_loop3A_872 = arith.index_cast %parallel_loop3A_871 : i32 to index
        %parallel_loop3A_873 = arith.index_cast %parallel_loop3A_823 : i32 to index
        %parallel_loop3A_874 = arith.constant 32 : index
        %parallel_loop3A_875 = tpu.vector_load %arg15[%parallel_loop3A_872, %parallel_loop3A_873, %parallel_loop3A_874] {strides = array<i32>} : memref<2x64x128xf32, #tpu.memory_space<vmem>>, vector<16xf32>,
        tpu.vector_store %arg15[%parallel_loop3A_872, %parallel_loop3A_873, %parallel_loop3A_874], %parallel_loop3A_870 {strides = array<i32>} : memref<2x64x128xf32, #tpu.memory_space<vmem>>, vector<16xf32>,
        %parallel_loop3A_876 = arith.mulf %parallel_loop3A_869, %parallel_loop3A_829 : vector<16xf32>
        %parallel_loop3A_877 = arith.constant 0 : i32
        %parallel_loop3A_878 = arith.index_cast %parallel_loop3A_877 : i32 to index
        %parallel_loop3A_879 = arith.index_cast %parallel_loop3A_823 : i32 to index
        %parallel_loop3A_880 = arith.constant 48 : index
        %parallel_loop3A_881 = tpu.vector_load %arg15[%parallel_loop3A_878, %parallel_loop3A_879, %parallel_loop3A_880] {strides = array<i32>} : memref<2x64x128xf32, #tpu.memory_space<vmem>>, vector<16xf32>,
        tpu.vector_store %arg15[%parallel_loop3A_878, %parallel_loop3A_879, %parallel_loop3A_880], %parallel_loop3A_876 {strides = array<i32>} : memref<2x64x128xf32, #tpu.memory_space<vmem>>, vector<16xf32>,
        %parallel_loop3A_882 = arith.constant 0 : i32
        %parallel_loop3A_883 = arith.addi %parallel_loop3A_882, %parallel_loop3A_823 : i32
        %parallel_loop3A_884 = arith.index_cast %rem3A_516 : i32 to index
        %parallel_loop3A_885 = arith.index_cast %parallel_loop3A_883 : i32 to index
        %parallel_loop3A_886 = arith.constant 64 : index
        %parallel_loop3A_887 = tpu.vector_load %arg14[%parallel_loop3A_884, %parallel_loop3A_885, %parallel_loop3A_886] {strides = array<i32>} : memref<3x128x128xbf16, #tpu.memory_space<vmem>>, vector<32xbf16>,
        %parallel_loop3A_888 = vector.bitcast %parallel_loop3A_887 : vector<32xbf16> to vector<16xi32>
        %parallel_loop3A_889 = arith.constant 16 : i32
        %parallel_loop3A_890 = vector.broadcast %parallel_loop3A_889 : i32 to vector<16xi32>
        %parallel_loop3A_891 = arith.shli %parallel_loop3A_888, %parallel_loop3A_890 : vector<16xi32>
        %parallel_loop3A_892 = vector.bitcast %parallel_loop3A_891 : vector<16xi32> to vector<16xf32>
        %parallel_loop3A_893 = vector.broadcast %scan3A_424 : i32 to vector<16xi32>
        %parallel_loop3A_894 = arith.andi %parallel_loop3A_888, %parallel_loop3A_893 : vector<16xi32>
        %parallel_loop3A_895 = vector.bitcast %parallel_loop3A_894 : vector<16xi32> to vector<16xf32>
        %parallel_loop3A_896 = arith.mulf %parallel_loop3A_892, %parallel_loop3A_829 : vector<16xf32>
        %parallel_loop3A_897 = arith.constant 0 : i32
        %parallel_loop3A_898 = arith.index_cast %parallel_loop3A_897 : i32 to index
        %parallel_loop3A_899 = arith.index_cast %parallel_loop3A_823 : i32 to index
        %parallel_loop3A_900 = arith.constant 64 : index
        %parallel_loop3A_901 = tpu.vector_load %arg15[%parallel_loop3A_898, %parallel_loop3A_899, %parallel_loop3A_900] {strides = array<i32>} : memref<2x64x128xf32, #tpu.memory_space<vmem>>, vector<16xf32>,
        tpu.vector_store %arg15[%parallel_loop3A_898, %parallel_loop3A_899, %parallel_loop3A_900], %parallel_loop3A_896 {strides = array<i32>} : memref<2x64x128xf32, #tpu.memory_space<vmem>>, vector<16xf32>,
        %parallel_loop3A_902 = arith.mulf %parallel_loop3A_895, %parallel_loop3A_829 : vector<16xf32>
        %parallel_loop3A_903 = arith.constant 0 : i32
        %parallel_loop3A_904 = arith.index_cast %parallel_loop3A_903 : i32 to index
        %parallel_loop3A_905 = arith.index_cast %parallel_loop3A_823 : i32 to index
        %parallel_loop3A_906 = arith.constant 80 : index
        %parallel_loop3A_907 = tpu.vector_load %arg15[%parallel_loop3A_904, %parallel_loop3A_905, %parallel_loop3A_906] {strides = array<i32>} : memref<2x64x128xf32, #tpu.memory_space<vmem>>, vector<16xf32>,
        tpu.vector_store %arg15[%parallel_loop3A_904, %parallel_loop3A_905, %parallel_loop3A_906], %parallel_loop3A_902 {strides = array<i32>} : memref<2x64x128xf32, #tpu.memory_space<vmem>>, vector<16xf32>,
        %parallel_loop3A_908 = arith.constant 0 : i32
        %parallel_loop3A_909 = arith.addi %parallel_loop3A_908, %parallel_loop3A_823 : i32
        %parallel_loop3A_910 = arith.index_cast %rem3A_516 : i32 to index
        %parallel_loop3A_911 = arith.index_cast %parallel_loop3A_909 : i32 to index
        %parallel_loop3A_912 = arith.constant 96 : index
        %parallel_loop3A_913 = tpu.vector_load %arg14[%parallel_loop3A_910, %parallel_loop3A_911, %parallel_loop3A_912] {strides = array<i32>} : memref<3x128x128xbf16, #tpu.memory_space<vmem>>, vector<32xbf16>,
        %parallel_loop3A_914 = vector.bitcast %parallel_loop3A_913 : vector<32xbf16> to vector<16xi32>
        %parallel_loop3A_915 = arith.constant 16 : i32
        %parallel_loop3A_916 = vector.broadcast %parallel_loop3A_915 : i32 to vector<16xi32>
        %parallel_loop3A_917 = arith.shli %parallel_loop3A_914, %parallel_loop3A_916 : vector<16xi32>
        %parallel_loop3A_918 = vector.bitcast %parallel_loop3A_917 : vector<16xi32> to vector<16xf32>
        %parallel_loop3A_919 = vector.broadcast %scan3A_424 : i32 to vector<16xi32>
        %parallel_loop3A_920 = arith.andi %parallel_loop3A_914, %parallel_loop3A_919 : vector<16xi32>
        %parallel_loop3A_921 = vector.bitcast %parallel_loop3A_920 : vector<16xi32> to vector<16xf32>
        %parallel_loop3A_922 = arith.mulf %parallel_loop3A_918, %parallel_loop3A_829 : vector<16xf32>
        %parallel_loop3A_923 = arith.constant 0 : i32
        %parallel_loop3A_924 = arith.index_cast %parallel_loop3A_923 : i32 to index
        %parallel_loop3A_925 = arith.index_cast %parallel_loop3A_823 : i32 to index
        %parallel_loop3A_926 = arith.constant 96 : index
        %parallel_loop3A_927 = tpu.vector_load %arg15[%parallel_loop3A_924, %parallel_loop3A_925, %parallel_loop3A_926] {strides = array<i32>} : memref<2x64x128xf32, #tpu.memory_space<vmem>>, vector<16xf32>,
        tpu.vector_store %arg15[%parallel_loop3A_924, %parallel_loop3A_925, %parallel_loop3A_926], %parallel_loop3A_922 {strides = array<i32>} : memref<2x64x128xf32, #tpu.memory_space<vmem>>, vector<16xf32>,
        %parallel_loop3A_928 = arith.mulf %parallel_loop3A_921, %parallel_loop3A_829 : vector<16xf32>
        %parallel_loop3A_929 = arith.constant 0 : i32
        %parallel_loop3A_930 = arith.index_cast %parallel_loop3A_929 : i32 to index
        %parallel_loop3A_931 = arith.index_cast %parallel_loop3A_823 : i32 to index
        %parallel_loop3A_932 = arith.constant 112 : index
        %parallel_loop3A_933 = tpu.vector_load %arg15[%parallel_loop3A_930, %parallel_loop3A_931, %parallel_loop3A_932] {strides = array<i32>} : memref<2x64x128xf32, #tpu.memory_space<vmem>>, vector<16xf32>,
        tpu.vector_store %arg15[%parallel_loop3A_930, %parallel_loop3A_931, %parallel_loop3A_932], %parallel_loop3A_928 {strides = array<i32>} : memref<2x64x128xf32, #tpu.memory_space<vmem>>, vector<16xf32>,
      } {sc.loop_unroll_factor = 4 : i64, sc.parallel_access}
      %dma_start3A_790 = arith.constant 0 : i32
      %dma_start3A_791 = arith.constant 0 : i32
      %dma_start3A_792 = arith.constant 0 : i32
      %dma_start3A_793 = arith.constant 0 : i32
      %dma_start3A_794 = tpu.memref_slice %arg15[%dma_start3A_790, %dma_start3A_792, %dma_start3A_793] : memref<2x64x128xf32, #tpu.memory_space<vmem>> -> memref<1x64x128xf32, #tpu.memory_space<vmem>>
      %dma_start3A_795 = tpu.memref_squeeze %dma_start3A_794 : memref<1x64x128xf32, #tpu.memory_space<vmem>> -> memref<64x128xf32, #tpu.memory_space<vmem>>
      %dma_start3A_796 = arith.constant 0 : i32
      %dma_start3A_797 = tpu.memref_slice %arg10[%rem3A_522, %dma_start3A_791, %dma_start3A_796] : memref<6x2x64xi32, #tpu.memory_space<vmem>> -> memref<1x1x64xi32, #tpu.memory_space<vmem>>
      %dma_start3A_798 = tpu.memref_squeeze %dma_start3A_797 : memref<1x1x64xi32, #tpu.memory_space<vmem>> -> memref<64xi32, #tpu.memory_space<vmem>>
      %dma_start3A_799 = arith.constant 0 : i32
      %dma_start3A_800 = arith.constant 0 : i32
      %dma_start3A_801 = tpu.memref_slice %arg16[%dma_start3A_799, %dma_start3A_800] : memref<10240x128xf32, #tpu.memory_space<vmem_shared>> -> memref<10240x128xf32, #tpu.memory_space<vmem_shared>>
      tpu.enqueue_indirect_dma source(%dma_start3A_795 : memref<64x128xf32, #tpu.memory_space<vmem>>) target(%dma_start3A_801 : memref<10240x128xf32, #tpu.memory_space<vmem_shared>>) offsets(%dma_start3A_798 : memref<64xi32, #tpu.memory_space<vmem>>) semaphore(%arg23 : memref<!tpu.dma_semaphore, #tpu.memory_space<semaphore_mem>>) {add = true}
      %ge3A_802 = arith.constant 1 : i32
      %ge3A_803 = arith.cmpi sge, %scan3A_508, %ge3A_802 : i32
      %convert_element_type3A_804 = arith.extui %ge3A_803 : i1 to i32
      %cond3A_805 = arith.constant 0 : i32
      %cond3A_806 = arith.cmpi ne, %convert_element_type3A_804, %cond3A_805 : i32
      scf.if %cond3A_806 {
        %dma_wait3A_823 = arith.constant 1 : i32
        %dma_wait3A_824 = arith.constant 1 : i32
        %dma_wait3A_825 = arith.constant 0 : i32
        %dma_wait3A_826 = arith.constant 0 : i32
        %dma_wait3A_827 = tpu.memref_slice %arg15[%dma_wait3A_823, %dma_wait3A_825, %dma_wait3A_826] : memref<2x64x128xf32, #tpu.memory_space<vmem>> -> memref<1x64x128xf32, #tpu.memory_space<vmem>>
        %dma_wait3A_828 = tpu.memref_squeeze %dma_wait3A_827 : memref<1x64x128xf32, #tpu.memory_space<vmem>> -> memref<64x128xf32, #tpu.memory_space<vmem>>
        %dma_wait3A_829 = arith.constant 0 : i32
        %dma_wait3A_830 = tpu.memref_slice %arg10[%rem3A_534, %dma_wait3A_824, %dma_wait3A_829] : memref<6x2x64xi32, #tpu.memory_space<vmem>> -> memref<1x1x64xi32, #tpu.memory_space<vmem>>
        %dma_wait3A_831 = tpu.memref_squeeze %dma_wait3A_830 : memref<1x1x64xi32, #tpu.memory_space<vmem>> -> memref<64xi32, #tpu.memory_space<vmem>>
        %dma_wait3A_832 = arith.constant 0 : i32
        %dma_wait3A_833 = arith.constant 0 : i32
        %dma_wait3A_834 = tpu.memref_slice %arg16[%dma_wait3A_832, %dma_wait3A_833] : memref<10240x128xf32, #tpu.memory_space<vmem_shared>> -> memref<10240x128xf32, #tpu.memory_space<vmem_shared>>
        tpu.wait_indirect_dma semaphore(%arg23 : memref<!tpu.dma_semaphore, #tpu.memory_space<semaphore_mem>>) src(%dma_wait3A_828 : memref<64x128xf32, #tpu.memory_space<vmem>>) dst(%dma_wait3A_834 : memref<10240x128xf32, #tpu.memory_space<vmem_shared>>)
      } else {
      }
      %parallel_loop3A_807 = arith.constant 0 : i32
      %parallel_loop3A_808 = arith.constant 64 : i32
      %parallel_loop3A_809 = arith.constant 1 : i32
      scf.for %parallel_loop3A_823 = %parallel_loop3A_807 to %parallel_loop3A_808 step %parallel_loop3A_809  : i32 {
        %parallel_loop3A_824 = vector.broadcast %parallel_loop3A_823 : i32 to vector<16xi32>
        %parallel_loop3A_825 = arith.constant 1 : i32
        %parallel_loop3A_826 = arith.constant 0 : i32
        %parallel_loop3A_827 = tpu.memref_slice %arg13[%rem3A_510, %parallel_loop3A_825, %parallel_loop3A_826] : memref<2x2x64xf32, #tpu.memory_space<vmem>> -> memref<1x1x64xf32, #tpu.memory_space<vmem>>
        %parallel_loop3A_828 = tpu.memref_squeeze %parallel_loop3A_827 : memref<1x1x64xf32, #tpu.memory_space<vmem>> -> memref<64xf32, #tpu.memory_space<vmem>>
        %parallel_loop3A_829 = tpu.vector_load_idx %parallel_loop3A_828[%parallel_loop3A_824] : memref<64xf32, #tpu.memory_space<vmem>>[vector<16xi32>], vector<16xf32>,
        %parallel_loop3A_830 = arith.constant 64 : i32
        %parallel_loop3A_831 = arith.addi %parallel_loop3A_830, %parallel_loop3A_823 : i32
        %parallel_loop3A_832 = arith.index_cast %rem3A_516 : i32 to index
        %parallel_loop3A_833 = arith.index_cast %parallel_loop3A_831 : i32 to index
        %parallel_loop3A_834 = arith.constant 0 : index
        %parallel_loop3A_835 = tpu.vector_load %arg14[%parallel_loop3A_832, %parallel_loop3A_833, %parallel_loop3A_834] {strides = array<i32>} : memref<3x128x128xbf16, #tpu.memory_space<vmem>>, vector<32xbf16>,
        %parallel_loop3A_836 = vector.bitcast %parallel_loop3A_835 : vector<32xbf16> to vector<16xi32>
        %parallel_loop3A_837 = arith.constant 16 : i32
        %parallel_loop3A_838 = vector.broadcast %parallel_loop3A_837 : i32 to vector<16xi32>
        %parallel_loop3A_839 = arith.shli %parallel_loop3A_836, %parallel_loop3A_838 : vector<16xi32>
        %parallel_loop3A_840 = vector.bitcast %parallel_loop3A_839 : vector<16xi32> to vector<16xf32>
        %parallel_loop3A_841 = vector.broadcast %scan3A_424 : i32 to vector<16xi32>
        %parallel_loop3A_842 = arith.andi %parallel_loop3A_836, %parallel_loop3A_841 : vector<16xi32>
        %parallel_loop3A_843 = vector.bitcast %parallel_loop3A_842 : vector<16xi32> to vector<16xf32>
        %parallel_loop3A_844 = arith.mulf %parallel_loop3A_840, %parallel_loop3A_829 : vector<16xf32>
        %parallel_loop3A_845 = arith.constant 1 : i32
        %parallel_loop3A_846 = arith.index_cast %parallel_loop3A_845 : i32 to index
        %parallel_loop3A_847 = arith.index_cast %parallel_loop3A_823 : i32 to index
        %parallel_loop3A_848 = arith.constant 0 : index
        %parallel_loop3A_849 = tpu.vector_load %arg15[%parallel_loop3A_846, %parallel_loop3A_847, %parallel_loop3A_848] {strides = array<i32>} : memref<2x64x128xf32, #tpu.memory_space<vmem>>, vector<16xf32>,
        tpu.vector_store %arg15[%parallel_loop3A_846, %parallel_loop3A_847, %parallel_loop3A_848], %parallel_loop3A_844 {strides = array<i32>} : memref<2x64x128xf32, #tpu.memory_space<vmem>>, vector<16xf32>,
        %parallel_loop3A_850 = arith.mulf %parallel_loop3A_843, %parallel_loop3A_829 : vector<16xf32>
        %parallel_loop3A_851 = arith.constant 1 : i32
        %parallel_loop3A_852 = arith.index_cast %parallel_loop3A_851 : i32 to index
        %parallel_loop3A_853 = arith.index_cast %parallel_loop3A_823 : i32 to index
        %parallel_loop3A_854 = arith.constant 16 : index
        %parallel_loop3A_855 = tpu.vector_load %arg15[%parallel_loop3A_852, %parallel_loop3A_853, %parallel_loop3A_854] {strides = array<i32>} : memref<2x64x128xf32, #tpu.memory_space<vmem>>, vector<16xf32>,
        tpu.vector_store %arg15[%parallel_loop3A_852, %parallel_loop3A_853, %parallel_loop3A_854], %parallel_loop3A_850 {strides = array<i32>} : memref<2x64x128xf32, #tpu.memory_space<vmem>>, vector<16xf32>,
        %parallel_loop3A_856 = arith.constant 64 : i32
        %parallel_loop3A_857 = arith.addi %parallel_loop3A_856, %parallel_loop3A_823 : i32
        %parallel_loop3A_858 = arith.index_cast %rem3A_516 : i32 to index
        %parallel_loop3A_859 = arith.index_cast %parallel_loop3A_857 : i32 to index
        %parallel_loop3A_860 = arith.constant 32 : index
        %parallel_loop3A_861 = tpu.vector_load %arg14[%parallel_loop3A_858, %parallel_loop3A_859, %parallel_loop3A_860] {strides = array<i32>} : memref<3x128x128xbf16, #tpu.memory_space<vmem>>, vector<32xbf16>,
        %parallel_loop3A_862 = vector.bitcast %parallel_loop3A_861 : vector<32xbf16> to vector<16xi32>
        %parallel_loop3A_863 = arith.constant 16 : i32
        %parallel_loop3A_864 = vector.broadcast %parallel_loop3A_863 : i32 to vector<16xi32>
        %parallel_loop3A_865 = arith.shli %parallel_loop3A_862, %parallel_loop3A_864 : vector<16xi32>
        %parallel_loop3A_866 = vector.bitcast %parallel_loop3A_865 : vector<16xi32> to vector<16xf32>
        %parallel_loop3A_867 = vector.broadcast %scan3A_424 : i32 to vector<16xi32>
        %parallel_loop3A_868 = arith.andi %parallel_loop3A_862, %parallel_loop3A_867 : vector<16xi32>
        %parallel_loop3A_869 = vector.bitcast %parallel_loop3A_868 : vector<16xi32> to vector<16xf32>
        %parallel_loop3A_870 = arith.mulf %parallel_loop3A_866, %parallel_loop3A_829 : vector<16xf32>
        %parallel_loop3A_871 = arith.constant 1 : i32
        %parallel_loop3A_872 = arith.index_cast %parallel_loop3A_871 : i32 to index
        %parallel_loop3A_873 = arith.index_cast %parallel_loop3A_823 : i32 to index
        %parallel_loop3A_874 = arith.constant 32 : index
        %parallel_loop3A_875 = tpu.vector_load %arg15[%parallel_loop3A_872, %parallel_loop3A_873, %parallel_loop3A_874] {strides = array<i32>} : memref<2x64x128xf32, #tpu.memory_space<vmem>>, vector<16xf32>,
        tpu.vector_store %arg15[%parallel_loop3A_872, %parallel_loop3A_873, %parallel_loop3A_874], %parallel_loop3A_870 {strides = array<i32>} : memref<2x64x128xf32, #tpu.memory_space<vmem>>, vector<16xf32>,
        %parallel_loop3A_876 = arith.mulf %parallel_loop3A_869, %parallel_loop3A_829 : vector<16xf32>
        %parallel_loop3A_877 = arith.constant 1 : i32
        %parallel_loop3A_878 = arith.index_cast %parallel_loop3A_877 : i32 to index
        %parallel_loop3A_879 = arith.index_cast %parallel_loop3A_823 : i32 to index
        %parallel_loop3A_880 = arith.constant 48 : index
        %parallel_loop3A_881 = tpu.vector_load %arg15[%parallel_loop3A_878, %parallel_loop3A_879, %parallel_loop3A_880] {strides = array<i32>} : memref<2x64x128xf32, #tpu.memory_space<vmem>>, vector<16xf32>,
        tpu.vector_store %arg15[%parallel_loop3A_878, %parallel_loop3A_879, %parallel_loop3A_880], %parallel_loop3A_876 {strides = array<i32>} : memref<2x64x128xf32, #tpu.memory_space<vmem>>, vector<16xf32>,
        %parallel_loop3A_882 = arith.constant 64 : i32
        %parallel_loop3A_883 = arith.addi %parallel_loop3A_882, %parallel_loop3A_823 : i32
        %parallel_loop3A_884 = arith.index_cast %rem3A_516 : i32 to index
        %parallel_loop3A_885 = arith.index_cast %parallel_loop3A_883 : i32 to index
        %parallel_loop3A_886 = arith.constant 64 : index
        %parallel_loop3A_887 = tpu.vector_load %arg14[%parallel_loop3A_884, %parallel_loop3A_885, %parallel_loop3A_886] {strides = array<i32>} : memref<3x128x128xbf16, #tpu.memory_space<vmem>>, vector<32xbf16>,
        %parallel_loop3A_888 = vector.bitcast %parallel_loop3A_887 : vector<32xbf16> to vector<16xi32>
        %parallel_loop3A_889 = arith.constant 16 : i32
        %parallel_loop3A_890 = vector.broadcast %parallel_loop3A_889 : i32 to vector<16xi32>
        %parallel_loop3A_891 = arith.shli %parallel_loop3A_888, %parallel_loop3A_890 : vector<16xi32>
        %parallel_loop3A_892 = vector.bitcast %parallel_loop3A_891 : vector<16xi32> to vector<16xf32>
        %parallel_loop3A_893 = vector.broadcast %scan3A_424 : i32 to vector<16xi32>
        %parallel_loop3A_894 = arith.andi %parallel_loop3A_888, %parallel_loop3A_893 : vector<16xi32>
        %parallel_loop3A_895 = vector.bitcast %parallel_loop3A_894 : vector<16xi32> to vector<16xf32>
        %parallel_loop3A_896 = arith.mulf %parallel_loop3A_892, %parallel_loop3A_829 : vector<16xf32>
        %parallel_loop3A_897 = arith.constant 1 : i32
        %parallel_loop3A_898 = arith.index_cast %parallel_loop3A_897 : i32 to index
        %parallel_loop3A_899 = arith.index_cast %parallel_loop3A_823 : i32 to index
        %parallel_loop3A_900 = arith.constant 64 : index
        %parallel_loop3A_901 = tpu.vector_load %arg15[%parallel_loop3A_898, %parallel_loop3A_899, %parallel_loop3A_900] {strides = array<i32>} : memref<2x64x128xf32, #tpu.memory_space<vmem>>, vector<16xf32>,
        tpu.vector_store %arg15[%parallel_loop3A_898, %parallel_loop3A_899, %parallel_loop3A_900], %parallel_loop3A_896 {strides = array<i32>} : memref<2x64x128xf32, #tpu.memory_space<vmem>>, vector<16xf32>,
        %parallel_loop3A_902 = arith.mulf %parallel_loop3A_895, %parallel_loop3A_829 : vector<16xf32>
        %parallel_loop3A_903 = arith.constant 1 : i32
        %parallel_loop3A_904 = arith.index_cast %parallel_loop3A_903 : i32 to index
        %parallel_loop3A_905 = arith.index_cast %parallel_loop3A_823 : i32 to index
        %parallel_loop3A_906 = arith.constant 80 : index
        %parallel_loop3A_907 = tpu.vector_load %arg15[%parallel_loop3A_904, %parallel_loop3A_905, %parallel_loop3A_906] {strides = array<i32>} : memref<2x64x128xf32, #tpu.memory_space<vmem>>, vector<16xf32>,
        tpu.vector_store %arg15[%parallel_loop3A_904, %parallel_loop3A_905, %parallel_loop3A_906], %parallel_loop3A_902 {strides = array<i32>} : memref<2x64x128xf32, #tpu.memory_space<vmem>>, vector<16xf32>,
        %parallel_loop3A_908 = arith.constant 64 : i32
        %parallel_loop3A_909 = arith.addi %parallel_loop3A_908, %parallel_loop3A_823 : i32
        %parallel_loop3A_910 = arith.index_cast %rem3A_516 : i32 to index
        %parallel_loop3A_911 = arith.index_cast %parallel_loop3A_909 : i32 to index
        %parallel_loop3A_912 = arith.constant 96 : index
        %parallel_loop3A_913 = tpu.vector_load %arg14[%parallel_loop3A_910, %parallel_loop3A_911, %parallel_loop3A_912] {strides = array<i32>} : memref<3x128x128xbf16, #tpu.memory_space<vmem>>, vector<32xbf16>,
        %parallel_loop3A_914 = vector.bitcast %parallel_loop3A_913 : vector<32xbf16> to vector<16xi32>
        %parallel_loop3A_915 = arith.constant 16 : i32
        %parallel_loop3A_916 = vector.broadcast %parallel_loop3A_915 : i32 to vector<16xi32>
        %parallel_loop3A_917 = arith.shli %parallel_loop3A_914, %parallel_loop3A_916 : vector<16xi32>
        %parallel_loop3A_918 = vector.bitcast %parallel_loop3A_917 : vector<16xi32> to vector<16xf32>
        %parallel_loop3A_919 = vector.broadcast %scan3A_424 : i32 to vector<16xi32>
        %parallel_loop3A_920 = arith.andi %parallel_loop3A_914, %parallel_loop3A_919 : vector<16xi32>
        %parallel_loop3A_921 = vector.bitcast %parallel_loop3A_920 : vector<16xi32> to vector<16xf32>
        %parallel_loop3A_922 = arith.mulf %parallel_loop3A_918, %parallel_loop3A_829 : vector<16xf32>
        %parallel_loop3A_923 = arith.constant 1 : i32
        %parallel_loop3A_924 = arith.index_cast %parallel_loop3A_923 : i32 to index
        %parallel_loop3A_925 = arith.index_cast %parallel_loop3A_823 : i32 to index
        %parallel_loop3A_926 = arith.constant 96 : index
        %parallel_loop3A_927 = tpu.vector_load %arg15[%parallel_loop3A_924, %parallel_loop3A_925, %parallel_loop3A_926] {strides = array<i32>} : memref<2x64x128xf32, #tpu.memory_space<vmem>>, vector<16xf32>,
        tpu.vector_store %arg15[%parallel_loop3A_924, %parallel_loop3A_925, %parallel_loop3A_926], %parallel_loop3A_922 {strides = array<i32>} : memref<2x64x128xf32, #tpu.memory_space<vmem>>, vector<16xf32>,
        %parallel_loop3A_928 = arith.mulf %parallel_loop3A_921, %parallel_loop3A_829 : vector<16xf32>
        %parallel_loop3A_929 = arith.constant 1 : i32
        %parallel_loop3A_930 = arith.index_cast %parallel_loop3A_929 : i32 to index
        %parallel_loop3A_931 = arith.index_cast %parallel_loop3A_823 : i32 to index
        %parallel_loop3A_932 = arith.constant 112 : index
        %parallel_loop3A_933 = tpu.vector_load %arg15[%parallel_loop3A_930, %parallel_loop3A_931, %parallel_loop3A_932] {strides = array<i32>} : memref<2x64x128xf32, #tpu.memory_space<vmem>>, vector<16xf32>,
        tpu.vector_store %arg15[%parallel_loop3A_930, %parallel_loop3A_931, %parallel_loop3A_932], %parallel_loop3A_928 {strides = array<i32>} : memref<2x64x128xf32, #tpu.memory_space<vmem>>, vector<16xf32>,
      } {sc.loop_unroll_factor = 4 : i64, sc.parallel_access}
      %dma_start3A_810 = arith.constant 1 : i32
      %dma_start3A_811 = arith.constant 1 : i32
      %dma_start3A_812 = arith.constant 0 : i32
      %dma_start3A_813 = arith.constant 0 : i32
      %dma_start3A_814 = tpu.memref_slice %arg15[%dma_start3A_810, %dma_start3A_812, %dma_start3A_813] : memref<2x64x128xf32, #tpu.memory_space<vmem>> -> memref<1x64x128xf32, #tpu.memory_space<vmem>>
      %dma_start3A_815 = tpu.memref_squeeze %dma_start3A_814 : memref<1x64x128xf32, #tpu.memory_space<vmem>> -> memref<64x128xf32, #tpu.memory_space<vmem>>
      %dma_start3A_816 = arith.constant 0 : i32
      %dma_start3A_817 = tpu.memref_slice %arg10[%rem3A_522, %dma_start3A_811, %dma_start3A_816] : memref<6x2x64xi32, #tpu.memory_space<vmem>> -> memref<1x1x64xi32, #tpu.memory_space<vmem>>
      %dma_start3A_818 = tpu.memref_squeeze %dma_start3A_817 : memref<1x1x64xi32, #tpu.memory_space<vmem>> -> memref<64xi32, #tpu.memory_space<vmem>>
      %dma_start3A_819 = arith.constant 0 : i32
      %dma_start3A_820 = arith.constant 0 : i32
      %dma_start3A_821 = tpu.memref_slice %arg16[%dma_start3A_819, %dma_start3A_820] : memref<10240x128xf32, #tpu.memory_space<vmem_shared>> -> memref<10240x128xf32, #tpu.memory_space<vmem_shared>>
      tpu.enqueue_indirect_dma source(%dma_start3A_815 : memref<64x128xf32, #tpu.memory_space<vmem>>) target(%dma_start3A_821 : memref<10240x128xf32, #tpu.memory_space<vmem_shared>>) offsets(%dma_start3A_818 : memref<64xi32, #tpu.memory_space<vmem>>) semaphore(%arg23 : memref<!tpu.dma_semaphore, #tpu.memory_space<semaphore_mem>>) {add = true}
      %scan3A_822 = arith.constant 0 : i32
      scf.yield %scan3A_822 : i32
    }
    %scan3A_431 = arith.constant 80 : i32
    %dma_wait3A_432 = arith.constant 1 : i32
    %dma_wait3A_433 = arith.constant 0 : i32
    %dma_wait3A_434 = arith.constant 1 : i32
    %dma_wait3A_435 = arith.constant 0 : i32
    %dma_wait3A_436 = arith.constant 0 : i32
    %dma_wait3A_437 = tpu.memref_slice %arg13[%dma_wait3A_432, %dma_wait3A_433, %dma_wait3A_436] : memref<2x2x64xf32, #tpu.memory_space<vmem>> -> memref<1x1x64xf32, #tpu.memory_space<vmem>>
    %dma_wait3A_438 = tpu.memref_squeeze %dma_wait3A_437 : memref<1x1x64xf32, #tpu.memory_space<vmem>> -> memref<64xf32, #tpu.memory_space<vmem>>
    %dma_wait3A_439 = arith.constant 0 : i32
    %dma_wait3A_440 = tpu.memref_slice %arg10[%dma_wait3A_434, %dma_wait3A_435, %dma_wait3A_439] : memref<6x2x64xi32, #tpu.memory_space<vmem>> -> memref<1x1x64xi32, #tpu.memory_space<vmem>>
    %dma_wait3A_441 = tpu.memref_squeeze %dma_wait3A_440 : memref<1x1x64xi32, #tpu.memory_space<vmem>> -> memref<64xi32, #tpu.memory_space<vmem>>
    %dma_wait3A_442 = arith.constant 0 : i32
    %dma_wait3A_443 = tpu.memref_slice %arg17[%dma_wait3A_442] : memref<10240xf32, #tpu.memory_space<vmem_shared>> -> memref<10240xf32, #tpu.memory_space<vmem_shared>>
    tpu.wait_indirect_dma semaphore(%arg24 : memref<!tpu.dma_semaphore, #tpu.memory_space<semaphore_mem>>) src(%dma_wait3A_438 : memref<64xf32, #tpu.memory_space<vmem>>) dst(%dma_wait3A_443 : memref<10240xf32, #tpu.memory_space<vmem_shared>>)
    %dma_wait3A_444 = arith.constant 0 : i32
    %dma_wait3A_445 = arith.constant 1 : i32
    %dma_wait3A_446 = arith.constant 0 : i32
    %dma_wait3A_447 = arith.constant 0 : i32
    %dma_wait3A_448 = arith.constant 0 : i32
    %dma_wait3A_449 = tpu.memref_slice %arg15[%dma_wait3A_444, %dma_wait3A_447, %dma_wait3A_448] : memref<2x64x128xf32, #tpu.memory_space<vmem>> -> memref<1x64x128xf32, #tpu.memory_space<vmem>>
    %dma_wait3A_450 = tpu.memref_squeeze %dma_wait3A_449 : memref<1x64x128xf32, #tpu.memory_space<vmem>> -> memref<64x128xf32, #tpu.memory_space<vmem>>
    %dma_wait3A_451 = arith.constant 0 : i32
    %dma_wait3A_452 = tpu.memref_slice %arg10[%dma_wait3A_445, %dma_wait3A_446, %dma_wait3A_451] : memref<6x2x64xi32, #tpu.memory_space<vmem>> -> memref<1x1x64xi32, #tpu.memory_space<vmem>>
    %dma_wait3A_453 = tpu.memref_squeeze %dma_wait3A_452 : memref<1x1x64xi32, #tpu.memory_space<vmem>> -> memref<64xi32, #tpu.memory_space<vmem>>
    %dma_wait3A_454 = arith.constant 0 : i32
    %dma_wait3A_455 = arith.constant 0 : i32
    %dma_wait3A_456 = tpu.memref_slice %arg16[%dma_wait3A_454, %dma_wait3A_455] : memref<10240x128xf32, #tpu.memory_space<vmem_shared>> -> memref<10240x128xf32, #tpu.memory_space<vmem_shared>>
    tpu.wait_indirect_dma semaphore(%arg23 : memref<!tpu.dma_semaphore, #tpu.memory_space<semaphore_mem>>) src(%dma_wait3A_450 : memref<64x128xf32, #tpu.memory_space<vmem>>) dst(%dma_wait3A_456 : memref<10240x128xf32, #tpu.memory_space<vmem_shared>>)
    %dma_wait3A_457 = arith.constant 1 : i32
    %dma_wait3A_458 = arith.constant 1 : i32
    %dma_wait3A_459 = arith.constant 1 : i32
    %dma_wait3A_460 = arith.constant 1 : i32
    %dma_wait3A_461 = arith.constant 0 : i32
    %dma_wait3A_462 = tpu.memref_slice %arg13[%dma_wait3A_457, %dma_wait3A_458, %dma_wait3A_461] : memref<2x2x64xf32, #tpu.memory_space<vmem>> -> memref<1x1x64xf32, #tpu.memory_space<vmem>>
    %dma_wait3A_463 = tpu.memref_squeeze %dma_wait3A_462 : memref<1x1x64xf32, #tpu.memory_space<vmem>> -> memref<64xf32, #tpu.memory_space<vmem>>
    %dma_wait3A_464 = arith.constant 0 : i32
    %dma_wait3A_465 = tpu.memref_slice %arg10[%dma_wait3A_459, %dma_wait3A_460, %dma_wait3A_464] : memref<6x2x64xi32, #tpu.memory_space<vmem>> -> memref<1x1x64xi32, #tpu.memory_space<vmem>>
    %dma_wait3A_466 = tpu.memref_squeeze %dma_wait3A_465 : memref<1x1x64xi32, #tpu.memory_space<vmem>> -> memref<64xi32, #tpu.memory_space<vmem>>
    %dma_wait3A_467 = arith.constant 0 : i32
    %dma_wait3A_468 = tpu.memref_slice %arg17[%dma_wait3A_467] : memref<10240xf32, #tpu.memory_space<vmem_shared>> -> memref<10240xf32, #tpu.memory_space<vmem_shared>>
    tpu.wait_indirect_dma semaphore(%arg24 : memref<!tpu.dma_semaphore, #tpu.memory_space<semaphore_mem>>) src(%dma_wait3A_463 : memref<64xf32, #tpu.memory_space<vmem>>) dst(%dma_wait3A_468 : memref<10240xf32, #tpu.memory_space<vmem_shared>>)
    %dma_wait3A_469 = arith.constant 1 : i32
    %dma_wait3A_470 = arith.constant 1 : i32
    %dma_wait3A_471 = arith.constant 1 : i32
    %dma_wait3A_472 = arith.constant 0 : i32
    %dma_wait3A_473 = arith.constant 0 : i32
    %dma_wait3A_474 = tpu.memref_slice %arg15[%dma_wait3A_469, %dma_wait3A_472, %dma_wait3A_473] : memref<2x64x128xf32, #tpu.memory_space<vmem>> -> memref<1x64x128xf32, #tpu.memory_space<vmem>>
    %dma_wait3A_475 = tpu.memref_squeeze %dma_wait3A_474 : memref<1x64x128xf32, #tpu.memory_space<vmem>> -> memref<64x128xf32, #tpu.memory_space<vmem>>
    %dma_wait3A_476 = arith.constant 0 : i32
    %dma_wait3A_477 = tpu.memref_slice %arg10[%dma_wait3A_470, %dma_wait3A_471, %dma_wait3A_476] : memref<6x2x64xi32, #tpu.memory_space<vmem>> -> memref<1x1x64xi32, #tpu.memory_space<vmem>>
    %dma_wait3A_478 = tpu.memref_squeeze %dma_wait3A_477 : memref<1x1x64xi32, #tpu.memory_space<vmem>> -> memref<64xi32, #tpu.memory_space<vmem>>
    %dma_wait3A_479 = arith.constant 0 : i32
    %dma_wait3A_480 = arith.constant 0 : i32
    %dma_wait3A_481 = tpu.memref_slice %arg16[%dma_wait3A_479, %dma_wait3A_480] : memref<10240x128xf32, #tpu.memory_space<vmem_shared>> -> memref<10240x128xf32, #tpu.memory_space<vmem_shared>>
    tpu.wait_indirect_dma semaphore(%arg23 : memref<!tpu.dma_semaphore, #tpu.memory_space<semaphore_mem>>) src(%dma_wait3A_475 : memref<64x128xf32, #tpu.memory_space<vmem>>) dst(%dma_wait3A_481 : memref<10240x128xf32, #tpu.memory_space<vmem_shared>>)
    %barrier3A_482 = arith.constant 0 : index
    tpu.barrier barrier_id(%barrier3A_482)
    %mul3A_483 = arith.constant 640 : i32
    %mul3A_484 = arith.muli %arg1, %mul3A_483 : i32
    %add3A_485 = arith.constant 0 : i32
    %add3A_486 = arith.addi %mul3A_484, %add3A_485 : i32
    "tpu.region"() ({
      %run_scoped3A_508 = tpu.sem_alloc : memref<!tpu.dma_semaphore, #tpu.memory_space<semaphore_mem>>
      %dma_start3A_509 = arith.constant 0 : i32
      %dma_start3A_510 = tpu.memref_slice %arg7[%arg0, %add3A_486, %dma_start3A_509] : memref<2x10240x128xf32, #tpu.memory_space<hbm>> -> memref<1x128x128xf32, #tpu.memory_space<hbm>>
      %dma_start3A_511 = tpu.memref_squeeze %dma_start3A_510 : memref<1x128x128xf32, #tpu.memory_space<hbm>> -> memref<128x128xf32, #tpu.memory_space<hbm>>
      %dma_start3A_512 = arith.constant 0 : i32
      %dma_start3A_513 = tpu.memref_slice %arg16[%add3A_486, %dma_start3A_512] : memref<10240x128xf32, #tpu.memory_space<vmem_shared>> -> memref<128x128xf32, #tpu.memory_space<vmem_shared>>
      tpu.enqueue_dma source(%dma_start3A_513 : memref<128x128xf32, #tpu.memory_space<vmem_shared>>) target(%dma_start3A_511 : memref<128x128xf32, #tpu.memory_space<hbm>>) target_semaphore(%run_scoped3A_508 : memref<!tpu.dma_semaphore, #tpu.memory_space<semaphore_mem>>)
      %dma_wait3A_514 = arith.constant 0 : i32
      %dma_wait3A_515 = tpu.memref_slice %arg7[%arg0, %add3A_486, %dma_wait3A_514] : memref<2x10240x128xf32, #tpu.memory_space<hbm>> -> memref<1x128x128xf32, #tpu.memory_space<hbm>>
      %dma_wait3A_516 = tpu.memref_squeeze %dma_wait3A_515 : memref<1x128x128xf32, #tpu.memory_space<hbm>> -> memref<128x128xf32, #tpu.memory_space<hbm>>
      %dma_wait3A_517 = arith.constant 0 : i32
      %dma_wait3A_518 = tpu.memref_slice %arg16[%add3A_486, %dma_wait3A_517] : memref<10240x128xf32, #tpu.memory_space<vmem_shared>> -> memref<128x128xf32, #tpu.memory_space<vmem_shared>>
      tpu.wait_dma2 semaphore(%run_scoped3A_508 : memref<!tpu.dma_semaphore, #tpu.memory_space<semaphore_mem>>) src(%dma_wait3A_518 : memref<128x128xf32, #tpu.memory_space<vmem_shared>>) dst(%dma_wait3A_516 : memref<128x128xf32, #tpu.memory_space<hbm>>)
      tpu.yield
    }) : () -> ()
    %mul3A_487 = arith.constant 640 : i32
    %mul3A_488 = arith.muli %arg1, %mul3A_487 : i32
    %add3A_489 = arith.constant 128 : i32
    %add3A_490 = arith.addi %mul3A_488, %add3A_489 : i32
    "tpu.region"() ({
      %run_scoped3A_508 = tpu.sem_alloc : memref<!tpu.dma_semaphore, #tpu.memory_space<semaphore_mem>>
      %dma_start3A_509 = arith.constant 0 : i32
      %dma_start3A_510 = tpu.memref_slice %arg7[%arg0, %add3A_490, %dma_start3A_509] : memref<2x10240x128xf32, #tpu.memory_space<hbm>> -> memref<1x128x128xf32, #tpu.memory_space<hbm>>
      %dma_start3A_511 = tpu.memref_squeeze %dma_start3A_510 : memref<1x128x128xf32, #tpu.memory_space<hbm>> -> memref<128x128xf32, #tpu.memory_space<hbm>>
      %dma_start3A_512 = arith.constant 0 : i32
      %dma_start3A_513 = tpu.memref_slice %arg16[%add3A_490, %dma_start3A_512] : memref<10240x128xf32, #tpu.memory_space<vmem_shared>> -> memref<128x128xf32, #tpu.memory_space<vmem_shared>>
      tpu.enqueue_dma source(%dma_start3A_513 : memref<128x128xf32, #tpu.memory_space<vmem_shared>>) target(%dma_start3A_511 : memref<128x128xf32, #tpu.memory_space<hbm>>) target_semaphore(%run_scoped3A_508 : memref<!tpu.dma_semaphore, #tpu.memory_space<semaphore_mem>>)
      %dma_wait3A_514 = arith.constant 0 : i32
      %dma_wait3A_515 = tpu.memref_slice %arg7[%arg0, %add3A_490, %dma_wait3A_514] : memref<2x10240x128xf32, #tpu.memory_space<hbm>> -> memref<1x128x128xf32, #tpu.memory_space<hbm>>
      %dma_wait3A_516 = tpu.memref_squeeze %dma_wait3A_515 : memref<1x128x128xf32, #tpu.memory_space<hbm>> -> memref<128x128xf32, #tpu.memory_space<hbm>>
      %dma_wait3A_517 = arith.constant 0 : i32
      %dma_wait3A_518 = tpu.memref_slice %arg16[%add3A_490, %dma_wait3A_517] : memref<10240x128xf32, #tpu.memory_space<vmem_shared>> -> memref<128x128xf32, #tpu.memory_space<vmem_shared>>
      tpu.wait_dma2 semaphore(%run_scoped3A_508 : memref<!tpu.dma_semaphore, #tpu.memory_space<semaphore_mem>>) src(%dma_wait3A_518 : memref<128x128xf32, #tpu.memory_space<vmem_shared>>) dst(%dma_wait3A_516 : memref<128x128xf32, #tpu.memory_space<hbm>>)
      tpu.yield
    }) : () -> ()
    %mul3A_491 = arith.constant 640 : i32
    %mul3A_492 = arith.muli %arg1, %mul3A_491 : i32
    %add3A_493 = arith.constant 256 : i32
    %add3A_494 = arith.addi %mul3A_492, %add3A_493 : i32
    "tpu.region"() ({
      %run_scoped3A_508 = tpu.sem_alloc : memref<!tpu.dma_semaphore, #tpu.memory_space<semaphore_mem>>
      %dma_start3A_509 = arith.constant 0 : i32
      %dma_start3A_510 = tpu.memref_slice %arg7[%arg0, %add3A_494, %dma_start3A_509] : memref<2x10240x128xf32, #tpu.memory_space<hbm>> -> memref<1x128x128xf32, #tpu.memory_space<hbm>>
      %dma_start3A_511 = tpu.memref_squeeze %dma_start3A_510 : memref<1x128x128xf32, #tpu.memory_space<hbm>> -> memref<128x128xf32, #tpu.memory_space<hbm>>
      %dma_start3A_512 = arith.constant 0 : i32
      %dma_start3A_513 = tpu.memref_slice %arg16[%add3A_494, %dma_start3A_512] : memref<10240x128xf32, #tpu.memory_space<vmem_shared>> -> memref<128x128xf32, #tpu.memory_space<vmem_shared>>
      tpu.enqueue_dma source(%dma_start3A_513 : memref<128x128xf32, #tpu.memory_space<vmem_shared>>) target(%dma_start3A_511 : memref<128x128xf32, #tpu.memory_space<hbm>>) target_semaphore(%run_scoped3A_508 : memref<!tpu.dma_semaphore, #tpu.memory_space<semaphore_mem>>)
      %dma_wait3A_514 = arith.constant 0 : i32
      %dma_wait3A_515 = tpu.memref_slice %arg7[%arg0, %add3A_494, %dma_wait3A_514] : memref<2x10240x128xf32, #tpu.memory_space<hbm>> -> memref<1x128x128xf32, #tpu.memory_space<hbm>>
      %dma_wait3A_516 = tpu.memref_squeeze %dma_wait3A_515 : memref<1x128x128xf32, #tpu.memory_space<hbm>> -> memref<128x128xf32, #tpu.memory_space<hbm>>
      %dma_wait3A_517 = arith.constant 0 : i32
      %dma_wait3A_518 = tpu.memref_slice %arg16[%add3A_494, %dma_wait3A_517] : memref<10240x128xf32, #tpu.memory_space<vmem_shared>> -> memref<128x128xf32, #tpu.memory_space<vmem_shared>>
      tpu.wait_dma2 semaphore(%run_scoped3A_508 : memref<!tpu.dma_semaphore, #tpu.memory_space<semaphore_mem>>) src(%dma_wait3A_518 : memref<128x128xf32, #tpu.memory_space<vmem_shared>>) dst(%dma_wait3A_516 : memref<128x128xf32, #tpu.memory_space<hbm>>)
      tpu.yield
    }) : () -> ()
    %mul3A_495 = arith.constant 640 : i32
    %mul3A_496 = arith.muli %arg1, %mul3A_495 : i32
    %add3A_497 = arith.constant 384 : i32
    %add3A_498 = arith.addi %mul3A_496, %add3A_497 : i32
    "tpu.region"() ({
      %run_scoped3A_508 = tpu.sem_alloc : memref<!tpu.dma_semaphore, #tpu.memory_space<semaphore_mem>>
      %dma_start3A_509 = arith.constant 0 : i32
      %dma_start3A_510 = tpu.memref_slice %arg7[%arg0, %add3A_498, %dma_start3A_509] : memref<2x10240x128xf32, #tpu.memory_space<hbm>> -> memref<1x128x128xf32, #tpu.memory_space<hbm>>
      %dma_start3A_511 = tpu.memref_squeeze %dma_start3A_510 : memref<1x128x128xf32, #tpu.memory_space<hbm>> -> memref<128x128xf32, #tpu.memory_space<hbm>>
      %dma_start3A_512 = arith.constant 0 : i32
      %dma_start3A_513 = tpu.memref_slice %arg16[%add3A_498, %dma_start3A_512] : memref<10240x128xf32, #tpu.memory_space<vmem_shared>> -> memref<128x128xf32, #tpu.memory_space<vmem_shared>>
      tpu.enqueue_dma source(%dma_start3A_513 : memref<128x128xf32, #tpu.memory_space<vmem_shared>>) target(%dma_start3A_511 : memref<128x128xf32, #tpu.memory_space<hbm>>) target_semaphore(%run_scoped3A_508 : memref<!tpu.dma_semaphore, #tpu.memory_space<semaphore_mem>>)
      %dma_wait3A_514 = arith.constant 0 : i32
      %dma_wait3A_515 = tpu.memref_slice %arg7[%arg0, %add3A_498, %dma_wait3A_514] : memref<2x10240x128xf32, #tpu.memory_space<hbm>> -> memref<1x128x128xf32, #tpu.memory_space<hbm>>
      %dma_wait3A_516 = tpu.memref_squeeze %dma_wait3A_515 : memref<1x128x128xf32, #tpu.memory_space<hbm>> -> memref<128x128xf32, #tpu.memory_space<hbm>>
      %dma_wait3A_517 = arith.constant 0 : i32
      %dma_wait3A_518 = tpu.memref_slice %arg16[%add3A_498, %dma_wait3A_517] : memref<10240x128xf32, #tpu.memory_space<vmem_shared>> -> memref<128x128xf32, #tpu.memory_space<vmem_shared>>
      tpu.wait_dma2 semaphore(%run_scoped3A_508 : memref<!tpu.dma_semaphore, #tpu.memory_space<semaphore_mem>>) src(%dma_wait3A_518 : memref<128x128xf32, #tpu.memory_space<vmem_shared>>) dst(%dma_wait3A_516 : memref<128x128xf32, #tpu.memory_space<hbm>>)
      tpu.yield
    }) : () -> ()
    %mul3A_499 = arith.constant 640 : i32
    %mul3A_500 = arith.muli %arg1, %mul3A_499 : i32
    %add3A_501 = arith.constant 512 : i32
    %add3A_502 = arith.addi %mul3A_500, %add3A_501 : i32
    "tpu.region"() ({
      %run_scoped3A_508 = tpu.sem_alloc : memref<!tpu.dma_semaphore, #tpu.memory_space<semaphore_mem>>
      %dma_start3A_509 = arith.constant 0 : i32
      %dma_start3A_510 = tpu.memref_slice %arg7[%arg0, %add3A_502, %dma_start3A_509] : memref<2x10240x128xf32, #tpu.memory_space<hbm>> -> memref<1x128x128xf32, #tpu.memory_space<hbm>>
      %dma_start3A_511 = tpu.memref_squeeze %dma_start3A_510 : memref<1x128x128xf32, #tpu.memory_space<hbm>> -> memref<128x128xf32, #tpu.memory_space<hbm>>
      %dma_start3A_512 = arith.constant 0 : i32
      %dma_start3A_513 = tpu.memref_slice %arg16[%add3A_502, %dma_start3A_512] : memref<10240x128xf32, #tpu.memory_space<vmem_shared>> -> memref<128x128xf32, #tpu.memory_space<vmem_shared>>
      tpu.enqueue_dma source(%dma_start3A_513 : memref<128x128xf32, #tpu.memory_space<vmem_shared>>) target(%dma_start3A_511 : memref<128x128xf32, #tpu.memory_space<hbm>>) target_semaphore(%run_scoped3A_508 : memref<!tpu.dma_semaphore, #tpu.memory_space<semaphore_mem>>)
      %dma_wait3A_514 = arith.constant 0 : i32
      %dma_wait3A_515 = tpu.memref_slice %arg7[%arg0, %add3A_502, %dma_wait3A_514] : memref<2x10240x128xf32, #tpu.memory_space<hbm>> -> memref<1x128x128xf32, #tpu.memory_space<hbm>>
      %dma_wait3A_516 = tpu.memref_squeeze %dma_wait3A_515 : memref<1x128x128xf32, #tpu.memory_space<hbm>> -> memref<128x128xf32, #tpu.memory_space<hbm>>
      %dma_wait3A_517 = arith.constant 0 : i32
      %dma_wait3A_518 = tpu.memref_slice %arg16[%add3A_502, %dma_wait3A_517] : memref<10240x128xf32, #tpu.memory_space<vmem_shared>> -> memref<128x128xf32, #tpu.memory_space<vmem_shared>>
      tpu.wait_dma2 semaphore(%run_scoped3A_508 : memref<!tpu.dma_semaphore, #tpu.memory_space<semaphore_mem>>) src(%dma_wait3A_518 : memref<128x128xf32, #tpu.memory_space<vmem_shared>>) dst(%dma_wait3A_516 : memref<128x128xf32, #tpu.memory_space<hbm>>)
      tpu.yield
    }) : () -> ()
    %eq3A_503 = arith.constant 0 : i32
    %eq3A_504 = arith.cmpi eq, %arg1, %eq3A_503 : i32
    %convert_element_type3A_505 = arith.extui %eq3A_504 : i1 to i32
    %cond3A_506 = arith.constant 0 : i32
    %cond3A_507 = arith.cmpi ne, %convert_element_type3A_505, %cond3A_506 : i32
    scf.if %cond3A_507 {
      "tpu.region"() ({
        %run_scoped3A_508 = tpu.sem_alloc : memref<!tpu.dma_semaphore, #tpu.memory_space<semaphore_mem>>
        %dma_start3A_509 = arith.constant 0 : i32
        %dma_start3A_510 = tpu.memref_slice %arg8[%arg0, %dma_start3A_509] : memref<2x10240xf32, #tpu.memory_space<hbm>> -> memref<1x10240xf32, #tpu.memory_space<hbm>>
        %dma_start3A_511 = tpu.memref_squeeze %dma_start3A_510 : memref<1x10240xf32, #tpu.memory_space<hbm>> -> memref<10240xf32, #tpu.memory_space<hbm>>
        tpu.enqueue_dma source(%arg17 : memref<10240xf32, #tpu.memory_space<vmem_shared>>) target(%dma_start3A_511 : memref<10240xf32, #tpu.memory_space<hbm>>) target_semaphore(%run_scoped3A_508 : memref<!tpu.dma_semaphore, #tpu.memory_space<semaphore_mem>>)
        %dma_wait3A_512 = arith.constant 0 : i32
        %dma_wait3A_513 = tpu.memref_slice %arg8[%arg0, %dma_wait3A_512] : memref<2x10240xf32, #tpu.memory_space<hbm>> -> memref<1x10240xf32, #tpu.memory_space<hbm>>
        %dma_wait3A_514 = tpu.memref_squeeze %dma_wait3A_513 : memref<1x10240xf32, #tpu.memory_space<hbm>> -> memref<10240xf32, #tpu.memory_space<hbm>>
        tpu.wait_dma2 semaphore(%run_scoped3A_508 : memref<!tpu.dma_semaphore, #tpu.memory_space<semaphore_mem>>) src(%arg17 : memref<10240xf32, #tpu.memory_space<vmem_shared>>) dst(%dma_wait3A_514 : memref<10240xf32, #tpu.memory_space<hbm>>)
        tpu.yield
      }) : () -> ()
    } else {
    }
    return
  }
}

module attributes {stable_mosaic.version = 14 : i64} {
  func.func @_prep_body(%arg0: i32, %arg1: memref<1024x128xf32, #tpu.memory_space<vmem>>, %arg2: memref<128x128xf32, #tpu.memory_space<vmem>>, %arg3: memref<128xf32, #tpu.memory_space<vmem>>, %arg4: memref<128xf32, #tpu.memory_space<vmem>>, %arg5: memref<1024x128xbf16, #tpu.memory_space<vmem>>, %arg6: memref<1024xf32, #tpu.memory_space<vmem>>, %arg7: memref<1024xf32, #tpu.memory_space<vmem>>) attributes {dimension_semantics = [#tpu.dimension_semantics<arbitrary>], iteration_bounds = array<i64: 10>, scalar_prefetch = 0 : i64, scratch_operands = 0 : i64, tpu.core_type = #tpu.core_type<tc>, window_params = [{transform_indices = @transform_0, window_bounds = array<i64: 1024, 128>}, {pipeline_mode = #tpu.pipeline_mode<synchronous>, transform_indices = @transform_1, window_bounds = array<i64: 128, 128>}, {pipeline_mode = #tpu.pipeline_mode<synchronous>, transform_indices = @transform_2, window_bounds = array<i64: 128>}, {pipeline_mode = #tpu.pipeline_mode<synchronous>, transform_indices = @transform_3, window_bounds = array<i64: 128>}, {transform_indices = @transform_4, window_bounds = array<i64: 1024, 128>}, {transform_indices = @transform_5, window_bounds = array<i64: 1024>}, {transform_indices = @transform_6, window_bounds = array<i64: 1024>}]} {
    %get3A = arith.constant 0 : index
    %get3A_0 = arith.constant 0 : index
    %get3A_1 = vector.load %arg1[%get3A, %get3A_0] : memref<1024x128xf32, #tpu.memory_space<vmem>>, vector<1024x128xf32>
    %get3A_2 = arith.constant 0 : index
    %get3A_3 = arith.constant 0 : index
    %get3A_4 = vector.load %arg2[%get3A_2, %get3A_3] : memref<128x128xf32, #tpu.memory_space<vmem>>, vector<128x128xf32>
    %dot_general3A = arith.constant dense<0.000000e+00> : vector<1024x128xf32>
    %dot_general3A_5 = tpu.matmul %get3A_1, %get3A_4, %dot_general3A {dimension_numbers = #tpu.dot_dimension_numbers<[1], [0], [0], [1], [0, 0, 1, 1], [], []>, transpose_lhs_hint = false} : vector<1024x128xf32>, vector<128x128xf32>, vector<1024x128xf32> -> vector<1024x128xf32>
    %convert_element_type3A = arith.truncf %dot_general3A_5 : vector<1024x128xf32> to vector<1024x128xbf16>
    %swap3A = arith.constant 0 : index
    %swap3A_6 = arith.constant 0 : index
    %swap3A_7 = vector.load %arg5[%swap3A, %swap3A_6] : memref<1024x128xbf16, #tpu.memory_space<vmem>>, vector<1024x128xbf16>
    tpu.vector_store %arg5[%swap3A, %swap3A_6], %convert_element_type3A {strides = array<i32>} : memref<1024x128xbf16, #tpu.memory_space<vmem>>, vector<1024x128xbf16>,
    %get3A_8 = arith.constant 0 : index
    %get3A_9 = vector.load %arg3[%get3A_8] : memref<128xf32, #tpu.memory_space<vmem>>, vector<128xf32>
    %broadcast_in_dim3A = vector.shape_cast %get3A_9 : vector<128xf32> to vector<1x128xf32>
    %mul3A = vector.broadcast %broadcast_in_dim3A : vector<1x128xf32> to vector<1024x128xf32>
    %mul3A_10 = arith.mulf %dot_general3A_5, %mul3A : vector<1024x128xf32>
    %reduce_sum3A = arith.constant dense<0.000000e+00> : vector<1024xf32>
    %reduce_sum3A_11 = vector.multi_reduction <add>, %mul3A_10, %reduce_sum3A [1] : vector<1024x128xf32> to vector<1024xf32>
    %swap3A_12 = arith.constant 0 : index
    %swap3A_13 = vector.load %arg6[%swap3A_12] : memref<1024xf32, #tpu.memory_space<vmem>>, vector<1024xf32>
    tpu.vector_store %arg6[%swap3A_12], %reduce_sum3A_11 {strides = array<i32>} : memref<1024xf32, #tpu.memory_space<vmem>>, vector<1024xf32>,
    %get3A_14 = arith.constant 0 : index
    %get3A_15 = vector.load %arg4[%get3A_14] : memref<128xf32, #tpu.memory_space<vmem>>, vector<128xf32>
    %broadcast_in_dim3A_16 = vector.shape_cast %get3A_15 : vector<128xf32> to vector<1x128xf32>
    %mul3A_17 = vector.broadcast %broadcast_in_dim3A_16 : vector<1x128xf32> to vector<1024x128xf32>
    %mul3A_18 = arith.mulf %dot_general3A_5, %mul3A_17 : vector<1024x128xf32>
    %reduce_sum3A_19 = arith.constant dense<0.000000e+00> : vector<1024xf32>
    %reduce_sum3A_20 = vector.multi_reduction <add>, %mul3A_18, %reduce_sum3A_19 [1] : vector<1024x128xf32> to vector<1024xf32>
    %swap3A_21 = arith.constant 0 : index
    %swap3A_22 = vector.load %arg7[%swap3A_21] : memref<1024xf32, #tpu.memory_space<vmem>>, vector<1024xf32>
    tpu.vector_store %arg7[%swap3A_21], %reduce_sum3A_20 {strides = array<i32>} : memref<1024xf32, #tpu.memory_space<vmem>>, vector<1024xf32>,
    return
  }
  func.func @transform_0(%arg0: i32) -> (i32, i32) {
    %c0_i32 = arith.constant 0 : i32
    %c0_i32_0 = arith.constant 0 : i32
    return %arg0, %c0_i32 : i32, i32
  }
  func.func @transform_1(%arg0: i32) -> (i32, i32) {
    %c0_i32 = arith.constant 0 : i32
    %c0_i32_0 = arith.constant 0 : i32
    %c0_i32_1 = arith.constant 0 : i32
    return %c0_i32, %c0_i32_0 : i32, i32
  }
  func.func @transform_2(%arg0: i32) -> i32 {
    %c0_i32 = arith.constant 0 : i32
    %c0_i32_0 = arith.constant 0 : i32
    return %c0_i32 : i32
  }
  func.func @transform_3(%arg0: i32) -> i32 {
    %c0_i32 = arith.constant 0 : i32
    %c0_i32_0 = arith.constant 0 : i32
    return %c0_i32 : i32
  }
  func.func @transform_4(%arg0: i32) -> (i32, i32) {
    %c0_i32 = arith.constant 0 : i32
    %c0_i32_0 = arith.constant 0 : i32
    return %arg0, %c0_i32 : i32, i32
  }
  func.func @transform_5(%arg0: i32) -> i32 {
    %c0_i32 = arith.constant 0 : i32
    return %arg0 : i32
  }
  func.func @transform_6(%arg0: i32) -> i32 {
    %c0_i32 = arith.constant 0 : i32
    return %arg0 : i32
  }
}

module attributes {stable_mosaic.version = 14 : i64} {
  func.func @_merge_body(%arg0: i32, %arg1: memref<2x1024x128xf32, #tpu.memory_space<vmem>>, %arg2: memref<2x1024xf32, #tpu.memory_space<vmem>>, %arg3: memref<128xf32, #tpu.memory_space<vmem>>, %arg4: memref<128x128xf32, #tpu.memory_space<vmem>>, %arg5: memref<128xf32, #tpu.memory_space<vmem>>, %arg6: memref<128xf32, #tpu.memory_space<vmem>>, %arg7: memref<1024x128xbf16, #tpu.memory_space<vmem>>, %arg8: memref<1024xf32, #tpu.memory_space<vmem>>, %arg9: memref<1024xf32, #tpu.memory_space<vmem>>) attributes {dimension_semantics = [#tpu.dimension_semantics<arbitrary>], iteration_bounds = array<i64: 10>, scalar_prefetch = 0 : i64, scratch_operands = 0 : i64, tpu.core_type = #tpu.core_type<tc>, window_params = [{transform_indices = @transform_0, window_bounds = array<i64: 2, 1024, 128>}, {transform_indices = @transform_1, window_bounds = array<i64: 2, 1024>}, {pipeline_mode = #tpu.pipeline_mode<synchronous>, transform_indices = @transform_2, window_bounds = array<i64: 128>}, {pipeline_mode = #tpu.pipeline_mode<synchronous>, transform_indices = @transform_3, window_bounds = array<i64: 128, 128>}, {pipeline_mode = #tpu.pipeline_mode<synchronous>, transform_indices = @transform_4, window_bounds = array<i64: 128>}, {pipeline_mode = #tpu.pipeline_mode<synchronous>, transform_indices = @transform_5, window_bounds = array<i64: 128>}, {transform_indices = @transform_6, window_bounds = array<i64: 1024, 128>}, {transform_indices = @transform_7, window_bounds = array<i64: 1024>}, {transform_indices = @transform_8, window_bounds = array<i64: 1024>}]} {
    %get3A = arith.constant 0 : index
    %get3A_0 = arith.constant 0 : index
    %get3A_1 = vector.load %arg2[%get3A, %get3A_0] : memref<2x1024xf32, #tpu.memory_space<vmem>>, vector<1x1024xf32>
    %get3A_2 = vector.shape_cast %get3A_1 : vector<1x1024xf32> to vector<1024xf32>
    %get3A_3 = arith.constant 1 : index
    %get3A_4 = arith.constant 0 : index
    %get3A_5 = vector.load %arg2[%get3A_3, %get3A_4] : memref<2x1024xf32, #tpu.memory_space<vmem>>, vector<1x1024xf32>
    %get3A_6 = vector.shape_cast %get3A_5 : vector<1x1024xf32> to vector<1024xf32>
    %add3A = arith.addf %get3A_2, %get3A_6 : vector<1024xf32>
    %add3A_7 = arith.constant 1.000000e-16 : f32
    %add3A_8 = vector.broadcast %add3A_7 : f32 to vector<1024xf32>
    %add3A_9 = arith.addf %add3A, %add3A_8 : vector<1024xf32>
    %get3A_10 = arith.constant 0 : index
    %get3A_11 = arith.constant 0 : index
    %get3A_12 = arith.constant 0 : index
    %get3A_13 = vector.load %arg1[%get3A_10, %get3A_11, %get3A_12] : memref<2x1024x128xf32, #tpu.memory_space<vmem>>, vector<1x1024x128xf32>
    %get3A_14 = vector.shape_cast %get3A_13 : vector<1x1024x128xf32> to vector<1024x128xf32>
    %get3A_15 = arith.constant 1 : index
    %get3A_16 = arith.constant 0 : index
    %get3A_17 = arith.constant 0 : index
    %get3A_18 = vector.load %arg1[%get3A_15, %get3A_16, %get3A_17] : memref<2x1024x128xf32, #tpu.memory_space<vmem>>, vector<1x1024x128xf32>
    %get3A_19 = vector.shape_cast %get3A_18 : vector<1x1024x128xf32> to vector<1024x128xf32>
    %add3A_20 = arith.addf %get3A_14, %get3A_19 : vector<1024x128xf32>
    %broadcast_in_dim3A = vector.shape_cast %add3A_9 : vector<1024xf32> to vector<1024x1xf32>
    %div3A = vector.broadcast %broadcast_in_dim3A : vector<1024x1xf32> to vector<1024x128xf32>
    %div3A_21 = arith.divf %add3A_20, %div3A : vector<1024x128xf32>
    %get3A_22 = arith.constant 0 : index
    %get3A_23 = vector.load %arg3[%get3A_22] : memref<128xf32, #tpu.memory_space<vmem>>, vector<128xf32>
    %broadcast_in_dim3A_24 = vector.shape_cast %get3A_23 : vector<128xf32> to vector<1x128xf32>
    %add3A_25 = vector.broadcast %broadcast_in_dim3A_24 : vector<1x128xf32> to vector<1024x128xf32>
    %add3A_26 = arith.addf %div3A_21, %add3A_25 : vector<1024x128xf32>
    %max3A = arith.constant 0.000000e+00 : f32
    %max3A_27 = vector.broadcast %max3A : f32 to vector<1024x128xf32>
    %max3A_28 = arith.maximumf %add3A_26, %max3A_27 : vector<1024x128xf32>
    %get3A_29 = arith.constant 0 : index
    %get3A_30 = arith.constant 0 : index
    %get3A_31 = vector.load %arg4[%get3A_29, %get3A_30] : memref<128x128xf32, #tpu.memory_space<vmem>>, vector<128x128xf32>
    %dot_general3A = arith.constant dense<0.000000e+00> : vector<1024x128xf32>
    %dot_general3A_32 = tpu.matmul %max3A_28, %get3A_31, %dot_general3A {dimension_numbers = #tpu.dot_dimension_numbers<[1], [0], [0], [1], [0, 0, 1, 1], [], []>, transpose_lhs_hint = false} : vector<1024x128xf32>, vector<128x128xf32>, vector<1024x128xf32> -> vector<1024x128xf32>
    %convert_element_type3A = arith.truncf %dot_general3A_32 : vector<1024x128xf32> to vector<1024x128xbf16>
    %swap3A = arith.constant 0 : index
    %swap3A_33 = arith.constant 0 : index
    %swap3A_34 = vector.load %arg7[%swap3A, %swap3A_33] : memref<1024x128xbf16, #tpu.memory_space<vmem>>, vector<1024x128xbf16>
    tpu.vector_store %arg7[%swap3A, %swap3A_33], %convert_element_type3A {strides = array<i32>} : memref<1024x128xbf16, #tpu.memory_space<vmem>>, vector<1024x128xbf16>,
    %get3A_35 = arith.constant 0 : index
    %get3A_36 = vector.load %arg5[%get3A_35] : memref<128xf32, #tpu.memory_space<vmem>>, vector<128xf32>
    %broadcast_in_dim3A_37 = vector.shape_cast %get3A_36 : vector<128xf32> to vector<1x128xf32>
    %mul3A = vector.broadcast %broadcast_in_dim3A_37 : vector<1x128xf32> to vector<1024x128xf32>
    %mul3A_38 = arith.mulf %dot_general3A_32, %mul3A : vector<1024x128xf32>
    %reduce_sum3A = arith.constant dense<0.000000e+00> : vector<1024xf32>
    %reduce_sum3A_39 = vector.multi_reduction <add>, %mul3A_38, %reduce_sum3A [1] : vector<1024x128xf32> to vector<1024xf32>
    %swap3A_40 = arith.constant 0 : index
    %swap3A_41 = vector.load %arg8[%swap3A_40] : memref<1024xf32, #tpu.memory_space<vmem>>, vector<1024xf32>
    tpu.vector_store %arg8[%swap3A_40], %reduce_sum3A_39 {strides = array<i32>} : memref<1024xf32, #tpu.memory_space<vmem>>, vector<1024xf32>,
    %get3A_42 = arith.constant 0 : index
    %get3A_43 = vector.load %arg6[%get3A_42] : memref<128xf32, #tpu.memory_space<vmem>>, vector<128xf32>
    %broadcast_in_dim3A_44 = vector.shape_cast %get3A_43 : vector<128xf32> to vector<1x128xf32>
    %mul3A_45 = vector.broadcast %broadcast_in_dim3A_44 : vector<1x128xf32> to vector<1024x128xf32>
    %mul3A_46 = arith.mulf %dot_general3A_32, %mul3A_45 : vector<1024x128xf32>
    %reduce_sum3A_47 = arith.constant dense<0.000000e+00> : vector<1024xf32>
    %reduce_sum3A_48 = vector.multi_reduction <add>, %mul3A_46, %reduce_sum3A_47 [1] : vector<1024x128xf32> to vector<1024xf32>
    %swap3A_49 = arith.constant 0 : index
    %swap3A_50 = vector.load %arg9[%swap3A_49] : memref<1024xf32, #tpu.memory_space<vmem>>, vector<1024xf32>
    tpu.vector_store %arg9[%swap3A_49], %reduce_sum3A_48 {strides = array<i32>} : memref<1024xf32, #tpu.memory_space<vmem>>, vector<1024xf32>,
    return
  }
  func.func @transform_0(%arg0: i32) -> (i32, i32, i32) {
    %c0_i32 = arith.constant 0 : i32
    %c0_i32_0 = arith.constant 0 : i32
    %c0_i32_1 = arith.constant 0 : i32
    return %c0_i32, %arg0, %c0_i32_0 : i32, i32, i32
  }
  func.func @transform_1(%arg0: i32) -> (i32, i32) {
    %c0_i32 = arith.constant 0 : i32
    %c0_i32_0 = arith.constant 0 : i32
    return %c0_i32, %arg0 : i32, i32
  }
  func.func @transform_2(%arg0: i32) -> i32 {
    %c0_i32 = arith.constant 0 : i32
    %c0_i32_0 = arith.constant 0 : i32
    return %c0_i32 : i32
  }
  func.func @transform_3(%arg0: i32) -> (i32, i32) {
    %c0_i32 = arith.constant 0 : i32
    %c0_i32_0 = arith.constant 0 : i32
    %c0_i32_1 = arith.constant 0 : i32
    return %c0_i32, %c0_i32_0 : i32, i32
  }
  func.func @transform_4(%arg0: i32) -> i32 {
    %c0_i32 = arith.constant 0 : i32
    %c0_i32_0 = arith.constant 0 : i32
    return %c0_i32 : i32
  }
  func.func @transform_5(%arg0: i32) -> i32 {
    %c0_i32 = arith.constant 0 : i32
    %c0_i32_0 = arith.constant 0 : i32
    return %c0_i32 : i32
  }
  func.func @transform_6(%arg0: i32) -> (i32, i32) {
    %c0_i32 = arith.constant 0 : i32
    %c0_i32_0 = arith.constant 0 : i32
    return %arg0, %c0_i32 : i32, i32
  }
  func.func @transform_7(%arg0: i32) -> i32 {
    %c0_i32 = arith.constant 0 : i32
    return %arg0 : i32
  }
  func.func @transform_8(%arg0: i32) -> i32 {
    %c0_i32 = arith.constant 0 : i32
    return %arg0 : i32
  }
}

module attributes {stable_mosaic.version = 14 : i64} {
  func.func @_final_body(%arg0: i32, %arg1: memref<2x1024x128xf32, #tpu.memory_space<vmem>>, %arg2: memref<2x1024xf32, #tpu.memory_space<vmem>>, %arg3: memref<128xf32, #tpu.memory_space<vmem>>, %arg4: memref<1024xi32, #tpu.memory_space<vmem>>, %arg5: memref<128x128xf32, #tpu.memory_space<vmem>>, %arg6: memref<128xf32, #tpu.memory_space<vmem>>, %arg7: memref<64x128xf32, #tpu.memory_space<vmem>>, %arg8: memref<64x128xf32, #tpu.memory_space<vmem>>, %arg9: memref<64xf32, #tpu.memory_space<vmem>>) attributes {dimension_semantics = [#tpu.dimension_semantics<arbitrary>], iteration_bounds = array<i64: 10>, scalar_prefetch = 0 : i64, scratch_operands = 2 : i64, tpu.core_type = #tpu.core_type<tc>, window_params = [{transform_indices = @transform_0, window_bounds = array<i64: 2, 1024, 128>}, {transform_indices = @transform_1, window_bounds = array<i64: 2, 1024>}, {pipeline_mode = #tpu.pipeline_mode<synchronous>, transform_indices = @transform_2, window_bounds = array<i64: 128>}, {transform_indices = @transform_3, window_bounds = array<i64: 1024>}, {pipeline_mode = #tpu.pipeline_mode<synchronous>, transform_indices = @transform_4, window_bounds = array<i64: 128, 128>}, {pipeline_mode = #tpu.pipeline_mode<synchronous>, transform_indices = @transform_5, window_bounds = array<i64: 128>}, {pipeline_mode = #tpu.pipeline_mode<synchronous>, transform_indices = @transform_6, window_bounds = array<i64: 64, 128>}]} {
    %eq3A = arith.constant 0 : i32
    %eq3A_0 = arith.cmpi eq, %arg0, %eq3A : i32
    %convert_element_type3A = arith.extui %eq3A_0 : i1 to i32
    %cond3A = arith.constant 0 : i32
    %cond3A_1 = arith.cmpi ne, %convert_element_type3A, %cond3A : i32
    scf.if %cond3A_1 {
      %broadcast_in_dim3A_54 = arith.constant 0.000000e+00 : f32
      %broadcast_in_dim3A_55 = vector.broadcast %broadcast_in_dim3A_54 : f32 to vector<64x128xf32>
      %swap3A_56 = arith.constant 0 : index
      %swap3A_57 = arith.constant 0 : index
      %swap3A_58 = vector.load %arg8[%swap3A_56, %swap3A_57] : memref<64x128xf32, #tpu.memory_space<vmem>>, vector<64x128xf32>
      tpu.vector_store %arg8[%swap3A_56, %swap3A_57], %broadcast_in_dim3A_55 {strides = array<i32>} : memref<64x128xf32, #tpu.memory_space<vmem>>, vector<64x128xf32>,
      %broadcast_in_dim3A_59 = arith.constant 0.000000e+00 : f32
      %broadcast_in_dim3A_60 = vector.broadcast %broadcast_in_dim3A_59 : f32 to vector<64xf32>
      %swap3A_61 = arith.constant 0 : index
      %swap3A_62 = vector.load %arg9[%swap3A_61] : memref<64xf32, #tpu.memory_space<vmem>>, vector<64xf32>
      tpu.vector_store %arg9[%swap3A_61], %broadcast_in_dim3A_60 {strides = array<i32>} : memref<64xf32, #tpu.memory_space<vmem>>, vector<64xf32>,
    } else {
    }
    %get3A = arith.constant 0 : index
    %get3A_2 = arith.constant 0 : index
    %get3A_3 = vector.load %arg2[%get3A, %get3A_2] : memref<2x1024xf32, #tpu.memory_space<vmem>>, vector<1x1024xf32>
    %get3A_4 = vector.shape_cast %get3A_3 : vector<1x1024xf32> to vector<1024xf32>
    %get3A_5 = arith.constant 1 : index
    %get3A_6 = arith.constant 0 : index
    %get3A_7 = vector.load %arg2[%get3A_5, %get3A_6] : memref<2x1024xf32, #tpu.memory_space<vmem>>, vector<1x1024xf32>
    %get3A_8 = vector.shape_cast %get3A_7 : vector<1x1024xf32> to vector<1024xf32>
    %add3A = arith.addf %get3A_4, %get3A_8 : vector<1024xf32>
    %add3A_9 = arith.constant 1.000000e-16 : f32
    %add3A_10 = vector.broadcast %add3A_9 : f32 to vector<1024xf32>
    %add3A_11 = arith.addf %add3A, %add3A_10 : vector<1024xf32>
    %get3A_12 = arith.constant 0 : index
    %get3A_13 = arith.constant 0 : index
    %get3A_14 = arith.constant 0 : index
    %get3A_15 = vector.load %arg1[%get3A_12, %get3A_13, %get3A_14] : memref<2x1024x128xf32, #tpu.memory_space<vmem>>, vector<1x1024x128xf32>
    %get3A_16 = vector.shape_cast %get3A_15 : vector<1x1024x128xf32> to vector<1024x128xf32>
    %get3A_17 = arith.constant 1 : index
    %get3A_18 = arith.constant 0 : index
    %get3A_19 = arith.constant 0 : index
    %get3A_20 = vector.load %arg1[%get3A_17, %get3A_18, %get3A_19] : memref<2x1024x128xf32, #tpu.memory_space<vmem>>, vector<1x1024x128xf32>
    %get3A_21 = vector.shape_cast %get3A_20 : vector<1x1024x128xf32> to vector<1024x128xf32>
    %add3A_22 = arith.addf %get3A_16, %get3A_21 : vector<1024x128xf32>
    %broadcast_in_dim3A = vector.shape_cast %add3A_11 : vector<1024xf32> to vector<1024x1xf32>
    %div3A = vector.broadcast %broadcast_in_dim3A : vector<1024x1xf32> to vector<1024x128xf32>
    %div3A_23 = arith.divf %add3A_22, %div3A : vector<1024x128xf32>
    %get3A_24 = arith.constant 0 : index
    %get3A_25 = vector.load %arg3[%get3A_24] : memref<128xf32, #tpu.memory_space<vmem>>, vector<128xf32>
    %broadcast_in_dim3A_26 = vector.shape_cast %get3A_25 : vector<128xf32> to vector<1x128xf32>
    %add3A_27 = vector.broadcast %broadcast_in_dim3A_26 : vector<1x128xf32> to vector<1024x128xf32>
    %add3A_28 = arith.addf %div3A_23, %add3A_27 : vector<1024x128xf32>
    %iota3A = tpu.iota {dimensions = array<i32: 0>} : vector<64x1024xi32>
    %get3A_29 = arith.constant 0 : index
    %get3A_30 = vector.load %arg4[%get3A_29] : memref<1024xi32, #tpu.memory_space<vmem>>, vector<1024xi32>
    %broadcast_in_dim3A_31 = vector.shape_cast %get3A_30 : vector<1024xi32> to vector<1x1024xi32>
    %eq3A_32 = vector.broadcast %broadcast_in_dim3A_31 : vector<1x1024xi32> to vector<64x1024xi32>
    %eq3A_33 = arith.cmpi eq, %iota3A, %eq3A_32 : vector<64x1024xi32>
    %convert_element_type3A_34 = arith.extui %eq3A_33 : vector<64x1024xi1> to vector<64x1024xi32>
    %convert_element_type3A_35 = arith.sitofp %convert_element_type3A_34 : vector<64x1024xi32> to vector<64x1024xf32>
    %get3A_36 = arith.constant 0 : index
    %get3A_37 = arith.constant 0 : index
    %get3A_38 = vector.load %arg8[%get3A_36, %get3A_37] : memref<64x128xf32, #tpu.memory_space<vmem>>, vector<64x128xf32>
    %dot_general3A = arith.constant dense<0.000000e+00> : vector<64x128xf32>
    %dot_general3A_39 = tpu.matmul %convert_element_type3A_35, %add3A_28, %dot_general3A {dimension_numbers = #tpu.dot_dimension_numbers<[1], [0], [0], [1], [0, 0, 1, 1], [], []>, transpose_lhs_hint = false} : vector<64x1024xf32>, vector<1024x128xf32>, vector<64x128xf32> -> vector<64x128xf32>
    %add3A_40 = arith.addf %get3A_38, %dot_general3A_39 : vector<64x128xf32>
    %swap3A = arith.constant 0 : index
    %swap3A_41 = arith.constant 0 : index
    %swap3A_42 = vector.load %arg8[%swap3A, %swap3A_41] : memref<64x128xf32, #tpu.memory_space<vmem>>, vector<64x128xf32>
    tpu.vector_store %arg8[%swap3A, %swap3A_41], %add3A_40 {strides = array<i32>} : memref<64x128xf32, #tpu.memory_space<vmem>>, vector<64x128xf32>,
    %get3A_43 = arith.constant 0 : index
    %get3A_44 = vector.load %arg9[%get3A_43] : memref<64xf32, #tpu.memory_space<vmem>>, vector<64xf32>
    %reduce_sum3A = arith.constant dense<0.000000e+00> : vector<64xf32>
    %reduce_sum3A_45 = vector.multi_reduction <add>, %convert_element_type3A_35, %reduce_sum3A [1] : vector<64x1024xf32> to vector<64xf32>
    %add3A_46 = arith.addf %get3A_44, %reduce_sum3A_45 : vector<64xf32>
    %swap3A_47 = arith.constant 0 : index
    %swap3A_48 = vector.load %arg9[%swap3A_47] : memref<64xf32, #tpu.memory_space<vmem>>, vector<64xf32>
    tpu.vector_store %arg9[%swap3A_47], %add3A_46 {strides = array<i32>} : memref<64xf32, #tpu.memory_space<vmem>>, vector<64xf32>,
    %eq3A_49 = arith.constant 9 : i32
    %eq3A_50 = arith.cmpi eq, %arg0, %eq3A_49 : i32
    %convert_element_type3A_51 = arith.extui %eq3A_50 : i1 to i32
    %cond3A_52 = arith.constant 0 : i32
    %cond3A_53 = arith.cmpi ne, %convert_element_type3A_51, %cond3A_52 : i32
    scf.if %cond3A_53 {
      %get3A_54 = arith.constant 0 : index
      %get3A_55 = arith.constant 0 : index
      %get3A_56 = vector.load %arg8[%get3A_54, %get3A_55] : memref<64x128xf32, #tpu.memory_space<vmem>>, vector<64x128xf32>
      %get3A_57 = arith.constant 0 : index
      %get3A_58 = vector.load %arg9[%get3A_57] : memref<64xf32, #tpu.memory_space<vmem>>, vector<64xf32>
      %max3A = arith.constant 1.000000e+00 : f32
      %max3A_59 = vector.broadcast %max3A : f32 to vector<64xf32>
      %max3A_60 = arith.maximumf %get3A_58, %max3A_59 : vector<64xf32>
      %broadcast_in_dim3A_61 = vector.shape_cast %max3A_60 : vector<64xf32> to vector<64x1xf32>
      %div3A_62 = vector.broadcast %broadcast_in_dim3A_61 : vector<64x1xf32> to vector<64x128xf32>
      %div3A_63 = arith.divf %get3A_56, %div3A_62 : vector<64x128xf32>
      %get3A_64 = arith.constant 0 : index
      %get3A_65 = arith.constant 0 : index
      %get3A_66 = vector.load %arg5[%get3A_64, %get3A_65] : memref<128x128xf32, #tpu.memory_space<vmem>>, vector<128x128xf32>
      %dot_general3A_67 = arith.constant dense<0.000000e+00> : vector<64x128xf32>
      %dot_general3A_68 = tpu.matmul %div3A_63, %get3A_66, %dot_general3A_67 {dimension_numbers = #tpu.dot_dimension_numbers<[1], [0], [0], [1], [0, 0, 1, 1], [], []>, transpose_lhs_hint = false} : vector<64x128xf32>, vector<128x128xf32>, vector<64x128xf32> -> vector<64x128xf32>
      %get3A_69 = arith.constant 0 : index
      %get3A_70 = vector.load %arg6[%get3A_69] : memref<128xf32, #tpu.memory_space<vmem>>, vector<128xf32>
      %broadcast_in_dim3A_71 = vector.shape_cast %get3A_70 : vector<128xf32> to vector<1x128xf32>
      %add3A_72 = vector.broadcast %broadcast_in_dim3A_71 : vector<1x128xf32> to vector<64x128xf32>
      %add3A_73 = arith.addf %dot_general3A_68, %add3A_72 : vector<64x128xf32>
      %swap3A_74 = arith.constant 0 : index
      %swap3A_75 = arith.constant 0 : index
      %swap3A_76 = vector.load %arg7[%swap3A_74, %swap3A_75] : memref<64x128xf32, #tpu.memory_space<vmem>>, vector<64x128xf32>
      tpu.vector_store %arg7[%swap3A_74, %swap3A_75], %add3A_73 {strides = array<i32>} : memref<64x128xf32, #tpu.memory_space<vmem>>, vector<64x128xf32>,
    } else {
    }
    return
  }
  func.func @transform_0(%arg0: i32) -> (i32, i32, i32) {
    %c0_i32 = arith.constant 0 : i32
    %c0_i32_0 = arith.constant 0 : i32
    %c0_i32_1 = arith.constant 0 : i32
    return %c0_i32, %arg0, %c0_i32_0 : i32, i32, i32
  }
  func.func @transform_1(%arg0: i32) -> (i32, i32) {
    %c0_i32 = arith.constant 0 : i32
    %c0_i32_0 = arith.constant 0 : i32
    return %c0_i32, %arg0 : i32, i32
  }
  func.func @transform_2(%arg0: i32) -> i32 {
    %c0_i32 = arith.constant 0 : i32
    %c0_i32_0 = arith.constant 0 : i32
    return %c0_i32 : i32
  }
  func.func @transform_3(%arg0: i32) -> i32 {
    %c0_i32 = arith.constant 0 : i32
    return %arg0 : i32
  }
  func.func @transform_4(%arg0: i32) -> (i32, i32) {
    %c0_i32 = arith.constant 0 : i32
    %c0_i32_0 = arith.constant 0 : i32
    %c0_i32_1 = arith.constant 0 : i32
    return %c0_i32, %c0_i32_0 : i32, i32
  }
  func.func @transform_5(%arg0: i32) -> i32 {
    %c0_i32 = arith.constant 0 : i32
    %c0_i32_0 = arith.constant 0 : i32
    return %c0_i32 : i32
  }
  func.func @transform_6(%arg0: i32) -> (i32, i32) {
    %c0_i32 = arith.constant 0 : i32
    %c0_i32_0 = arith.constant 0 : i32
    %c0_i32_1 = arith.constant 0 : i32
    return %c0_i32, %c0_i32_0 : i32, i32
  }
}

</mosaic_0001>

<sc_bundles>
// kernel: closed_call.25.cloned.1.call-start
scs
__scs_entry_jumppad:
0x0: {  	(pc) =	sbr.rel $0x88, $3  }
0x1: {  	(tag) =	ssettag $0x0;
	lr =	simm.s32 $0x1  }
0x2: {  	[smem:$0x3F90] =	sst lr;
	_ =	strace $0xD0000000  }
0x3: {  	_ = 	snop  }
0x4: {  	_ = 	snop  }
0x5: {  	_ = 	snop  }
0x6: {  	_ = 	snop  }
0x7: {  	_ = 	snop  }
__scs_overlays_trampoline_lowered:
0x8: {  	[smem:$0x3F9F] =	sst s0  }
0x9: {  	[smem:$0x3FA0] =	sst s1  }
0xa: {  	[smem:$0x3FA1] =	sst s2  }
0xb: {  	[smem:$0x3FA2] =	sst s3  }
0xc: {  	[smem:$0x3FA3] =	sst s4  }
0xd: {  	[smem:$0x3FA4] =	sst s5  }
0xe: {  	[smem:$0x3FA5] =	sst s6  }
0xf: {  	[smem:$0x3FA6] =	sst s7  }
0x10: {  	[smem:$0x3FA7] =	sst s8  }
0x11: {  	[smem:$0x3FA8] =	sst s9;
	s0 =	simm.s32 @!p0 $0x0  }
0x12: {  	s1 =	sld [smem:$0x3F8E];
	s0 =	simm.s32 @p0 $0x1  }
0x13: {  	[smem:$0x3FA9] =	sst s0;
	s0 =	simm.s32 @!p1 $0x0  }
0x14: {  	s2 =	sld [smem:$0x3F8D];
	s0 =	simm.s32 @p1 $0x1  }
0x15: {  	[smem:$0x3FAA] =	sst s0;
	s0 =	simm.s32 @!p2 $0x0  }
0x16: {  	s3 =	sld [smem:$0x3FDB];
	s0 =	simm.s32 @p2 $0x1  }
0x17: {  	s4 =	simm.s32 $0x1BF5;
	[smem:$0x3FAC] =	sst s0  }
0x18: {  	s0 =	sld [smem:$0x3F8F];
	_ =	swait.ge [sflag:s4], $0x0  }
0x19: {  	s7 =	sld [smem:$0x3F90]  }
0x1a: {  	s8 =	sadd.s32 $0xFFFFE003, lr  }
0x1b: {  	s9 =	sadd.s32 $0xFFFFFEF7, lr;
	s5 =	simm.s32 $0xFFFFFFFF;
	p2 =	slt.u32 s8, $0xFFFFF086  }
0x1c: {  	p1 =	slt.u32 s9, $0xF7A;
	s5 =	simm.s32 @!p2 $0x0  }
0x1d: {  	s5 =	simm.s32 @p1 $0x1;
	p0 =	seq.s32 s7, s2  }
0x1e: {  	s7 =	smul.u32 @!p0 $0xF7A, s2;
	p2 =	seq.s32 @!p0 s5, $0x0  }
0x1f: {  	s9 =	smul.u32 $0xF7A, s1;
	s8 =	simm.s32 @!p0 $0x1BF5;
	p2 =	por !p2, p0  }
0x20: {  	[sflag:s8] =	ssyncset.s32 @!p0 $0xFFFFF086;
	s6 =	sadd.s32 @!p0 s3, s7;
	s7 =	simm.s32 @!p0 $0x108  }
0x21: {  	s3 =	sadd.s32 s3, s9;
	s6 =	sadd.s32 @!p0 $0x88, s6;
	s7 =	simm.s32 @p2 $0x1082  }
0x22: {  	[simem:s7], [sflag:s8] =	dma.local @!p0 [hbm:s6], $0xF7A  }
0x23: {  	s9 =	sor.u32 $0xD0000000, s2;
	s6 =	simm.s32 $0x108;
	_ =	swait.ge @!p0 [sflag:s8], $0x0  }
0x24: {  	s3 =	sadd.s32 $0x88, s3;
	s6 =	simm.s32 @!p1 $0x1082;
	[sflag:s4] =	ssyncset.s32 $0xFFFFF086  }
0x25: {  	[simem:s6], [sflag:s4] =	dma.local [hbm:s3], $0xF7A  }
0x26: {  	[smem:$0x3F90] =	sst s1;
	(tag) =	ssettag s2;
	_ =	strace s9  }
0x27: {  	s1 =	sld [smem:$0x3FA0]  }
0x28: {  	s2 =	sld [smem:$0x3FA1]  }
0x29: {  	s4 =	sld [smem:$0x3FA3]  }
0x2a: {  	p0 =	seq.s32 s5, $0x0;
	s5 =	sld [smem:$0x3FA4]  }
0x2b: {  	s6 =	sld [smem:$0x3FA5]  }
0x2c: {  	s7 =	sld [smem:$0x3FA6]  }
0x2d: {  	s3 =	simm.s32 $0x108;
	s8 =	sld [smem:$0x3FA7]  }
0x2e: {  	s3 =	simm.s32 @!p0 $0x1082;
	s9 =	sld [smem:$0x3FA8]  }
0x2f: {  	lr =	sadd.s32 s0, s3;
	s0 =	sld [smem:$0x3F9F]  }
0x30: {  	s3 =	sld [smem:$0x3FA2]  }
0x31: {  	[smem:$0x3FAB] =	sst s10  }
0x32: {  	s10 =	sld [smem:$0x3FA9];
	_ =	sdelay $0x3  }
0x33: {  	p0 =	seq.s32 s10, $0x1;
	s10 =	sld [smem:$0x3FAB];
	_ =	sdelay $0x3  }
0x34: {  	[smem:$0x3FAB] =	sst s10  }
0x35: {  	s10 =	sld [smem:$0x3FAA];
	_ =	sdelay $0x3  }
0x36: {  	p1 =	seq.s32 s10, $0x1;
	s10 =	sld [smem:$0x3FAB];
	_ =	sdelay $0x3  }
0x37: {  	[smem:$0x3FAB] =	sst s10  }
0x38: {  	s10 =	sld [smem:$0x3FAC]  }
0x39: {  	_ = 	snop;
	(pc) =	sbr.ind lr, $3  }
0x3a: {  	_ = 	snop  }
0x3b: {  	_ = 	snop  }
0x3c: {  	p2 =	seq.s32 s10, $0x1;
	s10 =	sld [smem:$0x3FAB]  }
0x3d: {  	_ =	shalt  }
0x3e: {  	_ =	shalt  }
0x3f: {  	_ =	shalt  }
0x40: {  	_ =	shalt  }
0x41: {  	_ =	shalt  }
0x42: {  	_ =	shalt  }
0x43: {  	_ =	shalt  }
0x44: {  	_ =	shalt  }
0x45: {  	_ =	shalt  }
0x46: {  	_ =	shalt  }
0x47: {  	_ =	shalt  }
0x48: {  	_ =	shalt  }
0x49: {  	_ =	shalt  }
0x4a: {  	_ =	shalt  }
0x4b: {  	_ =	shalt  }
0x4c: {  	_ =	shalt  }
0x4d: {  	_ =	shalt  }
0x4e: {  	_ =	shalt  }
0x4f: {  	_ =	shalt  }
0x50: {  	_ =	shalt  }
0x51: {  	_ =	shalt  }
0x52: {  	_ =	shalt  }
0x53: {  	_ =	shalt  }
0x54: {  	_ =	shalt  }
0x55: {  	_ =	shalt  }
0x56: {  	_ =	shalt  }
0x57: {  	_ =	shalt  }
0x58: {  	_ =	shalt  }
0x59: {  	_ =	shalt  }
0x5a: {  	_ =	shalt  }
0x5b: {  	_ =	shalt  }
0x5c: {  	_ =	shalt  }
0x5d: {  	_ =	shalt  }
0x5e: {  	_ =	shalt  }
0x5f: {  	_ =	shalt  }
0x60: {  	_ =	shalt  }
0x61: {  	_ =	shalt  }
0x62: {  	_ =	shalt  }
0x63: {  	_ =	shalt  }
0x64: {  	_ =	shalt  }
0x65: {  	_ =	shalt  }
0x66: {  	_ =	shalt  }
0x67: {  	_ =	shalt  }
0x68: {  	_ =	shalt  }
0x69: {  	_ =	shalt  }
0x6a: {  	_ =	shalt  }
0x6b: {  	_ =	shalt  }
0x6c: {  	_ =	shalt  }
0x6d: {  	_ =	shalt  }
0x6e: {  	_ =	shalt  }
0x6f: {  	_ =	shalt  }
0x70: {  	_ =	shalt  }
0x71: {  	_ =	shalt  }
0x72: {  	_ =	shalt  }
0x73: {  	_ =	shalt  }
0x74: {  	_ =	shalt  }
0x75: {  	_ =	shalt  }
0x76: {  	_ =	shalt  }
0x77: {  	_ =	shalt  }
0x78: {  	_ =	shalt  }
0x79: {  	_ =	shalt  }
0x7a: {  	_ =	shalt  }
0x7b: {  	_ =	shalt  }
0x7c: {  	_ =	shalt  }
0x7d: {  	_ =	shalt  }
0x7e: {  	_ =	shalt  }
0x7f: {  	_ =	shalt  }
0x80: {  	_ =	shalt  }
0x81: {  	_ =	shalt  }
0x82: {  	_ =	shalt  }
0x83: {  	_ =	shalt  }
0x84: {  	_ =	shalt  }
0x85: {  	_ =	shalt  }
0x86: {  	_ =	shalt  }
0x87: {  	_ =	shalt  }
.Lfunc_end0:
.L_simem_size_0:
called_computation_lowered:
.L_overlay_start_0:
0x88: {  	s2 =	sld [smem:$0x3FD9]  }
0x89: {  	s3 =	sld [smem:$0x3FFE];
	_ =	sdelay $0x1  }
0x8a: {  	s1 =	srdreg.scid  }
0x8b: {  	s0 =	sand.u32 $0x1, s1  }
0x8c: {  	s16 =	sshll.u32 s0, $0xA;
	s2 =	sadd.s32 s3, s2  }
0x8d: {  	s2 =	sadd.s32 s2, s16  }
0x8e: {  	[smem:$0x3FB7] =	sst s2  }
0x8f: {  	_ = 	snop  }
0x90: {  	(tm) =	ssettm $0x1  }
0x91: {  	s17 =	sld [smem:$0x3FFB];
	_ =	sdelay $0x3  }
0x92: {  	_ =	strace s17  }
0x93: {  	s2 =	sld [smem:$0x3FFC];
	_ =	sdelay $0x3  }
0x94: {  	_ =	strace s2  }
0x95: {  	s2 =	sld [smem:$0x3FFD];
	_ =	sdelay $0x3  }
0x96: {  	_ =	strace s2  }
0x97: {  	_ =	strace $0x8FFFFFFF  }
0x98: {  	s18 =	sld [smem:$0x3FDB];
	_ =	sdelay $0x1  }
0x99: {  	s19 =	simm.s32 $_scs_section_size  }
0x9a: {  	s4 =	simm.s32 $_size__tile_overlayer_lowered;
	s5 =	simm.s32 $_tile_overlayer_lowered  }
0x9b: {  	s22 =	simm.s32 $0x1BFF;
	s21 =	sshll.u32 s5, $0x1;
	s2 =	sadd.s32 s19, s18  }
0x9c: {  	s6 =	simm.s32 $0x0;
	s20 =	sshll.u32 s4, $0x1;
	s4 =	sadd.s32 s21, s2  }
0x9d: {  	[timem:s6], [sflag:s22] =	dma.local [hbm:s4], s20  }
0x9e: {  	_ =	swait.ge [sflag:s22], s20  }
0x9f: {  	s3 =	ssub.s32 $0x0, s20;
	[sflag:s22] =	ssyncset.done $0x0  }
0xa0: {  	[sflag:s22] =	ssyncadd.s32 s3;
	_ =	sdelay $0x1  }
0xa1: {  	s23 =	simm.s32 $0x1B8B  }
0xa2: {  	_ =	swait.ge [sflag:s23], $0x1  }
0xa3: {  	[sflag:s23] =	ssyncset.done $0x0  }
0xa4: {  	s25 =	simm.s32 $0x1B8E;
	s24 =	sld [smem:$0x3FFE];
	[sflag:s23] =	ssyncadd.s32 $0xFFFFFFFF  }
0xa5: {  	s26 =	simm.s32 $execute0_lowered;
	[smem:$0x3FD2] =	sst s25  }
0xa6: {  	s4 =	sshll.u32 s26, $0x1;
	_ =	strace $0x80000046;
	[dreg:$0x1] =	wrdreg $0xFFFFFFFF  }
0xa7: {  	s28 =	simm.s32 $_size_execute0_lowered;
	s2 =	sadd.s32 s2, s4;
	[dreg:$0x0] =	wrdreg $0x0  }
0xa8: {  	s4 =	sshll.u32 s28, $0x1;
	[dreg:$0x2] =	wrdreg s2  }
0xa9: {  	[dreg:$0x3] =	wrdreg s4  }
0xaa: {  	[dreg:$0x4] =	wrdreg $0xC0  }
0xab: {  	_ =	task [dreg:s6], $0x5FFFF  }
0xac: {  	[dreg:$0x1] =	wrdreg $0xFFFFFFFF  }
0xad: {  	[dreg:$0x0] =	wrdreg $0x60  }
0xae: {  	[dreg:$0x2] =	wrdreg s24  }
0xaf: {  	[dreg:$0x3] =	wrdreg $0xAA000  }
0xb0: {  	[dreg:$0x4] =	wrdreg $0x1EA000  }
0xb1: {  	[dreg:$0x5] =	wrdreg $0x1EC800  }
0xb2: {  	[dreg:$0x6] =	wrdreg $0x1EF000  }
0xb3: {  	[dreg:$0x7] =	wrdreg $0x9  }
0xb4: {  	_ =	task.clear_ibuf [dreg:s6], $0x8FFFF;
	_ =	strace $0x90000046  }
0xb5: {  	s29 =	simm.s32 $0x9;
	_ =	strace $0x80000048  }
0xb6: {  	_ =	swait.ge [sflag:s29], $0x1  }
0xb7: {  	[sflag:s29] =	ssyncadd.s32 $0xFFFFFFFF  }
0xb8: {  	_ =	strace $0x90000048  }
0xb9: {  	_ =	sfence  }
0xba: {  	s30 =	sld [smem:$0x0];
	_ =	sdelay $0x2  }
0xbb: {  	s31 =	sshll.u32 s1, $0xD;
	s1 =	sshrl.u32 s1, $0x2  }
0xbc: {  	s3 =	sand.u32 $0x4000, s31;
	s1 =	sadd.s32 s1, s30  }
0xbd: {  	s0 =	sor.u32 s3, s0;
	s1 =	sshll.u32 s1, $0x11  }
0xbe: {  	s0 =	sor.u32 s1, s0  }
0xbf: {  	s0 =	sadd.s32 $0x8F2B, s0  }
0xc0: {  	[sflag:s0] =	ssyncadd.remote.s32 $0x1  }
0xc1: {  	_ =	sfence.sel $0xFFFF  }
0xc2: {  	[dreg:$0x0] =	wrdreg $0xFFFFFFFF;
	(pc) =	sbr.abs _section_cstart, $3  }
0xc3: {  	[dreg:$0x1] =	wrdreg $0xFFFFFFFF  }
0xc4: {  	_ =	task.clear_ibuf [dreg:s6], $0x2FFFF;
	_ =	strace $0x9FFFFFFF  }
0xc5: {  	(tm) =	ssettm $0x7FFFFFFF  }
tec
execute0_lowered:
.L_overlay_start_1:
0x0: {  	(tag) =	ssettag $0x1  }
0x1: {  	s4 =	rddreg [dreg:$0x0]  }
0x2: {  	s0 =	rddreg [dreg:$0x1]  }
0x3: {  	s1 =	rddreg [dreg:$0x2]  }
0x4: {  	s2 =	rddreg [dreg:$0x3]  }
0x5: {  	s3 =	srdreg.scid;
	s23 =	stileid.u32  }
0x6: {  	s5 =	rddreg [dreg:$0x4];
	s6 =	simm.s32 $0x0;
	s8 =	sand.u32 $0x1, s3  }
0x7: {  	s7 =	smul.u32 $0x280, s23;
	s9 =	sadd.s32 $0x18600, s4;
	s3 =	ssub.s32 $0x2, s8  }
0x8: {  	[smem:$0x7FF] =	sst s6;
	s12 =	smul.u32 $0x140000, s8;
	s10 =	sshrl.u32 s3, $0x1  }
0x9: {  	s11 =	sadd.s32 $0x80, s7;
	s14 =	sadd.s32 $0x100, s7;
	s17 =	sadd.s32 $0x180, s7  }
0xa: {  	s20 =	sadd.s32 $0x200, s7;
	s3 =	ssub.s32 s3, s10;
	s10 =	smul.u32 $0x14000, s23  }
0xb: {  	s13 =	sshll.u32 s11, $0x7;
	s18 =	sshll.u32 s14, $0x7;
	s19 =	sshll.u32 s17, $0x7  }
0xc: {  	s21 =	sshll.u32 s20, $0x7;
	s16 =	sadd.s32 s12, s13;
	s15 =	sadd.s32 s10, s12  }
0xd: {  	s22 =	sadd.s32 s12, s18;
	s28 =	sadd.s32 s12, s19;
	s15 =	sshrl.u32 s15, $0x3  }
0xe: {  	s16 =	sshrl.u32 s16, $0x3;
	s26 =	sshrl.u32 s22, $0x3;
	s15 =	sadd.s32 s9, s15  }
0xf: {  	s12 =	sadd.s32 s12, s21;
	[dreg:$0x6] =	wrdreg s15;
	s15 =	sadd.s32 s9, s26  }
0x10: {  	s25 =	sadd.s32 s9, s16;
	[dreg:$0x8] =	wrdreg s15;
	s15 =	sshrl.u32 s28, $0x3  }
0x11: {  	s12 =	sshrl.u32 s12, $0x3;
	[dreg:$0x7] =	wrdreg s25;
	s15 =	sadd.s32 s9, s15  }
0x12: {  	s24 =	sadd.s32 $0x18000, s4;
	s9 =	sadd.s32 s9, s12;
	[dreg:$0x9] =	wrdreg s15  }
0x13: {  	s29 =	smul.u32 $0x500, s8;
	s22 =	sadd.s32 $0x17A00, s4;
	[dreg:$0xa] =	wrdreg s9  }
0x14: {  	s26 =	sor.u32 $0x40, s7;
	_ =	strace $0x80000047;
	[dreg:$0xb] =	wrdreg s22  }
0x15: {  	s25 =	sshll.u32 s8, $0x4;
	s8 =	sadd.s32 s26, s1;
	[dreg:$0xc] =	wrdreg s24  }
0x16: {  	s3 =	smax.u32 s3, $0x1;
	[dreg:$0xf] =	wrdreg s8  }
0x17: {  	s18 =	sadd.s32 s18, s0;
	s19 =	sadd.s32 s19, s0;
	[smem:$0x7FD] =	sst s3  }
0x18: {  	s21 =	sadd.s32 s21, s0;
	s28 =	sshll.u32 s26, $0x7;
	[dreg:$0x14] =	wrdreg s18  }
0x19: {  	s9 =	sadd.s32 s29, s4;
	s29 =	sadd.s32 $0xC0, s7;
	[dreg:$0x18] =	wrdreg s19  }
0x1a: {  	s22 =	sadd.s32 s10, s0;
	s10 =	sadd.s32 s28, s0;
	[dreg:$0x1c] =	wrdreg s21  }
0x1b: {  	s24 =	sadd.s32 s13, s0;
	s13 =	sadd.s32 s11, s1;
	[dreg:$0xe] =	wrdreg s10  }
0x1c: {  	s8 =	sadd.s32 s29, s1;
	[dreg:$0x11] =	wrdreg s13  }
0x1d: {  	s16 =	sadd.s32 $0x73000, s4;
	s28 =	sadd.s32 s14, s1;
	[dreg:$0x13] =	wrdreg s8  }
0x1e: {  	s12 =	sadd.s32 $0x7D000, s4;
	s15 =	sadd.s32 $0x69000, s4;
	[dreg:$0x15] =	wrdreg s28  }
0x1f: {  	s4 =	sor.u32 s23, s25;
	s25 =	sshll.u32 s29, $0x7;
	[dreg:$0xd] =	wrdreg s22  }
0x20: {  	s26 =	sadd.s32 $0x140, s7;
	s10 =	sadd.s32 s25, s0;
	[dreg:$0x10] =	wrdreg s24  }
0x21: {  	s8 =	sadd.s32 s26, s1;
	[dreg:$0x12] =	wrdreg s10  }
0x22: {  	s29 =	sshll.u32 s26, $0x7;
	s13 =	sadd.s32 s17, s1;
	[dreg:$0x17] =	wrdreg s8  }
0x23: {  	s11 =	sadd.s32 $0x1C0, s7;
	s17 =	sadd.s32 s7, s1;
	[dreg:$0x19] =	wrdreg s13  }
0x24: {  	s4 =	smul.u32 $0x2800, s4;
	s25 =	sadd.s32 s20, s1;
	[dreg:$0x1d] =	wrdreg s17  }
0x25: {  	s14 =	sshll.u32 s11, $0x7;
	s10 =	sadd.s32 s29, s0;
	[dreg:$0x1e] =	wrdreg s25  }
0x26: {  	s7 =	sadd.s32 $0x240, s7;
	s8 =	sadd.s32 s11, s1;
	[dreg:$0x16] =	wrdreg s10  }
0x27: {  	s26 =	sshll.u32 s7, $0x7;
	s7 =	sadd.s32 s7, s1;
	[dreg:$0x1b] =	wrdreg s8  }
0x28: {  	s30 =	simm.s32 $0x6A00;
	s10 =	sadd.s32 s14, s0;
	[smem:$0x7F3] =	sst s7  }
0x29: {  	s28 =	sshrl.u32 s4, $0x3;
	s8 =	sadd.s32 s26, s0;
	[dreg:$0x1a] =	wrdreg s10  }
0x2a: {  	s31 =	simm.s32 $0x6;
	s13 =	sadd.s32 s15, s28;
	[dreg:$0x1f] =	wrdreg s8  }
0x2b: {  	s29 =	sor.u32 $0x10, s28;
	s14 =	sadd.s32 s16, s28;
	[smem:$0x7F6] =	sst s13  }
0x2c: {  	p0 =	sne.s32 s23, $0x0;
	s11 =	sadd.s32 s15, s29;
	[smem:$0x7F7] =	sst s14  }
0x2d: {  	s17 =	sor.u32 $0x20, s28;
	s7 =	sadd.s32 s16, s29;
	[smem:$0x7F4] =	sst s11  }
0x2e: {  	s20 =	sor.u32 $0x30, s28;
	s25 =	sadd.s32 s15, s17;
	[smem:$0x7F5] =	sst s7  }
0x2f: {  	s26 =	sadd.s32 s15, s20;
	s28 =	sadd.s32 s16, s20;
	[smem:$0x7F8] =	sst s25  }
0x30: {  	s29 =	sadd.s32 $0x91000, s9;
	s8 =	simm.s32 $0x80;
	[smem:$0x7FA] =	sst s26  }
0x31: {  	s9 =	simm.s32 $0x1;
	s10 =	simm.s32 $0x40;
	[smem:$0x7FB] =	sst s28  }
0x32: {  	s13 =	simm.s32 $0x3;
	s7 =	sadd.s32 s16, s17;
	[smem:$0x7FC] =	sst s29  }
0x33: {  	v0 =	vimm.f32 $0.0e+00;
	s14 =	simm.s32 $0x8A00;
	s11 =	simm.s32 $0x2;
	[smem:$0x7F9] =	sst s7  }
.LBB2_1:
0x34: {  	s7 =	simm.s32 $0x0;
	s17 =	simm.s32 $0x200  }
.LBB2_2:
0x35: {  	p1 =	sne.s32 s17, $0x7E00;
	[tilespmem:s7+$0x6A70] =	vst v0  }
0x36: {  	[tilespmem:s7+$0x6A00] =	vst v0  }
0x37: {  	[tilespmem:s7+$0x6A10] =	vst v0  }
.Ltmp0:
0x38: {  	[tilespmem:s7+$0x6A20] =	vst v0;
	(pc) =	sbr.rel @p1 .LBB2_2-.Ltmp0, $4  }
0x39: {  	[tilespmem:s7+$0x6A30] =	vst v0  }
0x3a: {  	[tilespmem:s7+$0x6A40] =	vst v0  }
0x3b: {  	[tilespmem:s7+$0x6A50] =	vst v0  }
0x3c: {  	[tilespmem:s7+$0x6A60] =	vst v0;
	s7 =	sshra.s32 s17, $0x2;
	s17 =	sadd.s32 $0x200, s17  }
0x3d: {  	[tilespmem:s7+$0x6A70] =	vst v0  }
0x3e: {  	[tilespmem:s7+$0x6A00] =	vst v0  }
0x3f: {  	[tilespmem:s7+$0x6A10] =	vst v0  }
0x40: {  	[tilespmem:s7+$0x6A20] =	vst v0  }
0x41: {  	[tilespmem:s7+$0x6A30] =	vst v0  }
0x42: {  	[tilespmem:s7+$0x6A40] =	vst v0  }
0x43: {  	[tilespmem:s7+$0x6A50] =	vst v0  }
0x44: {  	[tilespmem:s7+$0x6A60] =	vst v0  }
0x45: {  	[tilespmem:$0x900] =	vst v0  }
0x46: {  	[tilespmem:$0x910] =	vst v0  }
0x47: {  	[tilespmem:$0x920] =	vst v0  }
0x48: {  	[tilespmem:$0x930] =	vst v0  }
0x49: {  	[spmem:s22] =	stream.linear.scatter [tilespmem:s30], [sflag:$0x6], $0x2000, $0x38;
	[tilespmem:$0x1F180] =	vst v63  }
0x4a: {  	_ =	swait.ge [sflag:s31], $0x2000  }
0x4b: {  	[sflag:s31] =	ssyncset.done $0x0  }
0x4c: {  	s7 =	simm.s32 $0x900;
	s3 =	rddreg [dreg:$0x1d];
	[sflag:s31] =	ssyncadd.s32 $0xFFFFE000  }
0x4d: {  	[spmem:s3] =	stream.linear.scatter [tilespmem:s7], [sflag:$0x6], $0x40, $0x38;
	[tilespmem:$0x1F180] =	vst v63  }
0x4e: {  	_ =	swait.ge [sflag:s31], $0x40  }
0x4f: {  	[sflag:s31] =	ssyncset.done $0x0  }
0x50: {  	s25 =	rddreg [dreg:$0xe];
	[sflag:s31] =	ssyncadd.s32 $0xFFFFFFC0  }
0x51: {  	[spmem:s25] =	stream.linear.scatter [tilespmem:s30], [sflag:$0x6], $0x2000, $0x38;
	[tilespmem:$0x1F180] =	vst v63  }
0x52: {  	_ =	swait.ge [sflag:s31], $0x2000  }
0x53: {  	[sflag:s31] =	ssyncset.done $0x0  }
0x54: {  	s26 =	rddreg [dreg:$0xf];
	[sflag:s31] =	ssyncadd.s32 $0xFFFFE000  }
0x55: {  	[spmem:s26] =	stream.linear.scatter [tilespmem:s7], [sflag:$0x6], $0x40, $0x38;
	[tilespmem:$0x1F180] =	vst v63  }
0x56: {  	_ =	swait.ge [sflag:s31], $0x40  }
0x57: {  	[sflag:s31] =	ssyncset.done $0x0  }
0x58: {  	[sflag:s31] =	ssyncadd.s32 $0xFFFFFFC0  }
0x59: {  	[spmem:s24] =	stream.linear.scatter [tilespmem:s30], [sflag:$0x6], $0x2000, $0x38;
	[tilespmem:$0x1F180] =	vst v63  }
0x5a: {  	_ =	swait.ge [sflag:s31], $0x2000  }
0x5b: {  	[sflag:s31] =	ssyncset.done $0x0  }
0x5c: {  	s28 =	rddreg [dreg:$0x11];
	[sflag:s31] =	ssyncadd.s32 $0xFFFFE000  }
0x5d: {  	[spmem:s28] =	stream.linear.scatter [tilespmem:s7], [sflag:$0x6], $0x40, $0x38;
	[tilespmem:$0x1F180] =	vst v63  }
0x5e: {  	_ =	swait.ge [sflag:s31], $0x40  }
0x5f: {  	[sflag:s31] =	ssyncset.done $0x0  }
0x60: {  	s29 =	rddreg [dreg:$0x12];
	[sflag:s31] =	ssyncadd.s32 $0xFFFFFFC0  }
0x61: {  	[spmem:s29] =	stream.linear.scatter [tilespmem:s30], [sflag:$0x6], $0x2000, $0x38;
	[tilespmem:$0x1F180] =	vst v63  }
0x62: {  	_ =	swait.ge [sflag:s31], $0x2000  }
0x63: {  	[sflag:s31] =	ssyncset.done $0x0  }
0x64: {  	s17 =	rddreg [dreg:$0x13];
	[sflag:s31] =	ssyncadd.s32 $0xFFFFE000  }
0x65: {  	[spmem:s17] =	stream.linear.scatter [tilespmem:s7], [sflag:$0x6], $0x40, $0x38;
	[tilespmem:$0x1F180] =	vst v63  }
0x66: {  	_ =	swait.ge [sflag:s31], $0x40  }
0x67: {  	[sflag:s31] =	ssyncset.done $0x0  }
0x68: {  	[sflag:s31] =	ssyncadd.s32 $0xFFFFFFC0  }
0x69: {  	[spmem:s18] =	stream.linear.scatter [tilespmem:s30], [sflag:$0x6], $0x2000, $0x38;
	[tilespmem:$0x1F180] =	vst v63  }
0x6a: {  	_ =	swait.ge [sflag:s31], $0x2000  }
0x6b: {  	[sflag:s31] =	ssyncset.done $0x0  }
0x6c: {  	s18 =	rddreg [dreg:$0x15];
	[sflag:s31] =	ssyncadd.s32 $0xFFFFE000  }
0x6d: {  	[spmem:s18] =	stream.linear.scatter [tilespmem:s7], [sflag:$0x6], $0x40, $0x38;
	[tilespmem:$0x1F180] =	vst v63  }
0x6e: {  	_ =	swait.ge [sflag:s31], $0x40  }
0x6f: {  	[sflag:s31] =	ssyncset.done $0x0  }
0x70: {  	s20 =	rddreg [dreg:$0x16];
	[sflag:s31] =	ssyncadd.s32 $0xFFFFFFC0  }
0x71: {  	[spmem:s20] =	stream.linear.scatter [tilespmem:s30], [sflag:$0x6], $0x2000, $0x38;
	[tilespmem:$0x1F180] =	vst v63  }
0x72: {  	_ =	swait.ge [sflag:s31], $0x2000  }
0x73: {  	[sflag:s31] =	ssyncset.done $0x0  }
0x74: {  	s22 =	rddreg [dreg:$0x17];
	[sflag:s31] =	ssyncadd.s32 $0xFFFFE000  }
0x75: {  	[spmem:s22] =	stream.linear.scatter [tilespmem:s7], [sflag:$0x6], $0x40, $0x38;
	[tilespmem:$0x1F180] =	vst v63  }
0x76: {  	_ =	swait.ge [sflag:s31], $0x40  }
0x77: {  	[sflag:s31] =	ssyncset.done $0x0  }
0x78: {  	[sflag:s31] =	ssyncadd.s32 $0xFFFFFFC0  }
0x79: {  	[spmem:s19] =	stream.linear.scatter [tilespmem:s30], [sflag:$0x6], $0x2000, $0x38;
	[tilespmem:$0x1F180] =	vst v63  }
0x7a: {  	_ =	swait.ge [sflag:s31], $0x2000  }
0x7b: {  	[sflag:s31] =	ssyncset.done $0x0  }
0x7c: {  	s23 =	rddreg [dreg:$0x19];
	[sflag:s31] =	ssyncadd.s32 $0xFFFFE000  }
0x7d: {  	[spmem:s23] =	stream.linear.scatter [tilespmem:s7], [sflag:$0x6], $0x40, $0x38;
	[tilespmem:$0x1F180] =	vst v63  }
0x7e: {  	_ =	swait.ge [sflag:s31], $0x40  }
0x7f: {  	[sflag:s31] =	ssyncset.done $0x0  }
0x80: {  	s24 =	rddreg [dreg:$0x1a];
	[sflag:s31] =	ssyncadd.s32 $0xFFFFFFC0  }
0x81: {  	[spmem:s24] =	stream.linear.scatter [tilespmem:s30], [sflag:$0x6], $0x2000, $0x38;
	[tilespmem:$0x1F180] =	vst v63  }
0x82: {  	_ =	swait.ge [sflag:s31], $0x2000  }
0x83: {  	[sflag:s31] =	ssyncset.done $0x0  }
0x84: {  	s25 =	rddreg [dreg:$0x1b];
	[sflag:s31] =	ssyncadd.s32 $0xFFFFE000  }
0x85: {  	[spmem:s25] =	stream.linear.scatter [tilespmem:s7], [sflag:$0x6], $0x40, $0x38;
	[tilespmem:$0x1F180] =	vst v63  }
0x86: {  	_ =	swait.ge [sflag:s31], $0x40  }
0x87: {  	[sflag:s31] =	ssyncset.done $0x0  }
0x88: {  	[sflag:s31] =	ssyncadd.s32 $0xFFFFFFC0  }
0x89: {  	[spmem:s21] =	stream.linear.scatter [tilespmem:s30], [sflag:$0x6], $0x2000, $0x38;
	[tilespmem:$0x1F180] =	vst v63  }
0x8a: {  	_ =	swait.ge [sflag:s31], $0x2000  }
0x8b: {  	[sflag:s31] =	ssyncset.done $0x0  }
0x8c: {  	s26 =	rddreg [dreg:$0x1e];
	[sflag:s31] =	ssyncadd.s32 $0xFFFFE000  }
0x8d: {  	[spmem:s26] =	stream.linear.scatter [tilespmem:s7], [sflag:$0x6], $0x40, $0x38;
	[tilespmem:$0x1F180] =	vst v63  }
0x8e: {  	_ =	swait.ge [sflag:s31], $0x40  }
0x8f: {  	[sflag:s31] =	ssyncset.done $0x0  }
0x90: {  	s28 =	rddreg [dreg:$0x1f];
	[sflag:s31] =	ssyncadd.s32 $0xFFFFFFC0  }
0x91: {  	[spmem:s28] =	stream.linear.scatter [tilespmem:s30], [sflag:$0x6], $0x2000, $0x38;
	[tilespmem:$0x1F180] =	vst v63  }
0x92: {  	_ =	swait.ge [sflag:s31], $0x2000  }
0x93: {  	s29 =	sld [smem:$0x7F3]  }
0x94: {  	[sflag:s31] =	ssyncset.done $0x0  }
0x95: {  	[sflag:s31] =	ssyncadd.s32 $0xFFFFE000  }
0x96: {  	[spmem:s29] =	stream.linear.scatter [tilespmem:s7], [sflag:$0x6], $0x40, $0x38;
	[tilespmem:$0x1F180] =	vst v63  }
0x97: {  	_ =	swait.ge [sflag:s31], $0x40  }
0x98: {  	s17 =	simm.s32 @!p0 $0x1C06;
	[sflag:s31] =	ssyncset.done $0x0  }
0x99: {  	s7 =	sshrl.u32 @!p0 s2, $0x3;
	s3 =	rddreg [dreg:$0xb];
	[sflag:s31] =	ssyncadd.s32 $0xFFFFFFC0  }
0x9a: {  	[spmem:s7], [sflag:s17] =	dma.local @!p0 [hbm:s3], $0x500  }
0x9b: {  	s7 =	simm.s32 @!p0 $0x6  }
0x9c: {  	_ =	swait.ge @!p0 [sflag:s7], $0x500  }
0x9d: {  	[sflag:s7] =	ssyncset.done @!p0 $0x0  }
0x9e: {  	s18 =	sshrl.u32 @!p0 s5, $0x3;
	s3 =	rddreg [dreg:$0xc];
	[sflag:s7] =	ssyncadd.s32 @!p0 $0xFFFFFB00  }
0x9f: {  	[spmem:s18], [sflag:s17] =	dma.local @!p0 [hbm:s3], $0x500  }
0xa0: {  	_ =	swait.ge @!p0 [sflag:s7], $0x500  }
0xa1: {  	[sflag:s7] =	ssyncset.done @!p0 $0x0  }
0xa2: {  	[sflag:s7] =	ssyncadd.s32 @!p0 $0xFFFFFB00  }
0xa3: {  	[bflag:$0x0] =	sbarrier.arrive $0xFFFF  }
0xa4: {  	s7 =	sld [smem:$0x7F6];
	_ =	sdelay $0x1  }
0xa5: {  	s21 =	simm.s32 $0x0;
	s17 =	sld [smem:$0x7F7]  }
0xa6: {  	[tilespmem:s21], [sflag:$0x1] =	stream.linear.gather [hbm4b:s7+s21], $0x80, $0x38;
	[tilespmem:$0x1F180] =	vst v63  }
0xa7: {  	s18 =	sld [smem:$0x7F4];
	s7 =	simm.s32 $0x300  }
0xa8: {  	[tilespmem:s7], [sflag:$0x1] =	stream.linear.gather [hbm4b:s17+s21], $0x80, $0x38;
	[tilespmem:$0x1F180] =	vst v63  }
0xa9: {  	s19 =	sld [smem:$0x7F5]  }
0xaa: {  	[tilespmem:s8], [sflag:$0x1] =	stream.linear.gather [hbm4b:s18+s21], $0x80, $0x38;
	[tilespmem:$0x1F180] =	vst v63  }
0xab: {  	s20 =	sld [smem:$0x7F8];
	s17 =	simm.s32 $0x380  }
0xac: {  	[tilespmem:s17], [sflag:$0x1] =	stream.linear.gather [hbm4b:s19+s21], $0x80, $0x38;
	[tilespmem:$0x1F180] =	vst v63  }
0xad: {  	s22 =	simm.s32 $0x100;
	s23 =	sld [smem:$0x7F9]  }
0xae: {  	[tilespmem:s22], [sflag:$0x1] =	stream.linear.gather [hbm4b:s20+s21], $0x80, $0x38;
	[tilespmem:$0x1F180] =	vst v63  }
0xaf: {  	s24 =	simm.s32 $0x400;
	s25 =	sld [smem:$0x7FA]  }
0xb0: {  	[tilespmem:s24], [sflag:$0x1] =	stream.linear.gather [hbm4b:s23+s21], $0x80, $0x38;
	[tilespmem:$0x1F180] =	vst v63  }
0xb1: {  	s26 =	simm.s32 $0x180;
	s28 =	sld [smem:$0x7FB]  }
0xb2: {  	[tilespmem:s26], [sflag:$0x1] =	stream.linear.gather [hbm4b:s25+s21], $0x80, $0x38;
	[tilespmem:$0x1F180] =	vst v63  }
0xb3: {  	s29 =	simm.s32 $0x480  }
0xb4: {  	[tilespmem:s29], [sflag:$0x1] =	stream.linear.gather [hbm4b:s28+s21], $0x80, $0x38;
	[tilespmem:$0x1F180] =	vst v63  }
0xb5: {  	_ =	swait.ge [sflag:s9], $0x80  }
0xb6: {  	[sflag:s9] =	ssyncset.done $0x0  }
0xb7: {  	[sflag:s9] =	ssyncadd.s32 $0xFFFFFF80  }
0xb8: {  	_ =	swait.ge [sflag:s9], $0x80  }
0xb9: {  	[sflag:s9] =	ssyncset.done $0x0  }
0xba: {  	s19 =	simm.s32 $0x600;
	[sflag:s9] =	ssyncadd.s32 $0xFFFFFF80  }
0xbb: {  	[tilespmem:s19], [sflag:$0x2] =	stream.indirect.gather [spmem:s2], $0x1, s21, s8, $0xb8;
	[tilespmem:$0x1F180] =	vst v63  }
0xbc: {  	s20 =	simm.s32 $0x780  }
0xbd: {  	[tilespmem:s20], [sflag:$0x2] =	stream.indirect.gather [spmem:s5], $0x1, s7, s10, $0xb8;
	[tilespmem:$0x1F180] =	vst v63  }
0xbe: {  	s22 =	simm.s32 $0x340;
	s23 =	simm.s32 $0x7C0  }
0xbf: {  	[tilespmem:s23], [sflag:$0x2] =	stream.indirect.gather [spmem:s5], $0x1, s22, s10, $0xb8;
	[tilespmem:$0x1F180] =	vst v63  }
0xc0: {  	s22 =	simm.s32 $0xA00  }
0xc1: {  	[tilespmem:s22], [sflag:$0x3] =	stream.indirect.gather [hbm4b:s12+s8], $0x40, s21, s8, $0xb8;
	[tilespmem:$0x1F180] =	vst v63  }
0xc2: {  	_ =	swait.ge [sflag:s9], $0x80  }
0xc3: {  	[sflag:s9] =	ssyncset.done $0x0  }
0xc4: {  	[sflag:s9] =	ssyncadd.s32 $0xFFFFFF80  }
0xc5: {  	_ =	swait.ge [sflag:s9], $0x80  }
0xc6: {  	[sflag:s9] =	ssyncset.done $0x0  }
0xc7: {  	s24 =	simm.s32 $0x680;
	[sflag:s9] =	ssyncadd.s32 $0xFFFFFF80  }
0xc8: {  	[tilespmem:s24], [sflag:$0x2] =	stream.indirect.gather [spmem:s2], $0x1, s8, s8, $0xb8;
	[tilespmem:$0x1F180] =	vst v63  }
0xc9: {  	s25 =	simm.s32 $0x800  }
0xca: {  	[tilespmem:s25], [sflag:$0x2] =	stream.indirect.gather [spmem:s5], $0x1, s17, s10, $0xb8;
	[tilespmem:$0x1F180] =	vst v63  }
0xcb: {  	s26 =	simm.s32 $0x3C0;
	s28 =	simm.s32 $0x840  }
0xcc: {  	[tilespmem:s28], [sflag:$0x2] =	stream.indirect.gather [spmem:s5], $0x1, s26, s10, $0xb8;
	[tilespmem:$0x1F180] =	vst v63  }
0xcd: {  	s29 =	simm.s32 $0x2A00  }
0xce: {  	[tilespmem:s29], [sflag:$0x3] =	stream.indirect.gather [hbm4b:s12+s8], $0x40, s8, s8, $0xb8;
	[tilespmem:$0x1F180] =	vst v63  }
.LBB2_4:
0xcf: {  	p1 =	seq.s32 s21, $0x0  }
0xd0: {  	s7 =	simm.s32 @!p1 $0x5;
	p2 =	sgt.u32 @!p1 s21, $0x4D  }
0xd1: {  	_ =	swait.ge @!p1 [sflag:s7], $0x40;
	p2 =	por p1, !p2  }
.Ltmp1:
0xd2: {  	[sflag:s7] =	ssyncset.done @!p1 $0x0;
	(pc) =	sbr.rel @!p2 .LBB2_6-.Ltmp1, $4  }
0xd3: {  	[sflag:s7] =	ssyncadd.s32 @!p1 $0xFFFFFFC0  }
0xd4: {  	_ =	swait.ge @!p1 [sflag:s7], $0x40  }
0xd5: {  	[sflag:s7] =	ssyncset.done @!p1 $0x0  }
0xd6: {  	[sflag:s7] =	ssyncadd.s32 @!p1 $0xFFFFFFC0  }
0xd7: {  	s7 =	sadd.s32 $0x2, s21  }
0xd8: {  	s17 =	sand.u32 $0xFF, s7  }
0xd9: {  	s17 =	smul.u32 $0xAB, s17;
	_ =	sdelay $0x1  }
0xda: {  	s18 =	sshrl.u32 s17, $0x9  }
0xdb: {  	_ =	swait.ge [sflag:s9], $0x80;
	s17 =	sshrl.u32 s17, $0xA;
	s18 =	smul.u32 $0x3, s18  }
0xdc: {  	[sflag:s9] =	ssyncset.done $0x0;
	s17 =	smul.u32 $0x6, s17  }
0xdd: {  	[sflag:s9] =	ssyncadd.s32 $0xFFFFFF80;
	s18 =	ssub.s32 s7, s18  }
0xde: {  	_ =	swait.ge [sflag:s9], $0x80;
	s7 =	ssub.s32 s7, s17;
	s18 =	sand.u32 $0xFF, s18  }
0xdf: {  	[sflag:s9] =	ssyncset.done $0x0;
	s7 =	sand.u32 $0xFF, s7;
	s24 =	sshll.u32 s18, $0x7  }
0xe0: {  	[sflag:s9] =	ssyncadd.s32 $0xFFFFFF80;
	s7 =	sshll.u32 s7, $0x7;
	s19 =	sadd.s32 $0x600, s24  }
0xe1: {  	[tilespmem:s19], [sflag:$0x2] =	stream.indirect.gather [spmem:s2], $0x1, s7, s8, $0xb8;
	[tilespmem:$0x1F180] =	vst v63  }
0xe2: {  	s19 =	sadd.s32 $0x4, s21  }
0xe3: {  	s20 =	sadd.s32 $0x780, s24;
	s23 =	sadd.s32 $0x300, s7;
	s25 =	smul.u32 $0xAB, s19  }
0xe4: {  	[tilespmem:s20], [sflag:$0x2] =	stream.indirect.gather [spmem:s5], $0x1, s23, s10, $0xb8;
	[tilespmem:$0x1F180] =	vst v63  }
0xe5: {  	s17 =	sadd.s32 $0x7C0, s24;
	s26 =	sadd.s32 $0x340, s7;
	s28 =	sshrl.u32 s25, $0xA  }
0xe6: {  	[tilespmem:s17], [sflag:$0x2] =	stream.indirect.gather [spmem:s5], $0x1, s26, s10, $0xb8;
	[tilespmem:$0x1F180] =	vst v63  }
0xe7: {  	p2 =	sgt.u32 s21, $0x4B;
	s18 =	sshll.u32 s18, $0xD;
	s17 =	sand.u32 $0x3F, s28  }
0xe8: {  	s18 =	sor.u32 $0xA00, s18;
	s29 =	smul.u32 $0x6, s17;
	s17 =	sshll.u32 @!p2 s19, $0x7  }
0xe9: {  	[tilespmem:s18], [sflag:$0x3] =	stream.indirect.gather [hbm4b:s12+s8], $0x40, s7, s8, $0xb8;
	[tilespmem:$0x1F180] =	vst v63  }
0xea: {  	s17 =	sadd.s32 @!p2 s4, s17;
	s7 =	ssub.s32 s19, s29  }
0xeb: {  	s17 =	sshrl.u32 @!p2 s17, $0x3;
	s7 =	sand.u32 $0xFF, s7  }
0xec: {  	s19 =	simm.s32 @!p2 $0x0;
	s18 =	sadd.s32 @!p2 s15, s17;
	s7 =	sshll.u32 @!p2 s7, $0x7  }
0xed: {  	[tilespmem:s7], [sflag:$0x1] =	stream.linear.gather @!p2 [hbm4b:s18+s19], $0x80, $0x38;
	[tilespmem:$0x1F180] =	vst v63  }
0xee: {  	s17 =	sadd.s32 @!p2 s16, s17;
	s7 =	sadd.s32 @!p2 $0x300, s7  }
0xef: {  	[tilespmem:s7], [sflag:$0x1] =	stream.linear.gather @!p2 [hbm4b:s17+s19], $0x80, $0x38;
	[tilespmem:$0x1F180] =	vst v63  }
.LBB2_6:
0xf0: {  	s7 =	sand.u32 $0xFF, s21;
	_ =	swait.ge [sflag:s11], $0x80  }
0xf1: {  	s17 =	smul.u32 $0xAB, s7;
	[sflag:s11] =	ssyncset.done $0x0  }
0xf2: {  	[sflag:s11] =	ssyncadd.s32 $0xFFFFFF80  }
0xf3: {  	s7 =	sshrl.u32 s17, $0x9;
	_ =	swait.ge [sflag:s11], $0x40  }
0xf4: {  	s7 =	smul.u32 $0x3, s7;
	[sflag:s11] =	ssyncset.done $0x0  }
0xf5: {  	[sflag:s11] =	ssyncadd.s32 $0xFFFFFFC0  }
0xf6: {  	s7 =	ssub.s32 s21, s7;
	_ =	swait.ge [sflag:s11], $0x40  }
0xf7: {  	s7 =	sand.u32 $0xFF, s7;
	[sflag:s11] =	ssyncset.done $0x0  }
0xf8: {  	[sflag:s11] =	ssyncadd.s32 $0xFFFFFFC0;
	s7 =	sshll.u32 s7, $0x7  }
0xf9: {  	v1 =	vld [tilespmem:s7+$0x600]  }
0xfa: {  	v2 =	vld [tilespmem:s7+$0x780];
	_ =	sdelay $0x4  }
0xfb: {  	v1 =	vadd.f32 v2, v1;
	_ =	sdelay $0x1  }
0xfc: {  	v2 =	vmul.f32 $2.000000030e-01, v1  }
0xfd: {  	vm0 =	vge.f32 v1, $0.0e+00  }
0xfe: {  	v1 =	vsel vm0, v1, v2  }
0xff: {  	v1 =	vmul.f32 $1.442695020e+00, v1;
	_ =	sdelay $0x1  }
0x100: {  	(erf) = vpow2.f32 v1;
	_ =	sdelay $0x7  }
0x101: {  	s18 =	sshll.u32 s21, $0x7  }
0x102: {  	s18 =	sand.u32 $0x80, s18;
	v1 =	vpop (erf)  }
0x103: {  	[tilespmem:s18+$0x900] =	vst v1  }
0x104: {  	v1 =	vld [tilespmem:s7+$0x610]  }
0x105: {  	v2 =	vld [tilespmem:s7+$0x790];
	_ =	sdelay $0x4  }
0x106: {  	v1 =	vadd.f32 v2, v1;
	_ =	sdelay $0x1  }
0x107: {  	v2 =	vmul.f32 $2.000000030e-01, v1  }
0x108: {  	vm9 =	vge.f32 v1, $0.0e+00  }
0x109: {  	v1 =	vsel vm9, v1, v2  }
0x10a: {  	v1 =	vmul.f32 $1.442695020e+00, v1;
	_ =	sdelay $0x1  }
0x10b: {  	(erf) = vpow2.f32 v1;
	_ =	sdelay $0x8  }
0x10c: {  	v1 =	vpop (erf)  }
0x10d: {  	[tilespmem:s18+$0x910] =	vst v1  }
0x10e: {  	v1 =	vld [tilespmem:s7+$0x620]  }
0x10f: {  	v2 =	vld [tilespmem:s7+$0x7A0];
	_ =	sdelay $0x4  }
0x110: {  	v1 =	vadd.f32 v2, v1;
	_ =	sdelay $0x1  }
0x111: {  	v2 =	vmul.f32 $2.000000030e-01, v1  }
0x112: {  	vm10 =	vge.f32 v1, $0.0e+00  }
0x113: {  	v1 =	vsel vm10, v1, v2  }
0x114: {  	v1 =	vmul.f32 $1.442695020e+00, v1;
	_ =	sdelay $0x1  }
0x115: {  	(erf) = vpow2.f32 v1;
	_ =	sdelay $0x8  }
0x116: {  	v1 =	vpop (erf)  }
0x117: {  	[tilespmem:s18+$0x920] =	vst v1  }
0x118: {  	v1 =	vld [tilespmem:s7+$0x630]  }
0x119: {  	v2 =	vld [tilespmem:s7+$0x7B0];
	_ =	sdelay $0x4  }
0x11a: {  	v1 =	vadd.f32 v2, v1;
	_ =	sdelay $0x1  }
0x11b: {  	v2 =	vmul.f32 $2.000000030e-01, v1  }
0x11c: {  	vm11 =	vge.f32 v1, $0.0e+00  }
0x11d: {  	v1 =	vsel vm11, v1, v2  }
0x11e: {  	v1 =	vmul.f32 $1.442695020e+00, v1;
	_ =	sdelay $0x1  }
0x11f: {  	(erf) = vpow2.f32 v1;
	_ =	sdelay $0x3  }
0x120: {  	s17 =	sshrl.u32 s17, $0xA  }
0x121: {  	s17 =	smul.u32 $0x6, s17;
	_ =	sdelay $0x1  }
0x122: {  	s17 =	ssub.s32 s21, s17  }
0x123: {  	s17 =	sand.u32 $0xFF, s17  }
0x124: {  	s19 =	sshll.u32 s17, $0x7;
	v1 =	vpop (erf)  }
0x125: {  	s17 =	sor.u32 $0x900, s18;
	s26 =	sadd.s32 $0x300, s19;
	[tilespmem:s18+$0x930] =	vst v1  }
0x126: {  	[spmem:s1] =	stream.indirect.scatter.add.f32 [tilespmem:s17], [sflag:$0x5], $0x1, s26, s10, $0xb8;
	[tilespmem:$0x1F180] =	vst v63  }
0x127: {  	v1 =	vld [tilespmem:s7+$0x640]  }
0x128: {  	v2 =	vld [tilespmem:s7+$0x7C0];
	_ =	sdelay $0x4  }
0x129: {  	v1 =	vadd.f32 v2, v1;
	_ =	sdelay $0x1  }
0x12a: {  	v2 =	vmul.f32 $2.000000030e-01, v1  }
0x12b: {  	vm12 =	vge.f32 v1, $0.0e+00  }
0x12c: {  	v1 =	vsel vm12, v1, v2  }
0x12d: {  	v1 =	vmul.f32 $1.442695020e+00, v1;
	_ =	sdelay $0x1  }
0x12e: {  	(erf) = vpow2.f32 v1;
	_ =	sdelay $0x8  }
0x12f: {  	v1 =	vpop (erf)  }
0x130: {  	[tilespmem:s18+$0x940] =	vst v1  }
0x131: {  	v1 =	vld [tilespmem:s7+$0x650]  }
0x132: {  	v2 =	vld [tilespmem:s7+$0x7D0];
	_ =	sdelay $0x4  }
0x133: {  	v1 =	vadd.f32 v2, v1;
	_ =	sdelay $0x1  }
0x134: {  	v2 =	vmul.f32 $2.000000030e-01, v1  }
0x135: {  	vm13 =	vge.f32 v1, $0.0e+00  }
0x136: {  	v1 =	vsel vm13, v1, v2  }
0x137: {  	v1 =	vmul.f32 $1.442695020e+00, v1;
	_ =	sdelay $0x1  }
0x138: {  	(erf) = vpow2.f32 v1;
	_ =	sdelay $0x8  }
0x139: {  	v1 =	vpop (erf)  }
0x13a: {  	[tilespmem:s18+$0x950] =	vst v1  }
0x13b: {  	v1 =	vld [tilespmem:s7+$0x660]  }
0x13c: {  	v2 =	vld [tilespmem:s7+$0x7E0];
	_ =	sdelay $0x4  }
0x13d: {  	v1 =	vadd.f32 v2, v1;
	_ =	sdelay $0x1  }
0x13e: {  	v2 =	vmul.f32 $2.000000030e-01, v1  }
0x13f: {  	vm14 =	vge.f32 v1, $0.0e+00  }
0x140: {  	v1 =	vsel vm14, v1, v2  }
0x141: {  	v1 =	vmul.f32 $1.442695020e+00, v1;
	_ =	sdelay $0x1  }
0x142: {  	(erf) = vpow2.f32 v1;
	_ =	sdelay $0x8  }
0x143: {  	v1 =	vpop (erf)  }
0x144: {  	[tilespmem:s18+$0x960] =	vst v1  }
0x145: {  	v1 =	vld [tilespmem:s7+$0x670]  }
0x146: {  	v2 =	vld [tilespmem:s7+$0x7F0];
	_ =	sdelay $0x4  }
0x147: {  	v1 =	vadd.f32 v2, v1;
	_ =	sdelay $0x1  }
0x148: {  	v2 =	vmul.f32 $2.000000030e-01, v1  }
0x149: {  	vm15 =	vge.f32 v1, $0.0e+00  }
0x14a: {  	v1 =	vsel vm15, v1, v2  }
0x14b: {  	v1 =	vmul.f32 $1.442695020e+00, v1;
	_ =	sdelay $0x1  }
0x14c: {  	(erf) = vpow2.f32 v1;
	_ =	sdelay $0x8  }
0x14d: {  	s3 =	smulhi.u32 $0xAAAAAAAB, s21;
	v1 =	vpop (erf)  }
0x14e: {  	s20 =	simm.s32 $0x2;
	s25 =	sor.u32 $0x940, s18;
	s23 =	sadd.s32 $0x340, s19;
	[tilespmem:s18+$0x970] =	vst v1  }
0x14f: {  	v1 =	vmov s20;
	[spmem:s1] =	stream.indirect.scatter.add.f32 [tilespmem:s25], [sflag:$0x5], $0x1, s23, s10, $0xb8;
	[tilespmem:$0x1F180] =	vst v63  }
0x150: {  	v1 =	vand.u32 $0xFFFFFFFE, v1;
	_ =	swait.ge [sflag:s13], $0x2000  }
0x151: {  	s24 =	simm.s32 $0x1;
	s7 =	sshrl.u32 s3, $0x1;
	v1 =	vbroadcast v1, $0x0;
	[sflag:s13] =	ssyncset.done $0x0  }
0x152: {  	s7 =	smul.u32 $0xFFFE8000, s7;
	s18 =	simm.s32 @!p1 $0x4;
	[sflag:s13] =	ssyncadd.s32 $0xFFFFE000  }
0x153: {  	v2 =	vmov s24;
	_ =	swait.ge @!p1 [sflag:s18], $0x2000  }
0x154: {  	s3 =	simm.s32 $0x0;
	s28 =	sshra.s32 s7, $0x2;
	v2 =	vand.u32 $0xFFFFFFFD, v2;
	[sflag:s18] =	ssyncset.done @!p1 $0x0  }
0x155: {  	v3 =	vmov s3;
	s19 =	sadd.s32 s28, s22;
	v2 =	vbroadcast v2, $0x0;
	[sflag:s18] =	ssyncadd.s32 @!p1 $0xFFFFE000  }
0x156: {  	v3 =	vand.u32 $0xFFFFFFFC, v3;
	v4 =	vld [tilespmem:s19+$0x80]  }
0x157: {  	v3 =	vbroadcast v3, $0x0;
	v8 =	vld.idx.msk [tilespmem:v1+s17+$0x0], $0xffff;
	_ =	sdelay $0x1  }
0x158: {  	s20 =	simm.s32 $0x3  }
0x159: {  	v1 =	vmov s20;
	v9 =	vld [tilespmem:s19+$0x40]  }
0x15a: {  	v7 =	vld.idx.msk [tilespmem:v2+s17+$0x0], $0xffff;
	v2 =	vshll.u32 v4, $0x10  }
0x15b: {  	v10 =	vld [tilespmem:s19+$0x0];
	v4 =	vand.u32 $0xFFFF0000, v4;
	v2 =	vmul.f32 v2, v8  }
0x15c: {  	s20 =	simm.s32 $0x6B00;
	v6 =	vld.idx.msk [tilespmem:v3+s17+$0x0], $0xffff;
	v3 =	vmul.f32 v4, v8  }
0x15d: {  	v4 =	vld [tilespmem:s19+$0xC0];
	[tilespmem:s20+$0x0] =	vst v2  }
0x15e: {  	v5 =	vld.idx.msk [tilespmem:v1+s17+$0x0], $0xffff;
	v1 =	vshll.u32 v9, $0x10;
	[tilespmem:s20+$0x10] =	vst v3  }
0x15f: {  	v1 =	vmul.f32 v1, v7;
	v2 =	vand.u32 $0xFFFF0000, v9;
	v3 =	vld [tilespmem:s19+$0x90]  }
0x160: {  	v9 =	vshll.u32 v10, $0x10;
	v2 =	vmul.f32 v2, v7  }
0x161: {  	v10 =	vand.u32 $0xFFFF0000, v10;
	[tilespmem:s20+$0xFFFFFF80] =	vst v1;
	v9 =	vmul.f32 v9, v6  }
0x162: {  	v10 =	vmul.f32 v10, v6;
	v1 =	vshll.u32 v4, $0x10;
	[tilespmem:s20+$0xFFFFFF90] =	vst v2  }
0x163: {  	v2 =	vand.u32 $0xFFFF0000, v4;
	[tilespmem:s20+$0xFFFFFF00] =	vst v9;
	v1 =	vmul.f32 v1, v5;
	v4 =	vld [tilespmem:s19+$0x50]  }
0x164: {  	[tilespmem:s20+$0xFFFFFF10] =	vst v10;
	v2 =	vmul.f32 v2, v5;
	v9 =	vshll.u32 v3, $0x10  }
0x165: {  	v10 =	vld [tilespmem:s19+$0x10];
	[tilespmem:s20+$0x80] =	vst v1;
	v1 =	vand.u32 $0xFFFF0000, v3;
	v3 =	vmul.f32 v9, v8  }
0x166: {  	[tilespmem:s20+$0x90] =	vst v2;
	v1 =	vmul.f32 v1, v8  }
0x167: {  	v2 =	vld [tilespmem:s19+$0xD0];
	[tilespmem:s20+$0x20] =	vst v3  }
0x168: {  	v3 =	vshll.u32 v4, $0x10;
	[tilespmem:s20+$0x30] =	vst v1  }
0x169: {  	s3 =	simm.s32 $0x7;
	v1 =	vand.u32 $0xFFFF0000, v4;
	v3 =	vmul.f32 v3, v7;
	v4 =	vld [tilespmem:s19+$0xA0]  }
0x16a: {  	v12 =	vmov s3;
	s24 =	simm.s32 $0x4;
	v11 =	vshll.u32 v10, $0x10;
	v1 =	vmul.f32 v1, v7  }
0x16b: {  	v9 =	vmov s24;
	v10 =	vand.u32 $0xFFFF0000, v10;
	v11 =	vmul.f32 v11, v6;
	[tilespmem:s20+$0xFFFFFFA0] =	vst v3  }
0x16c: {  	s18 =	simm.s32 $0x6;
	v3 =	vand.u32 $0xFFFFFFFC, v9;
	v9 =	vmul.f32 v10, v6;
	[tilespmem:s20+$0xFFFFFFB0] =	vst v1;
	v1 =	vshll.u32 v2, $0x10  }
0x16d: {  	v2 =	vand.u32 $0xFFFF0000, v2;
	[tilespmem:s20+$0xFFFFFF20] =	vst v11;
	v11 =	vmov s18;
	v10 =	vld [tilespmem:s19+$0x60];
	v1 =	vmul.f32 v1, v5  }
0x16e: {  	v2 =	vmul.f32 v2, v5;
	[tilespmem:s20+$0xFFFFFF30] =	vst v9;
	v9 =	vand.u32 $0xFFFFFFFE, v11;
	v11 =	vshll.u32 v4, $0x10  }
0x16f: {  	s24 =	simm.s32 $0x5;
	v13 =	vld [tilespmem:s19+$0x20];
	[tilespmem:s20+$0xA0] =	vst v1;
	v9 =	vbroadcast v9, $0x0;
	v1 =	vand.u32 $0xFFFF0000, v4;
	v4 =	vmul.f32 v11, v8  }
0x170: {  	s18 =	sadd.s32 $0x100, s22;
	v3 =	vbroadcast v3, $0x0;
	[tilespmem:s20+$0xB0] =	vst v2;
	v11 =	vmov s24;
	v2 =	vmul.f32 v1, v8  }
0x171: {  	s24 =	sadd.s32 s28, s18;
	v1 =	vand.u32 $0xFFFFFFFD, v11;
	v11 =	vld [tilespmem:s19+$0xE0];
	[tilespmem:s20+$0x40] =	vst v4  }
0x172: {  	v15 =	vld [tilespmem:s24+$0x80];
	v14 =	vbroadcast v1, $0x0;
	v4 =	vshll.u32 v10, $0x10;
	[tilespmem:s20+$0x50] =	vst v2  }
0x173: {  	v2 =	vand.u32 $0xFFFF0000, v10;
	v4 =	vmul.f32 v4, v7;
	v10 =	vld [tilespmem:s19+$0xB0]  }
0x174: {  	v1 =	vld.idx.msk [tilespmem:v12+s17+$0x0], $0xffff;
	v12 =	vmul.f32 v2, v7;
	v2 =	vshll.u32 v13, $0x10  }
0x175: {  	v13 =	vand.u32 $0xFFFF0000, v13;
	v16 =	vmul.f32 v2, v6;
	[tilespmem:s20+$0xFFFFFFC0] =	vst v4;
	v4 =	vld.idx.msk [tilespmem:v9+s17+$0x0], $0xffff  }
0x176: {  	v2 =	vld.idx.msk [tilespmem:v3+s17+$0x0], $0xffff;
	v9 =	vmul.f32 v13, v6;
	[tilespmem:s20+$0xFFFFFFD0] =	vst v12;
	v3 =	vshll.u32 v11, $0x10  }
0x177: {  	v13 =	vld [tilespmem:s24+$0x40];
	v11 =	vand.u32 $0xFFFF0000, v11;
	[tilespmem:s20+$0xFFFFFF40] =	vst v16;
	v12 =	vmul.f32 v3, v5  }
0x178: {  	v11 =	vmul.f32 v11, v5;
	[tilespmem:s20+$0xFFFFFF50] =	vst v9;
	v3 =	vld.idx.msk [tilespmem:v14+s17+$0x0], $0xffff;
	v9 =	vand.u32 $0xFFFF0000, v10  }
0x179: {  	v14 =	vld [tilespmem:s24+$0x0];
	v10 =	vshll.u32 v10, $0x10;
	[tilespmem:s20+$0xC0] =	vst v12;
	v9 =	vmul.f32 v9, v8  }
0x17a: {  	v16 =	vld [tilespmem:s24+$0xC0];
	v12 =	vshll.u32 v15, $0x10;
	[tilespmem:s20+$0xD0] =	vst v11;
	v8 =	vmul.f32 v10, v8  }
0x17b: {  	v11 =	vand.u32 $0xFFFF0000, v15;
	v15 =	vld [tilespmem:s19+$0x70];
	v12 =	vmul.f32 v12, v4;
	[tilespmem:s20+$0x70] =	vst v9  }
0x17c: {  	s7 =	simm.s32 $0x6D00;
	v10 =	vld [tilespmem:s19+$0x30];
	v9 =	vmul.f32 v11, v4;
	v11 =	vshll.u32 v13, $0x10;
	[tilespmem:s20+$0x60] =	vst v8  }
0x17d: {  	v13 =	vand.u32 $0xFFFF0000, v13;
	[tilespmem:s7+$0x0] =	vst v12;
	v11 =	vmul.f32 v11, v3  }
0x17e: {  	v12 =	vld [tilespmem:s19+$0xF0];
	[tilespmem:s7+$0x10] =	vst v9;
	v9 =	vshll.u32 v14, $0x10;
	v8 =	vmul.f32 v13, v3;
	v14 =	vand.u32 $0xFFFF0000, v14  }
0x17f: {  	v17 =	vshll.u32 v16, $0x10;
	v13 =	vld [tilespmem:s24+$0x90];
	v9 =	vmul.f32 v9, v2;
	v14 =	vmul.f32 v14, v2;
	[tilespmem:s7+$0xFFFFFF80] =	vst v11  }
0x180: {  	v11 =	vand.u32 $0xFFFF0000, v16;
	v16 =	vshll.u32 v15, $0x10;
	[tilespmem:s7+$0xFFFFFF90] =	vst v8;
	v8 =	vand.u32 $0xFFFF0000, v15  }
0x181: {  	v15 =	vmul.f32 v17, v1;
	v11 =	vmul.f32 v11, v1;
	[tilespmem:s7+$0xFFFFFF00] =	vst v9;
	v17 =	vld [tilespmem:s24+$0x50];
	v9 =	vshll.u32 v10, $0x10  }
0x182: {  	v10 =	vand.u32 $0xFFFF0000, v10;
	[tilespmem:s7+$0xFFFFFF10] =	vst v14;
	v14 =	vmul.f32 v16, v7;
	v16 =	vmul.f32 v8, v7  }
0x183: {  	v18 =	vshll.u32 v12, $0x10;
	v19 =	vld [tilespmem:s24+$0x10];
	[tilespmem:s7+$0x80] =	vst v15;
	v9 =	vmul.f32 v9, v6;
	v8 =	vmul.f32 v10, v6  }
0x184: {  	s3 =	simm.s32 $0x8;
	[tilespmem:s7+$0x90] =	vst v11;
	v11 =	vand.u32 $0xFFFF0000, v12;
	v7 =	vshll.u32 v13, $0x10;
	v13 =	vand.u32 $0xFFFF0000, v13  }
0x185: {  	[tilespmem:s20+$0xFFFFFFE0] =	vst v14;
	v12 =	vld [tilespmem:s24+$0xD0];
	v6 =	vmul.f32 v11, v5;
	v11 =	vmov s3;
	v15 =	vmul.f32 v7, v4  }
0x186: {  	[tilespmem:s20+$0xFFFFFFF0] =	vst v16;
	v10 =	vmul.f32 v13, v4;
	v7 =	vmul.f32 v18, v5;
	v5 =	vshll.u32 v17, $0x10  }
0x187: {  	v11 =	vand.u32 $0xFFFFFFFC, v11;
	v13 =	vand.u32 $0xFFFF0000, v17;
	[tilespmem:s7+$0x20] =	vst v15;
	v5 =	vmul.f32 v5, v3  }
0x188: {  	s29 =	simm.s32 $0xB;
	[tilespmem:s7+$0x30] =	vst v10;
	v10 =	vmul.f32 v13, v3;
	v13 =	vshll.u32 v19, $0x10;
	v14 =	vand.u32 $0xFFFF0000, v19  }
0x189: {  	s3 =	simm.s32 $0x9;
	v15 =	vmov s29;
	v17 =	vld [tilespmem:s24+$0xA0];
	v13 =	vmul.f32 v13, v2;
	v16 =	vmul.f32 v14, v2;
	[tilespmem:s7+$0xFFFFFFA0] =	vst v5  }
0x18a: {  	v5 =	vmov s3;
	[tilespmem:s7+$0xFFFFFFB0] =	vst v10;
	v14 =	vshll.u32 v12, $0x10;
	v10 =	vbroadcast v11, $0x0  }
0x18b: {  	v11 =	vand.u32 $0xFFFF0000, v12;
	v12 =	vmul.f32 v14, v1;
	v5 =	vand.u32 $0xFFFFFFFD, v5  }
0x18c: {  	s3 =	simm.s32 $0xA;
	[tilespmem:s7+$0xFFFFFF20] =	vst v13;
	v14 =	vld [tilespmem:s24+$0x60];
	v18 =	vmul.f32 v11, v1;
	v11 =	vbroadcast v5, $0x0  }
0x18d: {  	v13 =	vmov s3;
	[tilespmem:s7+$0xFFFFFF30] =	vst v16  }
0x18e: {  	v5 =	vand.u32 $0xFFFFFFFE, v13;
	v13 =	vld [tilespmem:s24+$0x20];
	[tilespmem:s7+$0xA0] =	vst v12;
	v19 =	vshll.u32 v17, $0x10  }
0x18f: {  	s19 =	simm.s32 $0xC;
	s29 =	simm.s32 $0x6D00;
	v12 =	vbroadcast v5, $0x0;
	v5 =	vld.idx.msk [tilespmem:v15+s17+$0x0], $0xffff;
	[tilespmem:s7+$0xB0] =	vst v18;
	v16 =	vand.u32 $0xFFFF0000, v17;
	v15 =	vmul.f32 v19, v4  }
.LBB2_7:
0x190: {  	p2 =	slt.u32 s19, $0x3C;
	v16 =	vmul.f32 v16, v4;
	v17 =	vld [tilespmem:s24+$0xE0];
	[tilespmem:s20+$0xFFFFFF60] =	vst v9  }
0x191: {  	v10 =	vld.idx.msk [tilespmem:v10+s17+$0x0], $0xffff;
	v9 =	vshll.u32 v14, $0x10;
	v14 =	vand.u32 $0xFFFF0000, v14;
	[tilespmem:s7+$0x40] =	vst v15  }
0x192: {  	s18 =	sadd.s32 $0x100, s18;
	v11 =	vld.idx.msk [tilespmem:v11+s17+$0x0], $0xffff;
	v9 =	vmul.f32 v9, v3;
	v14 =	vmul.f32 v14, v3;
	[tilespmem:s7+$0x50] =	vst v16  }
0x193: {  	s3 =	sadd.s32 s28, s18;
	v15 =	vshll.u32 v13, $0x10;
	v13 =	vand.u32 $0xFFFF0000, v13;
	v16 =	vld [tilespmem:s24+$0xB0];
	[tilespmem:s20+$0xFFFFFF70] =	vst v8  }
0x194: {  	v8 =	vld [tilespmem:s3+$0x80];
	v15 =	vmul.f32 v15, v2;
	v13 =	vmul.f32 v13, v2;
	[tilespmem:s7+$0xFFFFFFC0] =	vst v9  }
0x195: {  	v9 =	vld.idx.msk [tilespmem:v12+s17+$0x0], $0xffff;
	[tilespmem:s7+$0xFFFFFFD0] =	vst v14;
	v12 =	vshll.u32 v17, $0x10;
	v14 =	vand.u32 $0xFFFF0000, v17  }
0x196: {  	v17 =	vld [tilespmem:s3+$0x0];
	[tilespmem:s7+$0xFFFFFF40] =	vst v15;
	v12 =	vmul.f32 v12, v1;
	v14 =	vmul.f32 v14, v1  }
0x197: {  	v15 =	vld [tilespmem:s3+$0x40];
	[tilespmem:s7+$0xFFFFFF50] =	vst v13  }
0x198: {  	v13 =	vld [tilespmem:s3+$0xC0];
	v18 =	vshll.u32 v16, $0x10;
	v16 =	vand.u32 $0xFFFF0000, v16;
	[tilespmem:s7+$0xC0] =	vst v12  }
0x199: {  	v12 =	vld [tilespmem:s24+$0x70];
	v18 =	vmul.f32 v18, v4;
	v20 =	vmul.f32 v16, v4;
	[tilespmem:s7+$0xD0] =	vst v14  }
0x19a: {  	v14 =	vshll.u32 v8, $0x10;
	v16 =	vld [tilespmem:s24+$0x30];
	[tilespmem:s20+$0xE0] =	vst v7  }
0x19b: {  	v8 =	vand.u32 $0xFFFF0000, v8;
	v14 =	vmul.f32 v14, v9;
	v4 =	vmovc v9;
	v7 =	vshll.u32 v17, $0x10;
	[tilespmem:s7+$0x70] =	vst v20;
	v19 =	vld [tilespmem:s24+$0xF0];
	s24 =	smov.u32 s3  }
0x19c: {  	v9 =	vand.u32 $0xFFFF0000, v17;
	v8 =	vmul.f32 v8, v4;
	s7 =	sadd.s32 $0x200, s7;
	v17 =	vshll.u32 v15, $0x10;
	[tilespmem:s29+$0x60] =	vst v18  }
0x19d: {  	v15 =	vand.u32 $0xFFFF0000, v15;
	[tilespmem:s7+$0x0] =	vst v14;
	v14 =	vshll.u32 v13, $0x10;
	v13 =	vand.u32 $0xFFFF0000, v13  }
0x19e: {  	v17 =	vmul.f32 v17, v11;
	v15 =	vmul.f32 v15, v11;
	[tilespmem:s7+$0x10] =	vst v8;
	v8 =	vshll.u32 v12, $0x10  }
0x19f: {  	v7 =	vmul.f32 v7, v10;
	v9 =	vmul.f32 v9, v10;
	v12 =	vand.u32 $0xFFFF0000, v12;
	v18 =	vld [tilespmem:s24+$0x90];
	[tilespmem:s20+$0xF0] =	vst v6;
	s20 =	smov.u32 s29;
	s29 =	smov.u32 s7  }
0x1a0: {  	v13 =	vmul.f32 v13, v5;
	v6 =	vmul.f32 v14, v5;
	v14 =	vshll.u32 v16, $0x10;
	[tilespmem:s7+$0xFFFFFF80] =	vst v17  }
0x1a1: {  	v17 =	vand.u32 $0xFFFF0000, v19;
	[tilespmem:s7+$0xFFFFFF90] =	vst v15;
	v15 =	vand.u32 $0xFFFF0000, v16;
	v16 =	vshll.u32 v19, $0x10  }
0x1a2: {  	v20 =	vmul.f32 v8, v3;
	v12 =	vmul.f32 v12, v3;
	v3 =	vmov v11;
	[tilespmem:s7+$0xFFFFFF00] =	vst v7;
	v19 =	vld [tilespmem:s24+$0x50]  }
0x1a3: {  	v8 =	vmul.f32 v15, v2;
	[tilespmem:s7+$0xFFFFFF10] =	vst v9;
	v9 =	vmul.f32 v14, v2;
	v2 =	vmov v10  }
0x1a4: {  	v7 =	vmul.f32 v16, v1;
	v11 =	vld [tilespmem:s24+$0x10];
	v10 =	vshll.u32 v18, $0x10;
	[tilespmem:s7+$0x80] =	vst v6;
	v6 =	vmul.f32 v17, v1;
	v1 =	vmovc v5  }
0x1a5: {  	s3 =	sadd.s32 $0x3, s19;
	v5 =	vand.u32 $0xFFFF0000, v18;
	v10 =	vmul.f32 v10, v4;
	[tilespmem:s7+$0x90] =	vst v13  }
0x1a6: {  	v15 =	vmov s3;
	v13 =	vmov s19;
	v5 =	vmul.f32 v5, v4;
	v14 =	vld [tilespmem:s24+$0xD0];
	[tilespmem:s20+$0xFFFFFFE0] =	vst v20  }
0x1a7: {  	s3 =	sadd.s32 $0x1, s19;
	v13 =	vand.u32 $0xFFFFFFFC, v13;
	v16 =	vshll.u32 v19, $0x10;
	v17 =	vand.u32 $0xFFFF0000, v19;
	[tilespmem:s7+$0x20] =	vst v10  }
0x1a8: {  	v18 =	vmov s3;
	v16 =	vmul.f32 v16, v3;
	v17 =	vmul.f32 v17, v3;
	[tilespmem:s7+$0x30] =	vst v5  }
0x1a9: {  	v10 =	vbroadcast v13, $0x0;
	v5 =	vshll.u32 v11, $0x10;
	v11 =	vand.u32 $0xFFFF0000, v11;
	v19 =	vld [tilespmem:s24+$0xA0];
	[tilespmem:s20+$0xFFFFFFF0] =	vst v12  }
0x1aa: {  	v12 =	vand.u32 $0xFFFFFFFD, v18;
	v5 =	vmul.f32 v5, v2;
	v13 =	vmul.f32 v11, v2;
	[tilespmem:s7+$0xFFFFFFA0] =	vst v16  }
.Ltmp2:
0x1ab: {  	v11 =	vbroadcast v12, $0x0;
	[tilespmem:s7+$0xFFFFFFB0] =	vst v17;
	v12 =	vshll.u32 v14, $0x10;
	v16 =	vand.u32 $0xFFFF0000, v14;
	(pc) =	sbr.rel @p2 .LBB2_7-.Ltmp2, $4  }
0x1ac: {  	s3 =	sadd.s32 $0x2, s19;
	[tilespmem:s7+$0xFFFFFF20] =	vst v5;
	v14 =	vld [tilespmem:s24+$0x60];
	v5 =	vmul.f32 v12, v1;
	v17 =	vmul.f32 v16, v1  }
0x1ad: {  	v12 =	vmov s3;
	[tilespmem:s7+$0xFFFFFF30] =	vst v13  }
0x1ae: {  	v12 =	vand.u32 $0xFFFFFFFE, v12;
	v13 =	vld [tilespmem:s24+$0x20];
	v18 =	vshll.u32 v19, $0x10;
	[tilespmem:s7+$0xA0] =	vst v5  }
0x1af: {  	s19 =	sadd.s32 $0x4, s19;
	v12 =	vbroadcast v12, $0x0;
	v16 =	vand.u32 $0xFFFF0000, v19;
	v5 =	vld.idx.msk [tilespmem:v15+s17+$0x0], $0xffff;
	v15 =	vmul.f32 v18, v4;
	[tilespmem:s7+$0xB0] =	vst v17  }
0x1b0: {  	v16 =	vmul.f32 v16, v4;
	[tilespmem:s20+$0xFFFFFF60] =	vst v9  }
0x1b1: {  	v17 =	vld [tilespmem:s24+$0xE0];
	[tilespmem:s7+$0x40] =	vst v15  }
0x1b2: {  	v9 =	vshll.u32 v14, $0x10;
	[tilespmem:s7+$0x50] =	vst v16  }
0x1b3: {  	s3 =	sadd.s32 $0x100, s18;
	[tilespmem:s20+$0xFFFFFF70] =	vst v8;
	v14 =	vand.u32 $0xFFFF0000, v14;
	v9 =	vmul.f32 v9, v3;
	v16 =	vld [tilespmem:s24+$0xB0]  }
0x1b4: {  	[tilespmem:s20+$0xE0] =	vst v7;
	s18 =	sadd.s32 s28, s3;
	v14 =	vmul.f32 v14, v3;
	v15 =	vshll.u32 v13, $0x10  }
0x1b5: {  	v8 =	vand.u32 $0xFFFF0000, v13;
	v13 =	vmul.f32 v15, v2;
	[tilespmem:s7+$0xFFFFFFC0] =	vst v9;
	v9 =	vld [tilespmem:s18+$0x80]  }
0x1b6: {  	v12 =	vld.idx.msk [tilespmem:v12+s17+$0x0], $0xffff;
	v8 =	vmul.f32 v8, v2;
	[tilespmem:s7+$0xFFFFFFD0] =	vst v14;
	v14 =	vshll.u32 v17, $0x10  }
0x1b7: {  	v15 =	vand.u32 $0xFFFF0000, v17;
	[tilespmem:s7+$0xFFFFFF40] =	vst v13;
	v13 =	vmul.f32 v14, v1  }
0x1b8: {  	v14 =	vmul.f32 v15, v1;
	[tilespmem:s7+$0xFFFFFF50] =	vst v8;
	v8 =	vld [tilespmem:s18+$0x40];
	v15 =	vand.u32 $0xFFFF0000, v16  }
0x1b9: {  	v11 =	vld.idx.msk [tilespmem:v11+s17+$0x0], $0xffff;
	[tilespmem:s7+$0xC0] =	vst v13;
	v13 =	vshll.u32 v16, $0x10;
	v15 =	vmul.f32 v15, v4  }
0x1ba: {  	[tilespmem:s7+$0xD0] =	vst v14;
	v14 =	vld [tilespmem:s18+$0x0];
	v4 =	vmul.f32 v13, v4;
	v13 =	vshll.u32 v9, $0x10  }
0x1bb: {  	v7 =	vld.idx.msk [tilespmem:v10+s17+$0x0], $0xffff;
	v9 =	vand.u32 $0xFFFF0000, v9;
	v10 =	vmul.f32 v13, v12;
	[tilespmem:s7+$0x70] =	vst v15  }
0x1bc: {  	s19 =	sadd.s32 $0x200, s7;
	v13 =	vld [tilespmem:s18+$0xC0];
	v9 =	vmul.f32 v9, v12;
	[tilespmem:s29+$0x60] =	vst v4  }
0x1bd: {  	v4 =	vshll.u32 v8, $0x10;
	[tilespmem:s19+$0x0] =	vst v10  }
0x1be: {  	v10 =	vld [tilespmem:s24+$0x70];
	v8 =	vand.u32 $0xFFFF0000, v8;
	[tilespmem:s19+$0x10] =	vst v9;
	v4 =	vmul.f32 v4, v11  }
0x1bf: {  	[tilespmem:s20+$0xF0] =	vst v6;
	v9 =	vshll.u32 v14, $0x10;
	v8 =	vmul.f32 v8, v11;
	v15 =	vld [tilespmem:s18+$0x90]  }
0x1c0: {  	v6 =	vand.u32 $0xFFFF0000, v14;
	v9 =	vmul.f32 v9, v7;
	[tilespmem:s19+$0xFFFFFF80] =	vst v4  }
0x1c1: {  	v6 =	vmul.f32 v6, v7;
	v4 =	vshll.u32 v13, $0x10;
	[tilespmem:s19+$0xFFFFFF90] =	vst v8  }
0x1c2: {  	v8 =	vand.u32 $0xFFFF0000, v13;
	v4 =	vmul.f32 v4, v5;
	[tilespmem:s19+$0xFFFFFF00] =	vst v9;
	v9 =	vld [tilespmem:s18+$0x50]  }
0x1c3: {  	v8 =	vmul.f32 v8, v5;
	[tilespmem:s19+$0xFFFFFF10] =	vst v6;
	v13 =	vshll.u32 v10, $0x10  }
0x1c4: {  	v6 =	vmul.f32 v13, v3;
	v13 =	vld [tilespmem:s18+$0x10];
	v14 =	vshll.u32 v15, $0x10;
	[tilespmem:s19+$0x80] =	vst v4  }
0x1c5: {  	v4 =	vand.u32 $0xFFFF0000, v15;
	[tilespmem:s19+$0x90] =	vst v8;
	v14 =	vmul.f32 v14, v12  }
0x1c6: {  	v8 =	vand.u32 $0xFFFF0000, v10;
	v4 =	vmul.f32 v4, v12;
	v10 =	vld [tilespmem:s18+$0xD0];
	[tilespmem:s29+$0xFFFFFFE0] =	vst v6  }
0x1c7: {  	v3 =	vmul.f32 v8, v3;
	v6 =	vshll.u32 v9, $0x10;
	[tilespmem:s19+$0x20] =	vst v14  }
0x1c8: {  	v8 =	vld [tilespmem:s24+$0x30];
	v9 =	vand.u32 $0xFFFF0000, v9;
	[tilespmem:s19+$0x30] =	vst v4;
	v6 =	vmul.f32 v6, v11  }
0x1c9: {  	[tilespmem:s29+$0xFFFFFFF0] =	vst v3;
	v4 =	vmul.f32 v9, v11;
	v14 =	vld [tilespmem:s18+$0xA0];
	v9 =	vshll.u32 v13, $0x10  }
0x1ca: {  	v3 =	vand.u32 $0xFFFF0000, v13;
	v9 =	vmul.f32 v9, v7;
	[tilespmem:s19+$0xFFFFFFA0] =	vst v6  }
0x1cb: {  	v3 =	vmul.f32 v3, v7;
	[tilespmem:s19+$0xFFFFFFB0] =	vst v4;
	v4 =	vshll.u32 v10, $0x10  }
0x1cc: {  	v6 =	vand.u32 $0xFFFF0000, v10;
	v4 =	vmul.f32 v4, v5;
	[tilespmem:s19+$0xFFFFFF20] =	vst v9;
	v9 =	vld [tilespmem:s18+$0x60]  }
0x1cd: {  	v10 =	vshll.u32 v8, $0x10;
	v6 =	vmul.f32 v6, v5;
	[tilespmem:s19+$0xFFFFFF30] =	vst v3  }
0x1ce: {  	v3 =	vmul.f32 v10, v2;
	v10 =	vld [tilespmem:s18+$0x20];
	v13 =	vshll.u32 v14, $0x10;
	[tilespmem:s19+$0xA0] =	vst v4  }
0x1cf: {  	v4 =	vand.u32 $0xFFFF0000, v14;
	[tilespmem:s19+$0xB0] =	vst v6;
	v13 =	vmul.f32 v13, v12  }
0x1d0: {  	v6 =	vand.u32 $0xFFFF0000, v8;
	v4 =	vmul.f32 v4, v12;
	v8 =	vld [tilespmem:s18+$0xE0];
	[tilespmem:s29+$0xFFFFFF60] =	vst v3  }
0x1d1: {  	v2 =	vmul.f32 v6, v2;
	[tilespmem:s19+$0x40] =	vst v13;
	v3 =	vshll.u32 v9, $0x10  }
0x1d2: {  	v6 =	vld [tilespmem:s24+$0xF0];
	[tilespmem:s19+$0x50] =	vst v4;
	v9 =	vand.u32 $0xFFFF0000, v9;
	v3 =	vmul.f32 v3, v11  }
0x1d3: {  	[tilespmem:s29+$0xFFFFFF70] =	vst v2;
	v13 =	vld [tilespmem:s18+$0xB0];
	v4 =	vmul.f32 v9, v11;
	v9 =	vshll.u32 v10, $0x10  }
0x1d4: {  	v2 =	vand.u32 $0xFFFF0000, v10;
	v9 =	vmul.f32 v9, v7;
	[tilespmem:s19+$0xFFFFFFC0] =	vst v3  }
0x1d5: {  	v2 =	vmul.f32 v2, v7;
	[tilespmem:s19+$0xFFFFFFD0] =	vst v4;
	v3 =	vshll.u32 v8, $0x10  }
0x1d6: {  	v4 =	vand.u32 $0xFFFF0000, v8;
	[tilespmem:s19+$0xFFFFFF40] =	vst v9;
	v3 =	vmul.f32 v3, v5;
	v8 =	vld [tilespmem:s18+$0x70]  }
0x1d7: {  	v9 =	vshll.u32 v6, $0x10;
	v4 =	vmul.f32 v4, v5;
	[tilespmem:s19+$0xFFFFFF50] =	vst v2  }
0x1d8: {  	v2 =	vmul.f32 v9, v1;
	v9 =	vand.u32 $0xFFFF0000, v13;
	[tilespmem:s19+$0xC0] =	vst v3;
	v3 =	vld [tilespmem:s18+$0x30]  }
0x1d9: {  	v10 =	vshll.u32 v13, $0x10;
	v9 =	vmul.f32 v9, v12;
	[tilespmem:s19+$0xD0] =	vst v4  }
0x1da: {  	v4 =	vand.u32 $0xFFFF0000, v6;
	v6 =	vmul.f32 v10, v12;
	[tilespmem:s29+$0xE0] =	vst v2;
	v2 =	vld [tilespmem:s18+$0xF0]  }
0x1db: {  	v1 =	vmul.f32 v4, v1;
	[tilespmem:s19+$0x70] =	vst v9;
	v4 =	vshll.u32 v8, $0x10  }
0x1dc: {  	[tilespmem:s19+$0x60] =	vst v6;
	v6 =	vand.u32 $0xFFFF0000, v8;
	v4 =	vmul.f32 v4, v11  }
0x1dd: {  	[tilespmem:s29+$0xF0] =	vst v1;
	v6 =	vmul.f32 v6, v11;
	v1 =	vshll.u32 v3, $0x10  }
0x1de: {  	v3 =	vand.u32 $0xFFFF0000, v3;
	v1 =	vmul.f32 v1, v7;
	[tilespmem:s19+$0xFFFFFFE0] =	vst v4  }
0x1df: {  	v4 =	vshll.u32 v2, $0x10;
	v3 =	vmul.f32 v3, v7;
	[tilespmem:s19+$0xFFFFFFF0] =	vst v6  }
0x1e0: {  	s20 =	simm.s32 $0x2;
	v2 =	vand.u32 $0xFFFF0000, v2;
	v4 =	vmul.f32 v4, v5;
	[tilespmem:s19+$0xFFFFFF60] =	vst v1  }
0x1e1: {  	v1 =	vmul.f32 v2, v5;
	[tilespmem:s19+$0xFFFFFF70] =	vst v3;
	v2 =	vmov s20  }
0x1e2: {  	s24 =	simm.s32 $0x1;
	[tilespmem:s19+$0xE0] =	vst v4;
	v2 =	vand.u32 $0xFFFFFFFE, v2  }
0x1e3: {  	s3 =	simm.s32 @!p1 $0x4;
	v3 =	vmov s24;
	[tilespmem:s19+$0xF0] =	vst v1;
	v1 =	vmov s28;
	v2 =	vbroadcast v2, $0x0;
	s28 =	simm.s32 $0x0  }
0x1e4: {  	v3 =	vand.u32 $0xFFFFFFFD, v3;
	[spmem:s0] =	stream.indirect.scatter.add.f32 [tilespmem:s30], [sflag:$0x4], $0x80, s26, s10, $0xb8;
	[tilespmem:$0x1F180] =	vst v63  }
0x1e5: {  	v3 =	vbroadcast v3, $0x0;
	v4 =	vmov s28;
	_ =	swait.ge @!p1 [sflag:s3], $0x2000  }
0x1e6: {  	v4 =	vand.u32 $0xFFFFFFFC, v4;
	[sflag:s3] =	ssyncset.done @!p1 $0x0  }
0x1e7: {  	v4 =	vbroadcast v4, $0x0;
	[sflag:s3] =	ssyncadd.s32 @!p1 $0xFFFFE000  }
0x1e8: {  	v5 =	vld.idx.msk [tilespmem:v1+s22+$0x1080 ss:$0x1], $0xffff  }
0x1e9: {  	s29 =	simm.s32 $0x3;
	v8 =	vld.idx.msk [tilespmem:v2+s25+$0x0], $0xffff  }
0x1ea: {  	v10 =	vld.idx.msk [tilespmem:v1+s22+$0x1040 ss:$0x1], $0xffff;
	v2 =	vmov s29  }
0x1eb: {  	v9 =	vld.idx.msk [tilespmem:v3+s25+$0x0], $0xffff  }
0x1ec: {  	v3 =	vld.idx.msk [tilespmem:v1+s22+$0x1000 ss:$0x1], $0xffff  }
0x1ed: {  	v7 =	vld.idx.msk [tilespmem:v4+s25+$0x0], $0xffff;
	v4 =	vshll.u32 v5, $0x10  }
0x1ee: {  	v11 =	vld.idx.msk [tilespmem:v1+s22+$0x10C0 ss:$0x1], $0xffff;
	v5 =	vand.u32 $0xFFFF0000, v5;
	v4 =	vmul.f32 v4, v8  }
0x1ef: {  	s20 =	simm.s32 $0x8BF0;
	v6 =	vld.idx.msk [tilespmem:v2+s25+$0x0], $0xffff;
	v2 =	vmul.f32 v5, v8;
	v5 =	vshll.u32 v10, $0x10  }
0x1f0: {  	v5 =	vmul.f32 v5, v9;
	[tilespmem:s20+$0xFFFFFF10] =	vst v4;
	v4 =	vand.u32 $0xFFFF0000, v10  }
0x1f1: {  	v10 =	vshll.u32 v3, $0x10;
	[tilespmem:s20+$0xFFFFFF20] =	vst v2;
	v2 =	vmul.f32 v4, v9  }
0x1f2: {  	v3 =	vand.u32 $0xFFFF0000, v3;
	v4 =	vmul.f32 v10, v7;
	v10 =	vld.idx.msk [tilespmem:v1+s22+$0x1090 ss:$0x1], $0xffff;
	[tilespmem:s20+$0xFFFFFE90] =	vst v5  }
0x1f3: {  	v5 =	vshll.u32 v11, $0x10;
	v3 =	vmul.f32 v3, v7;
	[tilespmem:s20+$0xFFFFFEA0] =	vst v2  }
0x1f4: {  	v2 =	vand.u32 $0xFFFF0000, v11;
	[tilespmem:s20+$0xFFFFFE10] =	vst v4;
	v4 =	vmul.f32 v5, v6;
	v5 =	vld.idx.msk [tilespmem:v1+s22+$0x1050 ss:$0x1], $0xffff  }
0x1f5: {  	[tilespmem:s20+$0xFFFFFE20] =	vst v3;
	v2 =	vmul.f32 v2, v6  }
0x1f6: {  	v3 =	vld.idx.msk [tilespmem:v1+s22+$0x1010 ss:$0x1], $0xffff;
	[tilespmem:s20+$0xFFFFFF90] =	vst v4  }
0x1f7: {  	[tilespmem:s20+$0xFFFFFFA0] =	vst v2;
	v2 =	vshll.u32 v10, $0x10  }
0x1f8: {  	v10 =	vand.u32 $0xFFFF0000, v10;
	v4 =	vld.idx.msk [tilespmem:v1+s22+$0x10D0 ss:$0x1], $0xffff;
	v2 =	vmul.f32 v2, v8  }
0x1f9: {  	s7 =	simm.s32 $0x4;
	v10 =	vmul.f32 v10, v8;
	v11 =	vshll.u32 v5, $0x10  }
0x1fa: {  	v12 =	vmov s7;
	v5 =	vand.u32 $0xFFFF0000, v5;
	[tilespmem:s20+$0xFFFFFF30] =	vst v2;
	v2 =	vmul.f32 v11, v9  }
0x1fb: {  	[tilespmem:s20+$0xFFFFFF40] =	vst v10;
	v11 =	vand.u32 $0xFFFFFFFC, v12;
	v12 =	vshll.u32 v3, $0x10;
	v5 =	vmul.f32 v5, v9  }
0x1fc: {  	s17 =	simm.s32 $0x6;
	v3 =	vand.u32 $0xFFFF0000, v3;
	v10 =	vbroadcast v11, $0x0;
	v11 =	vmul.f32 v12, v7;
	v12 =	vld.idx.msk [tilespmem:v1+s22+$0x10A0 ss:$0x1], $0xffff;
	[tilespmem:s20+$0xFFFFFEB0] =	vst v2  }
0x1fd: {  	v13 =	vmov s17;
	v2 =	vmul.f32 v3, v7;
	v3 =	vshll.u32 v4, $0x10;
	[tilespmem:s20+$0xFFFFFEC0] =	vst v5  }
0x1fe: {  	v4 =	vand.u32 $0xFFFF0000, v4;
	v5 =	vand.u32 $0xFFFFFFFE, v13;
	v3 =	vmul.f32 v3, v6;
	[tilespmem:s20+$0xFFFFFE30] =	vst v11;
	v11 =	vld.idx.msk [tilespmem:v1+s22+$0x1060 ss:$0x1], $0xffff  }
0x1ff: {  	v4 =	vmul.f32 v4, v6;
	v5 =	vbroadcast v5, $0x0;
	[tilespmem:s20+$0xFFFFFE40] =	vst v2  }
0x200: {  	s18 =	simm.s32 $0x5;
	v13 =	vld.idx.msk [tilespmem:v1+s22+$0x1020 ss:$0x1], $0xffff;
	[tilespmem:s20+$0xFFFFFFB0] =	vst v3  }
0x201: {  	v2 =	vmov s18;
	[tilespmem:s20+$0xFFFFFFC0] =	vst v4;
	v3 =	vshll.u32 v12, $0x10  }
0x202: {  	v2 =	vand.u32 $0xFFFFFFFD, v2;
	v4 =	vand.u32 $0xFFFF0000, v12;
	v12 =	vld.idx.msk [tilespmem:v1+s22+$0x10E0 ss:$0x1], $0xffff;
	v3 =	vmul.f32 v3, v8  }
0x203: {  	s7 =	sadd.s32 $0x100, s22;
	v14 =	vbroadcast v2, $0x0;
	v2 =	vld.idx.msk [tilespmem:v10+s25+$0x0], $0xffff;
	v10 =	vmul.f32 v4, v8;
	v4 =	vshll.u32 v11, $0x10  }
0x204: {  	v15 =	vld.idx.msk [tilespmem:v1+s7+$0x1080 ss:$0x1], $0xffff;
	v11 =	vand.u32 $0xFFFF0000, v11;
	[tilespmem:s20+$0xFFFFFF50] =	vst v3;
	v3 =	vmul.f32 v4, v9  }
0x205: {  	s19 =	simm.s32 $0x7;
	v4 =	vld.idx.msk [tilespmem:v5+s25+$0x0], $0xffff;
	v5 =	vmul.f32 v11, v9;
	[tilespmem:s20+$0xFFFFFF60] =	vst v10;
	v10 =	vshll.u32 v13, $0x10  }
0x206: {  	v16 =	vld.idx.msk [tilespmem:v1+s7+$0x1000 ss:$0x1], $0xffff;
	v11 =	vand.u32 $0xFFFF0000, v13;
	v10 =	vmul.f32 v10, v7;
	[tilespmem:s20+$0xFFFFFED0] =	vst v3;
	v3 =	vmov s19  }
0x207: {  	v13 =	vld.idx.msk [tilespmem:v1+s22+$0x10B0 ss:$0x1], $0xffff;
	v11 =	vmul.f32 v11, v7;
	[tilespmem:s20+$0xFFFFFEE0] =	vst v5;
	v5 =	vshll.u32 v12, $0x10;
	v12 =	vand.u32 $0xFFFF0000, v12  }
0x208: {  	v17 =	vld.idx.msk [tilespmem:v1+s7+$0x1040 ss:$0x1], $0xffff;
	v12 =	vmul.f32 v12, v6;
	[tilespmem:s20+$0xFFFFFE50] =	vst v10  }
0x209: {  	v10 =	vmul.f32 v5, v6;
	v5 =	vld.idx.msk [tilespmem:v14+s25+$0x0], $0xffff;
	v14 =	vshll.u32 v15, $0x10;
	[tilespmem:s20+$0xFFFFFE60] =	vst v11  }
0x20a: {  	v11 =	vand.u32 $0xFFFF0000, v15;
	v14 =	vmul.f32 v14, v4;
	[tilespmem:s20+$0xFFFFFFE0] =	vst v12  }
0x20b: {  	s17 =	simm.s32 $0x8DF0;
	v11 =	vmul.f32 v11, v4;
	v12 =	vshll.u32 v16, $0x10;
	[tilespmem:s20+$0xFFFFFFD0] =	vst v10;
	v10 =	vld.idx.msk [tilespmem:v1+s7+$0x10C0 ss:$0x1], $0xffff  }
0x20c: {  	v15 =	vand.u32 $0xFFFF0000, v13;
	v12 =	vmul.f32 v12, v2;
	v3 =	vld.idx.msk [tilespmem:v3+s25+$0x0], $0xffff;
	[tilespmem:s17+$0xFFFFFF10] =	vst v14  }
0x20d: {  	v18 =	vshll.u32 v17, $0x10;
	v14 =	vmul.f32 v15, v8;
	v15 =	vld.idx.msk [tilespmem:v1+s22+$0x1070 ss:$0x1], $0xffff;
	[tilespmem:s17+$0xFFFFFF20] =	vst v11  }
0x20e: {  	v17 =	vand.u32 $0xFFFF0000, v17;
	v11 =	vld.idx.msk [tilespmem:v1+s22+$0x1030 ss:$0x1], $0xffff;
	[tilespmem:s17+$0xFFFFFE10] =	vst v12;
	v18 =	vmul.f32 v18, v5  }
0x20f: {  	v19 =	vld.idx.msk [tilespmem:v1+s7+$0x1090 ss:$0x1], $0xffff;
	[tilespmem:s20+$0xFFFFFF80] =	vst v14;
	v14 =	vand.u32 $0xFFFF0000, v16;
	v12 =	vmul.f32 v17, v5  }
0x210: {  	v16 =	vld.idx.msk [tilespmem:v1+s22+$0x10F0 ss:$0x1], $0xffff;
	v14 =	vmul.f32 v14, v2;
	v17 =	vshll.u32 v10, $0x10;
	[tilespmem:s17+$0xFFFFFE90] =	vst v18  }
0x211: {  	v10 =	vand.u32 $0xFFFF0000, v10;
	[tilespmem:s17+$0xFFFFFEA0] =	vst v12;
	v12 =	vshll.u32 v13, $0x10;
	v17 =	vmul.f32 v17, v3  }
0x212: {  	v13 =	vshll.u32 v15, $0x10;
	v10 =	vmul.f32 v10, v3;
	[tilespmem:s17+$0xFFFFFE20] =	vst v14;
	v14 =	vand.u32 $0xFFFF0000, v15  }
0x213: {  	v15 =	vshll.u32 v11, $0x10;
	v18 =	vld.idx.msk [tilespmem:v1+s7+$0x1050 ss:$0x1], $0xffff;
	v11 =	vand.u32 $0xFFFF0000, v11;
	v8 =	vmul.f32 v12, v8;
	[tilespmem:s17+$0xFFFFFF90] =	vst v17  }
0x214: {  	v13 =	vmul.f32 v13, v9;
	v9 =	vmul.f32 v14, v9;
	v12 =	vshll.u32 v19, $0x10;
	[tilespmem:s17+$0xFFFFFFA0] =	vst v10  }
0x215: {  	s26 =	simm.s32 $0xB;
	v15 =	vmul.f32 v15, v7;
	v14 =	vshll.u32 v16, $0x10;
	v10 =	vand.u32 $0xFFFF0000, v16;
	v16 =	vld.idx.msk [tilespmem:v1+s7+$0x1010 ss:$0x1], $0xffff;
	[tilespmem:s20+$0xFFFFFF70] =	vst v8  }
0x216: {  	s24 =	simm.s32 $0x8;
	v17 =	vand.u32 $0xFFFF0000, v19;
	v12 =	vmul.f32 v12, v4;
	v19 =	vmov s26;
	[tilespmem:s20+$0xFFFFFEF0] =	vst v13  }
0x217: {  	s28 =	simm.s32 $0x9;
	v13 =	vmov s24;
	[tilespmem:s20+$0xFFFFFF00] =	vst v9;
	v20 =	vld.idx.msk [tilespmem:v1+s7+$0x10D0 ss:$0x1], $0xffff;
	v17 =	vmul.f32 v17, v4;
	v9 =	vmul.f32 v11, v7  }
0x218: {  	v7 =	vmul.f32 v14, v6;
	[tilespmem:s20+$0xFFFFFE70] =	vst v15;
	v15 =	vmov s28;
	v8 =	vshll.u32 v18, $0x10  }
0x219: {  	[tilespmem:s17+$0xFFFFFF30] =	vst v12;
	v11 =	vand.u32 $0xFFFFFFFC, v13;
	v12 =	vand.u32 $0xFFFF0000, v18;
	v13 =	vmul.f32 v8, v5  }
0x21a: {  	v8 =	vmul.f32 v10, v6;
	v14 =	vmul.f32 v12, v5;
	v6 =	vshll.u32 v16, $0x10  }
0x21b: {  	[tilespmem:s17+$0xFFFFFF40] =	vst v17;
	v10 =	vbroadcast v11, $0x0;
	v16 =	vand.u32 $0xFFFF0000, v16;
	v6 =	vmul.f32 v6, v2  }
0x21c: {  	s29 =	simm.s32 $0xA;
	v12 =	vld.idx.msk [tilespmem:v1+s7+$0x10A0 ss:$0x1], $0xffff;
	v16 =	vmul.f32 v16, v2;
	v11 =	vshll.u32 v20, $0x10;
	[tilespmem:s17+$0xFFFFFEC0] =	vst v14;
	v14 =	vand.u32 $0xFFFFFFFD, v15  }
0x21d: {  	[tilespmem:s17+$0xFFFFFEB0] =	vst v13;
	v15 =	vmov s29;
	v17 =	vmul.f32 v11, v3;
	v11 =	vbroadcast v14, $0x0  }
0x21e: {  	v13 =	vld.idx.msk [tilespmem:v1+s7+$0x1060 ss:$0x1], $0xffff;
	v14 =	vand.u32 $0xFFFF0000, v20;
	v15 =	vand.u32 $0xFFFFFFFE, v15;
	[tilespmem:s17+$0xFFFFFE30] =	vst v6  }
0x21f: {  	v6 =	vld.idx.msk [tilespmem:v19+s25+$0x0], $0xffff;
	[tilespmem:s17+$0xFFFFFE40] =	vst v16;
	v16 =	vmul.f32 v14, v3;
	v15 =	vbroadcast v15, $0x0  }
0x220: {  	s18 =	smov.u32 s7;
	s19 =	simm.s32 $0xC;
	v14 =	vld.idx.msk [tilespmem:v1+s7+$0x1020 ss:$0x1], $0xffff;
	[tilespmem:s17+$0xFFFFFFB0] =	vst v17  }
.LBB2_9:
0x221: {  	p1 =	slt.u32 s19, $0x3C;
	v10 =	vld.idx.msk [tilespmem:v10+s25+$0x0], $0xffff;
	v17 =	vshll.u32 v12, $0x10;
	[tilespmem:s17+$0xFFFFFFC0] =	vst v16  }
0x222: {  	v12 =	vand.u32 $0xFFFF0000, v12;
	v16 =	vmul.f32 v17, v4;
	v17 =	vld.idx.msk [tilespmem:v1+s7+$0x10E0 ss:$0x1], $0xffff;
	[tilespmem:s20+$0xFFFFFE80] =	vst v9  }
0x223: {  	s7 =	sadd.s32 $0x100, s7;
	v9 =	vld.idx.msk [tilespmem:v11+s25+$0x0], $0xffff;
	v11 =	vmul.f32 v12, v4;
	[tilespmem:s20+$0xFFFFFFF0] =	vst v7  }
0x224: {  	v12 =	vshll.u32 v13, $0x10;
	v13 =	vand.u32 $0xFFFF0000, v13;
	v7 =	vld.idx.msk [tilespmem:v1+s7+$0x1080 ss:$0x1], $0xffff;
	[tilespmem:s17+$0xFFFFFF50] =	vst v16  }
0x225: {  	v12 =	vmul.f32 v12, v5;
	v13 =	vmul.f32 v13, v5;
	v15 =	vld.idx.msk [tilespmem:v15+s25+$0x0], $0xffff;
	[tilespmem:s17+$0xFFFFFF60] =	vst v11  }
0x226: {  	v11 =	vshll.u32 v14, $0x10;
	v14 =	vand.u32 $0xFFFF0000, v14;
	v16 =	vld.idx.msk [tilespmem:v1+s18+$0x10B0 ss:$0x1], $0xffff;
	[tilespmem:s20+$0x0] =	vst v8;
	s20 =	smov.u32 s17  }
0x227: {  	v11 =	vmul.f32 v11, v2;
	v14 =	vmul.f32 v14, v2;
	v8 =	vld.idx.msk [tilespmem:v1+s7+$0x1000 ss:$0x1], $0xffff;
	[tilespmem:s17+$0xFFFFFED0] =	vst v12  }
0x228: {  	v12 =	vld.idx.msk [tilespmem:v1+s7+$0x1040 ss:$0x1], $0xffff;
	[tilespmem:s17+$0xFFFFFEE0] =	vst v13;
	v13 =	vshll.u32 v17, $0x10;
	v17 =	vand.u32 $0xFFFF0000, v17  }
0x229: {  	v18 =	vld.idx.msk [tilespmem:v1+s7+$0x10C0 ss:$0x1], $0xffff;
	[tilespmem:s17+$0xFFFFFE50] =	vst v11;
	v11 =	vmul.f32 v13, v3;
	v13 =	vmul.f32 v17, v3  }
0x22a: {  	v17 =	vshll.u32 v7, $0x10;
	[tilespmem:s17+$0xFFFFFE60] =	vst v14;
	v14 =	vld.idx.msk [tilespmem:v1+s18+$0x1070 ss:$0x1], $0xffff  }
0x22b: {  	v7 =	vand.u32 $0xFFFF0000, v7;
	v17 =	vmul.f32 v17, v15;
	v19 =	vld.idx.msk [tilespmem:v1+s18+$0x1030 ss:$0x1], $0xffff;
	[tilespmem:s17+$0xFFFFFFD0] =	vst v11  }
0x22c: {  	v7 =	vmul.f32 v7, v15;
	v11 =	vshll.u32 v16, $0x10;
	v16 =	vand.u32 $0xFFFF0000, v16;
	s17 =	sadd.s32 $0x200, s17;
	[tilespmem:s20+$0xFFFFFFE0] =	vst v13  }
0x22d: {  	v13 =	vshll.u32 v8, $0x10;
	v8 =	vand.u32 $0xFFFF0000, v8;
	v16 =	vmul.f32 v16, v4;
	[tilespmem:s17+$0xFFFFFF10] =	vst v17;
	v17 =	vld.idx.msk [tilespmem:v1+s18+$0x10F0 ss:$0x1], $0xffff;
	s18 =	smov.u32 s7  }
0x22e: {  	v13 =	vmul.f32 v13, v10;
	v20 =	vshll.u32 v12, $0x10;
	v12 =	vand.u32 $0xFFFF0000, v12;
	[tilespmem:s17+$0xFFFFFF20] =	vst v7  }
0x22f: {  	v7 =	vmul.f32 v20, v9;
	v20 =	vshll.u32 v18, $0x10;
	v18 =	vand.u32 $0xFFFF0000, v18;
	[tilespmem:s20+$0xFFFFFF80] =	vst v16  }
0x230: {  	v8 =	vmul.f32 v8, v10;
	v12 =	vmul.f32 v12, v9;
	v16 =	vshll.u32 v14, $0x10;
	[tilespmem:s17+$0xFFFFFE10] =	vst v13;
	v13 =	vld.idx.msk [tilespmem:v1+s7+$0x1090 ss:$0x1], $0xffff  }
0x231: {  	v18 =	vmul.f32 v18, v6;
	v14 =	vand.u32 $0xFFFF0000, v14;
	[tilespmem:s17+$0xFFFFFE90] =	vst v7;
	v7 =	vmul.f32 v20, v6  }
0x232: {  	v16 =	vmul.f32 v16, v5;
	[tilespmem:s17+$0xFFFFFEA0] =	vst v12;
	v12 =	vshll.u32 v19, $0x10;
	v19 =	vand.u32 $0xFFFF0000, v19  }
0x233: {  	v14 =	vmul.f32 v14, v5;
	v5 =	vmovc v9;
	[tilespmem:s17+$0xFFFFFE20] =	vst v8;
	v20 =	vld.idx.msk [tilespmem:v1+s7+$0x1050 ss:$0x1], $0xffff;
	v8 =	vshll.u32 v17, $0x10;
	v17 =	vand.u32 $0xFFFF0000, v17  }
0x234: {  	v21 =	vmov s19;
	s3 =	sadd.s32 $0x3, s19;
	v11 =	vmul.f32 v11, v4;
	v4 =	vmovc v15;
	v23 =	vmul.f32 v12, v2;
	v22 =	vld.idx.msk [tilespmem:v1+s7+$0x1010 ss:$0x1], $0xffff;
	[tilespmem:s17+$0xFFFFFF90] =	vst v7  }
0x235: {  	v24 =	vmov s3;
	v9 =	vmul.f32 v19, v2;
	v2 =	vmovc v10;
	v7 =	vmul.f32 v8, v3;
	[tilespmem:s17+$0xFFFFFFA0] =	vst v18  }
0x236: {  	s3 =	sadd.s32 $0x1, s19;
	v10 =	vand.u32 $0xFFFFFFFC, v21;
	v8 =	vmul.f32 v17, v3;
	v3 =	vmovc v6;
	v12 =	vshll.u32 v13, $0x10;
	v15 =	vld.idx.msk [tilespmem:v1+s7+$0x10D0 ss:$0x1], $0xffff;
	[tilespmem:s20+$0xFFFFFEF0] =	vst v16  }
0x237: {  	v6 =	vmov s3;
	v13 =	vand.u32 $0xFFFF0000, v13;
	v12 =	vmul.f32 v12, v4;
	[tilespmem:s20+$0xFFFFFF00] =	vst v14  }
0x238: {  	v10 =	vbroadcast v10, $0x0;
	v6 =	vand.u32 $0xFFFFFFFD, v6;
	v13 =	vmul.f32 v13, v4;
	[tilespmem:s20+$0xFFFFFF70] =	vst v11  }
0x239: {  	v11 =	vbroadcast v6, $0x0;
	v6 =	vshll.u32 v20, $0x10;
	v14 =	vand.u32 $0xFFFF0000, v20;
	[tilespmem:s17+$0xFFFFFF30] =	vst v12  }
0x23a: {  	v12 =	vshll.u32 v22, $0x10;
	v16 =	vand.u32 $0xFFFF0000, v22;
	v6 =	vmul.f32 v6, v5;
	[tilespmem:s17+$0xFFFFFF40] =	vst v13  }
0x23b: {  	v14 =	vmul.f32 v14, v5;
	v13 =	vmul.f32 v12, v2;
	v12 =	vld.idx.msk [tilespmem:v1+s7+$0x10A0 ss:$0x1], $0xffff;
	[tilespmem:s20+$0xFFFFFE70] =	vst v23  }
.Ltmp3:
0x23c: {  	s3 =	sadd.s32 $0x2, s19;
	v17 =	vmul.f32 v16, v2;
	[tilespmem:s17+$0xFFFFFEB0] =	vst v6;
	v6 =	vshll.u32 v15, $0x10;
	v15 =	vand.u32 $0xFFFF0000, v15;
	(pc) =	sbr.rel @p1 .LBB2_9-.Ltmp3, $4  }
0x23d: {  	v18 =	vmov s3;
	[tilespmem:s17+$0xFFFFFEC0] =	vst v14;
	v19 =	vmul.f32 v6, v3;
	v16 =	vmul.f32 v15, v3  }
0x23e: {  	v6 =	vand.u32 $0xFFFFFFFE, v18;
	[tilespmem:s17+$0xFFFFFE30] =	vst v13;
	v13 =	vld.idx.msk [tilespmem:v1+s7+$0x1060 ss:$0x1], $0xffff  }
0x23f: {  	v15 =	vbroadcast v6, $0x0;
	v6 =	vld.idx.msk [tilespmem:v24+s25+$0x0], $0xffff;
	[tilespmem:s17+$0xFFFFFE40] =	vst v17  }
0x240: {  	s19 =	sadd.s32 $0x4, s19;
	v14 =	vld.idx.msk [tilespmem:v1+s7+$0x1020 ss:$0x1], $0xffff;
	[tilespmem:s17+$0xFFFFFFB0] =	vst v19  }
0x241: {  	_ =	sdelay $0x1  }
0x242: {  	[tilespmem:s17+$0xFFFFFFC0] =	vst v16  }
0x243: {  	v17 =	vshll.u32 v12, $0x10;
	[tilespmem:s20+$0xFFFFFE80] =	vst v9  }
0x244: {  	v38 =	vand.u32 $0xFFFF0000, v12;
	[tilespmem:s20+$0xFFFFFFF0] =	vst v7;
	v39 =	vmul.f32 v17, v4;
	v40 =	vld.idx.msk [tilespmem:v1+s7+$0x10E0 ss:$0x1], $0xffff  }
0x245: {  	s29 =	sadd.s32 $0x100, s7;
	[tilespmem:s20+$0x0] =	vst v8;
	v41 =	vmul.f32 v38, v4;
	v42 =	vshll.u32 v13, $0x10  }
0x246: {  	v43 =	vld.idx.msk [tilespmem:v1+s29+$0x1080 ss:$0x1], $0xffff;
	v44 =	vand.u32 $0xFFFF0000, v13;
	[tilespmem:s17+$0xFFFFFF50] =	vst v39;
	v45 =	vmul.f32 v42, v5  }
0x247: {  	v7 =	vld.idx.msk [tilespmem:v15+s25+$0x0], $0xffff;
	[tilespmem:s17+$0xFFFFFF60] =	vst v41;
	v46 =	vmul.f32 v44, v5;
	v47 =	vshll.u32 v14, $0x10  }
0x248: {  	v50 =	vld.idx.msk [tilespmem:v1+s29+$0x1040 ss:$0x1], $0xffff;
	v48 =	vand.u32 $0xFFFF0000, v14;
	v13 =	vmul.f32 v47, v2;
	[tilespmem:s17+$0xFFFFFED0] =	vst v45  }
0x249: {  	v9 =	vld.idx.msk [tilespmem:v11+s25+$0x0], $0xffff;
	v8 =	vmul.f32 v48, v2;
	[tilespmem:s17+$0xFFFFFEE0] =	vst v46;
	v51 =	vshll.u32 v40, $0x10  }
0x24a: {  	v58 =	vld.idx.msk [tilespmem:v1+s29+$0x10C0 ss:$0x1], $0xffff;
	v52 =	vand.u32 $0xFFFF0000, v40;
	[tilespmem:s17+$0xFFFFFE50] =	vst v13;
	v53 =	vmul.f32 v51, v3  }
0x24b: {  	v55 =	vshll.u32 v43, $0x10;
	v11 =	vmul.f32 v52, v3;
	[tilespmem:s17+$0xFFFFFE60] =	vst v8  }
0x24c: {  	v54 =	vld.idx.msk [tilespmem:v1+s29+$0x1000 ss:$0x1], $0xffff;
	v56 =	vand.u32 $0xFFFF0000, v43;
	v57 =	vmul.f32 v55, v7;
	[tilespmem:s17+$0xFFFFFFD0] =	vst v53  }
0x24d: {  	s19 =	sadd.s32 $0x200, s17;
	v61 =	vshll.u32 v50, $0x10;
	v8 =	vld.idx.msk [tilespmem:v10+s25+$0x0], $0xffff;
	v10 =	vmul.f32 v56, v7;
	[tilespmem:s17+$0xFFFFFFE0] =	vst v11  }
0x24e: {  	v49 =	vld.idx.msk [tilespmem:v1+s18+$0x10B0 ss:$0x1], $0xffff;
	v15 =	vand.u32 $0xFFFF0000, v50;
	v63 =	vmul.f32 v61, v9;
	[tilespmem:s19+$0xFFFFFF10] =	vst v57  }
0x24f: {  	v23 =	vshll.u32 v58, $0x10;
	v20 =	vmul.f32 v15, v9;
	[tilespmem:s19+$0xFFFFFF20] =	vst v10  }
0x250: {  	v62 =	vld.idx.msk [tilespmem:v1+s18+$0x1070 ss:$0x1], $0xffff;
	v24 =	vand.u32 $0xFFFF0000, v58;
	[tilespmem:s19+$0xFFFFFE90] =	vst v63;
	v10 =	vmul.f32 v23, v6  }
0x251: {  	v19 =	vshll.u32 v54, $0x10;
	[tilespmem:s19+$0xFFFFFEA0] =	vst v20;
	v11 =	vmul.f32 v24, v6;
	v22 =	vld.idx.msk [tilespmem:v1+s29+$0x1090 ss:$0x1], $0xffff  }
0x252: {  	v21 =	vand.u32 $0xFFFF0000, v54;
	[tilespmem:s19+$0xFFFFFF90] =	vst v10;
	v12 =	vmul.f32 v19, v8  }
0x253: {  	v59 =	vand.u32 $0xFFFF0000, v49;
	v25 =	vld.idx.msk [tilespmem:v1+s29+$0x1050 ss:$0x1], $0xffff;
	[tilespmem:s19+$0xFFFFFFA0] =	vst v11;
	v15 =	vmul.f32 v21, v8  }
0x254: {  	v14 =	vshll.u32 v49, $0x10;
	v60 =	vmul.f32 v59, v4;
	[tilespmem:s19+$0xFFFFFE10] =	vst v12  }
0x255: {  	v38 =	vmul.f32 v14, v4;
	v26 =	vshll.u32 v62, $0x10;
	[tilespmem:s19+$0xFFFFFE20] =	vst v15  }
0x256: {  	[tilespmem:s17+$0xFFFFFF80] =	vst v60;
	v13 =	vmul.f32 v26, v5;
	v29 =	vld.idx.msk [tilespmem:v1+s29+$0x1010 ss:$0x1], $0xffff;
	v30 =	vshll.u32 v22, $0x10  }
0x257: {  	[tilespmem:s17+$0xFFFFFF70] =	vst v38;
	v31 =	vand.u32 $0xFFFF0000, v22;
	v11 =	vmul.f32 v30, v7  }
0x258: {  	v32 =	vld.idx.msk [tilespmem:v1+s29+$0x10D0 ss:$0x1], $0xffff;
	[tilespmem:s17+$0xFFFFFEF0] =	vst v13;
	v34 =	vshll.u32 v25, $0x10;
	v33 =	vmul.f32 v31, v7  }
0x259: {  	v12 =	vand.u32 $0xFFFF0000, v25;
	v35 =	vmul.f32 v34, v9;
	[tilespmem:s19+$0xFFFFFF30] =	vst v11  }
0x25a: {  	v36 =	vld.idx.msk [tilespmem:v1+s18+$0x1030 ss:$0x1], $0xffff;
	v27 =	vand.u32 $0xFFFF0000, v62;
	v37 =	vmul.f32 v12, v9;
	[tilespmem:s19+$0xFFFFFF40] =	vst v33  }
0x25b: {  	v28 =	vmul.f32 v27, v5;
	[tilespmem:s19+$0xFFFFFEB0] =	vst v35;
	v40 =	vld.idx.msk [tilespmem:v1+s29+$0x10A0 ss:$0x1], $0xffff;
	v39 =	vshll.u32 v29, $0x10  }
0x25c: {  	[tilespmem:s19+$0xFFFFFEC0] =	vst v37;
	v10 =	vand.u32 $0xFFFF0000, v29;
	v41 =	vmul.f32 v39, v8  }
0x25d: {  	[tilespmem:s17+$0xFFFFFF00] =	vst v28;
	v43 =	vshll.u32 v32, $0x10;
	v44 =	vld.idx.msk [tilespmem:v1+s29+$0x1060 ss:$0x1], $0xffff;
	v42 =	vmul.f32 v10, v8  }
0x25e: {  	v45 =	vand.u32 $0xFFFF0000, v32;
	v5 =	vmul.f32 v43, v6;
	[tilespmem:s19+$0xFFFFFE30] =	vst v41  }
0x25f: {  	v46 =	vshll.u32 v36, $0x10;
	v12 =	vmul.f32 v45, v6;
	[tilespmem:s19+$0xFFFFFE40] =	vst v42  }
0x260: {  	v47 =	vmul.f32 v46, v2;
	[tilespmem:s19+$0xFFFFFFB0] =	vst v5;
	v48 =	vld.idx.msk [tilespmem:v1+s29+$0x1020 ss:$0x1], $0xffff;
	v49 =	vshll.u32 v40, $0x10  }
0x261: {  	[tilespmem:s19+$0xFFFFFFC0] =	vst v12;
	v50 =	vand.u32 $0xFFFF0000, v40;
	v5 =	vmul.f32 v49, v7  }
0x262: {  	[tilespmem:s17+$0xFFFFFE70] =	vst v47;
	v51 =	vld.idx.msk [tilespmem:v1+s29+$0x10E0 ss:$0x1], $0xffff;
	v52 =	vshll.u32 v44, $0x10;
	v12 =	vmul.f32 v50, v7  }
0x263: {  	v10 =	vand.u32 $0xFFFF0000, v44;
	v53 =	vmul.f32 v52, v9;
	[tilespmem:s19+$0xFFFFFF50] =	vst v5  }
0x264: {  	v54 =	vld.idx.msk [tilespmem:v1+s18+$0x10F0 ss:$0x1], $0xffff;
	v13 =	vand.u32 $0xFFFF0000, v36;
	v10 =	vmul.f32 v10, v9;
	[tilespmem:s19+$0xFFFFFF60] =	vst v12  }
0x265: {  	v2 =	vmul.f32 v13, v2;
	[tilespmem:s19+$0xFFFFFED0] =	vst v53;
	v55 =	vshll.u32 v48, $0x10  }
0x266: {  	[tilespmem:s19+$0xFFFFFEE0] =	vst v10;
	v57 =	vld.idx.msk [tilespmem:v1+s29+$0x10B0 ss:$0x1], $0xffff;
	v56 =	vand.u32 $0xFFFF0000, v48;
	v12 =	vmul.f32 v55, v8  }
0x267: {  	[tilespmem:s17+$0xFFFFFE80] =	vst v2;
	v58 =	vshll.u32 v51, $0x10;
	v10 =	vld.idx.msk [tilespmem:v1+s29+$0x1070 ss:$0x1], $0xffff;
	v2 =	vmul.f32 v56, v8  }
0x268: {  	v4 =	vand.u32 $0xFFFF0000, v51;
	v5 =	vmul.f32 v58, v6;
	[tilespmem:s19+$0xFFFFFE50] =	vst v12  }
0x269: {  	v59 =	vshll.u32 v54, $0x10;
	v4 =	vmul.f32 v4, v6;
	[tilespmem:s19+$0xFFFFFE60] =	vst v2  }
0x26a: {  	[tilespmem:s19+$0xFFFFFFD0] =	vst v5;
	v2 =	vand.u32 $0xFFFF0000, v54;
	v12 =	vmul.f32 v59, v3;
	v60 =	vld.idx.msk [tilespmem:v1+s29+$0x1030 ss:$0x1], $0xffff  }
0x26b: {  	[tilespmem:s19+$0xFFFFFFE0] =	vst v4;
	v2 =	vmul.f32 v2, v3;
	v3 =	vand.u32 $0xFFFF0000, v57  }
0x26c: {  	v1 =	vld.idx.msk [tilespmem:v1+s29+$0x10F0 ss:$0x1], $0xffff;
	v61 =	vshll.u32 v10, $0x10;
	[tilespmem:s17+$0xFFFFFFF0] =	vst v12;
	v3 =	vmul.f32 v3, v7  }
0x26d: {  	v62 =	vshll.u32 v57, $0x10;
	v4 =	vmul.f32 v61, v9;
	[tilespmem:s17+$0x0] =	vst v2  }
0x26e: {  	v5 =	vmul.f32 v62, v7;
	v2 =	vand.u32 $0xFFFF0000, v10;
	[tilespmem:s19+$0xFFFFFF80] =	vst v3  }
0x26f: {  	v2 =	vmul.f32 v2, v9;
	[tilespmem:s19+$0xFFFFFEF0] =	vst v4;
	v3 =	vshll.u32 v60, $0x10  }
0x270: {  	s21 =	sadd.s32 $0x1, s21;
	[tilespmem:s19+$0xFFFFFF70] =	vst v5;
	v63 =	vand.u32 $0xFFFF0000, v60;
	v3 =	vmul.f32 v3, v8  }
0x271: {  	p1 =	sne.s32 s21, $0x50;
	[tilespmem:s19+$0xFFFFFF00] =	vst v2;
	v2 =	vshll.u32 v1, $0x10;
	v4 =	vmul.f32 v63, v8  }
.Ltmp4:
0x272: {  	v1 =	vand.u32 $0xFFFF0000, v1;
	v2 =	vmul.f32 v2, v6;
	[tilespmem:s19+$0xFFFFFE70] =	vst v3;
	(pc) =	sbr.rel @p1 .LBB2_4-.Ltmp4, $4  }
0x273: {  	v1 =	vmul.f32 v1, v6;
	[tilespmem:s19+$0xFFFFFE80] =	vst v4  }
0x274: {  	[tilespmem:s19+$0xFFFFFFF0] =	vst v2  }
0x275: {  	s22 =	sadd.s32 $0x2000, s22;
	[tilespmem:s19+$0x0] =	vst v1  }
0x276: {  	[spmem:s0] =	stream.indirect.scatter.add.f32 [tilespmem:s14], [sflag:$0x4], $0x80, s23, s10, $0xb8;
	[tilespmem:$0x1F180] =	vst v63  }
0x277: {  	s3 =	simm.s32 $0x5  }
0x278: {  	_ =	swait.ge [sflag:s3], $0x40  }
0x279: {  	[sflag:s3] =	ssyncset.done $0x0  }
0x27a: {  	s7 =	simm.s32 $0x4;
	[sflag:s3] =	ssyncadd.s32 $0xFFFFFFC0  }
0x27b: {  	_ =	swait.ge [sflag:s7], $0x2000  }
0x27c: {  	[sflag:s7] =	ssyncset.done $0x0  }
0x27d: {  	[sflag:s7] =	ssyncadd.s32 $0xFFFFE000  }
0x27e: {  	_ =	swait.ge [sflag:s3], $0x40  }
0x27f: {  	[sflag:s3] =	ssyncset.done $0x0  }
0x280: {  	[sflag:s3] =	ssyncadd.s32 $0xFFFFFFC0  }
0x281: {  	_ =	swait.ge [sflag:s7], $0x2000  }
0x282: {  	[sflag:s7] =	ssyncset.done $0x0  }
0x283: {  	[sflag:s7] =	ssyncadd.s32 $0xFFFFE000  }
0x284: {  	s28 =	stileid.u32;
	[bflag:$0x0] =	sbarrier.arrive $0xFFFF  }
0x285: {  	s3 =	sshll.u32 s28, $0x6;
	s22 =	rddreg [dreg:$0xd]  }
0x286: {  	s3 =	sor.u32 $0x1C06, s3;
	s17 =	rddreg [dreg:$0x6];
	s29 =	sshrl.u32 s22, $0x3  }
0x287: {  	[hbm:s17], [sflag:s3] =	dma.local [spmem:s29], $0x800  }
0x288: {  	_ =	swait.ge [sflag:s31], $0x800  }
0x289: {  	[sflag:s31] =	ssyncset.done $0x0;
	s24 =	rddreg [dreg:$0x10]  }
0x28a: {  	s19 =	rddreg [dreg:$0x7];
	[sflag:s31] =	ssyncadd.s32 $0xFFFFF800;
	s18 =	sshrl.u32 s24, $0x3  }
0x28b: {  	[hbm:s19], [sflag:s3] =	dma.local [spmem:s18], $0x800  }
0x28c: {  	_ =	swait.ge [sflag:s31], $0x800  }
0x28d: {  	[sflag:s31] =	ssyncset.done $0x0;
	s18 =	rddreg [dreg:$0x14]  }
0x28e: {  	s21 =	rddreg [dreg:$0x8];
	[sflag:s31] =	ssyncadd.s32 $0xFFFFF800;
	s20 =	sshrl.u32 s18, $0x3  }
0x28f: {  	[hbm:s21], [sflag:s3] =	dma.local [spmem:s20], $0x800  }
0x290: {  	_ =	swait.ge [sflag:s31], $0x800  }
0x291: {  	[sflag:s31] =	ssyncset.done $0x0;
	s19 =	rddreg [dreg:$0x18]  }
0x292: {  	s25 =	rddreg [dreg:$0x9];
	[sflag:s31] =	ssyncadd.s32 $0xFFFFF800;
	s23 =	sshrl.u32 s19, $0x3  }
0x293: {  	[hbm:s25], [sflag:s3] =	dma.local [spmem:s23], $0x800  }
0x294: {  	_ =	swait.ge [sflag:s31], $0x800  }
0x295: {  	[sflag:s31] =	ssyncset.done $0x0;
	s21 =	rddreg [dreg:$0x1c]  }
0x296: {  	s28 =	rddreg [dreg:$0xa];
	[sflag:s31] =	ssyncadd.s32 $0xFFFFF800;
	s26 =	sshrl.u32 s21, $0x3  }
0x297: {  	[hbm:s28], [sflag:s3] =	dma.local [spmem:s26], $0x800  }
0x298: {  	_ =	swait.ge [sflag:s31], $0x800  }
0x299: {  	s17 =	sld [smem:$0x7FC]  }
0x29a: {  	[sflag:s31] =	ssyncset.done $0x0  }
0x29b: {  	s7 =	sshrl.u32 @!p0 s1, $0x3;
	[sflag:s31] =	ssyncadd.s32 $0xFFFFF800  }
0x29c: {  	[hbm:s17], [sflag:s3] =	dma.local @!p0 [spmem:s7], $0x500  }
0x29d: {  	s3 =	simm.s32 @!p0 $0x6  }
0x29e: {  	_ =	swait.ge @!p0 [sflag:s3], $0x500  }
0x29f: {  	s29 =	sld [smem:$0x7FD];
	_ =	sdelay $0x1  }
0x2a0: {  	s6 =	sadd.s32 $0x1, s6  }
0x2a1: {  	p1 =	sne.s32 s6, s29  }
.Ltmp5:
0x2a2: {  	_ = 	snop;
	(pc) =	sbr.rel @p1 .LBB2_1-.Ltmp5, $3  }
0x2a3: {  	_ =	sdelay $0x1  }
0x2a4: {  	[sflag:s3] =	ssyncset.done @!p0 $0x0  }
0x2a5: {  	[sflag:s3] =	ssyncadd.s32 @!p0 $0xFFFFFB00  }
0x2a6: {  	_ =	sfence.sel $0x180000  }
0x2a7: {  	[bflag:$0x0] =	sbarrier.arrive $0xFFFF  }
0x2a8: {  	_ =	strace $0x90000047  }
0x2a9: {  	[bflag:$0x2] =	sbarrier.arrive $0xFFFF  }
0x2aa: {  	s0 =	rddreg [dreg:$0x5]  }
0x2ab: {  	s0 =	sadd.s32 @!p0 $0x100000, s0  }
0x2ac: {  	[sflag:s0] =	ssyncadd.tile.s32 @!p0 $0x1;
	_ =	shalt  }
.Lfunc_end2:
_tile_overlayer_lowered:
.L_overlay_start_2:
0x2ad: {  	(tag) =	ssettag $0x2  }
0x2ae: {  	s0 =	rddreg [dreg:$0x0];
	s2 =	stileid.u32  }
0x2af: {  	s1 =	rddreg [dreg:$0x1];
	p0 =	sne.s32 s2, $0x0  }
0x2b0: {  	s3 =	rddreg [dreg:$0x2];
	[bflag:$0x3] =	sbarrier.arrive $0xFFFF;
	s2 =	simm.s32 @!p0 $0x1C06  }
0x2b1: {  	[timem:s3], [sflag:s2] =	dma.local @!p0 [hbm:s0], s1  }
0x2b2: {  	s0 =	simm.s32 @!p0 $0x6  }
0x2b3: {  	_ =	swait.ge @!p0 [sflag:s0], s1  }
0x2b4: {  	s1 =	ssub.s32 @!p0 $0x0, s1;
	[sflag:s0] =	ssyncset.done @!p0 $0x0  }
0x2b5: {  	[sflag:s0] =	ssyncadd.s32 @!p0 s1  }
0x2b6: {  	[bflag:$0x3] =	sbarrier.arrive $0xFFFF  }
0x2b7: {  	_ =	shalt  }

</sc_bundles>
